<compile_context>
chip_gen: v7x
topology: tpu7x:2x2x1
jax: 0.10.2.dev20260603
libtpu: 0.0.44.dev20260713+nightly
codegen_flags: <defaults>
</compile_context>

<pallas_src>
import functools

import jax
import jax.numpy as jnp
from jax import lax
from jax.experimental import pallas as pl
from jax.experimental.pallas import tpu as pltpu
from jax.experimental.pallas import tpu_sc as plsc

N_NODES = 10000
NNZ = 320000
N_GRAPHS = 64
D = 128
ROWS = 10240
TRASH = 10000
NW = 32
CHUNK = 128
K = 80
NNZP = NW * K * CHUNK
RB = ROWS // 16
BLK = 1024
GRID = ROWS // BLK



@functools.cache
def _get_sc_pass():
    mesh = plsc.VectorSubcoreMesh(core_axis_name="c", subcore_axis_name="s")

    @functools.partial(
        pl.kernel,
        out_type=jax.ShapeDtypeStruct((2, ROWS, D), jnp.float32),
        mesh=mesh,
        scratch_types=[
            pltpu.VMEM((K // 2, CHUNK), jnp.int32),
            pltpu.VMEM((K // 2, CHUNK), jnp.int32),
            pltpu.VMEM((CHUNK, D), jnp.float32),
            pltpu.VMEM((CHUNK, D), jnp.float32),
            pltpu.VMEM_SHARED((ROWS, D), jnp.float32),
            pltpu.SemaphoreType.DMA,
            pltpu.SemaphoreType.DMA,
            pltpu.SemaphoreType.DMA,
            pltpu.SemaphoreType.DMA,
        ],
    )
    def sc_pass(src, gidx, sidx, zrows, out, gv, sv, buf_a, buf_b, acc,
                gsem_a, gsem_b, ssem_a, ssem_b):
        c = lax.axis_index("c")
        s = lax.axis_index("s")
        w = s * 2 + c
        zdma = pltpu.async_copy(zrows.at[pl.ds(s * RB, RB)],
                                acc.at[pl.ds(s * RB, RB)], ssem_a)

        for half in range(2):
            row0 = w * K + half * (K // 2)
            pltpu.sync_copy(gidx.at[pl.ds(row0, K // 2)], gv)
            pltpu.sync_copy(sidx.at[pl.ds(row0, K // 2)], sv)
            ga = pltpu.async_copy(src.at[gv.at[0]], buf_a, gsem_a)
            if half == 0:
                zdma.wait()
                plsc.subcore_barrier()
            ga.wait()

            def step(j, carry):
                db = pltpu.async_copy(src.at[gv.at[2 * j + 1]], buf_b, gsem_b)
                sa = pltpu.async_copy(buf_a, acc.at[sv.at[2 * j]], ssem_a,
                                      add=True)
                db.wait()
                sb = pltpu.async_copy(buf_b, acc.at[sv.at[2 * j + 1]], ssem_b,
                                      add=True)
                sa.wait()

                @pl.when(j < K // 4 - 1)
                def _prefetch():
                    pltpu.async_copy(src.at[gv.at[2 * j + 2]], buf_a,
                                     gsem_a).wait()

                sb.wait()
                return carry

            lax.fori_loop(0, K // 4, step, 0)
        plsc.subcore_barrier()
        pltpu.sync_copy(acc.at[pl.ds(s * RB, RB)],
                        out.at[c, pl.ds(s * RB, RB)])

    return sc_pass


@functools.cache
def _get_sc_counts():
    mesh = plsc.VectorSubcoreMesh(core_axis_name="c", subcore_axis_name="s")

    @functools.partial(
        pl.kernel,
        out_type=(jax.ShapeDtypeStruct((NW, ROWS), jnp.float32),
                  jax.ShapeDtypeStruct((NW, ROWS), jnp.float32)),
        mesh=mesh,
        scratch_types=[
            pltpu.VMEM((K, CHUNK), jnp.int32),
            pltpu.VMEM((K, CHUNK), jnp.int32),
            pltpu.VMEM((ROWS,), jnp.float32),
            pltpu.VMEM((ROWS,), jnp.float32),
        ],
        compiler_params=pltpu.CompilerParams(needs_layout_passes=False),
    )
    def sc_counts(gidx, sidx, out_d, out_b, gv, sv, cd, cb):
        c = lax.axis_index("c")
        s = lax.axis_index("s")
        w = s * 2 + c
        pltpu.sync_copy(gidx.at[pl.ds(w * K, K)], gv)
        pltpu.sync_copy(sidx.at[pl.ds(w * K, K)], sv)
        zero16 = jnp.zeros((16,), jnp.float32)

        def zstep(i, carry):
            off = pl.multiple_of(i * 16, 16)
            cd[pl.ds(off, 16)] = zero16
            cb[pl.ds(off, 16)] = zero16
            return carry

        lax.fori_loop(0, ROWS // 16, zstep, 0)
        one16 = jnp.full((16,), 1.0, jnp.float32)

        def cstep(j, carry):
            for col in range(CHUNK // 16):
                gi = gv[j, pl.ds(col * 16, 16)]
                si = sv[j, pl.ds(col * 16, 16)]
                plsc.addupdate_scatter(cd, [gi], one16)
                plsc.addupdate_scatter(cb, [si], one16)
            return carry

        lax.fori_loop(0, K, cstep, 0)
        pltpu.sync_copy(cd, out_d.at[w])
        pltpu.sync_copy(cb, out_b.at[w])

    return sc_counts



def _mm(xp, w):
    def body(x_ref, w_ref, o_ref):
        o_ref[...] = jnp.dot(x_ref[...], w_ref[...],
                             preferred_element_type=jnp.float32)
    return pl.pallas_call(
        body, grid=(GRID,),
        in_specs=[pl.BlockSpec((BLK, D), lambda i: (i, 0)),
                  pl.BlockSpec((D, D), lambda i: (0, 0))],
        out_specs=pl.BlockSpec((BLK, D), lambda i: (i, 0)),
        out_shape=jax.ShapeDtypeStruct((ROWS, D), jnp.float32),
    )(xp, w)


def _inv(cnt_d, cnt_b):
    def body(d_ref, b_ref, od_ref, ob_ref):
        eye = (lax.broadcasted_iota(jnp.int32, (BLK, BLK), 0) ==
               lax.broadcasted_iota(jnp.int32, (BLK, BLK), 1)
               ).astype(jnp.float32)
        for cref, oref in ((d_ref, od_ref), (b_ref, ob_ref)):
            st = jnp.sum(cref[...], axis=0, keepdims=True)
            inv = jnp.where(st > 0, 1.0 / st, 0.0)
            oref[...] = lax.dot_general(
                eye, inv, (((1,), (1,)), ((), ())),
                preferred_element_type=jnp.float32)
    return pl.pallas_call(
        body, grid=(GRID,),
        in_specs=[pl.BlockSpec((NW, BLK), lambda i: (0, i)),
                  pl.BlockSpec((NW, BLK), lambda i: (0, i))],
        out_specs=[pl.BlockSpec((BLK, 1), lambda i: (i, 0)),
                   pl.BlockSpec((BLK, 1), lambda i: (i, 0))],
        out_shape=[jax.ShapeDtypeStruct((ROWS, 1), jnp.float32),
                   jax.ShapeDtypeStruct((ROWS, 1), jnp.float32)],
    )(cnt_d, cnt_b)


def _comb(p0, p1, inv):
    def body(a_ref, b_ref, i_ref, o_ref):
        o_ref[...] = (a_ref[...] + b_ref[...]) * i_ref[...]
    return pl.pallas_call(
        body, grid=(GRID,),
        in_specs=[pl.BlockSpec((BLK, D), lambda i: (i, 0)),
                  pl.BlockSpec((BLK, D), lambda i: (i, 0)),
                  pl.BlockSpec((BLK, 1), lambda i: (i, 0))],
        out_specs=pl.BlockSpec((BLK, D), lambda i: (i, 0)),
        out_shape=jax.ShapeDtypeStruct((ROWS, D), jnp.float32),
    )(p0, p1, inv)


def _relu_mm(n0, n1, dinv, bias, w):
    def body(a_ref, b_ref, i_ref, bias_ref, w_ref, ox_ref, ow_ref):
        xv = jnp.maximum(
            (a_ref[...] + b_ref[...]) * i_ref[...] + bias_ref[...], 0.0)
        ox_ref[...] = xv
        ow_ref[...] = jnp.dot(xv, w_ref[...],
                              preferred_element_type=jnp.float32)
    return pl.pallas_call(
        body, grid=(GRID,),
        in_specs=[pl.BlockSpec((BLK, D), lambda i: (i, 0)),
                  pl.BlockSpec((BLK, D), lambda i: (i, 0)),
                  pl.BlockSpec((BLK, 1), lambda i: (i, 0)),
                  pl.BlockSpec((1, D), lambda i: (0, 0)),
                  pl.BlockSpec((D, D), lambda i: (0, 0))],
        out_specs=[pl.BlockSpec((BLK, D), lambda i: (i, 0)),
                   pl.BlockSpec((BLK, D), lambda i: (i, 0))],
        out_shape=[jax.ShapeDtypeStruct((ROWS, D), jnp.float32),
                   jax.ShapeDtypeStruct((ROWS, D), jnp.float32)],
    )(n0, n1, dinv, bias, w)


def _final(n0, n1, dinv, bias, x1, bt, wlin, blin):
    def body(a_ref, b_ref, i_ref, bias_ref, x1_ref, bt_ref, wl_ref, bl_ref,
             o_ref, s_acc, c_acc, m_acc):
        i = pl.program_id(0)

        @pl.when(i == 0)
        def _init():
            s_acc[...] = jnp.zeros_like(s_acc)
            c_acc[...] = jnp.zeros_like(c_acc)
            m_acc[...] = jnp.full_like(m_acc, -jnp.inf)

        x2 = jnp.maximum(
            (a_ref[...] + b_ref[...]) * i_ref[...] + bias_ref[...], 0.0)
        h = x1_ref[...] + x2
        bcol = bt_ref[...]
        gids = lax.broadcasted_iota(jnp.int32, (BLK, N_GRAPHS), 1)
        oh = (bcol == gids).astype(jnp.float32)
        s_acc[...] += lax.dot_general(oh, h, (((0,), (0,)), ((), ())),
                                      preferred_element_type=jnp.float32)
        c_acc[...] += jnp.sum(oh, axis=0, keepdims=True)
        lo = jnp.min(bcol)
        hi = jnp.max(bcol)
        for g in range(N_GRAPHS):
            @pl.when((g >= lo) & (g <= hi))
            def _upd(g=g):
                hm = jnp.where(bcol == g, h, -jnp.inf)
                m_acc[g:g + 1, :] = jnp.maximum(
                    m_acc[g:g + 1, :], jnp.max(hm, axis=0, keepdims=True))

        @pl.when(i == GRID - 1)
        def _fin():
            s = s_acc[...]
            eye = (lax.broadcasted_iota(jnp.int32, (N_GRAPHS, N_GRAPHS), 0) ==
                   lax.broadcasted_iota(jnp.int32, (N_GRAPHS, N_GRAPHS), 1)
                   ).astype(jnp.float32)
            cnt = lax.dot_general(eye, c_acc[...], (((1,), (1,)), ((), ())),
                                  preferred_element_type=jnp.float32)
            mean = s / jnp.maximum(cnt, 1.0)
            pooled = jnp.concatenate([mean, m_acc[...], s], axis=1)
            o_ref[...] = jnp.dot(pooled, wl_ref[...],
                                 preferred_element_type=jnp.float32) + bl_ref[...]

    return pl.pallas_call(
        body, grid=(GRID,),
        in_specs=[pl.BlockSpec((BLK, D), lambda i: (i, 0)),
                  pl.BlockSpec((BLK, D), lambda i: (i, 0)),
                  pl.BlockSpec((BLK, 1), lambda i: (i, 0)),
                  pl.BlockSpec((1, D), lambda i: (0, 0)),
                  pl.BlockSpec((BLK, D), lambda i: (i, 0)),
                  pl.BlockSpec((BLK, 1), lambda i: (i, 0)),
                  pl.BlockSpec((3 * D, D), lambda i: (0, 0)),
                  pl.BlockSpec((1, D), lambda i: (0, 0))],
        out_specs=pl.BlockSpec((N_GRAPHS, D), lambda i: (0, 0)),
        out_shape=jax.ShapeDtypeStruct((N_GRAPHS, D), jnp.float32),
        scratch_shapes=[pltpu.VMEM((N_GRAPHS, D), jnp.float32),
                        pltpu.VMEM((1, N_GRAPHS), jnp.float32),
                        pltpu.VMEM((N_GRAPHS, D), jnp.float32)],
    )(n0, n1, dinv, bias, x1, bt, wlin, blin)



def kernel(x, hyperedge_index, batch, W1, b1, W2, b2, Wlin, blin):
    node_idx = hyperedge_index[0]
    edge_idx = hyperedge_index[1]
    pad = TRASH + (jnp.arange(NNZP - NNZ, dtype=jnp.int32) % (ROWS - TRASH))
    nidx = jnp.concatenate([node_idx, pad]).reshape(NW * K, CHUNK)
    eidx = jnp.concatenate([edge_idx, pad]).reshape(NW * K, CHUNK)
    xp = jnp.pad(x, ((0, ROWS - N_NODES), (0, 0)))
    bt = jnp.concatenate(
        [batch, jnp.full((ROWS - N_NODES,), N_GRAPHS, jnp.int32)]
    ).reshape(ROWS, 1)
    zrows = jnp.zeros((ROWS, D), jnp.float32)
    b1r = b1.reshape(1, D)
    b2r = b2.reshape(1, D)
    blr = blin.reshape(1, D)

    sc_counts = _get_sc_counts()
    sc_pass = _get_sc_pass()

    cnt_d, cnt_b = sc_counts(nidx, eidx)
    xw1 = _mm(xp, W1)
    dinv, binv = _inv(cnt_d, cnt_b)
    ep = sc_pass(xw1, nidx, eidx, zrows)
    ec = _comb(ep[0], ep[1], binv)
    np_ = sc_pass(ec, eidx, nidx, zrows)
    x1, xw2 = _relu_mm(np_[0], np_[1], dinv, b1r, W2)

    ep2 = sc_pass(xw2, nidx, eidx, zrows)
    ec2 = _comb(ep2[0], ep2[1], binv)
    np2 = sc_pass(ec2, eidx, nidx, zrows)

    return _final(np2[0], np2[1], dinv, b2r, x1, bt, Wlin, blr)

# --- scband reference (transcript-rebuilt; emitter-appended) ---
"""Pipeline reference for scband-hyper-gnn-21792664059939 (READ-ONLY COPY).

The authoritative reference and input builder live on the scoring server;
editing this copy changes nothing except your own understanding.
"""

import jax, jax.numpy as jnp
import numpy as np

NUM_NODES = 10000
NNZ = 320000
NUM_HEDGES = 10000
NUM_GRAPHS = 64
D_IN = 128
HID = 128
D_OUT = 128


def setup_inputs(seed: int = 0):
    key = jax.random.key(seed)
    ks = jax.random.split(key, 8)
    x = jax.random.normal(ks[0], (NUM_NODES, D_IN), dtype=jnp.float32)
    hyperedge_index = jax.random.randint(ks[1], (2, NNZ), 0, NUM_NODES, dtype=jnp.int32)
    batch = jnp.sort(jax.random.randint(ks[2], (NUM_NODES,), 0, NUM_GRAPHS, dtype=jnp.int32))
    W1 = jax.random.normal(ks[3], (D_IN, HID), dtype=jnp.float32) / np.sqrt(D_IN)
    b1 = jnp.zeros((HID,), dtype=jnp.float32)
    W2 = jax.random.normal(ks[4], (HID, HID), dtype=jnp.float32) / np.sqrt(HID)
    b2 = jnp.zeros((HID,), dtype=jnp.float32)
    Wlin = jax.random.normal(ks[5], (3 * HID, D_OUT), dtype=jnp.float32) / np.sqrt(3 * HID)
    blin = jnp.zeros((D_OUT,), dtype=jnp.float32)
    return {"x": x, "hyperedge_index": hyperedge_index, "batch": batch,
            "W1": W1, "b1": b1, "W2": W2, "b2": b2, "Wlin": Wlin, "blin": blin}


def _hconv(x, node_idx, edge_idx, W, b):
    # PyG HypergraphConv: X' = D^{-1} H B^{-1} H^T (X Theta) + bias, hyperedge_weight = 1
    x = x @ W
    ones = jnp.ones((node_idx.shape[0],), dtype=x.dtype)
    D = jax.ops.segment_sum(ones, node_idx, num_segments=NUM_NODES)
    Dinv = jnp.where(D > 0, 1.0 / D, 0.0)
    B = jax.ops.segment_sum(ones, edge_idx, num_segments=NUM_HEDGES)
    Binv = jnp.where(B > 0, 1.0 / B, 0.0)
    # node -> hyperedge aggregation (normalized by B^{-1})
    edge_feat = jax.ops.segment_sum(x[node_idx] * Binv[edge_idx][:, None], edge_idx, num_segments=NUM_HEDGES)
    # hyperedge -> node aggregation (normalized by D^{-1})
    out = jax.ops.segment_sum(edge_feat[edge_idx] * Dinv[node_idx][:, None], node_idx, num_segments=NUM_NODES)
    return out + b


def reference(x, hyperedge_index, batch, W1, b1, W2, b2, Wlin, blin):
    node_idx = hyperedge_index[0]
    edge_idx = hyperedge_index[1]
    x1 = jax.nn.relu(_hconv(x, node_idx, edge_idx, W1, b1))
    x2 = jax.nn.relu(_hconv(x1, node_idx, edge_idx, W2, b2))
    h = x1 + x2
    s = jax.ops.segment_sum(h, batch, num_segments=NUM_GRAPHS)
    cnt = jax.ops.segment_sum(jnp.ones((h.shape[0],), dtype=h.dtype), batch, num_segments=NUM_GRAPHS)
    mean = s / jnp.maximum(cnt, 1.0)[:, None]
    mx = jax.ops.segment_max(h, batch, num_segments=NUM_GRAPHS)
    pooled = jnp.concatenate([mean, mx, s], axis=1)
    return pooled @ Wlin + blin

if __name__ == "__main__":
    import jax
    _d = setup_inputs()
    print(jax.jit(kernel)(*tuple(_d.values())))

</pallas_src>

<mosaic_0001>
#map = affine_map<(d0, d1) -> (0, 0)>
#map1 = affine_map<(d0, d1) -> (0, 0, 0)>
module attributes {stable_mosaic.version = 14 : i64} {
  func.func @sc_pass(%arg0: i32, %arg1: i32, %arg2: memref<10240x128xf32, #tpu.memory_space<hbm>>, %arg3: memref<2560x128xi32, #tpu.memory_space<hbm>>, %arg4: memref<2560x128xi32, #tpu.memory_space<hbm>>, %arg5: memref<10240x128xf32, #tpu.memory_space<hbm>>, %arg6: memref<2x10240x128xf32, #tpu.memory_space<hbm>>, %arg7: memref<40x128xi32, #tpu.memory_space<vmem>>, %arg8: memref<40x128xi32, #tpu.memory_space<vmem>>, %arg9: memref<128x128xf32, #tpu.memory_space<vmem>>, %arg10: memref<128x128xf32, #tpu.memory_space<vmem>>, %arg11: memref<10240x128xf32, #tpu.memory_space<vmem_shared>>, %arg12: memref<!tpu.dma_semaphore, #tpu.memory_space<semaphore_mem>>, %arg13: memref<!tpu.dma_semaphore, #tpu.memory_space<semaphore_mem>>, %arg14: memref<!tpu.dma_semaphore, #tpu.memory_space<semaphore_mem>>, %arg15: memref<!tpu.dma_semaphore, #tpu.memory_space<semaphore_mem>>) attributes {dimension_semantics = [#tpu.dimension_semantics<core_parallel>, #tpu.dimension_semantics<subcore_parallel>], iteration_bounds = array<i64: 2, 16>, scalar_prefetch = 0 : i64, scratch_operands = 9 : i64, tpu.core_type = #tpu.core_type<sc_vector_subcore>, window_params = [{transform_indices = #map}, {transform_indices = #map}, {transform_indices = #map}, {transform_indices = #map}, {transform_indices = #map1}]} {
    %mul3A = arith.constant 2 : i32
    %mul3A_0 = arith.muli %arg1, %mul3A : i32
    %add3A = arith.addi %mul3A_0, %arg0 : i32
    %mul3A_1 = arith.constant 640 : i32
    %mul3A_2 = arith.muli %arg1, %mul3A_1 : i32
    %mul3A_3 = arith.constant 640 : i32
    %mul3A_4 = arith.muli %arg1, %mul3A_3 : i32
    %dma_start3A = arith.constant 0 : i32
    %dma_start3A_5 = tpu.memref_slice %arg11[%mul3A_4, %dma_start3A] : memref<10240x128xf32, #tpu.memory_space<vmem_shared>> -> memref<640x128xf32, #tpu.memory_space<vmem_shared>>
    %dma_start3A_6 = arith.constant 0 : i32
    %dma_start3A_7 = tpu.memref_slice %arg5[%mul3A_2, %dma_start3A_6] : memref<10240x128xf32, #tpu.memory_space<hbm>> -> memref<640x128xf32, #tpu.memory_space<hbm>>
    tpu.enqueue_dma source(%dma_start3A_7 : memref<640x128xf32, #tpu.memory_space<hbm>>) target(%dma_start3A_5 : memref<640x128xf32, #tpu.memory_space<vmem_shared>>) target_semaphore(%arg14 : memref<!tpu.dma_semaphore, #tpu.memory_space<semaphore_mem>>)
    %mul3A_8 = arith.constant 80 : i32
    %mul3A_9 = arith.muli %add3A, %mul3A_8 : i32
    %add3A_10 = arith.constant 0 : i32
    %add3A_11 = arith.addi %mul3A_9, %add3A_10 : i32
    "tpu.region"() ({
      %run_scoped3A = tpu.sem_alloc : memref<!tpu.dma_semaphore, #tpu.memory_space<semaphore_mem>>
      %dma_start3A_63 = arith.constant 0 : i32
      %dma_start3A_64 = tpu.memref_slice %arg3[%add3A_11, %dma_start3A_63] : memref<2560x128xi32, #tpu.memory_space<hbm>> -> memref<40x128xi32, #tpu.memory_space<hbm>>
      %dma_start3A_65 = arith.constant 0 : i32
      %dma_start3A_66 = tpu.memref_slice %arg3[%add3A_11, %dma_start3A_65] : memref<2560x128xi32, #tpu.memory_space<hbm>> -> memref<40x128xi32, #tpu.memory_space<hbm>>
      tpu.enqueue_dma source(%dma_start3A_66 : memref<40x128xi32, #tpu.memory_space<hbm>>) target(%arg7 : memref<40x128xi32, #tpu.memory_space<vmem>>) target_semaphore(%run_scoped3A : memref<!tpu.dma_semaphore, #tpu.memory_space<semaphore_mem>>)
      %dma_wait3A_67 = arith.constant 0 : i32
      %dma_wait3A_68 = tpu.memref_slice %arg3[%add3A_11, %dma_wait3A_67] : memref<2560x128xi32, #tpu.memory_space<hbm>> -> memref<40x128xi32, #tpu.memory_space<hbm>>
      %dma_wait3A_69 = arith.constant 0 : i32
      %dma_wait3A_70 = tpu.memref_slice %arg3[%add3A_11, %dma_wait3A_69] : memref<2560x128xi32, #tpu.memory_space<hbm>> -> memref<40x128xi32, #tpu.memory_space<hbm>>
      tpu.wait_dma2 semaphore(%run_scoped3A : memref<!tpu.dma_semaphore, #tpu.memory_space<semaphore_mem>>) src(%dma_wait3A_70 : memref<40x128xi32, #tpu.memory_space<hbm>>) dst(%arg7 : memref<40x128xi32, #tpu.memory_space<vmem>>)
      tpu.yield
    }) : () -> ()
    "tpu.region"() ({
      %run_scoped3A = tpu.sem_alloc : memref<!tpu.dma_semaphore, #tpu.memory_space<semaphore_mem>>
      %dma_start3A_63 = arith.constant 0 : i32
      %dma_start3A_64 = tpu.memref_slice %arg4[%add3A_11, %dma_start3A_63] : memref<2560x128xi32, #tpu.memory_space<hbm>> -> memref<40x128xi32, #tpu.memory_space<hbm>>
      %dma_start3A_65 = arith.constant 0 : i32
      %dma_start3A_66 = tpu.memref_slice %arg4[%add3A_11, %dma_start3A_65] : memref<2560x128xi32, #tpu.memory_space<hbm>> -> memref<40x128xi32, #tpu.memory_space<hbm>>
      tpu.enqueue_dma source(%dma_start3A_66 : memref<40x128xi32, #tpu.memory_space<hbm>>) target(%arg8 : memref<40x128xi32, #tpu.memory_space<vmem>>) target_semaphore(%run_scoped3A : memref<!tpu.dma_semaphore, #tpu.memory_space<semaphore_mem>>)
      %dma_wait3A_67 = arith.constant 0 : i32
      %dma_wait3A_68 = tpu.memref_slice %arg4[%add3A_11, %dma_wait3A_67] : memref<2560x128xi32, #tpu.memory_space<hbm>> -> memref<40x128xi32, #tpu.memory_space<hbm>>
      %dma_wait3A_69 = arith.constant 0 : i32
      %dma_wait3A_70 = tpu.memref_slice %arg4[%add3A_11, %dma_wait3A_69] : memref<2560x128xi32, #tpu.memory_space<hbm>> -> memref<40x128xi32, #tpu.memory_space<hbm>>
      tpu.wait_dma2 semaphore(%run_scoped3A : memref<!tpu.dma_semaphore, #tpu.memory_space<semaphore_mem>>) src(%dma_wait3A_70 : memref<40x128xi32, #tpu.memory_space<hbm>>) dst(%arg8 : memref<40x128xi32, #tpu.memory_space<vmem>>)
      tpu.yield
    }) : () -> ()
    %dma_start3A_12 = arith.constant 0 : i32
    %dma_start3A_13 = arith.constant 0 : i32
    %dma_start3A_14 = tpu.memref_slice %arg7[%dma_start3A_12, %dma_start3A_13] : memref<40x128xi32, #tpu.memory_space<vmem>> -> memref<1x128xi32, #tpu.memory_space<vmem>>
    %dma_start3A_15 = tpu.memref_squeeze %dma_start3A_14 : memref<1x128xi32, #tpu.memory_space<vmem>> -> memref<128xi32, #tpu.memory_space<vmem>>
    %dma_start3A_16 = arith.constant 0 : i32
    %dma_start3A_17 = arith.constant 0 : i32
    %dma_start3A_18 = tpu.memref_slice %arg2[%dma_start3A_16, %dma_start3A_17] : memref<10240x128xf32, #tpu.memory_space<hbm>> -> memref<10240x128xf32, #tpu.memory_space<hbm>>
    tpu.enqueue_indirect_dma source(%dma_start3A_18 : memref<10240x128xf32, #tpu.memory_space<hbm>>) target(%arg9 : memref<128x128xf32, #tpu.memory_space<vmem>>) offsets(%dma_start3A_15 : memref<128xi32, #tpu.memory_space<vmem>>) semaphore(%arg12 : memref<!tpu.dma_semaphore, #tpu.memory_space<semaphore_mem>>)
    %dma_wait3A = arith.constant 0 : i32
    %dma_wait3A_19 = tpu.memref_slice %arg11[%mul3A_4, %dma_wait3A] : memref<10240x128xf32, #tpu.memory_space<vmem_shared>> -> memref<640x128xf32, #tpu.memory_space<vmem_shared>>
    %dma_wait3A_20 = arith.constant 0 : i32
    %dma_wait3A_21 = tpu.memref_slice %arg5[%mul3A_2, %dma_wait3A_20] : memref<10240x128xf32, #tpu.memory_space<hbm>> -> memref<640x128xf32, #tpu.memory_space<hbm>>
    tpu.wait_dma2 semaphore(%arg14 : memref<!tpu.dma_semaphore, #tpu.memory_space<semaphore_mem>>) src(%dma_wait3A_21 : memref<640x128xf32, #tpu.memory_space<hbm>>) dst(%dma_wait3A_19 : memref<640x128xf32, #tpu.memory_space<vmem_shared>>)
    %barrier3A = arith.constant 0 : index
    tpu.barrier barrier_id(%barrier3A)
    %dma_wait3A_22 = arith.constant 0 : i32
    %dma_wait3A_23 = arith.constant 0 : i32
    %dma_wait3A_24 = tpu.memref_slice %arg7[%dma_wait3A_22, %dma_wait3A_23] : memref<40x128xi32, #tpu.memory_space<vmem>> -> memref<1x128xi32, #tpu.memory_space<vmem>>
    %dma_wait3A_25 = tpu.memref_squeeze %dma_wait3A_24 : memref<1x128xi32, #tpu.memory_space<vmem>> -> memref<128xi32, #tpu.memory_space<vmem>>
    %dma_wait3A_26 = arith.constant 0 : i32
    %dma_wait3A_27 = arith.constant 0 : i32
    %dma_wait3A_28 = tpu.memref_slice %arg2[%dma_wait3A_26, %dma_wait3A_27] : memref<10240x128xf32, #tpu.memory_space<hbm>> -> memref<10240x128xf32, #tpu.memory_space<hbm>>
    tpu.wait_indirect_dma semaphore(%arg12 : memref<!tpu.dma_semaphore, #tpu.memory_space<semaphore_mem>>) src(%dma_wait3A_28 : memref<10240x128xf32, #tpu.memory_space<hbm>>) dst(%arg9 : memref<128x128xf32, #tpu.memory_space<vmem>>)
    %scan3A = arith.constant 0 : i32
    %scan3A_29 = arith.constant 0 : i32
    %scan3A_30 = arith.constant 20 : i32
    %scan3A_31 = arith.addi %scan3A_29, %scan3A_30 : i32
    %scan3A_32 = arith.constant 1 : i32
    scf.for %scan3A_63 = %scan3A_29 to %scan3A_31 step %scan3A_32  : i32 {
      %mul3A_64 = arith.constant 2 : i32
      %mul3A_65 = arith.muli %mul3A_64, %scan3A_63 : i32
      %add3A_66 = arith.constant 1 : i32
      %add3A_67 = arith.addi %mul3A_65, %add3A_66 : i32
      %dma_start3A_68 = arith.constant 0 : i32
      %dma_start3A_69 = tpu.memref_slice %arg7[%add3A_67, %dma_start3A_68] : memref<40x128xi32, #tpu.memory_space<vmem>> -> memref<1x128xi32, #tpu.memory_space<vmem>>
      %dma_start3A_70 = tpu.memref_squeeze %dma_start3A_69 : memref<1x128xi32, #tpu.memory_space<vmem>> -> memref<128xi32, #tpu.memory_space<vmem>>
      %dma_start3A_71 = arith.constant 0 : i32
      %dma_start3A_72 = arith.constant 0 : i32
      %dma_start3A_73 = tpu.memref_slice %arg2[%dma_start3A_71, %dma_start3A_72] : memref<10240x128xf32, #tpu.memory_space<hbm>> -> memref<10240x128xf32, #tpu.memory_space<hbm>>
      tpu.enqueue_indirect_dma source(%dma_start3A_73 : memref<10240x128xf32, #tpu.memory_space<hbm>>) target(%arg10 : memref<128x128xf32, #tpu.memory_space<vmem>>) offsets(%dma_start3A_70 : memref<128xi32, #tpu.memory_space<vmem>>) semaphore(%arg13 : memref<!tpu.dma_semaphore, #tpu.memory_space<semaphore_mem>>)
      %mul3A_74 = arith.constant 2 : i32
      %mul3A_75 = arith.muli %mul3A_74, %scan3A_63 : i32
      %dma_start3A_76 = arith.constant 0 : i32
      %dma_start3A_77 = tpu.memref_slice %arg8[%mul3A_75, %dma_start3A_76] : memref<40x128xi32, #tpu.memory_space<vmem>> -> memref<1x128xi32, #tpu.memory_space<vmem>>
      %dma_start3A_78 = tpu.memref_squeeze %dma_start3A_77 : memref<1x128xi32, #tpu.memory_space<vmem>> -> memref<128xi32, #tpu.memory_space<vmem>>
      %dma_start3A_79 = arith.constant 0 : i32
      %dma_start3A_80 = arith.constant 0 : i32
      %dma_start3A_81 = tpu.memref_slice %arg11[%dma_start3A_79, %dma_start3A_80] : memref<10240x128xf32, #tpu.memory_space<vmem_shared>> -> memref<10240x128xf32, #tpu.memory_space<vmem_shared>>
      tpu.enqueue_indirect_dma source(%arg9 : memref<128x128xf32, #tpu.memory_space<vmem>>) target(%dma_start3A_81 : memref<10240x128xf32, #tpu.memory_space<vmem_shared>>) offsets(%dma_start3A_78 : memref<128xi32, #tpu.memory_space<vmem>>) semaphore(%arg14 : memref<!tpu.dma_semaphore, #tpu.memory_space<semaphore_mem>>) {add = true}
      %dma_wait3A_82 = arith.constant 0 : i32
      %dma_wait3A_83 = tpu.memref_slice %arg7[%add3A_67, %dma_wait3A_82] : memref<40x128xi32, #tpu.memory_space<vmem>> -> memref<1x128xi32, #tpu.memory_space<vmem>>
      %dma_wait3A_84 = tpu.memref_squeeze %dma_wait3A_83 : memref<1x128xi32, #tpu.memory_space<vmem>> -> memref<128xi32, #tpu.memory_space<vmem>>
      %dma_wait3A_85 = arith.constant 0 : i32
      %dma_wait3A_86 = arith.constant 0 : i32
      %dma_wait3A_87 = tpu.memref_slice %arg2[%dma_wait3A_85, %dma_wait3A_86] : memref<10240x128xf32, #tpu.memory_space<hbm>> -> memref<10240x128xf32, #tpu.memory_space<hbm>>
      tpu.wait_indirect_dma semaphore(%arg13 : memref<!tpu.dma_semaphore, #tpu.memory_space<semaphore_mem>>) src(%dma_wait3A_87 : memref<10240x128xf32, #tpu.memory_space<hbm>>) dst(%arg10 : memref<128x128xf32, #tpu.memory_space<vmem>>)
      %mul3A_88 = arith.constant 2 : i32
      %mul3A_89 = arith.muli %mul3A_88, %scan3A_63 : i32
      %add3A_90 = arith.constant 1 : i32
      %add3A_91 = arith.addi %mul3A_89, %add3A_90 : i32
      %dma_start3A_92 = arith.constant 0 : i32
      %dma_start3A_93 = tpu.memref_slice %arg8[%add3A_91, %dma_start3A_92] : memref<40x128xi32, #tpu.memory_space<vmem>> -> memref<1x128xi32, #tpu.memory_space<vmem>>
      %dma_start3A_94 = tpu.memref_squeeze %dma_start3A_93 : memref<1x128xi32, #tpu.memory_space<vmem>> -> memref<128xi32, #tpu.memory_space<vmem>>
      %dma_start3A_95 = arith.constant 0 : i32
      %dma_start3A_96 = arith.constant 0 : i32
      %dma_start3A_97 = tpu.memref_slice %arg11[%dma_start3A_95, %dma_start3A_96] : memref<10240x128xf32, #tpu.memory_space<vmem_shared>> -> memref<10240x128xf32, #tpu.memory_space<vmem_shared>>
      tpu.enqueue_indirect_dma source(%arg10 : memref<128x128xf32, #tpu.memory_space<vmem>>) target(%dma_start3A_97 : memref<10240x128xf32, #tpu.memory_space<vmem_shared>>) offsets(%dma_start3A_94 : memref<128xi32, #tpu.memory_space<vmem>>) semaphore(%arg15 : memref<!tpu.dma_semaphore, #tpu.memory_space<semaphore_mem>>) {add = true}
      %dma_wait3A_98 = arith.constant 0 : i32
      %dma_wait3A_99 = tpu.memref_slice %arg8[%mul3A_75, %dma_wait3A_98] : memref<40x128xi32, #tpu.memory_space<vmem>> -> memref<1x128xi32, #tpu.memory_space<vmem>>
      %dma_wait3A_100 = tpu.memref_squeeze %dma_wait3A_99 : memref<1x128xi32, #tpu.memory_space<vmem>> -> memref<128xi32, #tpu.memory_space<vmem>>
      %dma_wait3A_101 = arith.constant 0 : i32
      %dma_wait3A_102 = arith.constant 0 : i32
      %dma_wait3A_103 = tpu.memref_slice %arg11[%dma_wait3A_101, %dma_wait3A_102] : memref<10240x128xf32, #tpu.memory_space<vmem_shared>> -> memref<10240x128xf32, #tpu.memory_space<vmem_shared>>
      tpu.wait_indirect_dma semaphore(%arg14 : memref<!tpu.dma_semaphore, #tpu.memory_space<semaphore_mem>>) src(%arg9 : memref<128x128xf32, #tpu.memory_space<vmem>>) dst(%dma_wait3A_103 : memref<10240x128xf32, #tpu.memory_space<vmem_shared>>)
      %lt3A = arith.constant 19 : i32
      %lt3A_104 = arith.cmpi slt, %scan3A_63, %lt3A : i32
      %convert_element_type3A = arith.extui %lt3A_104 : i1 to i32
      %cond3A = arith.constant 0 : i32
      %cond3A_105 = arith.cmpi ne, %convert_element_type3A, %cond3A : i32
      scf.if %cond3A_105 {
        %mul3A_112 = arith.constant 2 : i32
        %mul3A_113 = arith.muli %mul3A_112, %scan3A_63 : i32
        %add3A_114 = arith.constant 2 : i32
        %add3A_115 = arith.addi %mul3A_113, %add3A_114 : i32
        %dma_start3A_116 = arith.constant 0 : i32
        %dma_start3A_117 = tpu.memref_slice %arg7[%add3A_115, %dma_start3A_116] : memref<40x128xi32, #tpu.memory_space<vmem>> -> memref<1x128xi32, #tpu.memory_space<vmem>>
        %dma_start3A_118 = tpu.memref_squeeze %dma_start3A_117 : memref<1x128xi32, #tpu.memory_space<vmem>> -> memref<128xi32, #tpu.memory_space<vmem>>
        %dma_start3A_119 = arith.constant 0 : i32
        %dma_start3A_120 = arith.constant 0 : i32
        %dma_start3A_121 = tpu.memref_slice %arg2[%dma_start3A_119, %dma_start3A_120] : memref<10240x128xf32, #tpu.memory_space<hbm>> -> memref<10240x128xf32, #tpu.memory_space<hbm>>
        tpu.enqueue_indirect_dma source(%dma_start3A_121 : memref<10240x128xf32, #tpu.memory_space<hbm>>) target(%arg9 : memref<128x128xf32, #tpu.memory_space<vmem>>) offsets(%dma_start3A_118 : memref<128xi32, #tpu.memory_space<vmem>>) semaphore(%arg12 : memref<!tpu.dma_semaphore, #tpu.memory_space<semaphore_mem>>)
        %dma_wait3A_122 = arith.constant 0 : i32
        %dma_wait3A_123 = tpu.memref_slice %arg7[%add3A_115, %dma_wait3A_122] : memref<40x128xi32, #tpu.memory_space<vmem>> -> memref<1x128xi32, #tpu.memory_space<vmem>>
        %dma_wait3A_124 = tpu.memref_squeeze %dma_wait3A_123 : memref<1x128xi32, #tpu.memory_space<vmem>> -> memref<128xi32, #tpu.memory_space<vmem>>
        %dma_wait3A_125 = arith.constant 0 : i32
        %dma_wait3A_126 = arith.constant 0 : i32
        %dma_wait3A_127 = tpu.memref_slice %arg2[%dma_wait3A_125, %dma_wait3A_126] : memref<10240x128xf32, #tpu.memory_space<hbm>> -> memref<10240x128xf32, #tpu.memory_space<hbm>>
        tpu.wait_indirect_dma semaphore(%arg12 : memref<!tpu.dma_semaphore, #tpu.memory_space<semaphore_mem>>) src(%dma_wait3A_127 : memref<10240x128xf32, #tpu.memory_space<hbm>>) dst(%arg9 : memref<128x128xf32, #tpu.memory_space<vmem>>)
      } else {
      }
      %dma_wait3A_106 = arith.constant 0 : i32
      %dma_wait3A_107 = tpu.memref_slice %arg8[%add3A_91, %dma_wait3A_106] : memref<40x128xi32, #tpu.memory_space<vmem>> -> memref<1x128xi32, #tpu.memory_space<vmem>>
      %dma_wait3A_108 = tpu.memref_squeeze %dma_wait3A_107 : memref<1x128xi32, #tpu.memory_space<vmem>> -> memref<128xi32, #tpu.memory_space<vmem>>
      %dma_wait3A_109 = arith.constant 0 : i32
      %dma_wait3A_110 = arith.constant 0 : i32
      %dma_wait3A_111 = tpu.memref_slice %arg11[%dma_wait3A_109, %dma_wait3A_110] : memref<10240x128xf32, #tpu.memory_space<vmem_shared>> -> memref<10240x128xf32, #tpu.memory_space<vmem_shared>>
      tpu.wait_indirect_dma semaphore(%arg15 : memref<!tpu.dma_semaphore, #tpu.memory_space<semaphore_mem>>) src(%arg10 : memref<128x128xf32, #tpu.memory_space<vmem>>) dst(%dma_wait3A_111 : memref<10240x128xf32, #tpu.memory_space<vmem_shared>>)
    }
    %scan3A_33 = arith.constant 20 : i32
    %mul3A_34 = arith.constant 80 : i32
    %mul3A_35 = arith.muli %add3A, %mul3A_34 : i32
    %add3A_36 = arith.constant 40 : i32
    %add3A_37 = arith.addi %mul3A_35, %add3A_36 : i32
    "tpu.region"() ({
      %run_scoped3A = tpu.sem_alloc : memref<!tpu.dma_semaphore, #tpu.memory_space<semaphore_mem>>
      %dma_start3A_63 = arith.constant 0 : i32
      %dma_start3A_64 = tpu.memref_slice %arg3[%add3A_37, %dma_start3A_63] : memref<2560x128xi32, #tpu.memory_space<hbm>> -> memref<40x128xi32, #tpu.memory_space<hbm>>
      %dma_start3A_65 = arith.constant 0 : i32
      %dma_start3A_66 = tpu.memref_slice %arg3[%add3A_37, %dma_start3A_65] : memref<2560x128xi32, #tpu.memory_space<hbm>> -> memref<40x128xi32, #tpu.memory_space<hbm>>
      tpu.enqueue_dma source(%dma_start3A_66 : memref<40x128xi32, #tpu.memory_space<hbm>>) target(%arg7 : memref<40x128xi32, #tpu.memory_space<vmem>>) target_semaphore(%run_scoped3A : memref<!tpu.dma_semaphore, #tpu.memory_space<semaphore_mem>>)
      %dma_wait3A_67 = arith.constant 0 : i32
      %dma_wait3A_68 = tpu.memref_slice %arg3[%add3A_37, %dma_wait3A_67] : memref<2560x128xi32, #tpu.memory_space<hbm>> -> memref<40x128xi32, #tpu.memory_space<hbm>>
      %dma_wait3A_69 = arith.constant 0 : i32
      %dma_wait3A_70 = tpu.memref_slice %arg3[%add3A_37, %dma_wait3A_69] : memref<2560x128xi32, #tpu.memory_space<hbm>> -> memref<40x128xi32, #tpu.memory_space<hbm>>
      tpu.wait_dma2 semaphore(%run_scoped3A : memref<!tpu.dma_semaphore, #tpu.memory_space<semaphore_mem>>) src(%dma_wait3A_70 : memref<40x128xi32, #tpu.memory_space<hbm>>) dst(%arg7 : memref<40x128xi32, #tpu.memory_space<vmem>>)
      tpu.yield
    }) : () -> ()
    "tpu.region"() ({
      %run_scoped3A = tpu.sem_alloc : memref<!tpu.dma_semaphore, #tpu.memory_space<semaphore_mem>>
      %dma_start3A_63 = arith.constant 0 : i32
      %dma_start3A_64 = tpu.memref_slice %arg4[%add3A_37, %dma_start3A_63] : memref<2560x128xi32, #tpu.memory_space<hbm>> -> memref<40x128xi32, #tpu.memory_space<hbm>>
      %dma_start3A_65 = arith.constant 0 : i32
      %dma_start3A_66 = tpu.memref_slice %arg4[%add3A_37, %dma_start3A_65] : memref<2560x128xi32, #tpu.memory_space<hbm>> -> memref<40x128xi32, #tpu.memory_space<hbm>>
      tpu.enqueue_dma source(%dma_start3A_66 : memref<40x128xi32, #tpu.memory_space<hbm>>) target(%arg8 : memref<40x128xi32, #tpu.memory_space<vmem>>) target_semaphore(%run_scoped3A : memref<!tpu.dma_semaphore, #tpu.memory_space<semaphore_mem>>)
      %dma_wait3A_67 = arith.constant 0 : i32
      %dma_wait3A_68 = tpu.memref_slice %arg4[%add3A_37, %dma_wait3A_67] : memref<2560x128xi32, #tpu.memory_space<hbm>> -> memref<40x128xi32, #tpu.memory_space<hbm>>
      %dma_wait3A_69 = arith.constant 0 : i32
      %dma_wait3A_70 = tpu.memref_slice %arg4[%add3A_37, %dma_wait3A_69] : memref<2560x128xi32, #tpu.memory_space<hbm>> -> memref<40x128xi32, #tpu.memory_space<hbm>>
      tpu.wait_dma2 semaphore(%run_scoped3A : memref<!tpu.dma_semaphore, #tpu.memory_space<semaphore_mem>>) src(%dma_wait3A_70 : memref<40x128xi32, #tpu.memory_space<hbm>>) dst(%arg8 : memref<40x128xi32, #tpu.memory_space<vmem>>)
      tpu.yield
    }) : () -> ()
    %dma_start3A_38 = arith.constant 0 : i32
    %dma_start3A_39 = arith.constant 0 : i32
    %dma_start3A_40 = tpu.memref_slice %arg7[%dma_start3A_38, %dma_start3A_39] : memref<40x128xi32, #tpu.memory_space<vmem>> -> memref<1x128xi32, #tpu.memory_space<vmem>>
    %dma_start3A_41 = tpu.memref_squeeze %dma_start3A_40 : memref<1x128xi32, #tpu.memory_space<vmem>> -> memref<128xi32, #tpu.memory_space<vmem>>
    %dma_start3A_42 = arith.constant 0 : i32
    %dma_start3A_43 = arith.constant 0 : i32
    %dma_start3A_44 = tpu.memref_slice %arg2[%dma_start3A_42, %dma_start3A_43] : memref<10240x128xf32, #tpu.memory_space<hbm>> -> memref<10240x128xf32, #tpu.memory_space<hbm>>
    tpu.enqueue_indirect_dma source(%dma_start3A_44 : memref<10240x128xf32, #tpu.memory_space<hbm>>) target(%arg9 : memref<128x128xf32, #tpu.memory_space<vmem>>) offsets(%dma_start3A_41 : memref<128xi32, #tpu.memory_space<vmem>>) semaphore(%arg12 : memref<!tpu.dma_semaphore, #tpu.memory_space<semaphore_mem>>)
    %dma_wait3A_45 = arith.constant 0 : i32
    %dma_wait3A_46 = arith.constant 0 : i32
    %dma_wait3A_47 = tpu.memref_slice %arg7[%dma_wait3A_45, %dma_wait3A_46] : memref<40x128xi32, #tpu.memory_space<vmem>> -> memref<1x128xi32, #tpu.memory_space<vmem>>
    %dma_wait3A_48 = tpu.memref_squeeze %dma_wait3A_47 : memref<1x128xi32, #tpu.memory_space<vmem>> -> memref<128xi32, #tpu.memory_space<vmem>>
    %dma_wait3A_49 = arith.constant 0 : i32
    %dma_wait3A_50 = arith.constant 0 : i32
    %dma_wait3A_51 = tpu.memref_slice %arg2[%dma_wait3A_49, %dma_wait3A_50] : memref<10240x128xf32, #tpu.memory_space<hbm>> -> memref<10240x128xf32, #tpu.memory_space<hbm>>
    tpu.wait_indirect_dma semaphore(%arg12 : memref<!tpu.dma_semaphore, #tpu.memory_space<semaphore_mem>>) src(%dma_wait3A_51 : memref<10240x128xf32, #tpu.memory_space<hbm>>) dst(%arg9 : memref<128x128xf32, #tpu.memory_space<vmem>>)
    %scan3A_52 = arith.constant 0 : i32
    %scan3A_53 = arith.constant 0 : i32
    %scan3A_54 = arith.constant 20 : i32
    %scan3A_55 = arith.addi %scan3A_53, %scan3A_54 : i32
    %scan3A_56 = arith.constant 1 : i32
    scf.for %scan3A_63 = %scan3A_53 to %scan3A_55 step %scan3A_56  : i32 {
      %mul3A_64 = arith.constant 2 : i32
      %mul3A_65 = arith.muli %mul3A_64, %scan3A_63 : i32
      %add3A_66 = arith.constant 1 : i32
      %add3A_67 = arith.addi %mul3A_65, %add3A_66 : i32
      %dma_start3A_68 = arith.constant 0 : i32
      %dma_start3A_69 = tpu.memref_slice %arg7[%add3A_67, %dma_start3A_68] : memref<40x128xi32, #tpu.memory_space<vmem>> -> memref<1x128xi32, #tpu.memory_space<vmem>>
      %dma_start3A_70 = tpu.memref_squeeze %dma_start3A_69 : memref<1x128xi32, #tpu.memory_space<vmem>> -> memref<128xi32, #tpu.memory_space<vmem>>
      %dma_start3A_71 = arith.constant 0 : i32
      %dma_start3A_72 = arith.constant 0 : i32
      %dma_start3A_73 = tpu.memref_slice %arg2[%dma_start3A_71, %dma_start3A_72] : memref<10240x128xf32, #tpu.memory_space<hbm>> -> memref<10240x128xf32, #tpu.memory_space<hbm>>
      tpu.enqueue_indirect_dma source(%dma_start3A_73 : memref<10240x128xf32, #tpu.memory_space<hbm>>) target(%arg10 : memref<128x128xf32, #tpu.memory_space<vmem>>) offsets(%dma_start3A_70 : memref<128xi32, #tpu.memory_space<vmem>>) semaphore(%arg13 : memref<!tpu.dma_semaphore, #tpu.memory_space<semaphore_mem>>)
      %mul3A_74 = arith.constant 2 : i32
      %mul3A_75 = arith.muli %mul3A_74, %scan3A_63 : i32
      %dma_start3A_76 = arith.constant 0 : i32
      %dma_start3A_77 = tpu.memref_slice %arg8[%mul3A_75, %dma_start3A_76] : memref<40x128xi32, #tpu.memory_space<vmem>> -> memref<1x128xi32, #tpu.memory_space<vmem>>
      %dma_start3A_78 = tpu.memref_squeeze %dma_start3A_77 : memref<1x128xi32, #tpu.memory_space<vmem>> -> memref<128xi32, #tpu.memory_space<vmem>>
      %dma_start3A_79 = arith.constant 0 : i32
      %dma_start3A_80 = arith.constant 0 : i32
      %dma_start3A_81 = tpu.memref_slice %arg11[%dma_start3A_79, %dma_start3A_80] : memref<10240x128xf32, #tpu.memory_space<vmem_shared>> -> memref<10240x128xf32, #tpu.memory_space<vmem_shared>>
      tpu.enqueue_indirect_dma source(%arg9 : memref<128x128xf32, #tpu.memory_space<vmem>>) target(%dma_start3A_81 : memref<10240x128xf32, #tpu.memory_space<vmem_shared>>) offsets(%dma_start3A_78 : memref<128xi32, #tpu.memory_space<vmem>>) semaphore(%arg14 : memref<!tpu.dma_semaphore, #tpu.memory_space<semaphore_mem>>) {add = true}
      %dma_wait3A_82 = arith.constant 0 : i32
      %dma_wait3A_83 = tpu.memref_slice %arg7[%add3A_67, %dma_wait3A_82] : memref<40x128xi32, #tpu.memory_space<vmem>> -> memref<1x128xi32, #tpu.memory_space<vmem>>
      %dma_wait3A_84 = tpu.memref_squeeze %dma_wait3A_83 : memref<1x128xi32, #tpu.memory_space<vmem>> -> memref<128xi32, #tpu.memory_space<vmem>>
      %dma_wait3A_85 = arith.constant 0 : i32
      %dma_wait3A_86 = arith.constant 0 : i32
      %dma_wait3A_87 = tpu.memref_slice %arg2[%dma_wait3A_85, %dma_wait3A_86] : memref<10240x128xf32, #tpu.memory_space<hbm>> -> memref<10240x128xf32, #tpu.memory_space<hbm>>
      tpu.wait_indirect_dma semaphore(%arg13 : memref<!tpu.dma_semaphore, #tpu.memory_space<semaphore_mem>>) src(%dma_wait3A_87 : memref<10240x128xf32, #tpu.memory_space<hbm>>) dst(%arg10 : memref<128x128xf32, #tpu.memory_space<vmem>>)
      %mul3A_88 = arith.constant 2 : i32
      %mul3A_89 = arith.muli %mul3A_88, %scan3A_63 : i32
      %add3A_90 = arith.constant 1 : i32
      %add3A_91 = arith.addi %mul3A_89, %add3A_90 : i32
      %dma_start3A_92 = arith.constant 0 : i32
      %dma_start3A_93 = tpu.memref_slice %arg8[%add3A_91, %dma_start3A_92] : memref<40x128xi32, #tpu.memory_space<vmem>> -> memref<1x128xi32, #tpu.memory_space<vmem>>
      %dma_start3A_94 = tpu.memref_squeeze %dma_start3A_93 : memref<1x128xi32, #tpu.memory_space<vmem>> -> memref<128xi32, #tpu.memory_space<vmem>>
      %dma_start3A_95 = arith.constant 0 : i32
      %dma_start3A_96 = arith.constant 0 : i32
      %dma_start3A_97 = tpu.memref_slice %arg11[%dma_start3A_95, %dma_start3A_96] : memref<10240x128xf32, #tpu.memory_space<vmem_shared>> -> memref<10240x128xf32, #tpu.memory_space<vmem_shared>>
      tpu.enqueue_indirect_dma source(%arg10 : memref<128x128xf32, #tpu.memory_space<vmem>>) target(%dma_start3A_97 : memref<10240x128xf32, #tpu.memory_space<vmem_shared>>) offsets(%dma_start3A_94 : memref<128xi32, #tpu.memory_space<vmem>>) semaphore(%arg15 : memref<!tpu.dma_semaphore, #tpu.memory_space<semaphore_mem>>) {add = true}
      %dma_wait3A_98 = arith.constant 0 : i32
      %dma_wait3A_99 = tpu.memref_slice %arg8[%mul3A_75, %dma_wait3A_98] : memref<40x128xi32, #tpu.memory_space<vmem>> -> memref<1x128xi32, #tpu.memory_space<vmem>>
      %dma_wait3A_100 = tpu.memref_squeeze %dma_wait3A_99 : memref<1x128xi32, #tpu.memory_space<vmem>> -> memref<128xi32, #tpu.memory_space<vmem>>
      %dma_wait3A_101 = arith.constant 0 : i32
      %dma_wait3A_102 = arith.constant 0 : i32
      %dma_wait3A_103 = tpu.memref_slice %arg11[%dma_wait3A_101, %dma_wait3A_102] : memref<10240x128xf32, #tpu.memory_space<vmem_shared>> -> memref<10240x128xf32, #tpu.memory_space<vmem_shared>>
      tpu.wait_indirect_dma semaphore(%arg14 : memref<!tpu.dma_semaphore, #tpu.memory_space<semaphore_mem>>) src(%arg9 : memref<128x128xf32, #tpu.memory_space<vmem>>) dst(%dma_wait3A_103 : memref<10240x128xf32, #tpu.memory_space<vmem_shared>>)
      %lt3A = arith.constant 19 : i32
      %lt3A_104 = arith.cmpi slt, %scan3A_63, %lt3A : i32
      %convert_element_type3A = arith.extui %lt3A_104 : i1 to i32
      %cond3A = arith.constant 0 : i32
      %cond3A_105 = arith.cmpi ne, %convert_element_type3A, %cond3A : i32
      scf.if %cond3A_105 {
        %mul3A_112 = arith.constant 2 : i32
        %mul3A_113 = arith.muli %mul3A_112, %scan3A_63 : i32
        %add3A_114 = arith.constant 2 : i32
        %add3A_115 = arith.addi %mul3A_113, %add3A_114 : i32
        %dma_start3A_116 = arith.constant 0 : i32
        %dma_start3A_117 = tpu.memref_slice %arg7[%add3A_115, %dma_start3A_116] : memref<40x128xi32, #tpu.memory_space<vmem>> -> memref<1x128xi32, #tpu.memory_space<vmem>>
        %dma_start3A_118 = tpu.memref_squeeze %dma_start3A_117 : memref<1x128xi32, #tpu.memory_space<vmem>> -> memref<128xi32, #tpu.memory_space<vmem>>
        %dma_start3A_119 = arith.constant 0 : i32
        %dma_start3A_120 = arith.constant 0 : i32
        %dma_start3A_121 = tpu.memref_slice %arg2[%dma_start3A_119, %dma_start3A_120] : memref<10240x128xf32, #tpu.memory_space<hbm>> -> memref<10240x128xf32, #tpu.memory_space<hbm>>
        tpu.enqueue_indirect_dma source(%dma_start3A_121 : memref<10240x128xf32, #tpu.memory_space<hbm>>) target(%arg9 : memref<128x128xf32, #tpu.memory_space<vmem>>) offsets(%dma_start3A_118 : memref<128xi32, #tpu.memory_space<vmem>>) semaphore(%arg12 : memref<!tpu.dma_semaphore, #tpu.memory_space<semaphore_mem>>)
        %dma_wait3A_122 = arith.constant 0 : i32
        %dma_wait3A_123 = tpu.memref_slice %arg7[%add3A_115, %dma_wait3A_122] : memref<40x128xi32, #tpu.memory_space<vmem>> -> memref<1x128xi32, #tpu.memory_space<vmem>>
        %dma_wait3A_124 = tpu.memref_squeeze %dma_wait3A_123 : memref<1x128xi32, #tpu.memory_space<vmem>> -> memref<128xi32, #tpu.memory_space<vmem>>
        %dma_wait3A_125 = arith.constant 0 : i32
        %dma_wait3A_126 = arith.constant 0 : i32
        %dma_wait3A_127 = tpu.memref_slice %arg2[%dma_wait3A_125, %dma_wait3A_126] : memref<10240x128xf32, #tpu.memory_space<hbm>> -> memref<10240x128xf32, #tpu.memory_space<hbm>>
        tpu.wait_indirect_dma semaphore(%arg12 : memref<!tpu.dma_semaphore, #tpu.memory_space<semaphore_mem>>) src(%dma_wait3A_127 : memref<10240x128xf32, #tpu.memory_space<hbm>>) dst(%arg9 : memref<128x128xf32, #tpu.memory_space<vmem>>)
      } else {
      }
      %dma_wait3A_106 = arith.constant 0 : i32
      %dma_wait3A_107 = tpu.memref_slice %arg8[%add3A_91, %dma_wait3A_106] : memref<40x128xi32, #tpu.memory_space<vmem>> -> memref<1x128xi32, #tpu.memory_space<vmem>>
      %dma_wait3A_108 = tpu.memref_squeeze %dma_wait3A_107 : memref<1x128xi32, #tpu.memory_space<vmem>> -> memref<128xi32, #tpu.memory_space<vmem>>
      %dma_wait3A_109 = arith.constant 0 : i32
      %dma_wait3A_110 = arith.constant 0 : i32
      %dma_wait3A_111 = tpu.memref_slice %arg11[%dma_wait3A_109, %dma_wait3A_110] : memref<10240x128xf32, #tpu.memory_space<vmem_shared>> -> memref<10240x128xf32, #tpu.memory_space<vmem_shared>>
      tpu.wait_indirect_dma semaphore(%arg15 : memref<!tpu.dma_semaphore, #tpu.memory_space<semaphore_mem>>) src(%arg10 : memref<128x128xf32, #tpu.memory_space<vmem>>) dst(%dma_wait3A_111 : memref<10240x128xf32, #tpu.memory_space<vmem_shared>>)
    }
    %scan3A_57 = arith.constant 20 : i32
    %barrier3A_58 = arith.constant 0 : index
    tpu.barrier barrier_id(%barrier3A_58)
    %mul3A_59 = arith.constant 640 : i32
    %mul3A_60 = arith.muli %arg1, %mul3A_59 : i32
    %mul3A_61 = arith.constant 640 : i32
    %mul3A_62 = arith.muli %arg1, %mul3A_61 : i32
    "tpu.region"() ({
      %run_scoped3A = tpu.sem_alloc : memref<!tpu.dma_semaphore, #tpu.memory_space<semaphore_mem>>
      %dma_start3A_63 = arith.constant 0 : i32
      %dma_start3A_64 = tpu.memref_slice %arg6[%arg0, %mul3A_62, %dma_start3A_63] : memref<2x10240x128xf32, #tpu.memory_space<hbm>> -> memref<1x640x128xf32, #tpu.memory_space<hbm>>
      %dma_start3A_65 = tpu.memref_squeeze %dma_start3A_64 : memref<1x640x128xf32, #tpu.memory_space<hbm>> -> memref<640x128xf32, #tpu.memory_space<hbm>>
      %dma_start3A_66 = arith.constant 0 : i32
      %dma_start3A_67 = tpu.memref_slice %arg11[%mul3A_60, %dma_start3A_66] : memref<10240x128xf32, #tpu.memory_space<vmem_shared>> -> memref<640x128xf32, #tpu.memory_space<vmem_shared>>
      tpu.enqueue_dma source(%dma_start3A_67 : memref<640x128xf32, #tpu.memory_space<vmem_shared>>) target(%dma_start3A_65 : memref<640x128xf32, #tpu.memory_space<hbm>>) target_semaphore(%run_scoped3A : memref<!tpu.dma_semaphore, #tpu.memory_space<semaphore_mem>>)
      %dma_wait3A_68 = arith.constant 0 : i32
      %dma_wait3A_69 = tpu.memref_slice %arg6[%arg0, %mul3A_62, %dma_wait3A_68] : memref<2x10240x128xf32, #tpu.memory_space<hbm>> -> memref<1x640x128xf32, #tpu.memory_space<hbm>>
      %dma_wait3A_70 = tpu.memref_squeeze %dma_wait3A_69 : memref<1x640x128xf32, #tpu.memory_space<hbm>> -> memref<640x128xf32, #tpu.memory_space<hbm>>
      %dma_wait3A_71 = arith.constant 0 : i32
      %dma_wait3A_72 = tpu.memref_slice %arg11[%mul3A_60, %dma_wait3A_71] : memref<10240x128xf32, #tpu.memory_space<vmem_shared>> -> memref<640x128xf32, #tpu.memory_space<vmem_shared>>
      tpu.wait_dma2 semaphore(%run_scoped3A : memref<!tpu.dma_semaphore, #tpu.memory_space<semaphore_mem>>) src(%dma_wait3A_72 : memref<640x128xf32, #tpu.memory_space<vmem_shared>>) dst(%dma_wait3A_70 : memref<640x128xf32, #tpu.memory_space<hbm>>)
      tpu.yield
    }) : () -> ()
    return
  }
}

#map = affine_map<(d0, d1) -> (0, 0)>
#map1 = affine_map<(d0, d1) -> (0, 0, 0)>
module attributes {stable_mosaic.version = 14 : i64} {
  func.func @sc_pass(%arg0: i32, %arg1: i32, %arg2: memref<10240x128xf32, #tpu.memory_space<hbm>>, %arg3: memref<2560x128xi32, #tpu.memory_space<hbm>>, %arg4: memref<2560x128xi32, #tpu.memory_space<hbm>>, %arg5: memref<10240x128xf32, #tpu.memory_space<hbm>>, %arg6: memref<2x10240x128xf32, #tpu.memory_space<hbm>>, %arg7: memref<40x128xi32, #tpu.memory_space<vmem>>, %arg8: memref<40x128xi32, #tpu.memory_space<vmem>>, %arg9: memref<128x128xf32, #tpu.memory_space<vmem>>, %arg10: memref<128x128xf32, #tpu.memory_space<vmem>>, %arg11: memref<10240x128xf32, #tpu.memory_space<vmem_shared>>, %arg12: memref<!tpu.dma_semaphore, #tpu.memory_space<semaphore_mem>>, %arg13: memref<!tpu.dma_semaphore, #tpu.memory_space<semaphore_mem>>, %arg14: memref<!tpu.dma_semaphore, #tpu.memory_space<semaphore_mem>>, %arg15: memref<!tpu.dma_semaphore, #tpu.memory_space<semaphore_mem>>) attributes {dimension_semantics = [#tpu.dimension_semantics<core_parallel>, #tpu.dimension_semantics<subcore_parallel>], iteration_bounds = array<i64: 2, 16>, scalar_prefetch = 0 : i64, scratch_operands = 9 : i64, tpu.core_type = #tpu.core_type<sc_vector_subcore>, window_params = [{transform_indices = #map}, {transform_indices = #map}, {transform_indices = #map}, {transform_indices = #map}, {transform_indices = #map1}]} {
    %mul3A = arith.constant 2 : i32
    %mul3A_0 = arith.muli %arg1, %mul3A : i32
    %add3A = arith.addi %mul3A_0, %arg0 : i32
    %mul3A_1 = arith.constant 640 : i32
    %mul3A_2 = arith.muli %arg1, %mul3A_1 : i32
    %mul3A_3 = arith.constant 640 : i32
    %mul3A_4 = arith.muli %arg1, %mul3A_3 : i32
    %dma_start3A = arith.constant 0 : i32
    %dma_start3A_5 = tpu.memref_slice %arg11[%mul3A_4, %dma_start3A] : memref<10240x128xf32, #tpu.memory_space<vmem_shared>> -> memref<640x128xf32, #tpu.memory_space<vmem_shared>>
    %dma_start3A_6 = arith.constant 0 : i32
    %dma_start3A_7 = tpu.memref_slice %arg5[%mul3A_2, %dma_start3A_6] : memref<10240x128xf32, #tpu.memory_space<hbm>> -> memref<640x128xf32, #tpu.memory_space<hbm>>
    tpu.enqueue_dma source(%dma_start3A_7 : memref<640x128xf32, #tpu.memory_space<hbm>>) target(%dma_start3A_5 : memref<640x128xf32, #tpu.memory_space<vmem_shared>>) target_semaphore(%arg14 : memref<!tpu.dma_semaphore, #tpu.memory_space<semaphore_mem>>)
    %mul3A_8 = arith.constant 80 : i32
    %mul3A_9 = arith.muli %add3A, %mul3A_8 : i32
    %add3A_10 = arith.constant 0 : i32
    %add3A_11 = arith.addi %mul3A_9, %add3A_10 : i32
    "tpu.region"() ({
      %run_scoped3A = tpu.sem_alloc : memref<!tpu.dma_semaphore, #tpu.memory_space<semaphore_mem>>
      %dma_start3A_63 = arith.constant 0 : i32
      %dma_start3A_64 = tpu.memref_slice %arg3[%add3A_11, %dma_start3A_63] : memref<2560x128xi32, #tpu.memory_space<hbm>> -> memref<40x128xi32, #tpu.memory_space<hbm>>
      %dma_start3A_65 = arith.constant 0 : i32
      %dma_start3A_66 = tpu.memref_slice %arg3[%add3A_11, %dma_start3A_65] : memref<2560x128xi32, #tpu.memory_space<hbm>> -> memref<40x128xi32, #tpu.memory_space<hbm>>
      tpu.enqueue_dma source(%dma_start3A_66 : memref<40x128xi32, #tpu.memory_space<hbm>>) target(%arg7 : memref<40x128xi32, #tpu.memory_space<vmem>>) target_semaphore(%run_scoped3A : memref<!tpu.dma_semaphore, #tpu.memory_space<semaphore_mem>>)
      %dma_wait3A_67 = arith.constant 0 : i32
      %dma_wait3A_68 = tpu.memref_slice %arg3[%add3A_11, %dma_wait3A_67] : memref<2560x128xi32, #tpu.memory_space<hbm>> -> memref<40x128xi32, #tpu.memory_space<hbm>>
      %dma_wait3A_69 = arith.constant 0 : i32
      %dma_wait3A_70 = tpu.memref_slice %arg3[%add3A_11, %dma_wait3A_69] : memref<2560x128xi32, #tpu.memory_space<hbm>> -> memref<40x128xi32, #tpu.memory_space<hbm>>
      tpu.wait_dma2 semaphore(%run_scoped3A : memref<!tpu.dma_semaphore, #tpu.memory_space<semaphore_mem>>) src(%dma_wait3A_70 : memref<40x128xi32, #tpu.memory_space<hbm>>) dst(%arg7 : memref<40x128xi32, #tpu.memory_space<vmem>>)
      tpu.yield
    }) : () -> ()
    "tpu.region"() ({
      %run_scoped3A = tpu.sem_alloc : memref<!tpu.dma_semaphore, #tpu.memory_space<semaphore_mem>>
      %dma_start3A_63 = arith.constant 0 : i32
      %dma_start3A_64 = tpu.memref_slice %arg4[%add3A_11, %dma_start3A_63] : memref<2560x128xi32, #tpu.memory_space<hbm>> -> memref<40x128xi32, #tpu.memory_space<hbm>>
      %dma_start3A_65 = arith.constant 0 : i32
      %dma_start3A_66 = tpu.memref_slice %arg4[%add3A_11, %dma_start3A_65] : memref<2560x128xi32, #tpu.memory_space<hbm>> -> memref<40x128xi32, #tpu.memory_space<hbm>>
      tpu.enqueue_dma source(%dma_start3A_66 : memref<40x128xi32, #tpu.memory_space<hbm>>) target(%arg8 : memref<40x128xi32, #tpu.memory_space<vmem>>) target_semaphore(%run_scoped3A : memref<!tpu.dma_semaphore, #tpu.memory_space<semaphore_mem>>)
      %dma_wait3A_67 = arith.constant 0 : i32
      %dma_wait3A_68 = tpu.memref_slice %arg4[%add3A_11, %dma_wait3A_67] : memref<2560x128xi32, #tpu.memory_space<hbm>> -> memref<40x128xi32, #tpu.memory_space<hbm>>
      %dma_wait3A_69 = arith.constant 0 : i32
      %dma_wait3A_70 = tpu.memref_slice %arg4[%add3A_11, %dma_wait3A_69] : memref<2560x128xi32, #tpu.memory_space<hbm>> -> memref<40x128xi32, #tpu.memory_space<hbm>>
      tpu.wait_dma2 semaphore(%run_scoped3A : memref<!tpu.dma_semaphore, #tpu.memory_space<semaphore_mem>>) src(%dma_wait3A_70 : memref<40x128xi32, #tpu.memory_space<hbm>>) dst(%arg8 : memref<40x128xi32, #tpu.memory_space<vmem>>)
      tpu.yield
    }) : () -> ()
    %dma_start3A_12 = arith.constant 0 : i32
    %dma_start3A_13 = arith.constant 0 : i32
    %dma_start3A_14 = tpu.memref_slice %arg7[%dma_start3A_12, %dma_start3A_13] : memref<40x128xi32, #tpu.memory_space<vmem>> -> memref<1x128xi32, #tpu.memory_space<vmem>>
    %dma_start3A_15 = tpu.memref_squeeze %dma_start3A_14 : memref<1x128xi32, #tpu.memory_space<vmem>> -> memref<128xi32, #tpu.memory_space<vmem>>
    %dma_start3A_16 = arith.constant 0 : i32
    %dma_start3A_17 = arith.constant 0 : i32
    %dma_start3A_18 = tpu.memref_slice %arg2[%dma_start3A_16, %dma_start3A_17] : memref<10240x128xf32, #tpu.memory_space<hbm>> -> memref<10240x128xf32, #tpu.memory_space<hbm>>
    tpu.enqueue_indirect_dma source(%dma_start3A_18 : memref<10240x128xf32, #tpu.memory_space<hbm>>) target(%arg9 : memref<128x128xf32, #tpu.memory_space<vmem>>) offsets(%dma_start3A_15 : memref<128xi32, #tpu.memory_space<vmem>>) semaphore(%arg12 : memref<!tpu.dma_semaphore, #tpu.memory_space<semaphore_mem>>)
    %dma_wait3A = arith.constant 0 : i32
    %dma_wait3A_19 = tpu.memref_slice %arg11[%mul3A_4, %dma_wait3A] : memref<10240x128xf32, #tpu.memory_space<vmem_shared>> -> memref<640x128xf32, #tpu.memory_space<vmem_shared>>
    %dma_wait3A_20 = arith.constant 0 : i32
    %dma_wait3A_21 = tpu.memref_slice %arg5[%mul3A_2, %dma_wait3A_20] : memref<10240x128xf32, #tpu.memory_space<hbm>> -> memref<640x128xf32, #tpu.memory_space<hbm>>
    tpu.wait_dma2 semaphore(%arg14 : memref<!tpu.dma_semaphore, #tpu.memory_space<semaphore_mem>>) src(%dma_wait3A_21 : memref<640x128xf32, #tpu.memory_space<hbm>>) dst(%dma_wait3A_19 : memref<640x128xf32, #tpu.memory_space<vmem_shared>>)
    %barrier3A = arith.constant 0 : index
    tpu.barrier barrier_id(%barrier3A)
    %dma_wait3A_22 = arith.constant 0 : i32
    %dma_wait3A_23 = arith.constant 0 : i32
    %dma_wait3A_24 = tpu.memref_slice %arg7[%dma_wait3A_22, %dma_wait3A_23] : memref<40x128xi32, #tpu.memory_space<vmem>> -> memref<1x128xi32, #tpu.memory_space<vmem>>
    %dma_wait3A_25 = tpu.memref_squeeze %dma_wait3A_24 : memref<1x128xi32, #tpu.memory_space<vmem>> -> memref<128xi32, #tpu.memory_space<vmem>>
    %dma_wait3A_26 = arith.constant 0 : i32
    %dma_wait3A_27 = arith.constant 0 : i32
    %dma_wait3A_28 = tpu.memref_slice %arg2[%dma_wait3A_26, %dma_wait3A_27] : memref<10240x128xf32, #tpu.memory_space<hbm>> -> memref<10240x128xf32, #tpu.memory_space<hbm>>
    tpu.wait_indirect_dma semaphore(%arg12 : memref<!tpu.dma_semaphore, #tpu.memory_space<semaphore_mem>>) src(%dma_wait3A_28 : memref<10240x128xf32, #tpu.memory_space<hbm>>) dst(%arg9 : memref<128x128xf32, #tpu.memory_space<vmem>>)
    %scan3A = arith.constant 0 : i32
    %scan3A_29 = arith.constant 0 : i32
    %scan3A_30 = arith.constant 20 : i32
    %scan3A_31 = arith.addi %scan3A_29, %scan3A_30 : i32
    %scan3A_32 = arith.constant 1 : i32
    scf.for %scan3A_63 = %scan3A_29 to %scan3A_31 step %scan3A_32  : i32 {
      %mul3A_64 = arith.constant 2 : i32
      %mul3A_65 = arith.muli %mul3A_64, %scan3A_63 : i32
      %add3A_66 = arith.constant 1 : i32
      %add3A_67 = arith.addi %mul3A_65, %add3A_66 : i32
      %dma_start3A_68 = arith.constant 0 : i32
      %dma_start3A_69 = tpu.memref_slice %arg7[%add3A_67, %dma_start3A_68] : memref<40x128xi32, #tpu.memory_space<vmem>> -> memref<1x128xi32, #tpu.memory_space<vmem>>
      %dma_start3A_70 = tpu.memref_squeeze %dma_start3A_69 : memref<1x128xi32, #tpu.memory_space<vmem>> -> memref<128xi32, #tpu.memory_space<vmem>>
      %dma_start3A_71 = arith.constant 0 : i32
      %dma_start3A_72 = arith.constant 0 : i32
      %dma_start3A_73 = tpu.memref_slice %arg2[%dma_start3A_71, %dma_start3A_72] : memref<10240x128xf32, #tpu.memory_space<hbm>> -> memref<10240x128xf32, #tpu.memory_space<hbm>>
      tpu.enqueue_indirect_dma source(%dma_start3A_73 : memref<10240x128xf32, #tpu.memory_space<hbm>>) target(%arg10 : memref<128x128xf32, #tpu.memory_space<vmem>>) offsets(%dma_start3A_70 : memref<128xi32, #tpu.memory_space<vmem>>) semaphore(%arg13 : memref<!tpu.dma_semaphore, #tpu.memory_space<semaphore_mem>>)
      %mul3A_74 = arith.constant 2 : i32
      %mul3A_75 = arith.muli %mul3A_74, %scan3A_63 : i32
      %dma_start3A_76 = arith.constant 0 : i32
      %dma_start3A_77 = tpu.memref_slice %arg8[%mul3A_75, %dma_start3A_76] : memref<40x128xi32, #tpu.memory_space<vmem>> -> memref<1x128xi32, #tpu.memory_space<vmem>>
      %dma_start3A_78 = tpu.memref_squeeze %dma_start3A_77 : memref<1x128xi32, #tpu.memory_space<vmem>> -> memref<128xi32, #tpu.memory_space<vmem>>
      %dma_start3A_79 = arith.constant 0 : i32
      %dma_start3A_80 = arith.constant 0 : i32
      %dma_start3A_81 = tpu.memref_slice %arg11[%dma_start3A_79, %dma_start3A_80] : memref<10240x128xf32, #tpu.memory_space<vmem_shared>> -> memref<10240x128xf32, #tpu.memory_space<vmem_shared>>
      tpu.enqueue_indirect_dma source(%arg9 : memref<128x128xf32, #tpu.memory_space<vmem>>) target(%dma_start3A_81 : memref<10240x128xf32, #tpu.memory_space<vmem_shared>>) offsets(%dma_start3A_78 : memref<128xi32, #tpu.memory_space<vmem>>) semaphore(%arg14 : memref<!tpu.dma_semaphore, #tpu.memory_space<semaphore_mem>>) {add = true}
      %dma_wait3A_82 = arith.constant 0 : i32
      %dma_wait3A_83 = tpu.memref_slice %arg7[%add3A_67, %dma_wait3A_82] : memref<40x128xi32, #tpu.memory_space<vmem>> -> memref<1x128xi32, #tpu.memory_space<vmem>>
      %dma_wait3A_84 = tpu.memref_squeeze %dma_wait3A_83 : memref<1x128xi32, #tpu.memory_space<vmem>> -> memref<128xi32, #tpu.memory_space<vmem>>
      %dma_wait3A_85 = arith.constant 0 : i32
      %dma_wait3A_86 = arith.constant 0 : i32
      %dma_wait3A_87 = tpu.memref_slice %arg2[%dma_wait3A_85, %dma_wait3A_86] : memref<10240x128xf32, #tpu.memory_space<hbm>> -> memref<10240x128xf32, #tpu.memory_space<hbm>>
      tpu.wait_indirect_dma semaphore(%arg13 : memref<!tpu.dma_semaphore, #tpu.memory_space<semaphore_mem>>) src(%dma_wait3A_87 : memref<10240x128xf32, #tpu.memory_space<hbm>>) dst(%arg10 : memref<128x128xf32, #tpu.memory_space<vmem>>)
      %mul3A_88 = arith.constant 2 : i32
      %mul3A_89 = arith.muli %mul3A_88, %scan3A_63 : i32
      %add3A_90 = arith.constant 1 : i32
      %add3A_91 = arith.addi %mul3A_89, %add3A_90 : i32
      %dma_start3A_92 = arith.constant 0 : i32
      %dma_start3A_93 = tpu.memref_slice %arg8[%add3A_91, %dma_start3A_92] : memref<40x128xi32, #tpu.memory_space<vmem>> -> memref<1x128xi32, #tpu.memory_space<vmem>>
      %dma_start3A_94 = tpu.memref_squeeze %dma_start3A_93 : memref<1x128xi32, #tpu.memory_space<vmem>> -> memref<128xi32, #tpu.memory_space<vmem>>
      %dma_start3A_95 = arith.constant 0 : i32
      %dma_start3A_96 = arith.constant 0 : i32
      %dma_start3A_97 = tpu.memref_slice %arg11[%dma_start3A_95, %dma_start3A_96] : memref<10240x128xf32, #tpu.memory_space<vmem_shared>> -> memref<10240x128xf32, #tpu.memory_space<vmem_shared>>
      tpu.enqueue_indirect_dma source(%arg10 : memref<128x128xf32, #tpu.memory_space<vmem>>) target(%dma_start3A_97 : memref<10240x128xf32, #tpu.memory_space<vmem_shared>>) offsets(%dma_start3A_94 : memref<128xi32, #tpu.memory_space<vmem>>) semaphore(%arg15 : memref<!tpu.dma_semaphore, #tpu.memory_space<semaphore_mem>>) {add = true}
      %dma_wait3A_98 = arith.constant 0 : i32
      %dma_wait3A_99 = tpu.memref_slice %arg8[%mul3A_75, %dma_wait3A_98] : memref<40x128xi32, #tpu.memory_space<vmem>> -> memref<1x128xi32, #tpu.memory_space<vmem>>
      %dma_wait3A_100 = tpu.memref_squeeze %dma_wait3A_99 : memref<1x128xi32, #tpu.memory_space<vmem>> -> memref<128xi32, #tpu.memory_space<vmem>>
      %dma_wait3A_101 = arith.constant 0 : i32
      %dma_wait3A_102 = arith.constant 0 : i32
      %dma_wait3A_103 = tpu.memref_slice %arg11[%dma_wait3A_101, %dma_wait3A_102] : memref<10240x128xf32, #tpu.memory_space<vmem_shared>> -> memref<10240x128xf32, #tpu.memory_space<vmem_shared>>
      tpu.wait_indirect_dma semaphore(%arg14 : memref<!tpu.dma_semaphore, #tpu.memory_space<semaphore_mem>>) src(%arg9 : memref<128x128xf32, #tpu.memory_space<vmem>>) dst(%dma_wait3A_103 : memref<10240x128xf32, #tpu.memory_space<vmem_shared>>)
      %lt3A = arith.constant 19 : i32
      %lt3A_104 = arith.cmpi slt, %scan3A_63, %lt3A : i32
      %convert_element_type3A = arith.extui %lt3A_104 : i1 to i32
      %cond3A = arith.constant 0 : i32
      %cond3A_105 = arith.cmpi ne, %convert_element_type3A, %cond3A : i32
      scf.if %cond3A_105 {
        %mul3A_112 = arith.constant 2 : i32
        %mul3A_113 = arith.muli %mul3A_112, %scan3A_63 : i32
        %add3A_114 = arith.constant 2 : i32
        %add3A_115 = arith.addi %mul3A_113, %add3A_114 : i32
        %dma_start3A_116 = arith.constant 0 : i32
        %dma_start3A_117 = tpu.memref_slice %arg7[%add3A_115, %dma_start3A_116] : memref<40x128xi32, #tpu.memory_space<vmem>> -> memref<1x128xi32, #tpu.memory_space<vmem>>
        %dma_start3A_118 = tpu.memref_squeeze %dma_start3A_117 : memref<1x128xi32, #tpu.memory_space<vmem>> -> memref<128xi32, #tpu.memory_space<vmem>>
        %dma_start3A_119 = arith.constant 0 : i32
        %dma_start3A_120 = arith.constant 0 : i32
        %dma_start3A_121 = tpu.memref_slice %arg2[%dma_start3A_119, %dma_start3A_120] : memref<10240x128xf32, #tpu.memory_space<hbm>> -> memref<10240x128xf32, #tpu.memory_space<hbm>>
        tpu.enqueue_indirect_dma source(%dma_start3A_121 : memref<10240x128xf32, #tpu.memory_space<hbm>>) target(%arg9 : memref<128x128xf32, #tpu.memory_space<vmem>>) offsets(%dma_start3A_118 : memref<128xi32, #tpu.memory_space<vmem>>) semaphore(%arg12 : memref<!tpu.dma_semaphore, #tpu.memory_space<semaphore_mem>>)
        %dma_wait3A_122 = arith.constant 0 : i32
        %dma_wait3A_123 = tpu.memref_slice %arg7[%add3A_115, %dma_wait3A_122] : memref<40x128xi32, #tpu.memory_space<vmem>> -> memref<1x128xi32, #tpu.memory_space<vmem>>
        %dma_wait3A_124 = tpu.memref_squeeze %dma_wait3A_123 : memref<1x128xi32, #tpu.memory_space<vmem>> -> memref<128xi32, #tpu.memory_space<vmem>>
        %dma_wait3A_125 = arith.constant 0 : i32
        %dma_wait3A_126 = arith.constant 0 : i32
        %dma_wait3A_127 = tpu.memref_slice %arg2[%dma_wait3A_125, %dma_wait3A_126] : memref<10240x128xf32, #tpu.memory_space<hbm>> -> memref<10240x128xf32, #tpu.memory_space<hbm>>
        tpu.wait_indirect_dma semaphore(%arg12 : memref<!tpu.dma_semaphore, #tpu.memory_space<semaphore_mem>>) src(%dma_wait3A_127 : memref<10240x128xf32, #tpu.memory_space<hbm>>) dst(%arg9 : memref<128x128xf32, #tpu.memory_space<vmem>>)
      } else {
      }
      %dma_wait3A_106 = arith.constant 0 : i32
      %dma_wait3A_107 = tpu.memref_slice %arg8[%add3A_91, %dma_wait3A_106] : memref<40x128xi32, #tpu.memory_space<vmem>> -> memref<1x128xi32, #tpu.memory_space<vmem>>
      %dma_wait3A_108 = tpu.memref_squeeze %dma_wait3A_107 : memref<1x128xi32, #tpu.memory_space<vmem>> -> memref<128xi32, #tpu.memory_space<vmem>>
      %dma_wait3A_109 = arith.constant 0 : i32
      %dma_wait3A_110 = arith.constant 0 : i32
      %dma_wait3A_111 = tpu.memref_slice %arg11[%dma_wait3A_109, %dma_wait3A_110] : memref<10240x128xf32, #tpu.memory_space<vmem_shared>> -> memref<10240x128xf32, #tpu.memory_space<vmem_shared>>
      tpu.wait_indirect_dma semaphore(%arg15 : memref<!tpu.dma_semaphore, #tpu.memory_space<semaphore_mem>>) src(%arg10 : memref<128x128xf32, #tpu.memory_space<vmem>>) dst(%dma_wait3A_111 : memref<10240x128xf32, #tpu.memory_space<vmem_shared>>)
    }
    %scan3A_33 = arith.constant 20 : i32
    %mul3A_34 = arith.constant 80 : i32
    %mul3A_35 = arith.muli %add3A, %mul3A_34 : i32
    %add3A_36 = arith.constant 40 : i32
    %add3A_37 = arith.addi %mul3A_35, %add3A_36 : i32
    "tpu.region"() ({
      %run_scoped3A = tpu.sem_alloc : memref<!tpu.dma_semaphore, #tpu.memory_space<semaphore_mem>>
      %dma_start3A_63 = arith.constant 0 : i32
      %dma_start3A_64 = tpu.memref_slice %arg3[%add3A_37, %dma_start3A_63] : memref<2560x128xi32, #tpu.memory_space<hbm>> -> memref<40x128xi32, #tpu.memory_space<hbm>>
      %dma_start3A_65 = arith.constant 0 : i32
      %dma_start3A_66 = tpu.memref_slice %arg3[%add3A_37, %dma_start3A_65] : memref<2560x128xi32, #tpu.memory_space<hbm>> -> memref<40x128xi32, #tpu.memory_space<hbm>>
      tpu.enqueue_dma source(%dma_start3A_66 : memref<40x128xi32, #tpu.memory_space<hbm>>) target(%arg7 : memref<40x128xi32, #tpu.memory_space<vmem>>) target_semaphore(%run_scoped3A : memref<!tpu.dma_semaphore, #tpu.memory_space<semaphore_mem>>)
      %dma_wait3A_67 = arith.constant 0 : i32
      %dma_wait3A_68 = tpu.memref_slice %arg3[%add3A_37, %dma_wait3A_67] : memref<2560x128xi32, #tpu.memory_space<hbm>> -> memref<40x128xi32, #tpu.memory_space<hbm>>
      %dma_wait3A_69 = arith.constant 0 : i32
      %dma_wait3A_70 = tpu.memref_slice %arg3[%add3A_37, %dma_wait3A_69] : memref<2560x128xi32, #tpu.memory_space<hbm>> -> memref<40x128xi32, #tpu.memory_space<hbm>>
      tpu.wait_dma2 semaphore(%run_scoped3A : memref<!tpu.dma_semaphore, #tpu.memory_space<semaphore_mem>>) src(%dma_wait3A_70 : memref<40x128xi32, #tpu.memory_space<hbm>>) dst(%arg7 : memref<40x128xi32, #tpu.memory_space<vmem>>)
      tpu.yield
    }) : () -> ()
    "tpu.region"() ({
      %run_scoped3A = tpu.sem_alloc : memref<!tpu.dma_semaphore, #tpu.memory_space<semaphore_mem>>
      %dma_start3A_63 = arith.constant 0 : i32
      %dma_start3A_64 = tpu.memref_slice %arg4[%add3A_37, %dma_start3A_63] : memref<2560x128xi32, #tpu.memory_space<hbm>> -> memref<40x128xi32, #tpu.memory_space<hbm>>
      %dma_start3A_65 = arith.constant 0 : i32
      %dma_start3A_66 = tpu.memref_slice %arg4[%add3A_37, %dma_start3A_65] : memref<2560x128xi32, #tpu.memory_space<hbm>> -> memref<40x128xi32, #tpu.memory_space<hbm>>
      tpu.enqueue_dma source(%dma_start3A_66 : memref<40x128xi32, #tpu.memory_space<hbm>>) target(%arg8 : memref<40x128xi32, #tpu.memory_space<vmem>>) target_semaphore(%run_scoped3A : memref<!tpu.dma_semaphore, #tpu.memory_space<semaphore_mem>>)
      %dma_wait3A_67 = arith.constant 0 : i32
      %dma_wait3A_68 = tpu.memref_slice %arg4[%add3A_37, %dma_wait3A_67] : memref<2560x128xi32, #tpu.memory_space<hbm>> -> memref<40x128xi32, #tpu.memory_space<hbm>>
      %dma_wait3A_69 = arith.constant 0 : i32
      %dma_wait3A_70 = tpu.memref_slice %arg4[%add3A_37, %dma_wait3A_69] : memref<2560x128xi32, #tpu.memory_space<hbm>> -> memref<40x128xi32, #tpu.memory_space<hbm>>
      tpu.wait_dma2 semaphore(%run_scoped3A : memref<!tpu.dma_semaphore, #tpu.memory_space<semaphore_mem>>) src(%dma_wait3A_70 : memref<40x128xi32, #tpu.memory_space<hbm>>) dst(%arg8 : memref<40x128xi32, #tpu.memory_space<vmem>>)
      tpu.yield
    }) : () -> ()
    %dma_start3A_38 = arith.constant 0 : i32
    %dma_start3A_39 = arith.constant 0 : i32
    %dma_start3A_40 = tpu.memref_slice %arg7[%dma_start3A_38, %dma_start3A_39] : memref<40x128xi32, #tpu.memory_space<vmem>> -> memref<1x128xi32, #tpu.memory_space<vmem>>
    %dma_start3A_41 = tpu.memref_squeeze %dma_start3A_40 : memref<1x128xi32, #tpu.memory_space<vmem>> -> memref<128xi32, #tpu.memory_space<vmem>>
    %dma_start3A_42 = arith.constant 0 : i32
    %dma_start3A_43 = arith.constant 0 : i32
    %dma_start3A_44 = tpu.memref_slice %arg2[%dma_start3A_42, %dma_start3A_43] : memref<10240x128xf32, #tpu.memory_space<hbm>> -> memref<10240x128xf32, #tpu.memory_space<hbm>>
    tpu.enqueue_indirect_dma source(%dma_start3A_44 : memref<10240x128xf32, #tpu.memory_space<hbm>>) target(%arg9 : memref<128x128xf32, #tpu.memory_space<vmem>>) offsets(%dma_start3A_41 : memref<128xi32, #tpu.memory_space<vmem>>) semaphore(%arg12 : memref<!tpu.dma_semaphore, #tpu.memory_space<semaphore_mem>>)
    %dma_wait3A_45 = arith.constant 0 : i32
    %dma_wait3A_46 = arith.constant 0 : i32
    %dma_wait3A_47 = tpu.memref_slice %arg7[%dma_wait3A_45, %dma_wait3A_46] : memref<40x128xi32, #tpu.memory_space<vmem>> -> memref<1x128xi32, #tpu.memory_space<vmem>>
    %dma_wait3A_48 = tpu.memref_squeeze %dma_wait3A_47 : memref<1x128xi32, #tpu.memory_space<vmem>> -> memref<128xi32, #tpu.memory_space<vmem>>
    %dma_wait3A_49 = arith.constant 0 : i32
    %dma_wait3A_50 = arith.constant 0 : i32
    %dma_wait3A_51 = tpu.memref_slice %arg2[%dma_wait3A_49, %dma_wait3A_50] : memref<10240x128xf32, #tpu.memory_space<hbm>> -> memref<10240x128xf32, #tpu.memory_space<hbm>>
    tpu.wait_indirect_dma semaphore(%arg12 : memref<!tpu.dma_semaphore, #tpu.memory_space<semaphore_mem>>) src(%dma_wait3A_51 : memref<10240x128xf32, #tpu.memory_space<hbm>>) dst(%arg9 : memref<128x128xf32, #tpu.memory_space<vmem>>)
    %scan3A_52 = arith.constant 0 : i32
    %scan3A_53 = arith.constant 0 : i32
    %scan3A_54 = arith.constant 20 : i32
    %scan3A_55 = arith.addi %scan3A_53, %scan3A_54 : i32
    %scan3A_56 = arith.constant 1 : i32
    scf.for %scan3A_63 = %scan3A_53 to %scan3A_55 step %scan3A_56  : i32 {
      %mul3A_64 = arith.constant 2 : i32
      %mul3A_65 = arith.muli %mul3A_64, %scan3A_63 : i32
      %add3A_66 = arith.constant 1 : i32
      %add3A_67 = arith.addi %mul3A_65, %add3A_66 : i32
      %dma_start3A_68 = arith.constant 0 : i32
      %dma_start3A_69 = tpu.memref_slice %arg7[%add3A_67, %dma_start3A_68] : memref<40x128xi32, #tpu.memory_space<vmem>> -> memref<1x128xi32, #tpu.memory_space<vmem>>
      %dma_start3A_70 = tpu.memref_squeeze %dma_start3A_69 : memref<1x128xi32, #tpu.memory_space<vmem>> -> memref<128xi32, #tpu.memory_space<vmem>>
      %dma_start3A_71 = arith.constant 0 : i32
      %dma_start3A_72 = arith.constant 0 : i32
      %dma_start3A_73 = tpu.memref_slice %arg2[%dma_start3A_71, %dma_start3A_72] : memref<10240x128xf32, #tpu.memory_space<hbm>> -> memref<10240x128xf32, #tpu.memory_space<hbm>>
      tpu.enqueue_indirect_dma source(%dma_start3A_73 : memref<10240x128xf32, #tpu.memory_space<hbm>>) target(%arg10 : memref<128x128xf32, #tpu.memory_space<vmem>>) offsets(%dma_start3A_70 : memref<128xi32, #tpu.memory_space<vmem>>) semaphore(%arg13 : memref<!tpu.dma_semaphore, #tpu.memory_space<semaphore_mem>>)
      %mul3A_74 = arith.constant 2 : i32
      %mul3A_75 = arith.muli %mul3A_74, %scan3A_63 : i32
      %dma_start3A_76 = arith.constant 0 : i32
      %dma_start3A_77 = tpu.memref_slice %arg8[%mul3A_75, %dma_start3A_76] : memref<40x128xi32, #tpu.memory_space<vmem>> -> memref<1x128xi32, #tpu.memory_space<vmem>>
      %dma_start3A_78 = tpu.memref_squeeze %dma_start3A_77 : memref<1x128xi32, #tpu.memory_space<vmem>> -> memref<128xi32, #tpu.memory_space<vmem>>
      %dma_start3A_79 = arith.constant 0 : i32
      %dma_start3A_80 = arith.constant 0 : i32
      %dma_start3A_81 = tpu.memref_slice %arg11[%dma_start3A_79, %dma_start3A_80] : memref<10240x128xf32, #tpu.memory_space<vmem_shared>> -> memref<10240x128xf32, #tpu.memory_space<vmem_shared>>
      tpu.enqueue_indirect_dma source(%arg9 : memref<128x128xf32, #tpu.memory_space<vmem>>) target(%dma_start3A_81 : memref<10240x128xf32, #tpu.memory_space<vmem_shared>>) offsets(%dma_start3A_78 : memref<128xi32, #tpu.memory_space<vmem>>) semaphore(%arg14 : memref<!tpu.dma_semaphore, #tpu.memory_space<semaphore_mem>>) {add = true}
      %dma_wait3A_82 = arith.constant 0 : i32
      %dma_wait3A_83 = tpu.memref_slice %arg7[%add3A_67, %dma_wait3A_82] : memref<40x128xi32, #tpu.memory_space<vmem>> -> memref<1x128xi32, #tpu.memory_space<vmem>>
      %dma_wait3A_84 = tpu.memref_squeeze %dma_wait3A_83 : memref<1x128xi32, #tpu.memory_space<vmem>> -> memref<128xi32, #tpu.memory_space<vmem>>
      %dma_wait3A_85 = arith.constant 0 : i32
      %dma_wait3A_86 = arith.constant 0 : i32
      %dma_wait3A_87 = tpu.memref_slice %arg2[%dma_wait3A_85, %dma_wait3A_86] : memref<10240x128xf32, #tpu.memory_space<hbm>> -> memref<10240x128xf32, #tpu.memory_space<hbm>>
      tpu.wait_indirect_dma semaphore(%arg13 : memref<!tpu.dma_semaphore, #tpu.memory_space<semaphore_mem>>) src(%dma_wait3A_87 : memref<10240x128xf32, #tpu.memory_space<hbm>>) dst(%arg10 : memref<128x128xf32, #tpu.memory_space<vmem>>)
      %mul3A_88 = arith.constant 2 : i32
      %mul3A_89 = arith.muli %mul3A_88, %scan3A_63 : i32
      %add3A_90 = arith.constant 1 : i32
      %add3A_91 = arith.addi %mul3A_89, %add3A_90 : i32
      %dma_start3A_92 = arith.constant 0 : i32
      %dma_start3A_93 = tpu.memref_slice %arg8[%add3A_91, %dma_start3A_92] : memref<40x128xi32, #tpu.memory_space<vmem>> -> memref<1x128xi32, #tpu.memory_space<vmem>>
      %dma_start3A_94 = tpu.memref_squeeze %dma_start3A_93 : memref<1x128xi32, #tpu.memory_space<vmem>> -> memref<128xi32, #tpu.memory_space<vmem>>
      %dma_start3A_95 = arith.constant 0 : i32
      %dma_start3A_96 = arith.constant 0 : i32
      %dma_start3A_97 = tpu.memref_slice %arg11[%dma_start3A_95, %dma_start3A_96] : memref<10240x128xf32, #tpu.memory_space<vmem_shared>> -> memref<10240x128xf32, #tpu.memory_space<vmem_shared>>
      tpu.enqueue_indirect_dma source(%arg10 : memref<128x128xf32, #tpu.memory_space<vmem>>) target(%dma_start3A_97 : memref<10240x128xf32, #tpu.memory_space<vmem_shared>>) offsets(%dma_start3A_94 : memref<128xi32, #tpu.memory_space<vmem>>) semaphore(%arg15 : memref<!tpu.dma_semaphore, #tpu.memory_space<semaphore_mem>>) {add = true}
      %dma_wait3A_98 = arith.constant 0 : i32
      %dma_wait3A_99 = tpu.memref_slice %arg8[%mul3A_75, %dma_wait3A_98] : memref<40x128xi32, #tpu.memory_space<vmem>> -> memref<1x128xi32, #tpu.memory_space<vmem>>
      %dma_wait3A_100 = tpu.memref_squeeze %dma_wait3A_99 : memref<1x128xi32, #tpu.memory_space<vmem>> -> memref<128xi32, #tpu.memory_space<vmem>>
      %dma_wait3A_101 = arith.constant 0 : i32
      %dma_wait3A_102 = arith.constant 0 : i32
      %dma_wait3A_103 = tpu.memref_slice %arg11[%dma_wait3A_101, %dma_wait3A_102] : memref<10240x128xf32, #tpu.memory_space<vmem_shared>> -> memref<10240x128xf32, #tpu.memory_space<vmem_shared>>
      tpu.wait_indirect_dma semaphore(%arg14 : memref<!tpu.dma_semaphore, #tpu.memory_space<semaphore_mem>>) src(%arg9 : memref<128x128xf32, #tpu.memory_space<vmem>>) dst(%dma_wait3A_103 : memref<10240x128xf32, #tpu.memory_space<vmem_shared>>)
      %lt3A = arith.constant 19 : i32
      %lt3A_104 = arith.cmpi slt, %scan3A_63, %lt3A : i32
      %convert_element_type3A = arith.extui %lt3A_104 : i1 to i32
      %cond3A = arith.constant 0 : i32
      %cond3A_105 = arith.cmpi ne, %convert_element_type3A, %cond3A : i32
      scf.if %cond3A_105 {
        %mul3A_112 = arith.constant 2 : i32
        %mul3A_113 = arith.muli %mul3A_112, %scan3A_63 : i32
        %add3A_114 = arith.constant 2 : i32
        %add3A_115 = arith.addi %mul3A_113, %add3A_114 : i32
        %dma_start3A_116 = arith.constant 0 : i32
        %dma_start3A_117 = tpu.memref_slice %arg7[%add3A_115, %dma_start3A_116] : memref<40x128xi32, #tpu.memory_space<vmem>> -> memref<1x128xi32, #tpu.memory_space<vmem>>
        %dma_start3A_118 = tpu.memref_squeeze %dma_start3A_117 : memref<1x128xi32, #tpu.memory_space<vmem>> -> memref<128xi32, #tpu.memory_space<vmem>>
        %dma_start3A_119 = arith.constant 0 : i32
        %dma_start3A_120 = arith.constant 0 : i32
        %dma_start3A_121 = tpu.memref_slice %arg2[%dma_start3A_119, %dma_start3A_120] : memref<10240x128xf32, #tpu.memory_space<hbm>> -> memref<10240x128xf32, #tpu.memory_space<hbm>>
        tpu.enqueue_indirect_dma source(%dma_start3A_121 : memref<10240x128xf32, #tpu.memory_space<hbm>>) target(%arg9 : memref<128x128xf32, #tpu.memory_space<vmem>>) offsets(%dma_start3A_118 : memref<128xi32, #tpu.memory_space<vmem>>) semaphore(%arg12 : memref<!tpu.dma_semaphore, #tpu.memory_space<semaphore_mem>>)
        %dma_wait3A_122 = arith.constant 0 : i32
        %dma_wait3A_123 = tpu.memref_slice %arg7[%add3A_115, %dma_wait3A_122] : memref<40x128xi32, #tpu.memory_space<vmem>> -> memref<1x128xi32, #tpu.memory_space<vmem>>
        %dma_wait3A_124 = tpu.memref_squeeze %dma_wait3A_123 : memref<1x128xi32, #tpu.memory_space<vmem>> -> memref<128xi32, #tpu.memory_space<vmem>>
        %dma_wait3A_125 = arith.constant 0 : i32
        %dma_wait3A_126 = arith.constant 0 : i32
        %dma_wait3A_127 = tpu.memref_slice %arg2[%dma_wait3A_125, %dma_wait3A_126] : memref<10240x128xf32, #tpu.memory_space<hbm>> -> memref<10240x128xf32, #tpu.memory_space<hbm>>
        tpu.wait_indirect_dma semaphore(%arg12 : memref<!tpu.dma_semaphore, #tpu.memory_space<semaphore_mem>>) src(%dma_wait3A_127 : memref<10240x128xf32, #tpu.memory_space<hbm>>) dst(%arg9 : memref<128x128xf32, #tpu.memory_space<vmem>>)
      } else {
      }
      %dma_wait3A_106 = arith.constant 0 : i32
      %dma_wait3A_107 = tpu.memref_slice %arg8[%add3A_91, %dma_wait3A_106] : memref<40x128xi32, #tpu.memory_space<vmem>> -> memref<1x128xi32, #tpu.memory_space<vmem>>
      %dma_wait3A_108 = tpu.memref_squeeze %dma_wait3A_107 : memref<1x128xi32, #tpu.memory_space<vmem>> -> memref<128xi32, #tpu.memory_space<vmem>>
      %dma_wait3A_109 = arith.constant 0 : i32
      %dma_wait3A_110 = arith.constant 0 : i32
      %dma_wait3A_111 = tpu.memref_slice %arg11[%dma_wait3A_109, %dma_wait3A_110] : memref<10240x128xf32, #tpu.memory_space<vmem_shared>> -> memref<10240x128xf32, #tpu.memory_space<vmem_shared>>
      tpu.wait_indirect_dma semaphore(%arg15 : memref<!tpu.dma_semaphore, #tpu.memory_space<semaphore_mem>>) src(%arg10 : memref<128x128xf32, #tpu.memory_space<vmem>>) dst(%dma_wait3A_111 : memref<10240x128xf32, #tpu.memory_space<vmem_shared>>)
    }
    %scan3A_57 = arith.constant 20 : i32
    %barrier3A_58 = arith.constant 0 : index
    tpu.barrier barrier_id(%barrier3A_58)
    %mul3A_59 = arith.constant 640 : i32
    %mul3A_60 = arith.muli %arg1, %mul3A_59 : i32
    %mul3A_61 = arith.constant 640 : i32
    %mul3A_62 = arith.muli %arg1, %mul3A_61 : i32
    "tpu.region"() ({
      %run_scoped3A = tpu.sem_alloc : memref<!tpu.dma_semaphore, #tpu.memory_space<semaphore_mem>>
      %dma_start3A_63 = arith.constant 0 : i32
      %dma_start3A_64 = tpu.memref_slice %arg6[%arg0, %mul3A_62, %dma_start3A_63] : memref<2x10240x128xf32, #tpu.memory_space<hbm>> -> memref<1x640x128xf32, #tpu.memory_space<hbm>>
      %dma_start3A_65 = tpu.memref_squeeze %dma_start3A_64 : memref<1x640x128xf32, #tpu.memory_space<hbm>> -> memref<640x128xf32, #tpu.memory_space<hbm>>
      %dma_start3A_66 = arith.constant 0 : i32
      %dma_start3A_67 = tpu.memref_slice %arg11[%mul3A_60, %dma_start3A_66] : memref<10240x128xf32, #tpu.memory_space<vmem_shared>> -> memref<640x128xf32, #tpu.memory_space<vmem_shared>>
      tpu.enqueue_dma source(%dma_start3A_67 : memref<640x128xf32, #tpu.memory_space<vmem_shared>>) target(%dma_start3A_65 : memref<640x128xf32, #tpu.memory_space<hbm>>) target_semaphore(%run_scoped3A : memref<!tpu.dma_semaphore, #tpu.memory_space<semaphore_mem>>)
      %dma_wait3A_68 = arith.constant 0 : i32
      %dma_wait3A_69 = tpu.memref_slice %arg6[%arg0, %mul3A_62, %dma_wait3A_68] : memref<2x10240x128xf32, #tpu.memory_space<hbm>> -> memref<1x640x128xf32, #tpu.memory_space<hbm>>
      %dma_wait3A_70 = tpu.memref_squeeze %dma_wait3A_69 : memref<1x640x128xf32, #tpu.memory_space<hbm>> -> memref<640x128xf32, #tpu.memory_space<hbm>>
      %dma_wait3A_71 = arith.constant 0 : i32
      %dma_wait3A_72 = tpu.memref_slice %arg11[%mul3A_60, %dma_wait3A_71] : memref<10240x128xf32, #tpu.memory_space<vmem_shared>> -> memref<640x128xf32, #tpu.memory_space<vmem_shared>>
      tpu.wait_dma2 semaphore(%run_scoped3A : memref<!tpu.dma_semaphore, #tpu.memory_space<semaphore_mem>>) src(%dma_wait3A_72 : memref<640x128xf32, #tpu.memory_space<vmem_shared>>) dst(%dma_wait3A_70 : memref<640x128xf32, #tpu.memory_space<hbm>>)
      tpu.yield
    }) : () -> ()
    return
  }
}

#map = affine_map<(d0, d1) -> (0, 0)>
module attributes {stable_mosaic.version = 14 : i64} {
  func.func @sc_counts(%arg0: i32, %arg1: i32, %arg2: memref<2560x128xi32, #tpu.memory_space<hbm>>, %arg3: memref<2560x128xi32, #tpu.memory_space<hbm>>, %arg4: memref<32x10240xf32, #tpu.memory_space<hbm>>, %arg5: memref<32x10240xf32, #tpu.memory_space<hbm>>, %arg6: memref<80x128xi32, #tpu.memory_space<vmem>>, %arg7: memref<80x128xi32, #tpu.memory_space<vmem>>, %arg8: memref<10240xf32, #tpu.memory_space<vmem>>, %arg9: memref<10240xf32, #tpu.memory_space<vmem>>) attributes {dimension_semantics = [#tpu.dimension_semantics<core_parallel>, #tpu.dimension_semantics<subcore_parallel>], iteration_bounds = array<i64: 2, 16>, scalar_prefetch = 0 : i64, scratch_operands = 4 : i64, tpu.core_type = #tpu.core_type<sc_vector_subcore>, window_params = [{transform_indices = #map}, {transform_indices = #map}, {transform_indices = #map}, {transform_indices = #map}]} {
    %mul3A = arith.constant 2 : i32
    %mul3A_0 = arith.muli %arg1, %mul3A : i32
    %add3A = arith.addi %mul3A_0, %arg0 : i32
    %mul3A_1 = arith.constant 80 : i32
    %mul3A_2 = arith.muli %add3A, %mul3A_1 : i32
    "tpu.region"() ({
      %run_scoped3A = tpu.sem_alloc : memref<!tpu.dma_semaphore, #tpu.memory_space<semaphore_mem>>
      %dma_start3A = arith.constant 0 : i32
      %dma_start3A_19 = tpu.memref_slice %arg2[%mul3A_2, %dma_start3A] : memref<2560x128xi32, #tpu.memory_space<hbm>> -> memref<80x128xi32, #tpu.memory_space<hbm>>
      %dma_start3A_20 = arith.constant 0 : i32
      %dma_start3A_21 = tpu.memref_slice %arg2[%mul3A_2, %dma_start3A_20] : memref<2560x128xi32, #tpu.memory_space<hbm>> -> memref<80x128xi32, #tpu.memory_space<hbm>>
      tpu.enqueue_dma source(%dma_start3A_21 : memref<80x128xi32, #tpu.memory_space<hbm>>) target(%arg6 : memref<80x128xi32, #tpu.memory_space<vmem>>) target_semaphore(%run_scoped3A : memref<!tpu.dma_semaphore, #tpu.memory_space<semaphore_mem>>)
      %dma_wait3A = arith.constant 0 : i32
      %dma_wait3A_22 = tpu.memref_slice %arg2[%mul3A_2, %dma_wait3A] : memref<2560x128xi32, #tpu.memory_space<hbm>> -> memref<80x128xi32, #tpu.memory_space<hbm>>
      %dma_wait3A_23 = arith.constant 0 : i32
      %dma_wait3A_24 = tpu.memref_slice %arg2[%mul3A_2, %dma_wait3A_23] : memref<2560x128xi32, #tpu.memory_space<hbm>> -> memref<80x128xi32, #tpu.memory_space<hbm>>
      tpu.wait_dma2 semaphore(%run_scoped3A : memref<!tpu.dma_semaphore, #tpu.memory_space<semaphore_mem>>) src(%dma_wait3A_24 : memref<80x128xi32, #tpu.memory_space<hbm>>) dst(%arg6 : memref<80x128xi32, #tpu.memory_space<vmem>>)
      tpu.yield
    }) : () -> ()
    %mul3A_3 = arith.constant 80 : i32
    %mul3A_4 = arith.muli %add3A, %mul3A_3 : i32
    "tpu.region"() ({
      %run_scoped3A = tpu.sem_alloc : memref<!tpu.dma_semaphore, #tpu.memory_space<semaphore_mem>>
      %dma_start3A = arith.constant 0 : i32
      %dma_start3A_19 = tpu.memref_slice %arg3[%mul3A_4, %dma_start3A] : memref<2560x128xi32, #tpu.memory_space<hbm>> -> memref<80x128xi32, #tpu.memory_space<hbm>>
      %dma_start3A_20 = arith.constant 0 : i32
      %dma_start3A_21 = tpu.memref_slice %arg3[%mul3A_4, %dma_start3A_20] : memref<2560x128xi32, #tpu.memory_space<hbm>> -> memref<80x128xi32, #tpu.memory_space<hbm>>
      tpu.enqueue_dma source(%dma_start3A_21 : memref<80x128xi32, #tpu.memory_space<hbm>>) target(%arg7 : memref<80x128xi32, #tpu.memory_space<vmem>>) target_semaphore(%run_scoped3A : memref<!tpu.dma_semaphore, #tpu.memory_space<semaphore_mem>>)
      %dma_wait3A = arith.constant 0 : i32
      %dma_wait3A_22 = tpu.memref_slice %arg3[%mul3A_4, %dma_wait3A] : memref<2560x128xi32, #tpu.memory_space<hbm>> -> memref<80x128xi32, #tpu.memory_space<hbm>>
      %dma_wait3A_23 = arith.constant 0 : i32
      %dma_wait3A_24 = tpu.memref_slice %arg3[%mul3A_4, %dma_wait3A_23] : memref<2560x128xi32, #tpu.memory_space<hbm>> -> memref<80x128xi32, #tpu.memory_space<hbm>>
      tpu.wait_dma2 semaphore(%run_scoped3A : memref<!tpu.dma_semaphore, #tpu.memory_space<semaphore_mem>>) src(%dma_wait3A_24 : memref<80x128xi32, #tpu.memory_space<hbm>>) dst(%arg7 : memref<80x128xi32, #tpu.memory_space<vmem>>)
      tpu.yield
    }) : () -> ()
    %broadcast_in_dim3A = arith.constant 0.000000e+00 : f32
    %broadcast_in_dim3A_5 = vector.broadcast %broadcast_in_dim3A : f32 to vector<16xf32>
    %scan3A = arith.constant 0 : i32
    %scan3A_6 = arith.constant 0 : i32
    %scan3A_7 = arith.constant 640 : i32
    %scan3A_8 = arith.addi %scan3A_6, %scan3A_7 : i32
    %scan3A_9 = arith.constant 1 : i32
    scf.for %scan3A_19 = %scan3A_6 to %scan3A_8 step %scan3A_9  : i32 {
      %mul3A_20 = arith.constant 16 : i32
      %mul3A_21 = arith.muli %scan3A_19, %mul3A_20 : i32
      %multiple_of3A = tpu.assume_multiple %mul3A_21, 16 : i32
      %swap3A = arith.index_cast %multiple_of3A : i32 to index
      %swap3A_22 = tpu.vector_load %arg8[%swap3A] {strides = array<i32>} : memref<10240xf32, #tpu.memory_space<vmem>>, vector<16xf32>,
      tpu.vector_store %arg8[%swap3A], %broadcast_in_dim3A_5 {strides = array<i32>} : memref<10240xf32, #tpu.memory_space<vmem>>, vector<16xf32>,
      %swap3A_23 = arith.index_cast %multiple_of3A : i32 to index
      %swap3A_24 = tpu.vector_load %arg9[%swap3A_23] {strides = array<i32>} : memref<10240xf32, #tpu.memory_space<vmem>>, vector<16xf32>,
      tpu.vector_store %arg9[%swap3A_23], %broadcast_in_dim3A_5 {strides = array<i32>} : memref<10240xf32, #tpu.memory_space<vmem>>, vector<16xf32>,
    }
    %scan3A_10 = arith.constant 640 : i32
    %broadcast_in_dim3A_11 = arith.constant 1.000000e+00 : f32
    %broadcast_in_dim3A_12 = vector.broadcast %broadcast_in_dim3A_11 : f32 to vector<16xf32>
    %scan3A_13 = arith.constant 0 : i32
    %scan3A_14 = arith.constant 0 : i32
    %scan3A_15 = arith.constant 80 : i32
    %scan3A_16 = arith.addi %scan3A_14, %scan3A_15 : i32
    %scan3A_17 = arith.constant 1 : i32
    scf.for %scan3A_19 = %scan3A_14 to %scan3A_16 step %scan3A_17  : i32 {
      %get3A = arith.index_cast %scan3A_19 : i32 to index
      %get3A_20 = arith.constant 0 : index
      %get3A_21 = tpu.vector_load %arg6[%get3A, %get3A_20] {strides = array<i32>} : memref<80x128xi32, #tpu.memory_space<vmem>>, vector<16xi32>,
      %get3A_22 = arith.index_cast %scan3A_19 : i32 to index
      %get3A_23 = arith.constant 0 : index
      %get3A_24 = tpu.vector_load %arg7[%get3A_22, %get3A_23] {strides = array<i32>} : memref<80x128xi32, #tpu.memory_space<vmem>>, vector<16xi32>,
      tpu.vector_store_idx %arg8[%get3A_21], %broadcast_in_dim3A_12 {add = true} : memref<10240xf32, #tpu.memory_space<vmem>>[vector<16xi32>], vector<16xf32>,
      tpu.vector_store_idx %arg9[%get3A_24], %broadcast_in_dim3A_12 {add = true} : memref<10240xf32, #tpu.memory_space<vmem>>[vector<16xi32>], vector<16xf32>,
      %get3A_25 = arith.index_cast %scan3A_19 : i32 to index
      %get3A_26 = arith.constant 16 : index
      %get3A_27 = tpu.vector_load %arg6[%get3A_25, %get3A_26] {strides = array<i32>} : memref<80x128xi32, #tpu.memory_space<vmem>>, vector<16xi32>,
      %get3A_28 = arith.index_cast %scan3A_19 : i32 to index
      %get3A_29 = arith.constant 16 : index
      %get3A_30 = tpu.vector_load %arg7[%get3A_28, %get3A_29] {strides = array<i32>} : memref<80x128xi32, #tpu.memory_space<vmem>>, vector<16xi32>,
      tpu.vector_store_idx %arg8[%get3A_27], %broadcast_in_dim3A_12 {add = true} : memref<10240xf32, #tpu.memory_space<vmem>>[vector<16xi32>], vector<16xf32>,
      tpu.vector_store_idx %arg9[%get3A_30], %broadcast_in_dim3A_12 {add = true} : memref<10240xf32, #tpu.memory_space<vmem>>[vector<16xi32>], vector<16xf32>,
      %get3A_31 = arith.index_cast %scan3A_19 : i32 to index
      %get3A_32 = arith.constant 32 : index
      %get3A_33 = tpu.vector_load %arg6[%get3A_31, %get3A_32] {strides = array<i32>} : memref<80x128xi32, #tpu.memory_space<vmem>>, vector<16xi32>,
      %get3A_34 = arith.index_cast %scan3A_19 : i32 to index
      %get3A_35 = arith.constant 32 : index
      %get3A_36 = tpu.vector_load %arg7[%get3A_34, %get3A_35] {strides = array<i32>} : memref<80x128xi32, #tpu.memory_space<vmem>>, vector<16xi32>,
      tpu.vector_store_idx %arg8[%get3A_33], %broadcast_in_dim3A_12 {add = true} : memref<10240xf32, #tpu.memory_space<vmem>>[vector<16xi32>], vector<16xf32>,
      tpu.vector_store_idx %arg9[%get3A_36], %broadcast_in_dim3A_12 {add = true} : memref<10240xf32, #tpu.memory_space<vmem>>[vector<16xi32>], vector<16xf32>,
      %get3A_37 = arith.index_cast %scan3A_19 : i32 to index
      %get3A_38 = arith.constant 48 : index
      %get3A_39 = tpu.vector_load %arg6[%get3A_37, %get3A_38] {strides = array<i32>} : memref<80x128xi32, #tpu.memory_space<vmem>>, vector<16xi32>,
      %get3A_40 = arith.index_cast %scan3A_19 : i32 to index
      %get3A_41 = arith.constant 48 : index
      %get3A_42 = tpu.vector_load %arg7[%get3A_40, %get3A_41] {strides = array<i32>} : memref<80x128xi32, #tpu.memory_space<vmem>>, vector<16xi32>,
      tpu.vector_store_idx %arg8[%get3A_39], %broadcast_in_dim3A_12 {add = true} : memref<10240xf32, #tpu.memory_space<vmem>>[vector<16xi32>], vector<16xf32>,
      tpu.vector_store_idx %arg9[%get3A_42], %broadcast_in_dim3A_12 {add = true} : memref<10240xf32, #tpu.memory_space<vmem>>[vector<16xi32>], vector<16xf32>,
      %get3A_43 = arith.index_cast %scan3A_19 : i32 to index
      %get3A_44 = arith.constant 64 : index
      %get3A_45 = tpu.vector_load %arg6[%get3A_43, %get3A_44] {strides = array<i32>} : memref<80x128xi32, #tpu.memory_space<vmem>>, vector<16xi32>,
      %get3A_46 = arith.index_cast %scan3A_19 : i32 to index
      %get3A_47 = arith.constant 64 : index
      %get3A_48 = tpu.vector_load %arg7[%get3A_46, %get3A_47] {strides = array<i32>} : memref<80x128xi32, #tpu.memory_space<vmem>>, vector<16xi32>,
      tpu.vector_store_idx %arg8[%get3A_45], %broadcast_in_dim3A_12 {add = true} : memref<10240xf32, #tpu.memory_space<vmem>>[vector<16xi32>], vector<16xf32>,
      tpu.vector_store_idx %arg9[%get3A_48], %broadcast_in_dim3A_12 {add = true} : memref<10240xf32, #tpu.memory_space<vmem>>[vector<16xi32>], vector<16xf32>,
      %get3A_49 = arith.index_cast %scan3A_19 : i32 to index
      %get3A_50 = arith.constant 80 : index
      %get3A_51 = tpu.vector_load %arg6[%get3A_49, %get3A_50] {strides = array<i32>} : memref<80x128xi32, #tpu.memory_space<vmem>>, vector<16xi32>,
      %get3A_52 = arith.index_cast %scan3A_19 : i32 to index
      %get3A_53 = arith.constant 80 : index
      %get3A_54 = tpu.vector_load %arg7[%get3A_52, %get3A_53] {strides = array<i32>} : memref<80x128xi32, #tpu.memory_space<vmem>>, vector<16xi32>,
      tpu.vector_store_idx %arg8[%get3A_51], %broadcast_in_dim3A_12 {add = true} : memref<10240xf32, #tpu.memory_space<vmem>>[vector<16xi32>], vector<16xf32>,
      tpu.vector_store_idx %arg9[%get3A_54], %broadcast_in_dim3A_12 {add = true} : memref<10240xf32, #tpu.memory_space<vmem>>[vector<16xi32>], vector<16xf32>,
      %get3A_55 = arith.index_cast %scan3A_19 : i32 to index
      %get3A_56 = arith.constant 96 : index
      %get3A_57 = tpu.vector_load %arg6[%get3A_55, %get3A_56] {strides = array<i32>} : memref<80x128xi32, #tpu.memory_space<vmem>>, vector<16xi32>,
      %get3A_58 = arith.index_cast %scan3A_19 : i32 to index
      %get3A_59 = arith.constant 96 : index
      %get3A_60 = tpu.vector_load %arg7[%get3A_58, %get3A_59] {strides = array<i32>} : memref<80x128xi32, #tpu.memory_space<vmem>>, vector<16xi32>,
      tpu.vector_store_idx %arg8[%get3A_57], %broadcast_in_dim3A_12 {add = true} : memref<10240xf32, #tpu.memory_space<vmem>>[vector<16xi32>], vector<16xf32>,
      tpu.vector_store_idx %arg9[%get3A_60], %broadcast_in_dim3A_12 {add = true} : memref<10240xf32, #tpu.memory_space<vmem>>[vector<16xi32>], vector<16xf32>,
      %get3A_61 = arith.index_cast %scan3A_19 : i32 to index
      %get3A_62 = arith.constant 112 : index
      %get3A_63 = tpu.vector_load %arg6[%get3A_61, %get3A_62] {strides = array<i32>} : memref<80x128xi32, #tpu.memory_space<vmem>>, vector<16xi32>,
      %get3A_64 = arith.index_cast %scan3A_19 : i32 to index
      %get3A_65 = arith.constant 112 : index
      %get3A_66 = tpu.vector_load %arg7[%get3A_64, %get3A_65] {strides = array<i32>} : memref<80x128xi32, #tpu.memory_space<vmem>>, vector<16xi32>,
      tpu.vector_store_idx %arg8[%get3A_63], %broadcast_in_dim3A_12 {add = true} : memref<10240xf32, #tpu.memory_space<vmem>>[vector<16xi32>], vector<16xf32>,
      tpu.vector_store_idx %arg9[%get3A_66], %broadcast_in_dim3A_12 {add = true} : memref<10240xf32, #tpu.memory_space<vmem>>[vector<16xi32>], vector<16xf32>,
    }
    %scan3A_18 = arith.constant 80 : i32
    "tpu.region"() ({
      %run_scoped3A = tpu.sem_alloc : memref<!tpu.dma_semaphore, #tpu.memory_space<semaphore_mem>>
      %dma_start3A = arith.constant 0 : i32
      %dma_start3A_19 = tpu.memref_slice %arg4[%add3A, %dma_start3A] : memref<32x10240xf32, #tpu.memory_space<hbm>> -> memref<1x10240xf32, #tpu.memory_space<hbm>>
      %dma_start3A_20 = tpu.memref_squeeze %dma_start3A_19 : memref<1x10240xf32, #tpu.memory_space<hbm>> -> memref<10240xf32, #tpu.memory_space<hbm>>
      %dma_start3A_21 = arith.constant 0 : i32
      %dma_start3A_22 = tpu.memref_slice %arg4[%add3A, %dma_start3A_21] : memref<32x10240xf32, #tpu.memory_space<hbm>> -> memref<1x10240xf32, #tpu.memory_space<hbm>>
      %dma_start3A_23 = tpu.memref_squeeze %dma_start3A_22 : memref<1x10240xf32, #tpu.memory_space<hbm>> -> memref<10240xf32, #tpu.memory_space<hbm>>
      tpu.enqueue_dma source(%arg8 : memref<10240xf32, #tpu.memory_space<vmem>>) target(%dma_start3A_23 : memref<10240xf32, #tpu.memory_space<hbm>>) target_semaphore(%run_scoped3A : memref<!tpu.dma_semaphore, #tpu.memory_space<semaphore_mem>>)
      %dma_wait3A = arith.constant 0 : i32
      %dma_wait3A_24 = tpu.memref_slice %arg4[%add3A, %dma_wait3A] : memref<32x10240xf32, #tpu.memory_space<hbm>> -> memref<1x10240xf32, #tpu.memory_space<hbm>>
      %dma_wait3A_25 = tpu.memref_squeeze %dma_wait3A_24 : memref<1x10240xf32, #tpu.memory_space<hbm>> -> memref<10240xf32, #tpu.memory_space<hbm>>
      %dma_wait3A_26 = arith.constant 0 : i32
      %dma_wait3A_27 = tpu.memref_slice %arg4[%add3A, %dma_wait3A_26] : memref<32x10240xf32, #tpu.memory_space<hbm>> -> memref<1x10240xf32, #tpu.memory_space<hbm>>
      %dma_wait3A_28 = tpu.memref_squeeze %dma_wait3A_27 : memref<1x10240xf32, #tpu.memory_space<hbm>> -> memref<10240xf32, #tpu.memory_space<hbm>>
      tpu.wait_dma2 semaphore(%run_scoped3A : memref<!tpu.dma_semaphore, #tpu.memory_space<semaphore_mem>>) src(%arg8 : memref<10240xf32, #tpu.memory_space<vmem>>) dst(%dma_wait3A_28 : memref<10240xf32, #tpu.memory_space<hbm>>)
      tpu.yield
    }) : () -> ()
    "tpu.region"() ({
      %run_scoped3A = tpu.sem_alloc : memref<!tpu.dma_semaphore, #tpu.memory_space<semaphore_mem>>
      %dma_start3A = arith.constant 0 : i32
      %dma_start3A_19 = tpu.memref_slice %arg5[%add3A, %dma_start3A] : memref<32x10240xf32, #tpu.memory_space<hbm>> -> memref<1x10240xf32, #tpu.memory_space<hbm>>
      %dma_start3A_20 = tpu.memref_squeeze %dma_start3A_19 : memref<1x10240xf32, #tpu.memory_space<hbm>> -> memref<10240xf32, #tpu.memory_space<hbm>>
      %dma_start3A_21 = arith.constant 0 : i32
      %dma_start3A_22 = tpu.memref_slice %arg5[%add3A, %dma_start3A_21] : memref<32x10240xf32, #tpu.memory_space<hbm>> -> memref<1x10240xf32, #tpu.memory_space<hbm>>
      %dma_start3A_23 = tpu.memref_squeeze %dma_start3A_22 : memref<1x10240xf32, #tpu.memory_space<hbm>> -> memref<10240xf32, #tpu.memory_space<hbm>>
      tpu.enqueue_dma source(%arg9 : memref<10240xf32, #tpu.memory_space<vmem>>) target(%dma_start3A_23 : memref<10240xf32, #tpu.memory_space<hbm>>) target_semaphore(%run_scoped3A : memref<!tpu.dma_semaphore, #tpu.memory_space<semaphore_mem>>)
      %dma_wait3A = arith.constant 0 : i32
      %dma_wait3A_24 = tpu.memref_slice %arg5[%add3A, %dma_wait3A] : memref<32x10240xf32, #tpu.memory_space<hbm>> -> memref<1x10240xf32, #tpu.memory_space<hbm>>
      %dma_wait3A_25 = tpu.memref_squeeze %dma_wait3A_24 : memref<1x10240xf32, #tpu.memory_space<hbm>> -> memref<10240xf32, #tpu.memory_space<hbm>>
      %dma_wait3A_26 = arith.constant 0 : i32
      %dma_wait3A_27 = tpu.memref_slice %arg5[%add3A, %dma_wait3A_26] : memref<32x10240xf32, #tpu.memory_space<hbm>> -> memref<1x10240xf32, #tpu.memory_space<hbm>>
      %dma_wait3A_28 = tpu.memref_squeeze %dma_wait3A_27 : memref<1x10240xf32, #tpu.memory_space<hbm>> -> memref<10240xf32, #tpu.memory_space<hbm>>
      tpu.wait_dma2 semaphore(%run_scoped3A : memref<!tpu.dma_semaphore, #tpu.memory_space<semaphore_mem>>) src(%arg9 : memref<10240xf32, #tpu.memory_space<vmem>>) dst(%dma_wait3A_28 : memref<10240xf32, #tpu.memory_space<hbm>>)
      tpu.yield
    }) : () -> ()
    return
  }
}

#map = affine_map<(d0, d1) -> (0, 0)>
#map1 = affine_map<(d0, d1) -> (0, 0, 0)>
module attributes {stable_mosaic.version = 14 : i64} {
  func.func @sc_pass(%arg0: i32, %arg1: i32, %arg2: memref<10240x128xf32, #tpu.memory_space<hbm>>, %arg3: memref<2560x128xi32, #tpu.memory_space<hbm>>, %arg4: memref<2560x128xi32, #tpu.memory_space<hbm>>, %arg5: memref<10240x128xf32, #tpu.memory_space<hbm>>, %arg6: memref<2x10240x128xf32, #tpu.memory_space<hbm>>, %arg7: memref<40x128xi32, #tpu.memory_space<vmem>>, %arg8: memref<40x128xi32, #tpu.memory_space<vmem>>, %arg9: memref<128x128xf32, #tpu.memory_space<vmem>>, %arg10: memref<128x128xf32, #tpu.memory_space<vmem>>, %arg11: memref<10240x128xf32, #tpu.memory_space<vmem_shared>>, %arg12: memref<!tpu.dma_semaphore, #tpu.memory_space<semaphore_mem>>, %arg13: memref<!tpu.dma_semaphore, #tpu.memory_space<semaphore_mem>>, %arg14: memref<!tpu.dma_semaphore, #tpu.memory_space<semaphore_mem>>, %arg15: memref<!tpu.dma_semaphore, #tpu.memory_space<semaphore_mem>>) attributes {dimension_semantics = [#tpu.dimension_semantics<core_parallel>, #tpu.dimension_semantics<subcore_parallel>], iteration_bounds = array<i64: 2, 16>, scalar_prefetch = 0 : i64, scratch_operands = 9 : i64, tpu.core_type = #tpu.core_type<sc_vector_subcore>, window_params = [{transform_indices = #map}, {transform_indices = #map}, {transform_indices = #map}, {transform_indices = #map}, {transform_indices = #map1}]} {
    %mul3A = arith.constant 2 : i32
    %mul3A_0 = arith.muli %arg1, %mul3A : i32
    %add3A = arith.addi %mul3A_0, %arg0 : i32
    %mul3A_1 = arith.constant 640 : i32
    %mul3A_2 = arith.muli %arg1, %mul3A_1 : i32
    %mul3A_3 = arith.constant 640 : i32
    %mul3A_4 = arith.muli %arg1, %mul3A_3 : i32
    %dma_start3A = arith.constant 0 : i32
    %dma_start3A_5 = tpu.memref_slice %arg11[%mul3A_4, %dma_start3A] : memref<10240x128xf32, #tpu.memory_space<vmem_shared>> -> memref<640x128xf32, #tpu.memory_space<vmem_shared>>
    %dma_start3A_6 = arith.constant 0 : i32
    %dma_start3A_7 = tpu.memref_slice %arg5[%mul3A_2, %dma_start3A_6] : memref<10240x128xf32, #tpu.memory_space<hbm>> -> memref<640x128xf32, #tpu.memory_space<hbm>>
    tpu.enqueue_dma source(%dma_start3A_7 : memref<640x128xf32, #tpu.memory_space<hbm>>) target(%dma_start3A_5 : memref<640x128xf32, #tpu.memory_space<vmem_shared>>) target_semaphore(%arg14 : memref<!tpu.dma_semaphore, #tpu.memory_space<semaphore_mem>>)
    %mul3A_8 = arith.constant 80 : i32
    %mul3A_9 = arith.muli %add3A, %mul3A_8 : i32
    %add3A_10 = arith.constant 0 : i32
    %add3A_11 = arith.addi %mul3A_9, %add3A_10 : i32
    "tpu.region"() ({
      %run_scoped3A = tpu.sem_alloc : memref<!tpu.dma_semaphore, #tpu.memory_space<semaphore_mem>>
      %dma_start3A_63 = arith.constant 0 : i32
      %dma_start3A_64 = tpu.memref_slice %arg3[%add3A_11, %dma_start3A_63] : memref<2560x128xi32, #tpu.memory_space<hbm>> -> memref<40x128xi32, #tpu.memory_space<hbm>>
      %dma_start3A_65 = arith.constant 0 : i32
      %dma_start3A_66 = tpu.memref_slice %arg3[%add3A_11, %dma_start3A_65] : memref<2560x128xi32, #tpu.memory_space<hbm>> -> memref<40x128xi32, #tpu.memory_space<hbm>>
      tpu.enqueue_dma source(%dma_start3A_66 : memref<40x128xi32, #tpu.memory_space<hbm>>) target(%arg7 : memref<40x128xi32, #tpu.memory_space<vmem>>) target_semaphore(%run_scoped3A : memref<!tpu.dma_semaphore, #tpu.memory_space<semaphore_mem>>)
      %dma_wait3A_67 = arith.constant 0 : i32
      %dma_wait3A_68 = tpu.memref_slice %arg3[%add3A_11, %dma_wait3A_67] : memref<2560x128xi32, #tpu.memory_space<hbm>> -> memref<40x128xi32, #tpu.memory_space<hbm>>
      %dma_wait3A_69 = arith.constant 0 : i32
      %dma_wait3A_70 = tpu.memref_slice %arg3[%add3A_11, %dma_wait3A_69] : memref<2560x128xi32, #tpu.memory_space<hbm>> -> memref<40x128xi32, #tpu.memory_space<hbm>>
      tpu.wait_dma2 semaphore(%run_scoped3A : memref<!tpu.dma_semaphore, #tpu.memory_space<semaphore_mem>>) src(%dma_wait3A_70 : memref<40x128xi32, #tpu.memory_space<hbm>>) dst(%arg7 : memref<40x128xi32, #tpu.memory_space<vmem>>)
      tpu.yield
    }) : () -> ()
    "tpu.region"() ({
      %run_scoped3A = tpu.sem_alloc : memref<!tpu.dma_semaphore, #tpu.memory_space<semaphore_mem>>
      %dma_start3A_63 = arith.constant 0 : i32
      %dma_start3A_64 = tpu.memref_slice %arg4[%add3A_11, %dma_start3A_63] : memref<2560x128xi32, #tpu.memory_space<hbm>> -> memref<40x128xi32, #tpu.memory_space<hbm>>
      %dma_start3A_65 = arith.constant 0 : i32
      %dma_start3A_66 = tpu.memref_slice %arg4[%add3A_11, %dma_start3A_65] : memref<2560x128xi32, #tpu.memory_space<hbm>> -> memref<40x128xi32, #tpu.memory_space<hbm>>
      tpu.enqueue_dma source(%dma_start3A_66 : memref<40x128xi32, #tpu.memory_space<hbm>>) target(%arg8 : memref<40x128xi32, #tpu.memory_space<vmem>>) target_semaphore(%run_scoped3A : memref<!tpu.dma_semaphore, #tpu.memory_space<semaphore_mem>>)
      %dma_wait3A_67 = arith.constant 0 : i32
      %dma_wait3A_68 = tpu.memref_slice %arg4[%add3A_11, %dma_wait3A_67] : memref<2560x128xi32, #tpu.memory_space<hbm>> -> memref<40x128xi32, #tpu.memory_space<hbm>>
      %dma_wait3A_69 = arith.constant 0 : i32
      %dma_wait3A_70 = tpu.memref_slice %arg4[%add3A_11, %dma_wait3A_69] : memref<2560x128xi32, #tpu.memory_space<hbm>> -> memref<40x128xi32, #tpu.memory_space<hbm>>
      tpu.wait_dma2 semaphore(%run_scoped3A : memref<!tpu.dma_semaphore, #tpu.memory_space<semaphore_mem>>) src(%dma_wait3A_70 : memref<40x128xi32, #tpu.memory_space<hbm>>) dst(%arg8 : memref<40x128xi32, #tpu.memory_space<vmem>>)
      tpu.yield
    }) : () -> ()
    %dma_start3A_12 = arith.constant 0 : i32
    %dma_start3A_13 = arith.constant 0 : i32
    %dma_start3A_14 = tpu.memref_slice %arg7[%dma_start3A_12, %dma_start3A_13] : memref<40x128xi32, #tpu.memory_space<vmem>> -> memref<1x128xi32, #tpu.memory_space<vmem>>
    %dma_start3A_15 = tpu.memref_squeeze %dma_start3A_14 : memref<1x128xi32, #tpu.memory_space<vmem>> -> memref<128xi32, #tpu.memory_space<vmem>>
    %dma_start3A_16 = arith.constant 0 : i32
    %dma_start3A_17 = arith.constant 0 : i32
    %dma_start3A_18 = tpu.memref_slice %arg2[%dma_start3A_16, %dma_start3A_17] : memref<10240x128xf32, #tpu.memory_space<hbm>> -> memref<10240x128xf32, #tpu.memory_space<hbm>>
    tpu.enqueue_indirect_dma source(%dma_start3A_18 : memref<10240x128xf32, #tpu.memory_space<hbm>>) target(%arg9 : memref<128x128xf32, #tpu.memory_space<vmem>>) offsets(%dma_start3A_15 : memref<128xi32, #tpu.memory_space<vmem>>) semaphore(%arg12 : memref<!tpu.dma_semaphore, #tpu.memory_space<semaphore_mem>>)
    %dma_wait3A = arith.constant 0 : i32
    %dma_wait3A_19 = tpu.memref_slice %arg11[%mul3A_4, %dma_wait3A] : memref<10240x128xf32, #tpu.memory_space<vmem_shared>> -> memref<640x128xf32, #tpu.memory_space<vmem_shared>>
    %dma_wait3A_20 = arith.constant 0 : i32
    %dma_wait3A_21 = tpu.memref_slice %arg5[%mul3A_2, %dma_wait3A_20] : memref<10240x128xf32, #tpu.memory_space<hbm>> -> memref<640x128xf32, #tpu.memory_space<hbm>>
    tpu.wait_dma2 semaphore(%arg14 : memref<!tpu.dma_semaphore, #tpu.memory_space<semaphore_mem>>) src(%dma_wait3A_21 : memref<640x128xf32, #tpu.memory_space<hbm>>) dst(%dma_wait3A_19 : memref<640x128xf32, #tpu.memory_space<vmem_shared>>)
    %barrier3A = arith.constant 0 : index
    tpu.barrier barrier_id(%barrier3A)
    %dma_wait3A_22 = arith.constant 0 : i32
    %dma_wait3A_23 = arith.constant 0 : i32
    %dma_wait3A_24 = tpu.memref_slice %arg7[%dma_wait3A_22, %dma_wait3A_23] : memref<40x128xi32, #tpu.memory_space<vmem>> -> memref<1x128xi32, #tpu.memory_space<vmem>>
    %dma_wait3A_25 = tpu.memref_squeeze %dma_wait3A_24 : memref<1x128xi32, #tpu.memory_space<vmem>> -> memref<128xi32, #tpu.memory_space<vmem>>
    %dma_wait3A_26 = arith.constant 0 : i32
    %dma_wait3A_27 = arith.constant 0 : i32
    %dma_wait3A_28 = tpu.memref_slice %arg2[%dma_wait3A_26, %dma_wait3A_27] : memref<10240x128xf32, #tpu.memory_space<hbm>> -> memref<10240x128xf32, #tpu.memory_space<hbm>>
    tpu.wait_indirect_dma semaphore(%arg12 : memref<!tpu.dma_semaphore, #tpu.memory_space<semaphore_mem>>) src(%dma_wait3A_28 : memref<10240x128xf32, #tpu.memory_space<hbm>>) dst(%arg9 : memref<128x128xf32, #tpu.memory_space<vmem>>)
    %scan3A = arith.constant 0 : i32
    %scan3A_29 = arith.constant 0 : i32
    %scan3A_30 = arith.constant 20 : i32
    %scan3A_31 = arith.addi %scan3A_29, %scan3A_30 : i32
    %scan3A_32 = arith.constant 1 : i32
    scf.for %scan3A_63 = %scan3A_29 to %scan3A_31 step %scan3A_32  : i32 {
      %mul3A_64 = arith.constant 2 : i32
      %mul3A_65 = arith.muli %mul3A_64, %scan3A_63 : i32
      %add3A_66 = arith.constant 1 : i32
      %add3A_67 = arith.addi %mul3A_65, %add3A_66 : i32
      %dma_start3A_68 = arith.constant 0 : i32
      %dma_start3A_69 = tpu.memref_slice %arg7[%add3A_67, %dma_start3A_68] : memref<40x128xi32, #tpu.memory_space<vmem>> -> memref<1x128xi32, #tpu.memory_space<vmem>>
      %dma_start3A_70 = tpu.memref_squeeze %dma_start3A_69 : memref<1x128xi32, #tpu.memory_space<vmem>> -> memref<128xi32, #tpu.memory_space<vmem>>
      %dma_start3A_71 = arith.constant 0 : i32
      %dma_start3A_72 = arith.constant 0 : i32
      %dma_start3A_73 = tpu.memref_slice %arg2[%dma_start3A_71, %dma_start3A_72] : memref<10240x128xf32, #tpu.memory_space<hbm>> -> memref<10240x128xf32, #tpu.memory_space<hbm>>
      tpu.enqueue_indirect_dma source(%dma_start3A_73 : memref<10240x128xf32, #tpu.memory_space<hbm>>) target(%arg10 : memref<128x128xf32, #tpu.memory_space<vmem>>) offsets(%dma_start3A_70 : memref<128xi32, #tpu.memory_space<vmem>>) semaphore(%arg13 : memref<!tpu.dma_semaphore, #tpu.memory_space<semaphore_mem>>)
      %mul3A_74 = arith.constant 2 : i32
      %mul3A_75 = arith.muli %mul3A_74, %scan3A_63 : i32
      %dma_start3A_76 = arith.constant 0 : i32
      %dma_start3A_77 = tpu.memref_slice %arg8[%mul3A_75, %dma_start3A_76] : memref<40x128xi32, #tpu.memory_space<vmem>> -> memref<1x128xi32, #tpu.memory_space<vmem>>
      %dma_start3A_78 = tpu.memref_squeeze %dma_start3A_77 : memref<1x128xi32, #tpu.memory_space<vmem>> -> memref<128xi32, #tpu.memory_space<vmem>>
      %dma_start3A_79 = arith.constant 0 : i32
      %dma_start3A_80 = arith.constant 0 : i32
      %dma_start3A_81 = tpu.memref_slice %arg11[%dma_start3A_79, %dma_start3A_80] : memref<10240x128xf32, #tpu.memory_space<vmem_shared>> -> memref<10240x128xf32, #tpu.memory_space<vmem_shared>>
      tpu.enqueue_indirect_dma source(%arg9 : memref<128x128xf32, #tpu.memory_space<vmem>>) target(%dma_start3A_81 : memref<10240x128xf32, #tpu.memory_space<vmem_shared>>) offsets(%dma_start3A_78 : memref<128xi32, #tpu.memory_space<vmem>>) semaphore(%arg14 : memref<!tpu.dma_semaphore, #tpu.memory_space<semaphore_mem>>) {add = true}
      %dma_wait3A_82 = arith.constant 0 : i32
      %dma_wait3A_83 = tpu.memref_slice %arg7[%add3A_67, %dma_wait3A_82] : memref<40x128xi32, #tpu.memory_space<vmem>> -> memref<1x128xi32, #tpu.memory_space<vmem>>
      %dma_wait3A_84 = tpu.memref_squeeze %dma_wait3A_83 : memref<1x128xi32, #tpu.memory_space<vmem>> -> memref<128xi32, #tpu.memory_space<vmem>>
      %dma_wait3A_85 = arith.constant 0 : i32
      %dma_wait3A_86 = arith.constant 0 : i32
      %dma_wait3A_87 = tpu.memref_slice %arg2[%dma_wait3A_85, %dma_wait3A_86] : memref<10240x128xf32, #tpu.memory_space<hbm>> -> memref<10240x128xf32, #tpu.memory_space<hbm>>
      tpu.wait_indirect_dma semaphore(%arg13 : memref<!tpu.dma_semaphore, #tpu.memory_space<semaphore_mem>>) src(%dma_wait3A_87 : memref<10240x128xf32, #tpu.memory_space<hbm>>) dst(%arg10 : memref<128x128xf32, #tpu.memory_space<vmem>>)
      %mul3A_88 = arith.constant 2 : i32
      %mul3A_89 = arith.muli %mul3A_88, %scan3A_63 : i32
      %add3A_90 = arith.constant 1 : i32
      %add3A_91 = arith.addi %mul3A_89, %add3A_90 : i32
      %dma_start3A_92 = arith.constant 0 : i32
      %dma_start3A_93 = tpu.memref_slice %arg8[%add3A_91, %dma_start3A_92] : memref<40x128xi32, #tpu.memory_space<vmem>> -> memref<1x128xi32, #tpu.memory_space<vmem>>
      %dma_start3A_94 = tpu.memref_squeeze %dma_start3A_93 : memref<1x128xi32, #tpu.memory_space<vmem>> -> memref<128xi32, #tpu.memory_space<vmem>>
      %dma_start3A_95 = arith.constant 0 : i32
      %dma_start3A_96 = arith.constant 0 : i32
      %dma_start3A_97 = tpu.memref_slice %arg11[%dma_start3A_95, %dma_start3A_96] : memref<10240x128xf32, #tpu.memory_space<vmem_shared>> -> memref<10240x128xf32, #tpu.memory_space<vmem_shared>>
      tpu.enqueue_indirect_dma source(%arg10 : memref<128x128xf32, #tpu.memory_space<vmem>>) target(%dma_start3A_97 : memref<10240x128xf32, #tpu.memory_space<vmem_shared>>) offsets(%dma_start3A_94 : memref<128xi32, #tpu.memory_space<vmem>>) semaphore(%arg15 : memref<!tpu.dma_semaphore, #tpu.memory_space<semaphore_mem>>) {add = true}
      %dma_wait3A_98 = arith.constant 0 : i32
      %dma_wait3A_99 = tpu.memref_slice %arg8[%mul3A_75, %dma_wait3A_98] : memref<40x128xi32, #tpu.memory_space<vmem>> -> memref<1x128xi32, #tpu.memory_space<vmem>>
      %dma_wait3A_100 = tpu.memref_squeeze %dma_wait3A_99 : memref<1x128xi32, #tpu.memory_space<vmem>> -> memref<128xi32, #tpu.memory_space<vmem>>
      %dma_wait3A_101 = arith.constant 0 : i32
      %dma_wait3A_102 = arith.constant 0 : i32
      %dma_wait3A_103 = tpu.memref_slice %arg11[%dma_wait3A_101, %dma_wait3A_102] : memref<10240x128xf32, #tpu.memory_space<vmem_shared>> -> memref<10240x128xf32, #tpu.memory_space<vmem_shared>>
      tpu.wait_indirect_dma semaphore(%arg14 : memref<!tpu.dma_semaphore, #tpu.memory_space<semaphore_mem>>) src(%arg9 : memref<128x128xf32, #tpu.memory_space<vmem>>) dst(%dma_wait3A_103 : memref<10240x128xf32, #tpu.memory_space<vmem_shared>>)
      %lt3A = arith.constant 19 : i32
      %lt3A_104 = arith.cmpi slt, %scan3A_63, %lt3A : i32
      %convert_element_type3A = arith.extui %lt3A_104 : i1 to i32
      %cond3A = arith.constant 0 : i32
      %cond3A_105 = arith.cmpi ne, %convert_element_type3A, %cond3A : i32
      scf.if %cond3A_105 {
        %mul3A_112 = arith.constant 2 : i32
        %mul3A_113 = arith.muli %mul3A_112, %scan3A_63 : i32
        %add3A_114 = arith.constant 2 : i32
        %add3A_115 = arith.addi %mul3A_113, %add3A_114 : i32
        %dma_start3A_116 = arith.constant 0 : i32
        %dma_start3A_117 = tpu.memref_slice %arg7[%add3A_115, %dma_start3A_116] : memref<40x128xi32, #tpu.memory_space<vmem>> -> memref<1x128xi32, #tpu.memory_space<vmem>>
        %dma_start3A_118 = tpu.memref_squeeze %dma_start3A_117 : memref<1x128xi32, #tpu.memory_space<vmem>> -> memref<128xi32, #tpu.memory_space<vmem>>
        %dma_start3A_119 = arith.constant 0 : i32
        %dma_start3A_120 = arith.constant 0 : i32
        %dma_start3A_121 = tpu.memref_slice %arg2[%dma_start3A_119, %dma_start3A_120] : memref<10240x128xf32, #tpu.memory_space<hbm>> -> memref<10240x128xf32, #tpu.memory_space<hbm>>
        tpu.enqueue_indirect_dma source(%dma_start3A_121 : memref<10240x128xf32, #tpu.memory_space<hbm>>) target(%arg9 : memref<128x128xf32, #tpu.memory_space<vmem>>) offsets(%dma_start3A_118 : memref<128xi32, #tpu.memory_space<vmem>>) semaphore(%arg12 : memref<!tpu.dma_semaphore, #tpu.memory_space<semaphore_mem>>)
        %dma_wait3A_122 = arith.constant 0 : i32
        %dma_wait3A_123 = tpu.memref_slice %arg7[%add3A_115, %dma_wait3A_122] : memref<40x128xi32, #tpu.memory_space<vmem>> -> memref<1x128xi32, #tpu.memory_space<vmem>>
        %dma_wait3A_124 = tpu.memref_squeeze %dma_wait3A_123 : memref<1x128xi32, #tpu.memory_space<vmem>> -> memref<128xi32, #tpu.memory_space<vmem>>
        %dma_wait3A_125 = arith.constant 0 : i32
        %dma_wait3A_126 = arith.constant 0 : i32
        %dma_wait3A_127 = tpu.memref_slice %arg2[%dma_wait3A_125, %dma_wait3A_126] : memref<10240x128xf32, #tpu.memory_space<hbm>> -> memref<10240x128xf32, #tpu.memory_space<hbm>>
        tpu.wait_indirect_dma semaphore(%arg12 : memref<!tpu.dma_semaphore, #tpu.memory_space<semaphore_mem>>) src(%dma_wait3A_127 : memref<10240x128xf32, #tpu.memory_space<hbm>>) dst(%arg9 : memref<128x128xf32, #tpu.memory_space<vmem>>)
      } else {
      }
      %dma_wait3A_106 = arith.constant 0 : i32
      %dma_wait3A_107 = tpu.memref_slice %arg8[%add3A_91, %dma_wait3A_106] : memref<40x128xi32, #tpu.memory_space<vmem>> -> memref<1x128xi32, #tpu.memory_space<vmem>>
      %dma_wait3A_108 = tpu.memref_squeeze %dma_wait3A_107 : memref<1x128xi32, #tpu.memory_space<vmem>> -> memref<128xi32, #tpu.memory_space<vmem>>
      %dma_wait3A_109 = arith.constant 0 : i32
      %dma_wait3A_110 = arith.constant 0 : i32
      %dma_wait3A_111 = tpu.memref_slice %arg11[%dma_wait3A_109, %dma_wait3A_110] : memref<10240x128xf32, #tpu.memory_space<vmem_shared>> -> memref<10240x128xf32, #tpu.memory_space<vmem_shared>>
      tpu.wait_indirect_dma semaphore(%arg15 : memref<!tpu.dma_semaphore, #tpu.memory_space<semaphore_mem>>) src(%arg10 : memref<128x128xf32, #tpu.memory_space<vmem>>) dst(%dma_wait3A_111 : memref<10240x128xf32, #tpu.memory_space<vmem_shared>>)
    }
    %scan3A_33 = arith.constant 20 : i32
    %mul3A_34 = arith.constant 80 : i32
    %mul3A_35 = arith.muli %add3A, %mul3A_34 : i32
    %add3A_36 = arith.constant 40 : i32
    %add3A_37 = arith.addi %mul3A_35, %add3A_36 : i32
    "tpu.region"() ({
      %run_scoped3A = tpu.sem_alloc : memref<!tpu.dma_semaphore, #tpu.memory_space<semaphore_mem>>
      %dma_start3A_63 = arith.constant 0 : i32
      %dma_start3A_64 = tpu.memref_slice %arg3[%add3A_37, %dma_start3A_63] : memref<2560x128xi32, #tpu.memory_space<hbm>> -> memref<40x128xi32, #tpu.memory_space<hbm>>
      %dma_start3A_65 = arith.constant 0 : i32
      %dma_start3A_66 = tpu.memref_slice %arg3[%add3A_37, %dma_start3A_65] : memref<2560x128xi32, #tpu.memory_space<hbm>> -> memref<40x128xi32, #tpu.memory_space<hbm>>
      tpu.enqueue_dma source(%dma_start3A_66 : memref<40x128xi32, #tpu.memory_space<hbm>>) target(%arg7 : memref<40x128xi32, #tpu.memory_space<vmem>>) target_semaphore(%run_scoped3A : memref<!tpu.dma_semaphore, #tpu.memory_space<semaphore_mem>>)
      %dma_wait3A_67 = arith.constant 0 : i32
      %dma_wait3A_68 = tpu.memref_slice %arg3[%add3A_37, %dma_wait3A_67] : memref<2560x128xi32, #tpu.memory_space<hbm>> -> memref<40x128xi32, #tpu.memory_space<hbm>>
      %dma_wait3A_69 = arith.constant 0 : i32
      %dma_wait3A_70 = tpu.memref_slice %arg3[%add3A_37, %dma_wait3A_69] : memref<2560x128xi32, #tpu.memory_space<hbm>> -> memref<40x128xi32, #tpu.memory_space<hbm>>
      tpu.wait_dma2 semaphore(%run_scoped3A : memref<!tpu.dma_semaphore, #tpu.memory_space<semaphore_mem>>) src(%dma_wait3A_70 : memref<40x128xi32, #tpu.memory_space<hbm>>) dst(%arg7 : memref<40x128xi32, #tpu.memory_space<vmem>>)
      tpu.yield
    }) : () -> ()
    "tpu.region"() ({
      %run_scoped3A = tpu.sem_alloc : memref<!tpu.dma_semaphore, #tpu.memory_space<semaphore_mem>>
      %dma_start3A_63 = arith.constant 0 : i32
      %dma_start3A_64 = tpu.memref_slice %arg4[%add3A_37, %dma_start3A_63] : memref<2560x128xi32, #tpu.memory_space<hbm>> -> memref<40x128xi32, #tpu.memory_space<hbm>>
      %dma_start3A_65 = arith.constant 0 : i32
      %dma_start3A_66 = tpu.memref_slice %arg4[%add3A_37, %dma_start3A_65] : memref<2560x128xi32, #tpu.memory_space<hbm>> -> memref<40x128xi32, #tpu.memory_space<hbm>>
      tpu.enqueue_dma source(%dma_start3A_66 : memref<40x128xi32, #tpu.memory_space<hbm>>) target(%arg8 : memref<40x128xi32, #tpu.memory_space<vmem>>) target_semaphore(%run_scoped3A : memref<!tpu.dma_semaphore, #tpu.memory_space<semaphore_mem>>)
      %dma_wait3A_67 = arith.constant 0 : i32
      %dma_wait3A_68 = tpu.memref_slice %arg4[%add3A_37, %dma_wait3A_67] : memref<2560x128xi32, #tpu.memory_space<hbm>> -> memref<40x128xi32, #tpu.memory_space<hbm>>
      %dma_wait3A_69 = arith.constant 0 : i32
      %dma_wait3A_70 = tpu.memref_slice %arg4[%add3A_37, %dma_wait3A_69] : memref<2560x128xi32, #tpu.memory_space<hbm>> -> memref<40x128xi32, #tpu.memory_space<hbm>>
      tpu.wait_dma2 semaphore(%run_scoped3A : memref<!tpu.dma_semaphore, #tpu.memory_space<semaphore_mem>>) src(%dma_wait3A_70 : memref<40x128xi32, #tpu.memory_space<hbm>>) dst(%arg8 : memref<40x128xi32, #tpu.memory_space<vmem>>)
      tpu.yield
    }) : () -> ()
    %dma_start3A_38 = arith.constant 0 : i32
    %dma_start3A_39 = arith.constant 0 : i32
    %dma_start3A_40 = tpu.memref_slice %arg7[%dma_start3A_38, %dma_start3A_39] : memref<40x128xi32, #tpu.memory_space<vmem>> -> memref<1x128xi32, #tpu.memory_space<vmem>>
    %dma_start3A_41 = tpu.memref_squeeze %dma_start3A_40 : memref<1x128xi32, #tpu.memory_space<vmem>> -> memref<128xi32, #tpu.memory_space<vmem>>
    %dma_start3A_42 = arith.constant 0 : i32
    %dma_start3A_43 = arith.constant 0 : i32
    %dma_start3A_44 = tpu.memref_slice %arg2[%dma_start3A_42, %dma_start3A_43] : memref<10240x128xf32, #tpu.memory_space<hbm>> -> memref<10240x128xf32, #tpu.memory_space<hbm>>
    tpu.enqueue_indirect_dma source(%dma_start3A_44 : memref<10240x128xf32, #tpu.memory_space<hbm>>) target(%arg9 : memref<128x128xf32, #tpu.memory_space<vmem>>) offsets(%dma_start3A_41 : memref<128xi32, #tpu.memory_space<vmem>>) semaphore(%arg12 : memref<!tpu.dma_semaphore, #tpu.memory_space<semaphore_mem>>)
    %dma_wait3A_45 = arith.constant 0 : i32
    %dma_wait3A_46 = arith.constant 0 : i32
    %dma_wait3A_47 = tpu.memref_slice %arg7[%dma_wait3A_45, %dma_wait3A_46] : memref<40x128xi32, #tpu.memory_space<vmem>> -> memref<1x128xi32, #tpu.memory_space<vmem>>
    %dma_wait3A_48 = tpu.memref_squeeze %dma_wait3A_47 : memref<1x128xi32, #tpu.memory_space<vmem>> -> memref<128xi32, #tpu.memory_space<vmem>>
    %dma_wait3A_49 = arith.constant 0 : i32
    %dma_wait3A_50 = arith.constant 0 : i32
    %dma_wait3A_51 = tpu.memref_slice %arg2[%dma_wait3A_49, %dma_wait3A_50] : memref<10240x128xf32, #tpu.memory_space<hbm>> -> memref<10240x128xf32, #tpu.memory_space<hbm>>
    tpu.wait_indirect_dma semaphore(%arg12 : memref<!tpu.dma_semaphore, #tpu.memory_space<semaphore_mem>>) src(%dma_wait3A_51 : memref<10240x128xf32, #tpu.memory_space<hbm>>) dst(%arg9 : memref<128x128xf32, #tpu.memory_space<vmem>>)
    %scan3A_52 = arith.constant 0 : i32
    %scan3A_53 = arith.constant 0 : i32
    %scan3A_54 = arith.constant 20 : i32
    %scan3A_55 = arith.addi %scan3A_53, %scan3A_54 : i32
    %scan3A_56 = arith.constant 1 : i32
    scf.for %scan3A_63 = %scan3A_53 to %scan3A_55 step %scan3A_56  : i32 {
      %mul3A_64 = arith.constant 2 : i32
      %mul3A_65 = arith.muli %mul3A_64, %scan3A_63 : i32
      %add3A_66 = arith.constant 1 : i32
      %add3A_67 = arith.addi %mul3A_65, %add3A_66 : i32
      %dma_start3A_68 = arith.constant 0 : i32
      %dma_start3A_69 = tpu.memref_slice %arg7[%add3A_67, %dma_start3A_68] : memref<40x128xi32, #tpu.memory_space<vmem>> -> memref<1x128xi32, #tpu.memory_space<vmem>>
      %dma_start3A_70 = tpu.memref_squeeze %dma_start3A_69 : memref<1x128xi32, #tpu.memory_space<vmem>> -> memref<128xi32, #tpu.memory_space<vmem>>
      %dma_start3A_71 = arith.constant 0 : i32
      %dma_start3A_72 = arith.constant 0 : i32
      %dma_start3A_73 = tpu.memref_slice %arg2[%dma_start3A_71, %dma_start3A_72] : memref<10240x128xf32, #tpu.memory_space<hbm>> -> memref<10240x128xf32, #tpu.memory_space<hbm>>
      tpu.enqueue_indirect_dma source(%dma_start3A_73 : memref<10240x128xf32, #tpu.memory_space<hbm>>) target(%arg10 : memref<128x128xf32, #tpu.memory_space<vmem>>) offsets(%dma_start3A_70 : memref<128xi32, #tpu.memory_space<vmem>>) semaphore(%arg13 : memref<!tpu.dma_semaphore, #tpu.memory_space<semaphore_mem>>)
      %mul3A_74 = arith.constant 2 : i32
      %mul3A_75 = arith.muli %mul3A_74, %scan3A_63 : i32
      %dma_start3A_76 = arith.constant 0 : i32
      %dma_start3A_77 = tpu.memref_slice %arg8[%mul3A_75, %dma_start3A_76] : memref<40x128xi32, #tpu.memory_space<vmem>> -> memref<1x128xi32, #tpu.memory_space<vmem>>
      %dma_start3A_78 = tpu.memref_squeeze %dma_start3A_77 : memref<1x128xi32, #tpu.memory_space<vmem>> -> memref<128xi32, #tpu.memory_space<vmem>>
      %dma_start3A_79 = arith.constant 0 : i32
      %dma_start3A_80 = arith.constant 0 : i32
      %dma_start3A_81 = tpu.memref_slice %arg11[%dma_start3A_79, %dma_start3A_80] : memref<10240x128xf32, #tpu.memory_space<vmem_shared>> -> memref<10240x128xf32, #tpu.memory_space<vmem_shared>>
      tpu.enqueue_indirect_dma source(%arg9 : memref<128x128xf32, #tpu.memory_space<vmem>>) target(%dma_start3A_81 : memref<10240x128xf32, #tpu.memory_space<vmem_shared>>) offsets(%dma_start3A_78 : memref<128xi32, #tpu.memory_space<vmem>>) semaphore(%arg14 : memref<!tpu.dma_semaphore, #tpu.memory_space<semaphore_mem>>) {add = true}
      %dma_wait3A_82 = arith.constant 0 : i32
      %dma_wait3A_83 = tpu.memref_slice %arg7[%add3A_67, %dma_wait3A_82] : memref<40x128xi32, #tpu.memory_space<vmem>> -> memref<1x128xi32, #tpu.memory_space<vmem>>
      %dma_wait3A_84 = tpu.memref_squeeze %dma_wait3A_83 : memref<1x128xi32, #tpu.memory_space<vmem>> -> memref<128xi32, #tpu.memory_space<vmem>>
      %dma_wait3A_85 = arith.constant 0 : i32
      %dma_wait3A_86 = arith.constant 0 : i32
      %dma_wait3A_87 = tpu.memref_slice %arg2[%dma_wait3A_85, %dma_wait3A_86] : memref<10240x128xf32, #tpu.memory_space<hbm>> -> memref<10240x128xf32, #tpu.memory_space<hbm>>
      tpu.wait_indirect_dma semaphore(%arg13 : memref<!tpu.dma_semaphore, #tpu.memory_space<semaphore_mem>>) src(%dma_wait3A_87 : memref<10240x128xf32, #tpu.memory_space<hbm>>) dst(%arg10 : memref<128x128xf32, #tpu.memory_space<vmem>>)
      %mul3A_88 = arith.constant 2 : i32
      %mul3A_89 = arith.muli %mul3A_88, %scan3A_63 : i32
      %add3A_90 = arith.constant 1 : i32
      %add3A_91 = arith.addi %mul3A_89, %add3A_90 : i32
      %dma_start3A_92 = arith.constant 0 : i32
      %dma_start3A_93 = tpu.memref_slice %arg8[%add3A_91, %dma_start3A_92] : memref<40x128xi32, #tpu.memory_space<vmem>> -> memref<1x128xi32, #tpu.memory_space<vmem>>
      %dma_start3A_94 = tpu.memref_squeeze %dma_start3A_93 : memref<1x128xi32, #tpu.memory_space<vmem>> -> memref<128xi32, #tpu.memory_space<vmem>>
      %dma_start3A_95 = arith.constant 0 : i32
      %dma_start3A_96 = arith.constant 0 : i32
      %dma_start3A_97 = tpu.memref_slice %arg11[%dma_start3A_95, %dma_start3A_96] : memref<10240x128xf32, #tpu.memory_space<vmem_shared>> -> memref<10240x128xf32, #tpu.memory_space<vmem_shared>>
      tpu.enqueue_indirect_dma source(%arg10 : memref<128x128xf32, #tpu.memory_space<vmem>>) target(%dma_start3A_97 : memref<10240x128xf32, #tpu.memory_space<vmem_shared>>) offsets(%dma_start3A_94 : memref<128xi32, #tpu.memory_space<vmem>>) semaphore(%arg15 : memref<!tpu.dma_semaphore, #tpu.memory_space<semaphore_mem>>) {add = true}
      %dma_wait3A_98 = arith.constant 0 : i32
      %dma_wait3A_99 = tpu.memref_slice %arg8[%mul3A_75, %dma_wait3A_98] : memref<40x128xi32, #tpu.memory_space<vmem>> -> memref<1x128xi32, #tpu.memory_space<vmem>>
      %dma_wait3A_100 = tpu.memref_squeeze %dma_wait3A_99 : memref<1x128xi32, #tpu.memory_space<vmem>> -> memref<128xi32, #tpu.memory_space<vmem>>
      %dma_wait3A_101 = arith.constant 0 : i32
      %dma_wait3A_102 = arith.constant 0 : i32
      %dma_wait3A_103 = tpu.memref_slice %arg11[%dma_wait3A_101, %dma_wait3A_102] : memref<10240x128xf32, #tpu.memory_space<vmem_shared>> -> memref<10240x128xf32, #tpu.memory_space<vmem_shared>>
      tpu.wait_indirect_dma semaphore(%arg14 : memref<!tpu.dma_semaphore, #tpu.memory_space<semaphore_mem>>) src(%arg9 : memref<128x128xf32, #tpu.memory_space<vmem>>) dst(%dma_wait3A_103 : memref<10240x128xf32, #tpu.memory_space<vmem_shared>>)
      %lt3A = arith.constant 19 : i32
      %lt3A_104 = arith.cmpi slt, %scan3A_63, %lt3A : i32
      %convert_element_type3A = arith.extui %lt3A_104 : i1 to i32
      %cond3A = arith.constant 0 : i32
      %cond3A_105 = arith.cmpi ne, %convert_element_type3A, %cond3A : i32
      scf.if %cond3A_105 {
        %mul3A_112 = arith.constant 2 : i32
        %mul3A_113 = arith.muli %mul3A_112, %scan3A_63 : i32
        %add3A_114 = arith.constant 2 : i32
        %add3A_115 = arith.addi %mul3A_113, %add3A_114 : i32
        %dma_start3A_116 = arith.constant 0 : i32
        %dma_start3A_117 = tpu.memref_slice %arg7[%add3A_115, %dma_start3A_116] : memref<40x128xi32, #tpu.memory_space<vmem>> -> memref<1x128xi32, #tpu.memory_space<vmem>>
        %dma_start3A_118 = tpu.memref_squeeze %dma_start3A_117 : memref<1x128xi32, #tpu.memory_space<vmem>> -> memref<128xi32, #tpu.memory_space<vmem>>
        %dma_start3A_119 = arith.constant 0 : i32
        %dma_start3A_120 = arith.constant 0 : i32
        %dma_start3A_121 = tpu.memref_slice %arg2[%dma_start3A_119, %dma_start3A_120] : memref<10240x128xf32, #tpu.memory_space<hbm>> -> memref<10240x128xf32, #tpu.memory_space<hbm>>
        tpu.enqueue_indirect_dma source(%dma_start3A_121 : memref<10240x128xf32, #tpu.memory_space<hbm>>) target(%arg9 : memref<128x128xf32, #tpu.memory_space<vmem>>) offsets(%dma_start3A_118 : memref<128xi32, #tpu.memory_space<vmem>>) semaphore(%arg12 : memref<!tpu.dma_semaphore, #tpu.memory_space<semaphore_mem>>)
        %dma_wait3A_122 = arith.constant 0 : i32
        %dma_wait3A_123 = tpu.memref_slice %arg7[%add3A_115, %dma_wait3A_122] : memref<40x128xi32, #tpu.memory_space<vmem>> -> memref<1x128xi32, #tpu.memory_space<vmem>>
        %dma_wait3A_124 = tpu.memref_squeeze %dma_wait3A_123 : memref<1x128xi32, #tpu.memory_space<vmem>> -> memref<128xi32, #tpu.memory_space<vmem>>
        %dma_wait3A_125 = arith.constant 0 : i32
        %dma_wait3A_126 = arith.constant 0 : i32
        %dma_wait3A_127 = tpu.memref_slice %arg2[%dma_wait3A_125, %dma_wait3A_126] : memref<10240x128xf32, #tpu.memory_space<hbm>> -> memref<10240x128xf32, #tpu.memory_space<hbm>>
        tpu.wait_indirect_dma semaphore(%arg12 : memref<!tpu.dma_semaphore, #tpu.memory_space<semaphore_mem>>) src(%dma_wait3A_127 : memref<10240x128xf32, #tpu.memory_space<hbm>>) dst(%arg9 : memref<128x128xf32, #tpu.memory_space<vmem>>)
      } else {
      }
      %dma_wait3A_106 = arith.constant 0 : i32
      %dma_wait3A_107 = tpu.memref_slice %arg8[%add3A_91, %dma_wait3A_106] : memref<40x128xi32, #tpu.memory_space<vmem>> -> memref<1x128xi32, #tpu.memory_space<vmem>>
      %dma_wait3A_108 = tpu.memref_squeeze %dma_wait3A_107 : memref<1x128xi32, #tpu.memory_space<vmem>> -> memref<128xi32, #tpu.memory_space<vmem>>
      %dma_wait3A_109 = arith.constant 0 : i32
      %dma_wait3A_110 = arith.constant 0 : i32
      %dma_wait3A_111 = tpu.memref_slice %arg11[%dma_wait3A_109, %dma_wait3A_110] : memref<10240x128xf32, #tpu.memory_space<vmem_shared>> -> memref<10240x128xf32, #tpu.memory_space<vmem_shared>>
      tpu.wait_indirect_dma semaphore(%arg15 : memref<!tpu.dma_semaphore, #tpu.memory_space<semaphore_mem>>) src(%arg10 : memref<128x128xf32, #tpu.memory_space<vmem>>) dst(%dma_wait3A_111 : memref<10240x128xf32, #tpu.memory_space<vmem_shared>>)
    }
    %scan3A_57 = arith.constant 20 : i32
    %barrier3A_58 = arith.constant 0 : index
    tpu.barrier barrier_id(%barrier3A_58)
    %mul3A_59 = arith.constant 640 : i32
    %mul3A_60 = arith.muli %arg1, %mul3A_59 : i32
    %mul3A_61 = arith.constant 640 : i32
    %mul3A_62 = arith.muli %arg1, %mul3A_61 : i32
    "tpu.region"() ({
      %run_scoped3A = tpu.sem_alloc : memref<!tpu.dma_semaphore, #tpu.memory_space<semaphore_mem>>
      %dma_start3A_63 = arith.constant 0 : i32
      %dma_start3A_64 = tpu.memref_slice %arg6[%arg0, %mul3A_62, %dma_start3A_63] : memref<2x10240x128xf32, #tpu.memory_space<hbm>> -> memref<1x640x128xf32, #tpu.memory_space<hbm>>
      %dma_start3A_65 = tpu.memref_squeeze %dma_start3A_64 : memref<1x640x128xf32, #tpu.memory_space<hbm>> -> memref<640x128xf32, #tpu.memory_space<hbm>>
      %dma_start3A_66 = arith.constant 0 : i32
      %dma_start3A_67 = tpu.memref_slice %arg11[%mul3A_60, %dma_start3A_66] : memref<10240x128xf32, #tpu.memory_space<vmem_shared>> -> memref<640x128xf32, #tpu.memory_space<vmem_shared>>
      tpu.enqueue_dma source(%dma_start3A_67 : memref<640x128xf32, #tpu.memory_space<vmem_shared>>) target(%dma_start3A_65 : memref<640x128xf32, #tpu.memory_space<hbm>>) target_semaphore(%run_scoped3A : memref<!tpu.dma_semaphore, #tpu.memory_space<semaphore_mem>>)
      %dma_wait3A_68 = arith.constant 0 : i32
      %dma_wait3A_69 = tpu.memref_slice %arg6[%arg0, %mul3A_62, %dma_wait3A_68] : memref<2x10240x128xf32, #tpu.memory_space<hbm>> -> memref<1x640x128xf32, #tpu.memory_space<hbm>>
      %dma_wait3A_70 = tpu.memref_squeeze %dma_wait3A_69 : memref<1x640x128xf32, #tpu.memory_space<hbm>> -> memref<640x128xf32, #tpu.memory_space<hbm>>
      %dma_wait3A_71 = arith.constant 0 : i32
      %dma_wait3A_72 = tpu.memref_slice %arg11[%mul3A_60, %dma_wait3A_71] : memref<10240x128xf32, #tpu.memory_space<vmem_shared>> -> memref<640x128xf32, #tpu.memory_space<vmem_shared>>
      tpu.wait_dma2 semaphore(%run_scoped3A : memref<!tpu.dma_semaphore, #tpu.memory_space<semaphore_mem>>) src(%dma_wait3A_72 : memref<640x128xf32, #tpu.memory_space<vmem_shared>>) dst(%dma_wait3A_70 : memref<640x128xf32, #tpu.memory_space<hbm>>)
      tpu.yield
    }) : () -> ()
    return
  }
}

#map = affine_map<(d0, d1) -> (0, 0)>
#map1 = affine_map<(d0, d1) -> (0, 0, 0)>
module attributes {stable_mosaic.version = 14 : i64} {
  func.func @sc_pass(%arg0: i32, %arg1: i32, %arg2: memref<10240x128xf32, #tpu.memory_space<hbm>>, %arg3: memref<2560x128xi32, #tpu.memory_space<hbm>>, %arg4: memref<2560x128xi32, #tpu.memory_space<hbm>>, %arg5: memref<10240x128xf32, #tpu.memory_space<hbm>>, %arg6: memref<2x10240x128xf32, #tpu.memory_space<hbm>>, %arg7: memref<40x128xi32, #tpu.memory_space<vmem>>, %arg8: memref<40x128xi32, #tpu.memory_space<vmem>>, %arg9: memref<128x128xf32, #tpu.memory_space<vmem>>, %arg10: memref<128x128xf32, #tpu.memory_space<vmem>>, %arg11: memref<10240x128xf32, #tpu.memory_space<vmem_shared>>, %arg12: memref<!tpu.dma_semaphore, #tpu.memory_space<semaphore_mem>>, %arg13: memref<!tpu.dma_semaphore, #tpu.memory_space<semaphore_mem>>, %arg14: memref<!tpu.dma_semaphore, #tpu.memory_space<semaphore_mem>>, %arg15: memref<!tpu.dma_semaphore, #tpu.memory_space<semaphore_mem>>) attributes {dimension_semantics = [#tpu.dimension_semantics<core_parallel>, #tpu.dimension_semantics<subcore_parallel>], iteration_bounds = array<i64: 2, 16>, scalar_prefetch = 0 : i64, scratch_operands = 9 : i64, tpu.core_type = #tpu.core_type<sc_vector_subcore>, window_params = [{transform_indices = #map}, {transform_indices = #map}, {transform_indices = #map}, {transform_indices = #map}, {transform_indices = #map1}]} {
    %mul3A = arith.constant 2 : i32
    %mul3A_0 = arith.muli %arg1, %mul3A : i32
    %add3A = arith.addi %mul3A_0, %arg0 : i32
    %mul3A_1 = arith.constant 640 : i32
    %mul3A_2 = arith.muli %arg1, %mul3A_1 : i32
    %mul3A_3 = arith.constant 640 : i32
    %mul3A_4 = arith.muli %arg1, %mul3A_3 : i32
    %dma_start3A = arith.constant 0 : i32
    %dma_start3A_5 = tpu.memref_slice %arg11[%mul3A_4, %dma_start3A] : memref<10240x128xf32, #tpu.memory_space<vmem_shared>> -> memref<640x128xf32, #tpu.memory_space<vmem_shared>>
    %dma_start3A_6 = arith.constant 0 : i32
    %dma_start3A_7 = tpu.memref_slice %arg5[%mul3A_2, %dma_start3A_6] : memref<10240x128xf32, #tpu.memory_space<hbm>> -> memref<640x128xf32, #tpu.memory_space<hbm>>
    tpu.enqueue_dma source(%dma_start3A_7 : memref<640x128xf32, #tpu.memory_space<hbm>>) target(%dma_start3A_5 : memref<640x128xf32, #tpu.memory_space<vmem_shared>>) target_semaphore(%arg14 : memref<!tpu.dma_semaphore, #tpu.memory_space<semaphore_mem>>)
    %mul3A_8 = arith.constant 80 : i32
    %mul3A_9 = arith.muli %add3A, %mul3A_8 : i32
    %add3A_10 = arith.constant 0 : i32
    %add3A_11 = arith.addi %mul3A_9, %add3A_10 : i32
    "tpu.region"() ({
      %run_scoped3A = tpu.sem_alloc : memref<!tpu.dma_semaphore, #tpu.memory_space<semaphore_mem>>
      %dma_start3A_63 = arith.constant 0 : i32
      %dma_start3A_64 = tpu.memref_slice %arg3[%add3A_11, %dma_start3A_63] : memref<2560x128xi32, #tpu.memory_space<hbm>> -> memref<40x128xi32, #tpu.memory_space<hbm>>
      %dma_start3A_65 = arith.constant 0 : i32
      %dma_start3A_66 = tpu.memref_slice %arg3[%add3A_11, %dma_start3A_65] : memref<2560x128xi32, #tpu.memory_space<hbm>> -> memref<40x128xi32, #tpu.memory_space<hbm>>
      tpu.enqueue_dma source(%dma_start3A_66 : memref<40x128xi32, #tpu.memory_space<hbm>>) target(%arg7 : memref<40x128xi32, #tpu.memory_space<vmem>>) target_semaphore(%run_scoped3A : memref<!tpu.dma_semaphore, #tpu.memory_space<semaphore_mem>>)
      %dma_wait3A_67 = arith.constant 0 : i32
      %dma_wait3A_68 = tpu.memref_slice %arg3[%add3A_11, %dma_wait3A_67] : memref<2560x128xi32, #tpu.memory_space<hbm>> -> memref<40x128xi32, #tpu.memory_space<hbm>>
      %dma_wait3A_69 = arith.constant 0 : i32
      %dma_wait3A_70 = tpu.memref_slice %arg3[%add3A_11, %dma_wait3A_69] : memref<2560x128xi32, #tpu.memory_space<hbm>> -> memref<40x128xi32, #tpu.memory_space<hbm>>
      tpu.wait_dma2 semaphore(%run_scoped3A : memref<!tpu.dma_semaphore, #tpu.memory_space<semaphore_mem>>) src(%dma_wait3A_70 : memref<40x128xi32, #tpu.memory_space<hbm>>) dst(%arg7 : memref<40x128xi32, #tpu.memory_space<vmem>>)
      tpu.yield
    }) : () -> ()
    "tpu.region"() ({
      %run_scoped3A = tpu.sem_alloc : memref<!tpu.dma_semaphore, #tpu.memory_space<semaphore_mem>>
      %dma_start3A_63 = arith.constant 0 : i32
      %dma_start3A_64 = tpu.memref_slice %arg4[%add3A_11, %dma_start3A_63] : memref<2560x128xi32, #tpu.memory_space<hbm>> -> memref<40x128xi32, #tpu.memory_space<hbm>>
      %dma_start3A_65 = arith.constant 0 : i32
      %dma_start3A_66 = tpu.memref_slice %arg4[%add3A_11, %dma_start3A_65] : memref<2560x128xi32, #tpu.memory_space<hbm>> -> memref<40x128xi32, #tpu.memory_space<hbm>>
      tpu.enqueue_dma source(%dma_start3A_66 : memref<40x128xi32, #tpu.memory_space<hbm>>) target(%arg8 : memref<40x128xi32, #tpu.memory_space<vmem>>) target_semaphore(%run_scoped3A : memref<!tpu.dma_semaphore, #tpu.memory_space<semaphore_mem>>)
      %dma_wait3A_67 = arith.constant 0 : i32
      %dma_wait3A_68 = tpu.memref_slice %arg4[%add3A_11, %dma_wait3A_67] : memref<2560x128xi32, #tpu.memory_space<hbm>> -> memref<40x128xi32, #tpu.memory_space<hbm>>
      %dma_wait3A_69 = arith.constant 0 : i32
      %dma_wait3A_70 = tpu.memref_slice %arg4[%add3A_11, %dma_wait3A_69] : memref<2560x128xi32, #tpu.memory_space<hbm>> -> memref<40x128xi32, #tpu.memory_space<hbm>>
      tpu.wait_dma2 semaphore(%run_scoped3A : memref<!tpu.dma_semaphore, #tpu.memory_space<semaphore_mem>>) src(%dma_wait3A_70 : memref<40x128xi32, #tpu.memory_space<hbm>>) dst(%arg8 : memref<40x128xi32, #tpu.memory_space<vmem>>)
      tpu.yield
    }) : () -> ()
    %dma_start3A_12 = arith.constant 0 : i32
    %dma_start3A_13 = arith.constant 0 : i32
    %dma_start3A_14 = tpu.memref_slice %arg7[%dma_start3A_12, %dma_start3A_13] : memref<40x128xi32, #tpu.memory_space<vmem>> -> memref<1x128xi32, #tpu.memory_space<vmem>>
    %dma_start3A_15 = tpu.memref_squeeze %dma_start3A_14 : memref<1x128xi32, #tpu.memory_space<vmem>> -> memref<128xi32, #tpu.memory_space<vmem>>
    %dma_start3A_16 = arith.constant 0 : i32
    %dma_start3A_17 = arith.constant 0 : i32
    %dma_start3A_18 = tpu.memref_slice %arg2[%dma_start3A_16, %dma_start3A_17] : memref<10240x128xf32, #tpu.memory_space<hbm>> -> memref<10240x128xf32, #tpu.memory_space<hbm>>
    tpu.enqueue_indirect_dma source(%dma_start3A_18 : memref<10240x128xf32, #tpu.memory_space<hbm>>) target(%arg9 : memref<128x128xf32, #tpu.memory_space<vmem>>) offsets(%dma_start3A_15 : memref<128xi32, #tpu.memory_space<vmem>>) semaphore(%arg12 : memref<!tpu.dma_semaphore, #tpu.memory_space<semaphore_mem>>)
    %dma_wait3A = arith.constant 0 : i32
    %dma_wait3A_19 = tpu.memref_slice %arg11[%mul3A_4, %dma_wait3A] : memref<10240x128xf32, #tpu.memory_space<vmem_shared>> -> memref<640x128xf32, #tpu.memory_space<vmem_shared>>
    %dma_wait3A_20 = arith.constant 0 : i32
    %dma_wait3A_21 = tpu.memref_slice %arg5[%mul3A_2, %dma_wait3A_20] : memref<10240x128xf32, #tpu.memory_space<hbm>> -> memref<640x128xf32, #tpu.memory_space<hbm>>
    tpu.wait_dma2 semaphore(%arg14 : memref<!tpu.dma_semaphore, #tpu.memory_space<semaphore_mem>>) src(%dma_wait3A_21 : memref<640x128xf32, #tpu.memory_space<hbm>>) dst(%dma_wait3A_19 : memref<640x128xf32, #tpu.memory_space<vmem_shared>>)
    %barrier3A = arith.constant 0 : index
    tpu.barrier barrier_id(%barrier3A)
    %dma_wait3A_22 = arith.constant 0 : i32
    %dma_wait3A_23 = arith.constant 0 : i32
    %dma_wait3A_24 = tpu.memref_slice %arg7[%dma_wait3A_22, %dma_wait3A_23] : memref<40x128xi32, #tpu.memory_space<vmem>> -> memref<1x128xi32, #tpu.memory_space<vmem>>
    %dma_wait3A_25 = tpu.memref_squeeze %dma_wait3A_24 : memref<1x128xi32, #tpu.memory_space<vmem>> -> memref<128xi32, #tpu.memory_space<vmem>>
    %dma_wait3A_26 = arith.constant 0 : i32
    %dma_wait3A_27 = arith.constant 0 : i32
    %dma_wait3A_28 = tpu.memref_slice %arg2[%dma_wait3A_26, %dma_wait3A_27] : memref<10240x128xf32, #tpu.memory_space<hbm>> -> memref<10240x128xf32, #tpu.memory_space<hbm>>
    tpu.wait_indirect_dma semaphore(%arg12 : memref<!tpu.dma_semaphore, #tpu.memory_space<semaphore_mem>>) src(%dma_wait3A_28 : memref<10240x128xf32, #tpu.memory_space<hbm>>) dst(%arg9 : memref<128x128xf32, #tpu.memory_space<vmem>>)
    %scan3A = arith.constant 0 : i32
    %scan3A_29 = arith.constant 0 : i32
    %scan3A_30 = arith.constant 20 : i32
    %scan3A_31 = arith.addi %scan3A_29, %scan3A_30 : i32
    %scan3A_32 = arith.constant 1 : i32
    scf.for %scan3A_63 = %scan3A_29 to %scan3A_31 step %scan3A_32  : i32 {
      %mul3A_64 = arith.constant 2 : i32
      %mul3A_65 = arith.muli %mul3A_64, %scan3A_63 : i32
      %add3A_66 = arith.constant 1 : i32
      %add3A_67 = arith.addi %mul3A_65, %add3A_66 : i32
      %dma_start3A_68 = arith.constant 0 : i32
      %dma_start3A_69 = tpu.memref_slice %arg7[%add3A_67, %dma_start3A_68] : memref<40x128xi32, #tpu.memory_space<vmem>> -> memref<1x128xi32, #tpu.memory_space<vmem>>
      %dma_start3A_70 = tpu.memref_squeeze %dma_start3A_69 : memref<1x128xi32, #tpu.memory_space<vmem>> -> memref<128xi32, #tpu.memory_space<vmem>>
      %dma_start3A_71 = arith.constant 0 : i32
      %dma_start3A_72 = arith.constant 0 : i32
      %dma_start3A_73 = tpu.memref_slice %arg2[%dma_start3A_71, %dma_start3A_72] : memref<10240x128xf32, #tpu.memory_space<hbm>> -> memref<10240x128xf32, #tpu.memory_space<hbm>>
      tpu.enqueue_indirect_dma source(%dma_start3A_73 : memref<10240x128xf32, #tpu.memory_space<hbm>>) target(%arg10 : memref<128x128xf32, #tpu.memory_space<vmem>>) offsets(%dma_start3A_70 : memref<128xi32, #tpu.memory_space<vmem>>) semaphore(%arg13 : memref<!tpu.dma_semaphore, #tpu.memory_space<semaphore_mem>>)
      %mul3A_74 = arith.constant 2 : i32
      %mul3A_75 = arith.muli %mul3A_74, %scan3A_63 : i32
      %dma_start3A_76 = arith.constant 0 : i32
      %dma_start3A_77 = tpu.memref_slice %arg8[%mul3A_75, %dma_start3A_76] : memref<40x128xi32, #tpu.memory_space<vmem>> -> memref<1x128xi32, #tpu.memory_space<vmem>>
      %dma_start3A_78 = tpu.memref_squeeze %dma_start3A_77 : memref<1x128xi32, #tpu.memory_space<vmem>> -> memref<128xi32, #tpu.memory_space<vmem>>
      %dma_start3A_79 = arith.constant 0 : i32
      %dma_start3A_80 = arith.constant 0 : i32
      %dma_start3A_81 = tpu.memref_slice %arg11[%dma_start3A_79, %dma_start3A_80] : memref<10240x128xf32, #tpu.memory_space<vmem_shared>> -> memref<10240x128xf32, #tpu.memory_space<vmem_shared>>
      tpu.enqueue_indirect_dma source(%arg9 : memref<128x128xf32, #tpu.memory_space<vmem>>) target(%dma_start3A_81 : memref<10240x128xf32, #tpu.memory_space<vmem_shared>>) offsets(%dma_start3A_78 : memref<128xi32, #tpu.memory_space<vmem>>) semaphore(%arg14 : memref<!tpu.dma_semaphore, #tpu.memory_space<semaphore_mem>>) {add = true}
      %dma_wait3A_82 = arith.constant 0 : i32
      %dma_wait3A_83 = tpu.memref_slice %arg7[%add3A_67, %dma_wait3A_82] : memref<40x128xi32, #tpu.memory_space<vmem>> -> memref<1x128xi32, #tpu.memory_space<vmem>>
      %dma_wait3A_84 = tpu.memref_squeeze %dma_wait3A_83 : memref<1x128xi32, #tpu.memory_space<vmem>> -> memref<128xi32, #tpu.memory_space<vmem>>
      %dma_wait3A_85 = arith.constant 0 : i32
      %dma_wait3A_86 = arith.constant 0 : i32
      %dma_wait3A_87 = tpu.memref_slice %arg2[%dma_wait3A_85, %dma_wait3A_86] : memref<10240x128xf32, #tpu.memory_space<hbm>> -> memref<10240x128xf32, #tpu.memory_space<hbm>>
      tpu.wait_indirect_dma semaphore(%arg13 : memref<!tpu.dma_semaphore, #tpu.memory_space<semaphore_mem>>) src(%dma_wait3A_87 : memref<10240x128xf32, #tpu.memory_space<hbm>>) dst(%arg10 : memref<128x128xf32, #tpu.memory_space<vmem>>)
      %mul3A_88 = arith.constant 2 : i32
      %mul3A_89 = arith.muli %mul3A_88, %scan3A_63 : i32
      %add3A_90 = arith.constant 1 : i32
      %add3A_91 = arith.addi %mul3A_89, %add3A_90 : i32
      %dma_start3A_92 = arith.constant 0 : i32
      %dma_start3A_93 = tpu.memref_slice %arg8[%add3A_91, %dma_start3A_92] : memref<40x128xi32, #tpu.memory_space<vmem>> -> memref<1x128xi32, #tpu.memory_space<vmem>>
      %dma_start3A_94 = tpu.memref_squeeze %dma_start3A_93 : memref<1x128xi32, #tpu.memory_space<vmem>> -> memref<128xi32, #tpu.memory_space<vmem>>
      %dma_start3A_95 = arith.constant 0 : i32
      %dma_start3A_96 = arith.constant 0 : i32
      %dma_start3A_97 = tpu.memref_slice %arg11[%dma_start3A_95, %dma_start3A_96] : memref<10240x128xf32, #tpu.memory_space<vmem_shared>> -> memref<10240x128xf32, #tpu.memory_space<vmem_shared>>
      tpu.enqueue_indirect_dma source(%arg10 : memref<128x128xf32, #tpu.memory_space<vmem>>) target(%dma_start3A_97 : memref<10240x128xf32, #tpu.memory_space<vmem_shared>>) offsets(%dma_start3A_94 : memref<128xi32, #tpu.memory_space<vmem>>) semaphore(%arg15 : memref<!tpu.dma_semaphore, #tpu.memory_space<semaphore_mem>>) {add = true}
      %dma_wait3A_98 = arith.constant 0 : i32
      %dma_wait3A_99 = tpu.memref_slice %arg8[%mul3A_75, %dma_wait3A_98] : memref<40x128xi32, #tpu.memory_space<vmem>> -> memref<1x128xi32, #tpu.memory_space<vmem>>
      %dma_wait3A_100 = tpu.memref_squeeze %dma_wait3A_99 : memref<1x128xi32, #tpu.memory_space<vmem>> -> memref<128xi32, #tpu.memory_space<vmem>>
      %dma_wait3A_101 = arith.constant 0 : i32
      %dma_wait3A_102 = arith.constant 0 : i32
      %dma_wait3A_103 = tpu.memref_slice %arg11[%dma_wait3A_101, %dma_wait3A_102] : memref<10240x128xf32, #tpu.memory_space<vmem_shared>> -> memref<10240x128xf32, #tpu.memory_space<vmem_shared>>
      tpu.wait_indirect_dma semaphore(%arg14 : memref<!tpu.dma_semaphore, #tpu.memory_space<semaphore_mem>>) src(%arg9 : memref<128x128xf32, #tpu.memory_space<vmem>>) dst(%dma_wait3A_103 : memref<10240x128xf32, #tpu.memory_space<vmem_shared>>)
      %lt3A = arith.constant 19 : i32
      %lt3A_104 = arith.cmpi slt, %scan3A_63, %lt3A : i32
      %convert_element_type3A = arith.extui %lt3A_104 : i1 to i32
      %cond3A = arith.constant 0 : i32
      %cond3A_105 = arith.cmpi ne, %convert_element_type3A, %cond3A : i32
      scf.if %cond3A_105 {
        %mul3A_112 = arith.constant 2 : i32
        %mul3A_113 = arith.muli %mul3A_112, %scan3A_63 : i32
        %add3A_114 = arith.constant 2 : i32
        %add3A_115 = arith.addi %mul3A_113, %add3A_114 : i32
        %dma_start3A_116 = arith.constant 0 : i32
        %dma_start3A_117 = tpu.memref_slice %arg7[%add3A_115, %dma_start3A_116] : memref<40x128xi32, #tpu.memory_space<vmem>> -> memref<1x128xi32, #tpu.memory_space<vmem>>
        %dma_start3A_118 = tpu.memref_squeeze %dma_start3A_117 : memref<1x128xi32, #tpu.memory_space<vmem>> -> memref<128xi32, #tpu.memory_space<vmem>>
        %dma_start3A_119 = arith.constant 0 : i32
        %dma_start3A_120 = arith.constant 0 : i32
        %dma_start3A_121 = tpu.memref_slice %arg2[%dma_start3A_119, %dma_start3A_120] : memref<10240x128xf32, #tpu.memory_space<hbm>> -> memref<10240x128xf32, #tpu.memory_space<hbm>>
        tpu.enqueue_indirect_dma source(%dma_start3A_121 : memref<10240x128xf32, #tpu.memory_space<hbm>>) target(%arg9 : memref<128x128xf32, #tpu.memory_space<vmem>>) offsets(%dma_start3A_118 : memref<128xi32, #tpu.memory_space<vmem>>) semaphore(%arg12 : memref<!tpu.dma_semaphore, #tpu.memory_space<semaphore_mem>>)
        %dma_wait3A_122 = arith.constant 0 : i32
        %dma_wait3A_123 = tpu.memref_slice %arg7[%add3A_115, %dma_wait3A_122] : memref<40x128xi32, #tpu.memory_space<vmem>> -> memref<1x128xi32, #tpu.memory_space<vmem>>
        %dma_wait3A_124 = tpu.memref_squeeze %dma_wait3A_123 : memref<1x128xi32, #tpu.memory_space<vmem>> -> memref<128xi32, #tpu.memory_space<vmem>>
        %dma_wait3A_125 = arith.constant 0 : i32
        %dma_wait3A_126 = arith.constant 0 : i32
        %dma_wait3A_127 = tpu.memref_slice %arg2[%dma_wait3A_125, %dma_wait3A_126] : memref<10240x128xf32, #tpu.memory_space<hbm>> -> memref<10240x128xf32, #tpu.memory_space<hbm>>
        tpu.wait_indirect_dma semaphore(%arg12 : memref<!tpu.dma_semaphore, #tpu.memory_space<semaphore_mem>>) src(%dma_wait3A_127 : memref<10240x128xf32, #tpu.memory_space<hbm>>) dst(%arg9 : memref<128x128xf32, #tpu.memory_space<vmem>>)
      } else {
      }
      %dma_wait3A_106 = arith.constant 0 : i32
      %dma_wait3A_107 = tpu.memref_slice %arg8[%add3A_91, %dma_wait3A_106] : memref<40x128xi32, #tpu.memory_space<vmem>> -> memref<1x128xi32, #tpu.memory_space<vmem>>
      %dma_wait3A_108 = tpu.memref_squeeze %dma_wait3A_107 : memref<1x128xi32, #tpu.memory_space<vmem>> -> memref<128xi32, #tpu.memory_space<vmem>>
      %dma_wait3A_109 = arith.constant 0 : i32
      %dma_wait3A_110 = arith.constant 0 : i32
      %dma_wait3A_111 = tpu.memref_slice %arg11[%dma_wait3A_109, %dma_wait3A_110] : memref<10240x128xf32, #tpu.memory_space<vmem_shared>> -> memref<10240x128xf32, #tpu.memory_space<vmem_shared>>
      tpu.wait_indirect_dma semaphore(%arg15 : memref<!tpu.dma_semaphore, #tpu.memory_space<semaphore_mem>>) src(%arg10 : memref<128x128xf32, #tpu.memory_space<vmem>>) dst(%dma_wait3A_111 : memref<10240x128xf32, #tpu.memory_space<vmem_shared>>)
    }
    %scan3A_33 = arith.constant 20 : i32
    %mul3A_34 = arith.constant 80 : i32
    %mul3A_35 = arith.muli %add3A, %mul3A_34 : i32
    %add3A_36 = arith.constant 40 : i32
    %add3A_37 = arith.addi %mul3A_35, %add3A_36 : i32
    "tpu.region"() ({
      %run_scoped3A = tpu.sem_alloc : memref<!tpu.dma_semaphore, #tpu.memory_space<semaphore_mem>>
      %dma_start3A_63 = arith.constant 0 : i32
      %dma_start3A_64 = tpu.memref_slice %arg3[%add3A_37, %dma_start3A_63] : memref<2560x128xi32, #tpu.memory_space<hbm>> -> memref<40x128xi32, #tpu.memory_space<hbm>>
      %dma_start3A_65 = arith.constant 0 : i32
      %dma_start3A_66 = tpu.memref_slice %arg3[%add3A_37, %dma_start3A_65] : memref<2560x128xi32, #tpu.memory_space<hbm>> -> memref<40x128xi32, #tpu.memory_space<hbm>>
      tpu.enqueue_dma source(%dma_start3A_66 : memref<40x128xi32, #tpu.memory_space<hbm>>) target(%arg7 : memref<40x128xi32, #tpu.memory_space<vmem>>) target_semaphore(%run_scoped3A : memref<!tpu.dma_semaphore, #tpu.memory_space<semaphore_mem>>)
      %dma_wait3A_67 = arith.constant 0 : i32
      %dma_wait3A_68 = tpu.memref_slice %arg3[%add3A_37, %dma_wait3A_67] : memref<2560x128xi32, #tpu.memory_space<hbm>> -> memref<40x128xi32, #tpu.memory_space<hbm>>
      %dma_wait3A_69 = arith.constant 0 : i32
      %dma_wait3A_70 = tpu.memref_slice %arg3[%add3A_37, %dma_wait3A_69] : memref<2560x128xi32, #tpu.memory_space<hbm>> -> memref<40x128xi32, #tpu.memory_space<hbm>>
      tpu.wait_dma2 semaphore(%run_scoped3A : memref<!tpu.dma_semaphore, #tpu.memory_space<semaphore_mem>>) src(%dma_wait3A_70 : memref<40x128xi32, #tpu.memory_space<hbm>>) dst(%arg7 : memref<40x128xi32, #tpu.memory_space<vmem>>)
      tpu.yield
    }) : () -> ()
    "tpu.region"() ({
      %run_scoped3A = tpu.sem_alloc : memref<!tpu.dma_semaphore, #tpu.memory_space<semaphore_mem>>
      %dma_start3A_63 = arith.constant 0 : i32
      %dma_start3A_64 = tpu.memref_slice %arg4[%add3A_37, %dma_start3A_63] : memref<2560x128xi32, #tpu.memory_space<hbm>> -> memref<40x128xi32, #tpu.memory_space<hbm>>
      %dma_start3A_65 = arith.constant 0 : i32
      %dma_start3A_66 = tpu.memref_slice %arg4[%add3A_37, %dma_start3A_65] : memref<2560x128xi32, #tpu.memory_space<hbm>> -> memref<40x128xi32, #tpu.memory_space<hbm>>
      tpu.enqueue_dma source(%dma_start3A_66 : memref<40x128xi32, #tpu.memory_space<hbm>>) target(%arg8 : memref<40x128xi32, #tpu.memory_space<vmem>>) target_semaphore(%run_scoped3A : memref<!tpu.dma_semaphore, #tpu.memory_space<semaphore_mem>>)
      %dma_wait3A_67 = arith.constant 0 : i32
      %dma_wait3A_68 = tpu.memref_slice %arg4[%add3A_37, %dma_wait3A_67] : memref<2560x128xi32, #tpu.memory_space<hbm>> -> memref<40x128xi32, #tpu.memory_space<hbm>>
      %dma_wait3A_69 = arith.constant 0 : i32
      %dma_wait3A_70 = tpu.memref_slice %arg4[%add3A_37, %dma_wait3A_69] : memref<2560x128xi32, #tpu.memory_space<hbm>> -> memref<40x128xi32, #tpu.memory_space<hbm>>
      tpu.wait_dma2 semaphore(%run_scoped3A : memref<!tpu.dma_semaphore, #tpu.memory_space<semaphore_mem>>) src(%dma_wait3A_70 : memref<40x128xi32, #tpu.memory_space<hbm>>) dst(%arg8 : memref<40x128xi32, #tpu.memory_space<vmem>>)
      tpu.yield
    }) : () -> ()
    %dma_start3A_38 = arith.constant 0 : i32
    %dma_start3A_39 = arith.constant 0 : i32
    %dma_start3A_40 = tpu.memref_slice %arg7[%dma_start3A_38, %dma_start3A_39] : memref<40x128xi32, #tpu.memory_space<vmem>> -> memref<1x128xi32, #tpu.memory_space<vmem>>
    %dma_start3A_41 = tpu.memref_squeeze %dma_start3A_40 : memref<1x128xi32, #tpu.memory_space<vmem>> -> memref<128xi32, #tpu.memory_space<vmem>>
    %dma_start3A_42 = arith.constant 0 : i32
    %dma_start3A_43 = arith.constant 0 : i32
    %dma_start3A_44 = tpu.memref_slice %arg2[%dma_start3A_42, %dma_start3A_43] : memref<10240x128xf32, #tpu.memory_space<hbm>> -> memref<10240x128xf32, #tpu.memory_space<hbm>>
    tpu.enqueue_indirect_dma source(%dma_start3A_44 : memref<10240x128xf32, #tpu.memory_space<hbm>>) target(%arg9 : memref<128x128xf32, #tpu.memory_space<vmem>>) offsets(%dma_start3A_41 : memref<128xi32, #tpu.memory_space<vmem>>) semaphore(%arg12 : memref<!tpu.dma_semaphore, #tpu.memory_space<semaphore_mem>>)
    %dma_wait3A_45 = arith.constant 0 : i32
    %dma_wait3A_46 = arith.constant 0 : i32
    %dma_wait3A_47 = tpu.memref_slice %arg7[%dma_wait3A_45, %dma_wait3A_46] : memref<40x128xi32, #tpu.memory_space<vmem>> -> memref<1x128xi32, #tpu.memory_space<vmem>>
    %dma_wait3A_48 = tpu.memref_squeeze %dma_wait3A_47 : memref<1x128xi32, #tpu.memory_space<vmem>> -> memref<128xi32, #tpu.memory_space<vmem>>
    %dma_wait3A_49 = arith.constant 0 : i32
    %dma_wait3A_50 = arith.constant 0 : i32
    %dma_wait3A_51 = tpu.memref_slice %arg2[%dma_wait3A_49, %dma_wait3A_50] : memref<10240x128xf32, #tpu.memory_space<hbm>> -> memref<10240x128xf32, #tpu.memory_space<hbm>>
    tpu.wait_indirect_dma semaphore(%arg12 : memref<!tpu.dma_semaphore, #tpu.memory_space<semaphore_mem>>) src(%dma_wait3A_51 : memref<10240x128xf32, #tpu.memory_space<hbm>>) dst(%arg9 : memref<128x128xf32, #tpu.memory_space<vmem>>)
    %scan3A_52 = arith.constant 0 : i32
    %scan3A_53 = arith.constant 0 : i32
    %scan3A_54 = arith.constant 20 : i32
    %scan3A_55 = arith.addi %scan3A_53, %scan3A_54 : i32
    %scan3A_56 = arith.constant 1 : i32
    scf.for %scan3A_63 = %scan3A_53 to %scan3A_55 step %scan3A_56  : i32 {
      %mul3A_64 = arith.constant 2 : i32
      %mul3A_65 = arith.muli %mul3A_64, %scan3A_63 : i32
      %add3A_66 = arith.constant 1 : i32
      %add3A_67 = arith.addi %mul3A_65, %add3A_66 : i32
      %dma_start3A_68 = arith.constant 0 : i32
      %dma_start3A_69 = tpu.memref_slice %arg7[%add3A_67, %dma_start3A_68] : memref<40x128xi32, #tpu.memory_space<vmem>> -> memref<1x128xi32, #tpu.memory_space<vmem>>
      %dma_start3A_70 = tpu.memref_squeeze %dma_start3A_69 : memref<1x128xi32, #tpu.memory_space<vmem>> -> memref<128xi32, #tpu.memory_space<vmem>>
      %dma_start3A_71 = arith.constant 0 : i32
      %dma_start3A_72 = arith.constant 0 : i32
      %dma_start3A_73 = tpu.memref_slice %arg2[%dma_start3A_71, %dma_start3A_72] : memref<10240x128xf32, #tpu.memory_space<hbm>> -> memref<10240x128xf32, #tpu.memory_space<hbm>>
      tpu.enqueue_indirect_dma source(%dma_start3A_73 : memref<10240x128xf32, #tpu.memory_space<hbm>>) target(%arg10 : memref<128x128xf32, #tpu.memory_space<vmem>>) offsets(%dma_start3A_70 : memref<128xi32, #tpu.memory_space<vmem>>) semaphore(%arg13 : memref<!tpu.dma_semaphore, #tpu.memory_space<semaphore_mem>>)
      %mul3A_74 = arith.constant 2 : i32
      %mul3A_75 = arith.muli %mul3A_74, %scan3A_63 : i32
      %dma_start3A_76 = arith.constant 0 : i32
      %dma_start3A_77 = tpu.memref_slice %arg8[%mul3A_75, %dma_start3A_76] : memref<40x128xi32, #tpu.memory_space<vmem>> -> memref<1x128xi32, #tpu.memory_space<vmem>>
      %dma_start3A_78 = tpu.memref_squeeze %dma_start3A_77 : memref<1x128xi32, #tpu.memory_space<vmem>> -> memref<128xi32, #tpu.memory_space<vmem>>
      %dma_start3A_79 = arith.constant 0 : i32
      %dma_start3A_80 = arith.constant 0 : i32
      %dma_start3A_81 = tpu.memref_slice %arg11[%dma_start3A_79, %dma_start3A_80] : memref<10240x128xf32, #tpu.memory_space<vmem_shared>> -> memref<10240x128xf32, #tpu.memory_space<vmem_shared>>
      tpu.enqueue_indirect_dma source(%arg9 : memref<128x128xf32, #tpu.memory_space<vmem>>) target(%dma_start3A_81 : memref<10240x128xf32, #tpu.memory_space<vmem_shared>>) offsets(%dma_start3A_78 : memref<128xi32, #tpu.memory_space<vmem>>) semaphore(%arg14 : memref<!tpu.dma_semaphore, #tpu.memory_space<semaphore_mem>>) {add = true}
      %dma_wait3A_82 = arith.constant 0 : i32
      %dma_wait3A_83 = tpu.memref_slice %arg7[%add3A_67, %dma_wait3A_82] : memref<40x128xi32, #tpu.memory_space<vmem>> -> memref<1x128xi32, #tpu.memory_space<vmem>>
      %dma_wait3A_84 = tpu.memref_squeeze %dma_wait3A_83 : memref<1x128xi32, #tpu.memory_space<vmem>> -> memref<128xi32, #tpu.memory_space<vmem>>
      %dma_wait3A_85 = arith.constant 0 : i32
      %dma_wait3A_86 = arith.constant 0 : i32
      %dma_wait3A_87 = tpu.memref_slice %arg2[%dma_wait3A_85, %dma_wait3A_86] : memref<10240x128xf32, #tpu.memory_space<hbm>> -> memref<10240x128xf32, #tpu.memory_space<hbm>>
      tpu.wait_indirect_dma semaphore(%arg13 : memref<!tpu.dma_semaphore, #tpu.memory_space<semaphore_mem>>) src(%dma_wait3A_87 : memref<10240x128xf32, #tpu.memory_space<hbm>>) dst(%arg10 : memref<128x128xf32, #tpu.memory_space<vmem>>)
      %mul3A_88 = arith.constant 2 : i32
      %mul3A_89 = arith.muli %mul3A_88, %scan3A_63 : i32
      %add3A_90 = arith.constant 1 : i32
      %add3A_91 = arith.addi %mul3A_89, %add3A_90 : i32
      %dma_start3A_92 = arith.constant 0 : i32
      %dma_start3A_93 = tpu.memref_slice %arg8[%add3A_91, %dma_start3A_92] : memref<40x128xi32, #tpu.memory_space<vmem>> -> memref<1x128xi32, #tpu.memory_space<vmem>>
      %dma_start3A_94 = tpu.memref_squeeze %dma_start3A_93 : memref<1x128xi32, #tpu.memory_space<vmem>> -> memref<128xi32, #tpu.memory_space<vmem>>
      %dma_start3A_95 = arith.constant 0 : i32
      %dma_start3A_96 = arith.constant 0 : i32
      %dma_start3A_97 = tpu.memref_slice %arg11[%dma_start3A_95, %dma_start3A_96] : memref<10240x128xf32, #tpu.memory_space<vmem_shared>> -> memref<10240x128xf32, #tpu.memory_space<vmem_shared>>
      tpu.enqueue_indirect_dma source(%arg10 : memref<128x128xf32, #tpu.memory_space<vmem>>) target(%dma_start3A_97 : memref<10240x128xf32, #tpu.memory_space<vmem_shared>>) offsets(%dma_start3A_94 : memref<128xi32, #tpu.memory_space<vmem>>) semaphore(%arg15 : memref<!tpu.dma_semaphore, #tpu.memory_space<semaphore_mem>>) {add = true}
      %dma_wait3A_98 = arith.constant 0 : i32
      %dma_wait3A_99 = tpu.memref_slice %arg8[%mul3A_75, %dma_wait3A_98] : memref<40x128xi32, #tpu.memory_space<vmem>> -> memref<1x128xi32, #tpu.memory_space<vmem>>
      %dma_wait3A_100 = tpu.memref_squeeze %dma_wait3A_99 : memref<1x128xi32, #tpu.memory_space<vmem>> -> memref<128xi32, #tpu.memory_space<vmem>>
      %dma_wait3A_101 = arith.constant 0 : i32
      %dma_wait3A_102 = arith.constant 0 : i32
      %dma_wait3A_103 = tpu.memref_slice %arg11[%dma_wait3A_101, %dma_wait3A_102] : memref<10240x128xf32, #tpu.memory_space<vmem_shared>> -> memref<10240x128xf32, #tpu.memory_space<vmem_shared>>
      tpu.wait_indirect_dma semaphore(%arg14 : memref<!tpu.dma_semaphore, #tpu.memory_space<semaphore_mem>>) src(%arg9 : memref<128x128xf32, #tpu.memory_space<vmem>>) dst(%dma_wait3A_103 : memref<10240x128xf32, #tpu.memory_space<vmem_shared>>)
      %lt3A = arith.constant 19 : i32
      %lt3A_104 = arith.cmpi slt, %scan3A_63, %lt3A : i32
      %convert_element_type3A = arith.extui %lt3A_104 : i1 to i32
      %cond3A = arith.constant 0 : i32
      %cond3A_105 = arith.cmpi ne, %convert_element_type3A, %cond3A : i32
      scf.if %cond3A_105 {
        %mul3A_112 = arith.constant 2 : i32
        %mul3A_113 = arith.muli %mul3A_112, %scan3A_63 : i32
        %add3A_114 = arith.constant 2 : i32
        %add3A_115 = arith.addi %mul3A_113, %add3A_114 : i32
        %dma_start3A_116 = arith.constant 0 : i32
        %dma_start3A_117 = tpu.memref_slice %arg7[%add3A_115, %dma_start3A_116] : memref<40x128xi32, #tpu.memory_space<vmem>> -> memref<1x128xi32, #tpu.memory_space<vmem>>
        %dma_start3A_118 = tpu.memref_squeeze %dma_start3A_117 : memref<1x128xi32, #tpu.memory_space<vmem>> -> memref<128xi32, #tpu.memory_space<vmem>>
        %dma_start3A_119 = arith.constant 0 : i32
        %dma_start3A_120 = arith.constant 0 : i32
        %dma_start3A_121 = tpu.memref_slice %arg2[%dma_start3A_119, %dma_start3A_120] : memref<10240x128xf32, #tpu.memory_space<hbm>> -> memref<10240x128xf32, #tpu.memory_space<hbm>>
        tpu.enqueue_indirect_dma source(%dma_start3A_121 : memref<10240x128xf32, #tpu.memory_space<hbm>>) target(%arg9 : memref<128x128xf32, #tpu.memory_space<vmem>>) offsets(%dma_start3A_118 : memref<128xi32, #tpu.memory_space<vmem>>) semaphore(%arg12 : memref<!tpu.dma_semaphore, #tpu.memory_space<semaphore_mem>>)
        %dma_wait3A_122 = arith.constant 0 : i32
        %dma_wait3A_123 = tpu.memref_slice %arg7[%add3A_115, %dma_wait3A_122] : memref<40x128xi32, #tpu.memory_space<vmem>> -> memref<1x128xi32, #tpu.memory_space<vmem>>
        %dma_wait3A_124 = tpu.memref_squeeze %dma_wait3A_123 : memref<1x128xi32, #tpu.memory_space<vmem>> -> memref<128xi32, #tpu.memory_space<vmem>>
        %dma_wait3A_125 = arith.constant 0 : i32
        %dma_wait3A_126 = arith.constant 0 : i32
        %dma_wait3A_127 = tpu.memref_slice %arg2[%dma_wait3A_125, %dma_wait3A_126] : memref<10240x128xf32, #tpu.memory_space<hbm>> -> memref<10240x128xf32, #tpu.memory_space<hbm>>
        tpu.wait_indirect_dma semaphore(%arg12 : memref<!tpu.dma_semaphore, #tpu.memory_space<semaphore_mem>>) src(%dma_wait3A_127 : memref<10240x128xf32, #tpu.memory_space<hbm>>) dst(%arg9 : memref<128x128xf32, #tpu.memory_space<vmem>>)
      } else {
      }
      %dma_wait3A_106 = arith.constant 0 : i32
      %dma_wait3A_107 = tpu.memref_slice %arg8[%add3A_91, %dma_wait3A_106] : memref<40x128xi32, #tpu.memory_space<vmem>> -> memref<1x128xi32, #tpu.memory_space<vmem>>
      %dma_wait3A_108 = tpu.memref_squeeze %dma_wait3A_107 : memref<1x128xi32, #tpu.memory_space<vmem>> -> memref<128xi32, #tpu.memory_space<vmem>>
      %dma_wait3A_109 = arith.constant 0 : i32
      %dma_wait3A_110 = arith.constant 0 : i32
      %dma_wait3A_111 = tpu.memref_slice %arg11[%dma_wait3A_109, %dma_wait3A_110] : memref<10240x128xf32, #tpu.memory_space<vmem_shared>> -> memref<10240x128xf32, #tpu.memory_space<vmem_shared>>
      tpu.wait_indirect_dma semaphore(%arg15 : memref<!tpu.dma_semaphore, #tpu.memory_space<semaphore_mem>>) src(%arg10 : memref<128x128xf32, #tpu.memory_space<vmem>>) dst(%dma_wait3A_111 : memref<10240x128xf32, #tpu.memory_space<vmem_shared>>)
    }
    %scan3A_57 = arith.constant 20 : i32
    %barrier3A_58 = arith.constant 0 : index
    tpu.barrier barrier_id(%barrier3A_58)
    %mul3A_59 = arith.constant 640 : i32
    %mul3A_60 = arith.muli %arg1, %mul3A_59 : i32
    %mul3A_61 = arith.constant 640 : i32
    %mul3A_62 = arith.muli %arg1, %mul3A_61 : i32
    "tpu.region"() ({
      %run_scoped3A = tpu.sem_alloc : memref<!tpu.dma_semaphore, #tpu.memory_space<semaphore_mem>>
      %dma_start3A_63 = arith.constant 0 : i32
      %dma_start3A_64 = tpu.memref_slice %arg6[%arg0, %mul3A_62, %dma_start3A_63] : memref<2x10240x128xf32, #tpu.memory_space<hbm>> -> memref<1x640x128xf32, #tpu.memory_space<hbm>>
      %dma_start3A_65 = tpu.memref_squeeze %dma_start3A_64 : memref<1x640x128xf32, #tpu.memory_space<hbm>> -> memref<640x128xf32, #tpu.memory_space<hbm>>
      %dma_start3A_66 = arith.constant 0 : i32
      %dma_start3A_67 = tpu.memref_slice %arg11[%mul3A_60, %dma_start3A_66] : memref<10240x128xf32, #tpu.memory_space<vmem_shared>> -> memref<640x128xf32, #tpu.memory_space<vmem_shared>>
      tpu.enqueue_dma source(%dma_start3A_67 : memref<640x128xf32, #tpu.memory_space<vmem_shared>>) target(%dma_start3A_65 : memref<640x128xf32, #tpu.memory_space<hbm>>) target_semaphore(%run_scoped3A : memref<!tpu.dma_semaphore, #tpu.memory_space<semaphore_mem>>)
      %dma_wait3A_68 = arith.constant 0 : i32
      %dma_wait3A_69 = tpu.memref_slice %arg6[%arg0, %mul3A_62, %dma_wait3A_68] : memref<2x10240x128xf32, #tpu.memory_space<hbm>> -> memref<1x640x128xf32, #tpu.memory_space<hbm>>
      %dma_wait3A_70 = tpu.memref_squeeze %dma_wait3A_69 : memref<1x640x128xf32, #tpu.memory_space<hbm>> -> memref<640x128xf32, #tpu.memory_space<hbm>>
      %dma_wait3A_71 = arith.constant 0 : i32
      %dma_wait3A_72 = tpu.memref_slice %arg11[%mul3A_60, %dma_wait3A_71] : memref<10240x128xf32, #tpu.memory_space<vmem_shared>> -> memref<640x128xf32, #tpu.memory_space<vmem_shared>>
      tpu.wait_dma2 semaphore(%run_scoped3A : memref<!tpu.dma_semaphore, #tpu.memory_space<semaphore_mem>>) src(%dma_wait3A_72 : memref<640x128xf32, #tpu.memory_space<vmem_shared>>) dst(%dma_wait3A_70 : memref<640x128xf32, #tpu.memory_space<hbm>>)
      tpu.yield
    }) : () -> ()
    return
  }
}

module attributes {stable_mosaic.version = 14 : i64} {
  func.func @body(%arg0: i32, %arg1: memref<1024x128xf32, #tpu.memory_space<vmem>>, %arg2: memref<128x128xf32, #tpu.memory_space<vmem>>, %arg3: memref<1024x128xf32, #tpu.memory_space<vmem>>) attributes {dimension_semantics = [#tpu.dimension_semantics<arbitrary>], iteration_bounds = array<i64: 10>, scalar_prefetch = 0 : i64, scratch_operands = 0 : i64, tpu.core_type = #tpu.core_type<tc>, window_params = [{transform_indices = @transform_0, window_bounds = array<i64: 1024, 128>}, {pipeline_mode = #tpu.pipeline_mode<synchronous>, transform_indices = @transform_1, window_bounds = array<i64: 128, 128>}, {transform_indices = @transform_2, window_bounds = array<i64: 1024, 128>}]} {
    %get3A = arith.constant 0 : index
    %get3A_0 = arith.constant 0 : index
    %get3A_1 = vector.load %arg1[%get3A, %get3A_0] : memref<1024x128xf32, #tpu.memory_space<vmem>>, vector<1024x128xf32>
    %get3A_2 = arith.constant 0 : index
    %get3A_3 = arith.constant 0 : index
    %get3A_4 = vector.load %arg2[%get3A_2, %get3A_3] : memref<128x128xf32, #tpu.memory_space<vmem>>, vector<128x128xf32>
    %dot_general3A = arith.constant dense<0.000000e+00> : vector<1024x128xf32>
    %dot_general3A_5 = tpu.matmul %get3A_1, %get3A_4, %dot_general3A {dimension_numbers = #tpu.dot_dimension_numbers<[1], [0], [0], [1], [0, 0, 1, 1], [], []>, transpose_lhs_hint = false} : vector<1024x128xf32>, vector<128x128xf32>, vector<1024x128xf32> -> vector<1024x128xf32>
    %swap3A = arith.constant 0 : index
    %swap3A_6 = arith.constant 0 : index
    %swap3A_7 = vector.load %arg3[%swap3A, %swap3A_6] : memref<1024x128xf32, #tpu.memory_space<vmem>>, vector<1024x128xf32>
    tpu.vector_store %arg3[%swap3A, %swap3A_6], %dot_general3A_5 {strides = array<i32>} : memref<1024x128xf32, #tpu.memory_space<vmem>>, vector<1024x128xf32>,
    return
  }
  func.func @transform_0(%arg0: i32) -> (i32, i32) {
    %c0_i32 = arith.constant 0 : i32
    %c0_i32_0 = arith.constant 0 : i32
    return %arg0, %c0_i32 : i32, i32
  }
  func.func @transform_1(%arg0: i32) -> (i32, i32) {
    %c0_i32 = arith.constant 0 : i32
    %c0_i32_0 = arith.constant 0 : i32
    %c0_i32_1 = arith.constant 0 : i32
    return %c0_i32, %c0_i32_0 : i32, i32
  }
  func.func @transform_2(%arg0: i32) -> (i32, i32) {
    %c0_i32 = arith.constant 0 : i32
    %c0_i32_0 = arith.constant 0 : i32
    return %arg0, %c0_i32 : i32, i32
  }
}

module attributes {stable_mosaic.version = 14 : i64} {
  func.func @body(%arg0: i32, %arg1: memref<32x1024xf32, #tpu.memory_space<vmem>>, %arg2: memref<32x1024xf32, #tpu.memory_space<vmem>>, %arg3: memref<1024x1xf32, #tpu.memory_space<vmem>>, %arg4: memref<1024x1xf32, #tpu.memory_space<vmem>>) attributes {dimension_semantics = [#tpu.dimension_semantics<arbitrary>], iteration_bounds = array<i64: 10>, scalar_prefetch = 0 : i64, scratch_operands = 0 : i64, tpu.core_type = #tpu.core_type<tc>, window_params = [{transform_indices = @transform_0, window_bounds = array<i64: 32, 1024>}, {transform_indices = @transform_1, window_bounds = array<i64: 32, 1024>}, {transform_indices = @transform_2, window_bounds = array<i64: 1024, 1>}, {transform_indices = @transform_3, window_bounds = array<i64: 1024, 1>}]} {
    %iota3A = tpu.iota {dimensions = array<i32: 0>} : vector<1024x1024xi32>
    %iota3A_0 = tpu.iota {dimensions = array<i32: 1>} : vector<1024x1024xi32>
    %eq3A = arith.cmpi eq, %iota3A, %iota3A_0 : vector<1024x1024xi32>
    %convert_element_type3A = arith.extui %eq3A : vector<1024x1024xi1> to vector<1024x1024xi32>
    %convert_element_type3A_1 = arith.sitofp %convert_element_type3A : vector<1024x1024xi32> to vector<1024x1024xf32>
    %get3A = arith.constant 0 : index
    %get3A_2 = arith.constant 0 : index
    %get3A_3 = vector.load %arg1[%get3A, %get3A_2] : memref<32x1024xf32, #tpu.memory_space<vmem>>, vector<32x1024xf32>
    %reduce_sum3A = arith.constant dense<0.000000e+00> : vector<1024xf32>
    %reduce_sum3A_4 = vector.multi_reduction <add>, %get3A_3, %reduce_sum3A [0] : vector<32x1024xf32> to vector<1024xf32>
    %broadcast_in_dim3A = vector.shape_cast %reduce_sum3A_4 : vector<1024xf32> to vector<1x1024xf32>
    %gt3A = arith.constant 0.000000e+00 : f32
    %gt3A_5 = vector.broadcast %gt3A : f32 to vector<1x1024xf32>
    %gt3A_6 = arith.cmpf ogt, %broadcast_in_dim3A, %gt3A_5 : vector<1x1024xf32>
    %div3A = arith.constant 1.000000e+00 : f32
    %div3A_7 = vector.broadcast %div3A : f32 to vector<1x1024xf32>
    %div3A_8 = arith.divf %div3A_7, %broadcast_in_dim3A : vector<1x1024xf32>
    %jit3A = arith.constant 0.000000e+00 : f32
    %broadcast_in_dim3A_9 = vector.broadcast %jit3A : f32 to vector<1x1024xf32>
    %select_n3A = arith.select %gt3A_6, %div3A_8, %broadcast_in_dim3A_9 : vector<1x1024xi1>, vector<1x1024xf32>
    %dot_general3A = arith.constant dense<0.000000e+00> : vector<1024x1xf32>
    %dot_general3A_10 = tpu.matmul %convert_element_type3A_1, %select_n3A, %dot_general3A {dimension_numbers = #tpu.dot_dimension_numbers<[1], [1], [0], [0], [0, 0, 1, 0], [], []>, transpose_lhs_hint = false} : vector<1024x1024xf32>, vector<1x1024xf32>, vector<1024x1xf32> -> vector<1024x1xf32>
    %swap3A = arith.constant 0 : index
    %swap3A_11 = arith.constant 0 : index
    %swap3A_12 = vector.load %arg3[%swap3A, %swap3A_11] : memref<1024x1xf32, #tpu.memory_space<vmem>>, vector<1024x1xf32>
    tpu.vector_store %arg3[%swap3A, %swap3A_11], %dot_general3A_10 {strides = array<i32>} : memref<1024x1xf32, #tpu.memory_space<vmem>>, vector<1024x1xf32>,
    %get3A_13 = arith.constant 0 : index
    %get3A_14 = arith.constant 0 : index
    %get3A_15 = vector.load %arg2[%get3A_13, %get3A_14] : memref<32x1024xf32, #tpu.memory_space<vmem>>, vector<32x1024xf32>
    %reduce_sum3A_16 = arith.constant dense<0.000000e+00> : vector<1024xf32>
    %reduce_sum3A_17 = vector.multi_reduction <add>, %get3A_15, %reduce_sum3A_16 [0] : vector<32x1024xf32> to vector<1024xf32>
    %broadcast_in_dim3A_18 = vector.shape_cast %reduce_sum3A_17 : vector<1024xf32> to vector<1x1024xf32>
    %gt3A_19 = arith.constant 0.000000e+00 : f32
    %gt3A_20 = vector.broadcast %gt3A_19 : f32 to vector<1x1024xf32>
    %gt3A_21 = arith.cmpf ogt, %broadcast_in_dim3A_18, %gt3A_20 : vector<1x1024xf32>
    %div3A_22 = arith.constant 1.000000e+00 : f32
    %div3A_23 = vector.broadcast %div3A_22 : f32 to vector<1x1024xf32>
    %div3A_24 = arith.divf %div3A_23, %broadcast_in_dim3A_18 : vector<1x1024xf32>
    %jit3A_25 = arith.constant 0.000000e+00 : f32
    %broadcast_in_dim3A_26 = vector.broadcast %jit3A_25 : f32 to vector<1x1024xf32>
    %select_n3A_27 = arith.select %gt3A_21, %div3A_24, %broadcast_in_dim3A_26 : vector<1x1024xi1>, vector<1x1024xf32>
    %dot_general3A_28 = arith.constant dense<0.000000e+00> : vector<1024x1xf32>
    %dot_general3A_29 = tpu.matmul %convert_element_type3A_1, %select_n3A_27, %dot_general3A_28 {dimension_numbers = #tpu.dot_dimension_numbers<[1], [1], [0], [0], [0, 0, 1, 0], [], []>, transpose_lhs_hint = false} : vector<1024x1024xf32>, vector<1x1024xf32>, vector<1024x1xf32> -> vector<1024x1xf32>
    %swap3A_30 = arith.constant 0 : index
    %swap3A_31 = arith.constant 0 : index
    %swap3A_32 = vector.load %arg4[%swap3A_30, %swap3A_31] : memref<1024x1xf32, #tpu.memory_space<vmem>>, vector<1024x1xf32>
    tpu.vector_store %arg4[%swap3A_30, %swap3A_31], %dot_general3A_29 {strides = array<i32>} : memref<1024x1xf32, #tpu.memory_space<vmem>>, vector<1024x1xf32>,
    return
  }
  func.func @transform_0(%arg0: i32) -> (i32, i32) {
    %c0_i32 = arith.constant 0 : i32
    %c0_i32_0 = arith.constant 0 : i32
    return %c0_i32, %arg0 : i32, i32
  }
  func.func @transform_1(%arg0: i32) -> (i32, i32) {
    %c0_i32 = arith.constant 0 : i32
    %c0_i32_0 = arith.constant 0 : i32
    return %c0_i32, %arg0 : i32, i32
  }
  func.func @transform_2(%arg0: i32) -> (i32, i32) {
    %c0_i32 = arith.constant 0 : i32
    %c0_i32_0 = arith.constant 0 : i32
    return %arg0, %c0_i32 : i32, i32
  }
  func.func @transform_3(%arg0: i32) -> (i32, i32) {
    %c0_i32 = arith.constant 0 : i32
    %c0_i32_0 = arith.constant 0 : i32
    return %arg0, %c0_i32 : i32, i32
  }
}

module attributes {stable_mosaic.version = 14 : i64} {
  func.func @body(%arg0: i32, %arg1: memref<1024x128xf32, #tpu.memory_space<vmem>>, %arg2: memref<1024x128xf32, #tpu.memory_space<vmem>>, %arg3: memref<1024x1xf32, #tpu.memory_space<vmem>>, %arg4: memref<1024x128xf32, #tpu.memory_space<vmem>>) attributes {dimension_semantics = [#tpu.dimension_semantics<arbitrary>], iteration_bounds = array<i64: 10>, scalar_prefetch = 0 : i64, scratch_operands = 0 : i64, tpu.core_type = #tpu.core_type<tc>, window_params = [{transform_indices = @transform_0, window_bounds = array<i64: 1024, 128>}, {transform_indices = @transform_1, window_bounds = array<i64: 1024, 128>}, {transform_indices = @transform_2, window_bounds = array<i64: 1024, 1>}, {transform_indices = @transform_3, window_bounds = array<i64: 1024, 128>}]} {
    %get3A = arith.constant 0 : index
    %get3A_0 = arith.constant 0 : index
    %get3A_1 = vector.load %arg1[%get3A, %get3A_0] : memref<1024x128xf32, #tpu.memory_space<vmem>>, vector<1024x128xf32>
    %get3A_2 = arith.constant 0 : index
    %get3A_3 = arith.constant 0 : index
    %get3A_4 = vector.load %arg2[%get3A_2, %get3A_3] : memref<1024x128xf32, #tpu.memory_space<vmem>>, vector<1024x128xf32>
    %add3A = arith.addf %get3A_1, %get3A_4 : vector<1024x128xf32>
    %get3A_5 = arith.constant 0 : index
    %get3A_6 = arith.constant 0 : index
    %get3A_7 = vector.load %arg3[%get3A_5, %get3A_6] : memref<1024x1xf32, #tpu.memory_space<vmem>>, vector<1024x1xf32>
    %mul3A = vector.broadcast %get3A_7 : vector<1024x1xf32> to vector<1024x128xf32>
    %mul3A_8 = arith.mulf %add3A, %mul3A : vector<1024x128xf32>
    %swap3A = arith.constant 0 : index
    %swap3A_9 = arith.constant 0 : index
    %swap3A_10 = vector.load %arg4[%swap3A, %swap3A_9] : memref<1024x128xf32, #tpu.memory_space<vmem>>, vector<1024x128xf32>
    tpu.vector_store %arg4[%swap3A, %swap3A_9], %mul3A_8 {strides = array<i32>} : memref<1024x128xf32, #tpu.memory_space<vmem>>, vector<1024x128xf32>,
    return
  }
  func.func @transform_0(%arg0: i32) -> (i32, i32) {
    %c0_i32 = arith.constant 0 : i32
    %c0_i32_0 = arith.constant 0 : i32
    return %arg0, %c0_i32 : i32, i32
  }
  func.func @transform_1(%arg0: i32) -> (i32, i32) {
    %c0_i32 = arith.constant 0 : i32
    %c0_i32_0 = arith.constant 0 : i32
    return %arg0, %c0_i32 : i32, i32
  }
  func.func @transform_2(%arg0: i32) -> (i32, i32) {
    %c0_i32 = arith.constant 0 : i32
    %c0_i32_0 = arith.constant 0 : i32
    return %arg0, %c0_i32 : i32, i32
  }
  func.func @transform_3(%arg0: i32) -> (i32, i32) {
    %c0_i32 = arith.constant 0 : i32
    %c0_i32_0 = arith.constant 0 : i32
    return %arg0, %c0_i32 : i32, i32
  }
}

module attributes {stable_mosaic.version = 14 : i64} {
  func.func @body(%arg0: i32, %arg1: memref<1024x128xf32, #tpu.memory_space<vmem>>, %arg2: memref<1024x128xf32, #tpu.memory_space<vmem>>, %arg3: memref<1024x1xf32, #tpu.memory_space<vmem>>, %arg4: memref<1x128xf32, #tpu.memory_space<vmem>>, %arg5: memref<128x128xf32, #tpu.memory_space<vmem>>, %arg6: memref<1024x128xf32, #tpu.memory_space<vmem>>, %arg7: memref<1024x128xf32, #tpu.memory_space<vmem>>) attributes {dimension_semantics = [#tpu.dimension_semantics<arbitrary>], iteration_bounds = array<i64: 10>, scalar_prefetch = 0 : i64, scratch_operands = 0 : i64, tpu.core_type = #tpu.core_type<tc>, window_params = [{transform_indices = @transform_0, window_bounds = array<i64: 1024, 128>}, {transform_indices = @transform_1, window_bounds = array<i64: 1024, 128>}, {transform_indices = @transform_2, window_bounds = array<i64: 1024, 1>}, {pipeline_mode = #tpu.pipeline_mode<synchronous>, transform_indices = @transform_3, window_bounds = array<i64: 1, 128>}, {pipeline_mode = #tpu.pipeline_mode<synchronous>, transform_indices = @transform_4, window_bounds = array<i64: 128, 128>}, {transform_indices = @transform_5, window_bounds = array<i64: 1024, 128>}, {transform_indices = @transform_6, window_bounds = array<i64: 1024, 128>}]} {
    %get3A = arith.constant 0 : index
    %get3A_0 = arith.constant 0 : index
    %get3A_1 = vector.load %arg1[%get3A, %get3A_0] : memref<1024x128xf32, #tpu.memory_space<vmem>>, vector<1024x128xf32>
    %get3A_2 = arith.constant 0 : index
    %get3A_3 = arith.constant 0 : index
    %get3A_4 = vector.load %arg2[%get3A_2, %get3A_3] : memref<1024x128xf32, #tpu.memory_space<vmem>>, vector<1024x128xf32>
    %add3A = arith.addf %get3A_1, %get3A_4 : vector<1024x128xf32>
    %get3A_5 = arith.constant 0 : index
    %get3A_6 = arith.constant 0 : index
    %get3A_7 = vector.load %arg3[%get3A_5, %get3A_6] : memref<1024x1xf32, #tpu.memory_space<vmem>>, vector<1024x1xf32>
    %mul3A = vector.broadcast %get3A_7 : vector<1024x1xf32> to vector<1024x128xf32>
    %mul3A_8 = arith.mulf %add3A, %mul3A : vector<1024x128xf32>
    %get3A_9 = arith.constant 0 : index
    %get3A_10 = arith.constant 0 : index
    %get3A_11 = vector.load %arg4[%get3A_9, %get3A_10] : memref<1x128xf32, #tpu.memory_space<vmem>>, vector<1x128xf32>
    %add3A_12 = vector.broadcast %get3A_11 : vector<1x128xf32> to vector<1024x128xf32>
    %add3A_13 = arith.addf %mul3A_8, %add3A_12 : vector<1024x128xf32>
    %max3A = arith.constant 0.000000e+00 : f32
    %max3A_14 = vector.broadcast %max3A : f32 to vector<1024x128xf32>
    %max3A_15 = arith.maximumf %add3A_13, %max3A_14 : vector<1024x128xf32>
    %swap3A = arith.constant 0 : index
    %swap3A_16 = arith.constant 0 : index
    %swap3A_17 = vector.load %arg6[%swap3A, %swap3A_16] : memref<1024x128xf32, #tpu.memory_space<vmem>>, vector<1024x128xf32>
    tpu.vector_store %arg6[%swap3A, %swap3A_16], %max3A_15 {strides = array<i32>} : memref<1024x128xf32, #tpu.memory_space<vmem>>, vector<1024x128xf32>,
    %get3A_18 = arith.constant 0 : index
    %get3A_19 = arith.constant 0 : index
    %get3A_20 = vector.load %arg5[%get3A_18, %get3A_19] : memref<128x128xf32, #tpu.memory_space<vmem>>, vector<128x128xf32>
    %dot_general3A = arith.constant dense<0.000000e+00> : vector<1024x128xf32>
    %dot_general3A_21 = tpu.matmul %max3A_15, %get3A_20, %dot_general3A {dimension_numbers = #tpu.dot_dimension_numbers<[1], [0], [0], [1], [0, 0, 1, 1], [], []>, transpose_lhs_hint = false} : vector<1024x128xf32>, vector<128x128xf32>, vector<1024x128xf32> -> vector<1024x128xf32>
    %swap3A_22 = arith.constant 0 : index
    %swap3A_23 = arith.constant 0 : index
    %swap3A_24 = vector.load %arg7[%swap3A_22, %swap3A_23] : memref<1024x128xf32, #tpu.memory_space<vmem>>, vector<1024x128xf32>
    tpu.vector_store %arg7[%swap3A_22, %swap3A_23], %dot_general3A_21 {strides = array<i32>} : memref<1024x128xf32, #tpu.memory_space<vmem>>, vector<1024x128xf32>,
    return
  }
  func.func @transform_0(%arg0: i32) -> (i32, i32) {
    %c0_i32 = arith.constant 0 : i32
    %c0_i32_0 = arith.constant 0 : i32
    return %arg0, %c0_i32 : i32, i32
  }
  func.func @transform_1(%arg0: i32) -> (i32, i32) {
    %c0_i32 = arith.constant 0 : i32
    %c0_i32_0 = arith.constant 0 : i32
    return %arg0, %c0_i32 : i32, i32
  }
  func.func @transform_2(%arg0: i32) -> (i32, i32) {
    %c0_i32 = arith.constant 0 : i32
    %c0_i32_0 = arith.constant 0 : i32
    return %arg0, %c0_i32 : i32, i32
  }
  func.func @transform_3(%arg0: i32) -> (i32, i32) {
    %c0_i32 = arith.constant 0 : i32
    %c0_i32_0 = arith.constant 0 : i32
    %c0_i32_1 = arith.constant 0 : i32
    return %c0_i32, %c0_i32_0 : i32, i32
  }
  func.func @transform_4(%arg0: i32) -> (i32, i32) {
    %c0_i32 = arith.constant 0 : i32
    %c0_i32_0 = arith.constant 0 : i32
    %c0_i32_1 = arith.constant 0 : i32
    return %c0_i32, %c0_i32_0 : i32, i32
  }
  func.func @transform_5(%arg0: i32) -> (i32, i32) {
    %c0_i32 = arith.constant 0 : i32
    %c0_i32_0 = arith.constant 0 : i32
    return %arg0, %c0_i32 : i32, i32
  }
  func.func @transform_6(%arg0: i32) -> (i32, i32) {
    %c0_i32 = arith.constant 0 : i32
    %c0_i32_0 = arith.constant 0 : i32
    return %arg0, %c0_i32 : i32, i32
  }
}

module attributes {stable_mosaic.version = 14 : i64} {
  func.func @body(%arg0: i32, %arg1: memref<1024x128xf32, #tpu.memory_space<vmem>>, %arg2: memref<1024x128xf32, #tpu.memory_space<vmem>>, %arg3: memref<1024x1xf32, #tpu.memory_space<vmem>>, %arg4: memref<1x128xf32, #tpu.memory_space<vmem>>, %arg5: memref<1024x128xf32, #tpu.memory_space<vmem>>, %arg6: memref<1024x1xi32, #tpu.memory_space<vmem>>, %arg7: memref<384x128xf32, #tpu.memory_space<vmem>>, %arg8: memref<1x128xf32, #tpu.memory_space<vmem>>, %arg9: memref<64x128xf32, #tpu.memory_space<vmem>>, %arg10: memref<64x128xf32, #tpu.memory_space<vmem>>, %arg11: memref<1x64xf32, #tpu.memory_space<vmem>>, %arg12: memref<64x128xf32, #tpu.memory_space<vmem>>) attributes {dimension_semantics = [#tpu.dimension_semantics<arbitrary>], iteration_bounds = array<i64: 10>, scalar_prefetch = 0 : i64, scratch_operands = 3 : i64, tpu.core_type = #tpu.core_type<tc>, window_params = [{transform_indices = @transform_0, window_bounds = array<i64: 1024, 128>}, {transform_indices = @transform_1, window_bounds = array<i64: 1024, 128>}, {transform_indices = @transform_2, window_bounds = array<i64: 1024, 1>}, {pipeline_mode = #tpu.pipeline_mode<synchronous>, transform_indices = @transform_3, window_bounds = array<i64: 1, 128>}, {transform_indices = @transform_4, window_bounds = array<i64: 1024, 128>}, {transform_indices = @transform_5, window_bounds = array<i64: 1024, 1>}, {pipeline_mode = #tpu.pipeline_mode<synchronous>, transform_indices = @transform_6, window_bounds = array<i64: 384, 128>}, {pipeline_mode = #tpu.pipeline_mode<synchronous>, transform_indices = @transform_7, window_bounds = array<i64: 1, 128>}, {pipeline_mode = #tpu.pipeline_mode<synchronous>, transform_indices = @transform_8, window_bounds = array<i64: 64, 128>}]} {
    %eq3A = arith.constant 0 : i32
    %eq3A_0 = arith.cmpi eq, %arg0, %eq3A : i32
    %convert_element_type3A = arith.extui %eq3A_0 : i1 to i32
    %cond3A = arith.constant 0 : i32
    %cond3A_1 = arith.cmpi ne, %convert_element_type3A, %cond3A : i32
    scf.if %cond3A_1 {
      %broadcast_in_dim3A_566 = arith.constant 0.000000e+00 : f32
      %broadcast_in_dim3A_567 = vector.broadcast %broadcast_in_dim3A_566 : f32 to vector<64x128xf32>
      %swap3A_568 = arith.constant 0 : index
      %swap3A_569 = arith.constant 0 : index
      %swap3A_570 = vector.load %arg10[%swap3A_568, %swap3A_569] : memref<64x128xf32, #tpu.memory_space<vmem>>, vector<64x128xf32>
      tpu.vector_store %arg10[%swap3A_568, %swap3A_569], %broadcast_in_dim3A_567 {strides = array<i32>} : memref<64x128xf32, #tpu.memory_space<vmem>>, vector<64x128xf32>,
      %broadcast_in_dim3A_571 = arith.constant 0.000000e+00 : f32
      %broadcast_in_dim3A_572 = vector.broadcast %broadcast_in_dim3A_571 : f32 to vector<1x64xf32>
      %swap3A_573 = arith.constant 0 : index
      %swap3A_574 = arith.constant 0 : index
      %swap3A_575 = vector.load %arg11[%swap3A_573, %swap3A_574] : memref<1x64xf32, #tpu.memory_space<vmem>>, vector<1x64xf32>
      tpu.vector_store %arg11[%swap3A_573, %swap3A_574], %broadcast_in_dim3A_572 {strides = array<i32>} : memref<1x64xf32, #tpu.memory_space<vmem>>, vector<1x64xf32>,
      %broadcast_in_dim3A_576 = arith.constant 0xFF800000 : f32
      %broadcast_in_dim3A_577 = vector.broadcast %broadcast_in_dim3A_576 : f32 to vector<64x128xf32>
      %swap3A_578 = arith.constant 0 : index
      %swap3A_579 = arith.constant 0 : index
      %swap3A_580 = vector.load %arg12[%swap3A_578, %swap3A_579] : memref<64x128xf32, #tpu.memory_space<vmem>>, vector<64x128xf32>
      tpu.vector_store %arg12[%swap3A_578, %swap3A_579], %broadcast_in_dim3A_577 {strides = array<i32>} : memref<64x128xf32, #tpu.memory_space<vmem>>, vector<64x128xf32>,
    } else {
    }
    %get3A = arith.constant 0 : index
    %get3A_2 = arith.constant 0 : index
    %get3A_3 = vector.load %arg1[%get3A, %get3A_2] : memref<1024x128xf32, #tpu.memory_space<vmem>>, vector<1024x128xf32>
    %get3A_4 = arith.constant 0 : index
    %get3A_5 = arith.constant 0 : index
    %get3A_6 = vector.load %arg2[%get3A_4, %get3A_5] : memref<1024x128xf32, #tpu.memory_space<vmem>>, vector<1024x128xf32>
    %add3A = arith.addf %get3A_3, %get3A_6 : vector<1024x128xf32>
    %get3A_7 = arith.constant 0 : index
    %get3A_8 = arith.constant 0 : index
    %get3A_9 = vector.load %arg3[%get3A_7, %get3A_8] : memref<1024x1xf32, #tpu.memory_space<vmem>>, vector<1024x1xf32>
    %mul3A = vector.broadcast %get3A_9 : vector<1024x1xf32> to vector<1024x128xf32>
    %mul3A_10 = arith.mulf %add3A, %mul3A : vector<1024x128xf32>
    %get3A_11 = arith.constant 0 : index
    %get3A_12 = arith.constant 0 : index
    %get3A_13 = vector.load %arg4[%get3A_11, %get3A_12] : memref<1x128xf32, #tpu.memory_space<vmem>>, vector<1x128xf32>
    %add3A_14 = vector.broadcast %get3A_13 : vector<1x128xf32> to vector<1024x128xf32>
    %add3A_15 = arith.addf %mul3A_10, %add3A_14 : vector<1024x128xf32>
    %max3A = arith.constant 0.000000e+00 : f32
    %max3A_16 = vector.broadcast %max3A : f32 to vector<1024x128xf32>
    %max3A_17 = arith.maximumf %add3A_15, %max3A_16 : vector<1024x128xf32>
    %get3A_18 = arith.constant 0 : index
    %get3A_19 = arith.constant 0 : index
    %get3A_20 = vector.load %arg5[%get3A_18, %get3A_19] : memref<1024x128xf32, #tpu.memory_space<vmem>>, vector<1024x128xf32>
    %add3A_21 = arith.addf %get3A_20, %max3A_17 : vector<1024x128xf32>
    %get3A_22 = arith.constant 0 : index
    %get3A_23 = arith.constant 0 : index
    %get3A_24 = vector.load %arg6[%get3A_22, %get3A_23] : memref<1024x1xi32, #tpu.memory_space<vmem>>, vector<1024x1xi32>
    %iota3A = tpu.iota {dimensions = array<i32: 1>} : vector<1024x64xi32>
    %eq3A_25 = vector.broadcast %get3A_24 : vector<1024x1xi32> to vector<1024x64xi32>
    %eq3A_26 = arith.cmpi eq, %eq3A_25, %iota3A : vector<1024x64xi32>
    %convert_element_type3A_27 = arith.extui %eq3A_26 : vector<1024x64xi1> to vector<1024x64xi32>
    %convert_element_type3A_28 = arith.sitofp %convert_element_type3A_27 : vector<1024x64xi32> to vector<1024x64xf32>
    %get3A_29 = arith.constant 0 : index
    %get3A_30 = arith.constant 0 : index
    %get3A_31 = vector.load %arg10[%get3A_29, %get3A_30] : memref<64x128xf32, #tpu.memory_space<vmem>>, vector<64x128xf32>
    %dot_general3A = arith.constant dense<0.000000e+00> : vector<64x128xf32>
    %dot_general3A_32 = tpu.matmul %convert_element_type3A_28, %add3A_21, %dot_general3A {dimension_numbers = #tpu.dot_dimension_numbers<[0], [0], [1], [1], [0, 1, 1, 1], [], []>, transpose_lhs_hint = false} : vector<1024x64xf32>, vector<1024x128xf32>, vector<64x128xf32> -> vector<64x128xf32>
    %add3A_33 = arith.addf %get3A_31, %dot_general3A_32 : vector<64x128xf32>
    %swap3A = arith.constant 0 : index
    %swap3A_34 = arith.constant 0 : index
    %swap3A_35 = vector.load %arg10[%swap3A, %swap3A_34] : memref<64x128xf32, #tpu.memory_space<vmem>>, vector<64x128xf32>
    tpu.vector_store %arg10[%swap3A, %swap3A_34], %add3A_33 {strides = array<i32>} : memref<64x128xf32, #tpu.memory_space<vmem>>, vector<64x128xf32>,
    %get3A_36 = arith.constant 0 : index
    %get3A_37 = arith.constant 0 : index
    %get3A_38 = vector.load %arg11[%get3A_36, %get3A_37] : memref<1x64xf32, #tpu.memory_space<vmem>>, vector<1x64xf32>
    %reduce_sum3A = arith.constant dense<0.000000e+00> : vector<64xf32>
    %reduce_sum3A_39 = vector.multi_reduction <add>, %convert_element_type3A_28, %reduce_sum3A [0] : vector<1024x64xf32> to vector<64xf32>
    %broadcast_in_dim3A = vector.shape_cast %reduce_sum3A_39 : vector<64xf32> to vector<1x64xf32>
    %add3A_40 = arith.addf %get3A_38, %broadcast_in_dim3A : vector<1x64xf32>
    %swap3A_41 = arith.constant 0 : index
    %swap3A_42 = arith.constant 0 : index
    %swap3A_43 = vector.load %arg11[%swap3A_41, %swap3A_42] : memref<1x64xf32, #tpu.memory_space<vmem>>, vector<1x64xf32>
    tpu.vector_store %arg11[%swap3A_41, %swap3A_42], %add3A_40 {strides = array<i32>} : memref<1x64xf32, #tpu.memory_space<vmem>>, vector<1x64xf32>,
    %reduce_min3A = vector.shape_cast %get3A_24 : vector<1024x1xi32> to vector<1x1024x1xi32>
    %reduce_min3A_44 = arith.constant dense<2147483647> : vector<1xi32>
    %reduce_min3A_45 = vector.multi_reduction <minsi>, %reduce_min3A, %reduce_min3A_44 [1, 2] : vector<1x1024x1xi32> to vector<1xi32>
    %reduce_min3A_46 = vector.shape_cast %reduce_min3A_45 : vector<1xi32> to vector<1x1x1xi32>
    %reduce_min3A_47 = vector.extract %reduce_min3A_46[0, 0, 0] : i32 from vector<1x1x1xi32>
    %reduce_max3A = vector.shape_cast %get3A_24 : vector<1024x1xi32> to vector<1x1024x1xi32>
    %reduce_max3A_48 = arith.constant dense<-2147483648> : vector<1xi32>
    %reduce_max3A_49 = vector.multi_reduction <maxsi>, %reduce_max3A, %reduce_max3A_48 [1, 2] : vector<1x1024x1xi32> to vector<1xi32>
    %reduce_max3A_50 = vector.shape_cast %reduce_max3A_49 : vector<1xi32> to vector<1x1x1xi32>
    %reduce_max3A_51 = vector.extract %reduce_max3A_50[0, 0, 0] : i32 from vector<1x1x1xi32>
    %le3A = arith.constant 0 : i32
    %le3A_52 = arith.cmpi sle, %reduce_min3A_47, %le3A : i32
    %ge3A = arith.constant 0 : i32
    %ge3A_53 = arith.cmpi sge, %reduce_max3A_51, %ge3A : i32
    %and3A = arith.andi %le3A_52, %ge3A_53 : i1
    %convert_element_type3A_54 = arith.extui %and3A : i1 to i32
    %cond3A_55 = arith.constant 0 : i32
    %cond3A_56 = arith.cmpi ne, %convert_element_type3A_54, %cond3A_55 : i32
    scf.if %cond3A_56 {
      %eq3A_566 = arith.constant 0 : i32
      %eq3A_567 = vector.broadcast %eq3A_566 : i32 to vector<1024x1xi32>
      %eq3A_568 = arith.cmpi eq, %get3A_24, %eq3A_567 : vector<1024x1xi32>
      %jit3A = arith.constant 0xFF800000 : f32
      %broadcast_in_dim3A_569 = vector.shape_cast %eq3A_568 : vector<1024x1xi1> to vector<1024x1xi1>
      %broadcast_in_dim3A_570 = vector.broadcast %broadcast_in_dim3A_569 : vector<1024x1xi1> to vector<1024x128xi1>
      %broadcast_in_dim3A_571 = vector.broadcast %jit3A : f32 to vector<1024x128xf32>
      %select_n3A = arith.select %broadcast_in_dim3A_570, %add3A_21, %broadcast_in_dim3A_571 : vector<1024x128xi1>, vector<1024x128xf32>
      %get3A_572 = arith.constant 0 : index
      %get3A_573 = arith.constant 0 : index
      %get3A_574 = vector.load %arg12[%get3A_572, %get3A_573] : memref<64x128xf32, #tpu.memory_space<vmem>>, vector<1x128xf32>
      %reduce_max3A_575 = arith.constant dense<0xFF800000> : vector<128xf32>
      %reduce_max3A_576 = vector.multi_reduction <maximumf>, %select_n3A, %reduce_max3A_575 [0] : vector<1024x128xf32> to vector<128xf32>
      %broadcast_in_dim3A_577 = vector.shape_cast %reduce_max3A_576 : vector<128xf32> to vector<1x128xf32>
      %max3A_578 = arith.maximumf %get3A_574, %broadcast_in_dim3A_577 : vector<1x128xf32>
      %swap3A_579 = arith.constant 0 : index
      %swap3A_580 = arith.constant 0 : index
      %swap3A_581 = vector.load %arg12[%swap3A_579, %swap3A_580] : memref<64x128xf32, #tpu.memory_space<vmem>>, vector<1x128xf32>
      tpu.vector_store %arg12[%swap3A_579, %swap3A_580], %max3A_578 {strides = array<i32>} : memref<64x128xf32, #tpu.memory_space<vmem>>, vector<1x128xf32>,
    } else {
    }
    %le3A_57 = arith.constant 1 : i32
    %le3A_58 = arith.cmpi sle, %reduce_min3A_47, %le3A_57 : i32
    %ge3A_59 = arith.constant 1 : i32
    %ge3A_60 = arith.cmpi sge, %reduce_max3A_51, %ge3A_59 : i32
    %and3A_61 = arith.andi %le3A_58, %ge3A_60 : i1
    %convert_element_type3A_62 = arith.extui %and3A_61 : i1 to i32
    %cond3A_63 = arith.constant 0 : i32
    %cond3A_64 = arith.cmpi ne, %convert_element_type3A_62, %cond3A_63 : i32
    scf.if %cond3A_64 {
      %eq3A_566 = arith.constant 1 : i32
      %eq3A_567 = vector.broadcast %eq3A_566 : i32 to vector<1024x1xi32>
      %eq3A_568 = arith.cmpi eq, %get3A_24, %eq3A_567 : vector<1024x1xi32>
      %jit3A = arith.constant 0xFF800000 : f32
      %broadcast_in_dim3A_569 = vector.shape_cast %eq3A_568 : vector<1024x1xi1> to vector<1024x1xi1>
      %broadcast_in_dim3A_570 = vector.broadcast %broadcast_in_dim3A_569 : vector<1024x1xi1> to vector<1024x128xi1>
      %broadcast_in_dim3A_571 = vector.broadcast %jit3A : f32 to vector<1024x128xf32>
      %select_n3A = arith.select %broadcast_in_dim3A_570, %add3A_21, %broadcast_in_dim3A_571 : vector<1024x128xi1>, vector<1024x128xf32>
      %get3A_572 = arith.constant 1 : index
      %get3A_573 = arith.constant 0 : index
      %get3A_574 = vector.load %arg12[%get3A_572, %get3A_573] : memref<64x128xf32, #tpu.memory_space<vmem>>, vector<1x128xf32>
      %reduce_max3A_575 = arith.constant dense<0xFF800000> : vector<128xf32>
      %reduce_max3A_576 = vector.multi_reduction <maximumf>, %select_n3A, %reduce_max3A_575 [0] : vector<1024x128xf32> to vector<128xf32>
      %broadcast_in_dim3A_577 = vector.shape_cast %reduce_max3A_576 : vector<128xf32> to vector<1x128xf32>
      %max3A_578 = arith.maximumf %get3A_574, %broadcast_in_dim3A_577 : vector<1x128xf32>
      %swap3A_579 = arith.constant 1 : index
      %swap3A_580 = arith.constant 0 : index
      %swap3A_581 = vector.load %arg12[%swap3A_579, %swap3A_580] : memref<64x128xf32, #tpu.memory_space<vmem>>, vector<1x128xf32>
      tpu.vector_store %arg12[%swap3A_579, %swap3A_580], %max3A_578 {strides = array<i32>} : memref<64x128xf32, #tpu.memory_space<vmem>>, vector<1x128xf32>,
    } else {
    }
    %le3A_65 = arith.constant 2 : i32
    %le3A_66 = arith.cmpi sle, %reduce_min3A_47, %le3A_65 : i32
    %ge3A_67 = arith.constant 2 : i32
    %ge3A_68 = arith.cmpi sge, %reduce_max3A_51, %ge3A_67 : i32
    %and3A_69 = arith.andi %le3A_66, %ge3A_68 : i1
    %convert_element_type3A_70 = arith.extui %and3A_69 : i1 to i32
    %cond3A_71 = arith.constant 0 : i32
    %cond3A_72 = arith.cmpi ne, %convert_element_type3A_70, %cond3A_71 : i32
    scf.if %cond3A_72 {
      %eq3A_566 = arith.constant 2 : i32
      %eq3A_567 = vector.broadcast %eq3A_566 : i32 to vector<1024x1xi32>
      %eq3A_568 = arith.cmpi eq, %get3A_24, %eq3A_567 : vector<1024x1xi32>
      %jit3A = arith.constant 0xFF800000 : f32
      %broadcast_in_dim3A_569 = vector.shape_cast %eq3A_568 : vector<1024x1xi1> to vector<1024x1xi1>
      %broadcast_in_dim3A_570 = vector.broadcast %broadcast_in_dim3A_569 : vector<1024x1xi1> to vector<1024x128xi1>
      %broadcast_in_dim3A_571 = vector.broadcast %jit3A : f32 to vector<1024x128xf32>
      %select_n3A = arith.select %broadcast_in_dim3A_570, %add3A_21, %broadcast_in_dim3A_571 : vector<1024x128xi1>, vector<1024x128xf32>
      %get3A_572 = arith.constant 2 : index
      %get3A_573 = arith.constant 0 : index
      %get3A_574 = vector.load %arg12[%get3A_572, %get3A_573] : memref<64x128xf32, #tpu.memory_space<vmem>>, vector<1x128xf32>
      %reduce_max3A_575 = arith.constant dense<0xFF800000> : vector<128xf32>
      %reduce_max3A_576 = vector.multi_reduction <maximumf>, %select_n3A, %reduce_max3A_575 [0] : vector<1024x128xf32> to vector<128xf32>
      %broadcast_in_dim3A_577 = vector.shape_cast %reduce_max3A_576 : vector<128xf32> to vector<1x128xf32>
      %max3A_578 = arith.maximumf %get3A_574, %broadcast_in_dim3A_577 : vector<1x128xf32>
      %swap3A_579 = arith.constant 2 : index
      %swap3A_580 = arith.constant 0 : index
      %swap3A_581 = vector.load %arg12[%swap3A_579, %swap3A_580] : memref<64x128xf32, #tpu.memory_space<vmem>>, vector<1x128xf32>
      tpu.vector_store %arg12[%swap3A_579, %swap3A_580], %max3A_578 {strides = array<i32>} : memref<64x128xf32, #tpu.memory_space<vmem>>, vector<1x128xf32>,
    } else {
    }
    %le3A_73 = arith.constant 3 : i32
    %le3A_74 = arith.cmpi sle, %reduce_min3A_47, %le3A_73 : i32
    %ge3A_75 = arith.constant 3 : i32
    %ge3A_76 = arith.cmpi sge, %reduce_max3A_51, %ge3A_75 : i32
    %and3A_77 = arith.andi %le3A_74, %ge3A_76 : i1
    %convert_element_type3A_78 = arith.extui %and3A_77 : i1 to i32
    %cond3A_79 = arith.constant 0 : i32
    %cond3A_80 = arith.cmpi ne, %convert_element_type3A_78, %cond3A_79 : i32
    scf.if %cond3A_80 {
      %eq3A_566 = arith.constant 3 : i32
      %eq3A_567 = vector.broadcast %eq3A_566 : i32 to vector<1024x1xi32>
      %eq3A_568 = arith.cmpi eq, %get3A_24, %eq3A_567 : vector<1024x1xi32>
      %jit3A = arith.constant 0xFF800000 : f32
      %broadcast_in_dim3A_569 = vector.shape_cast %eq3A_568 : vector<1024x1xi1> to vector<1024x1xi1>
      %broadcast_in_dim3A_570 = vector.broadcast %broadcast_in_dim3A_569 : vector<1024x1xi1> to vector<1024x128xi1>
      %broadcast_in_dim3A_571 = vector.broadcast %jit3A : f32 to vector<1024x128xf32>
      %select_n3A = arith.select %broadcast_in_dim3A_570, %add3A_21, %broadcast_in_dim3A_571 : vector<1024x128xi1>, vector<1024x128xf32>
      %get3A_572 = arith.constant 3 : index
      %get3A_573 = arith.constant 0 : index
      %get3A_574 = vector.load %arg12[%get3A_572, %get3A_573] : memref<64x128xf32, #tpu.memory_space<vmem>>, vector<1x128xf32>
      %reduce_max3A_575 = arith.constant dense<0xFF800000> : vector<128xf32>
      %reduce_max3A_576 = vector.multi_reduction <maximumf>, %select_n3A, %reduce_max3A_575 [0] : vector<1024x128xf32> to vector<128xf32>
      %broadcast_in_dim3A_577 = vector.shape_cast %reduce_max3A_576 : vector<128xf32> to vector<1x128xf32>
      %max3A_578 = arith.maximumf %get3A_574, %broadcast_in_dim3A_577 : vector<1x128xf32>
      %swap3A_579 = arith.constant 3 : index
      %swap3A_580 = arith.constant 0 : index
      %swap3A_581 = vector.load %arg12[%swap3A_579, %swap3A_580] : memref<64x128xf32, #tpu.memory_space<vmem>>, vector<1x128xf32>
      tpu.vector_store %arg12[%swap3A_579, %swap3A_580], %max3A_578 {strides = array<i32>} : memref<64x128xf32, #tpu.memory_space<vmem>>, vector<1x128xf32>,
    } else {
    }
    %le3A_81 = arith.constant 4 : i32
    %le3A_82 = arith.cmpi sle, %reduce_min3A_47, %le3A_81 : i32
    %ge3A_83 = arith.constant 4 : i32
    %ge3A_84 = arith.cmpi sge, %reduce_max3A_51, %ge3A_83 : i32
    %and3A_85 = arith.andi %le3A_82, %ge3A_84 : i1
    %convert_element_type3A_86 = arith.extui %and3A_85 : i1 to i32
    %cond3A_87 = arith.constant 0 : i32
    %cond3A_88 = arith.cmpi ne, %convert_element_type3A_86, %cond3A_87 : i32
    scf.if %cond3A_88 {
      %eq3A_566 = arith.constant 4 : i32
      %eq3A_567 = vector.broadcast %eq3A_566 : i32 to vector<1024x1xi32>
      %eq3A_568 = arith.cmpi eq, %get3A_24, %eq3A_567 : vector<1024x1xi32>
      %jit3A = arith.constant 0xFF800000 : f32
      %broadcast_in_dim3A_569 = vector.shape_cast %eq3A_568 : vector<1024x1xi1> to vector<1024x1xi1>
      %broadcast_in_dim3A_570 = vector.broadcast %broadcast_in_dim3A_569 : vector<1024x1xi1> to vector<1024x128xi1>
      %broadcast_in_dim3A_571 = vector.broadcast %jit3A : f32 to vector<1024x128xf32>
      %select_n3A = arith.select %broadcast_in_dim3A_570, %add3A_21, %broadcast_in_dim3A_571 : vector<1024x128xi1>, vector<1024x128xf32>
      %get3A_572 = arith.constant 4 : index
      %get3A_573 = arith.constant 0 : index
      %get3A_574 = vector.load %arg12[%get3A_572, %get3A_573] : memref<64x128xf32, #tpu.memory_space<vmem>>, vector<1x128xf32>
      %reduce_max3A_575 = arith.constant dense<0xFF800000> : vector<128xf32>
      %reduce_max3A_576 = vector.multi_reduction <maximumf>, %select_n3A, %reduce_max3A_575 [0] : vector<1024x128xf32> to vector<128xf32>
      %broadcast_in_dim3A_577 = vector.shape_cast %reduce_max3A_576 : vector<128xf32> to vector<1x128xf32>
      %max3A_578 = arith.maximumf %get3A_574, %broadcast_in_dim3A_577 : vector<1x128xf32>
      %swap3A_579 = arith.constant 4 : index
      %swap3A_580 = arith.constant 0 : index
      %swap3A_581 = vector.load %arg12[%swap3A_579, %swap3A_580] : memref<64x128xf32, #tpu.memory_space<vmem>>, vector<1x128xf32>
      tpu.vector_store %arg12[%swap3A_579, %swap3A_580], %max3A_578 {strides = array<i32>} : memref<64x128xf32, #tpu.memory_space<vmem>>, vector<1x128xf32>,
    } else {
    }
    %le3A_89 = arith.constant 5 : i32
    %le3A_90 = arith.cmpi sle, %reduce_min3A_47, %le3A_89 : i32
    %ge3A_91 = arith.constant 5 : i32
    %ge3A_92 = arith.cmpi sge, %reduce_max3A_51, %ge3A_91 : i32
    %and3A_93 = arith.andi %le3A_90, %ge3A_92 : i1
    %convert_element_type3A_94 = arith.extui %and3A_93 : i1 to i32
    %cond3A_95 = arith.constant 0 : i32
    %cond3A_96 = arith.cmpi ne, %convert_element_type3A_94, %cond3A_95 : i32
    scf.if %cond3A_96 {
      %eq3A_566 = arith.constant 5 : i32
      %eq3A_567 = vector.broadcast %eq3A_566 : i32 to vector<1024x1xi32>
      %eq3A_568 = arith.cmpi eq, %get3A_24, %eq3A_567 : vector<1024x1xi32>
      %jit3A = arith.constant 0xFF800000 : f32
      %broadcast_in_dim3A_569 = vector.shape_cast %eq3A_568 : vector<1024x1xi1> to vector<1024x1xi1>
      %broadcast_in_dim3A_570 = vector.broadcast %broadcast_in_dim3A_569 : vector<1024x1xi1> to vector<1024x128xi1>
      %broadcast_in_dim3A_571 = vector.broadcast %jit3A : f32 to vector<1024x128xf32>
      %select_n3A = arith.select %broadcast_in_dim3A_570, %add3A_21, %broadcast_in_dim3A_571 : vector<1024x128xi1>, vector<1024x128xf32>
      %get3A_572 = arith.constant 5 : index
      %get3A_573 = arith.constant 0 : index
      %get3A_574 = vector.load %arg12[%get3A_572, %get3A_573] : memref<64x128xf32, #tpu.memory_space<vmem>>, vector<1x128xf32>
      %reduce_max3A_575 = arith.constant dense<0xFF800000> : vector<128xf32>
      %reduce_max3A_576 = vector.multi_reduction <maximumf>, %select_n3A, %reduce_max3A_575 [0] : vector<1024x128xf32> to vector<128xf32>
      %broadcast_in_dim3A_577 = vector.shape_cast %reduce_max3A_576 : vector<128xf32> to vector<1x128xf32>
      %max3A_578 = arith.maximumf %get3A_574, %broadcast_in_dim3A_577 : vector<1x128xf32>
      %swap3A_579 = arith.constant 5 : index
      %swap3A_580 = arith.constant 0 : index
      %swap3A_581 = vector.load %arg12[%swap3A_579, %swap3A_580] : memref<64x128xf32, #tpu.memory_space<vmem>>, vector<1x128xf32>
      tpu.vector_store %arg12[%swap3A_579, %swap3A_580], %max3A_578 {strides = array<i32>} : memref<64x128xf32, #tpu.memory_space<vmem>>, vector<1x128xf32>,
    } else {
    }
    %le3A_97 = arith.constant 6 : i32
    %le3A_98 = arith.cmpi sle, %reduce_min3A_47, %le3A_97 : i32
    %ge3A_99 = arith.constant 6 : i32
    %ge3A_100 = arith.cmpi sge, %reduce_max3A_51, %ge3A_99 : i32
    %and3A_101 = arith.andi %le3A_98, %ge3A_100 : i1
    %convert_element_type3A_102 = arith.extui %and3A_101 : i1 to i32
    %cond3A_103 = arith.constant 0 : i32
    %cond3A_104 = arith.cmpi ne, %convert_element_type3A_102, %cond3A_103 : i32
    scf.if %cond3A_104 {
      %eq3A_566 = arith.constant 6 : i32
      %eq3A_567 = vector.broadcast %eq3A_566 : i32 to vector<1024x1xi32>
      %eq3A_568 = arith.cmpi eq, %get3A_24, %eq3A_567 : vector<1024x1xi32>
      %jit3A = arith.constant 0xFF800000 : f32
      %broadcast_in_dim3A_569 = vector.shape_cast %eq3A_568 : vector<1024x1xi1> to vector<1024x1xi1>
      %broadcast_in_dim3A_570 = vector.broadcast %broadcast_in_dim3A_569 : vector<1024x1xi1> to vector<1024x128xi1>
      %broadcast_in_dim3A_571 = vector.broadcast %jit3A : f32 to vector<1024x128xf32>
      %select_n3A = arith.select %broadcast_in_dim3A_570, %add3A_21, %broadcast_in_dim3A_571 : vector<1024x128xi1>, vector<1024x128xf32>
      %get3A_572 = arith.constant 6 : index
      %get3A_573 = arith.constant 0 : index
      %get3A_574 = vector.load %arg12[%get3A_572, %get3A_573] : memref<64x128xf32, #tpu.memory_space<vmem>>, vector<1x128xf32>
      %reduce_max3A_575 = arith.constant dense<0xFF800000> : vector<128xf32>
      %reduce_max3A_576 = vector.multi_reduction <maximumf>, %select_n3A, %reduce_max3A_575 [0] : vector<1024x128xf32> to vector<128xf32>
      %broadcast_in_dim3A_577 = vector.shape_cast %reduce_max3A_576 : vector<128xf32> to vector<1x128xf32>
      %max3A_578 = arith.maximumf %get3A_574, %broadcast_in_dim3A_577 : vector<1x128xf32>
      %swap3A_579 = arith.constant 6 : index
      %swap3A_580 = arith.constant 0 : index
      %swap3A_581 = vector.load %arg12[%swap3A_579, %swap3A_580] : memref<64x128xf32, #tpu.memory_space<vmem>>, vector<1x128xf32>
      tpu.vector_store %arg12[%swap3A_579, %swap3A_580], %max3A_578 {strides = array<i32>} : memref<64x128xf32, #tpu.memory_space<vmem>>, vector<1x128xf32>,
    } else {
    }
    %le3A_105 = arith.constant 7 : i32
    %le3A_106 = arith.cmpi sle, %reduce_min3A_47, %le3A_105 : i32
    %ge3A_107 = arith.constant 7 : i32
    %ge3A_108 = arith.cmpi sge, %reduce_max3A_51, %ge3A_107 : i32
    %and3A_109 = arith.andi %le3A_106, %ge3A_108 : i1
    %convert_element_type3A_110 = arith.extui %and3A_109 : i1 to i32
    %cond3A_111 = arith.constant 0 : i32
    %cond3A_112 = arith.cmpi ne, %convert_element_type3A_110, %cond3A_111 : i32
    scf.if %cond3A_112 {
      %eq3A_566 = arith.constant 7 : i32
      %eq3A_567 = vector.broadcast %eq3A_566 : i32 to vector<1024x1xi32>
      %eq3A_568 = arith.cmpi eq, %get3A_24, %eq3A_567 : vector<1024x1xi32>
      %jit3A = arith.constant 0xFF800000 : f32
      %broadcast_in_dim3A_569 = vector.shape_cast %eq3A_568 : vector<1024x1xi1> to vector<1024x1xi1>
      %broadcast_in_dim3A_570 = vector.broadcast %broadcast_in_dim3A_569 : vector<1024x1xi1> to vector<1024x128xi1>
      %broadcast_in_dim3A_571 = vector.broadcast %jit3A : f32 to vector<1024x128xf32>
      %select_n3A = arith.select %broadcast_in_dim3A_570, %add3A_21, %broadcast_in_dim3A_571 : vector<1024x128xi1>, vector<1024x128xf32>
      %get3A_572 = arith.constant 7 : index
      %get3A_573 = arith.constant 0 : index
      %get3A_574 = vector.load %arg12[%get3A_572, %get3A_573] : memref<64x128xf32, #tpu.memory_space<vmem>>, vector<1x128xf32>
      %reduce_max3A_575 = arith.constant dense<0xFF800000> : vector<128xf32>
      %reduce_max3A_576 = vector.multi_reduction <maximumf>, %select_n3A, %reduce_max3A_575 [0] : vector<1024x128xf32> to vector<128xf32>
      %broadcast_in_dim3A_577 = vector.shape_cast %reduce_max3A_576 : vector<128xf32> to vector<1x128xf32>
      %max3A_578 = arith.maximumf %get3A_574, %broadcast_in_dim3A_577 : vector<1x128xf32>
      %swap3A_579 = arith.constant 7 : index
      %swap3A_580 = arith.constant 0 : index
      %swap3A_581 = vector.load %arg12[%swap3A_579, %swap3A_580] : memref<64x128xf32, #tpu.memory_space<vmem>>, vector<1x128xf32>
      tpu.vector_store %arg12[%swap3A_579, %swap3A_580], %max3A_578 {strides = array<i32>} : memref<64x128xf32, #tpu.memory_space<vmem>>, vector<1x128xf32>,
    } else {
    }
    %le3A_113 = arith.constant 8 : i32
    %le3A_114 = arith.cmpi sle, %reduce_min3A_47, %le3A_113 : i32
    %ge3A_115 = arith.constant 8 : i32
    %ge3A_116 = arith.cmpi sge, %reduce_max3A_51, %ge3A_115 : i32
    %and3A_117 = arith.andi %le3A_114, %ge3A_116 : i1
    %convert_element_type3A_118 = arith.extui %and3A_117 : i1 to i32
    %cond3A_119 = arith.constant 0 : i32
    %cond3A_120 = arith.cmpi ne, %convert_element_type3A_118, %cond3A_119 : i32
    scf.if %cond3A_120 {
      %eq3A_566 = arith.constant 8 : i32
      %eq3A_567 = vector.broadcast %eq3A_566 : i32 to vector<1024x1xi32>
      %eq3A_568 = arith.cmpi eq, %get3A_24, %eq3A_567 : vector<1024x1xi32>
      %jit3A = arith.constant 0xFF800000 : f32
      %broadcast_in_dim3A_569 = vector.shape_cast %eq3A_568 : vector<1024x1xi1> to vector<1024x1xi1>
      %broadcast_in_dim3A_570 = vector.broadcast %broadcast_in_dim3A_569 : vector<1024x1xi1> to vector<1024x128xi1>
      %broadcast_in_dim3A_571 = vector.broadcast %jit3A : f32 to vector<1024x128xf32>
      %select_n3A = arith.select %broadcast_in_dim3A_570, %add3A_21, %broadcast_in_dim3A_571 : vector<1024x128xi1>, vector<1024x128xf32>
      %get3A_572 = arith.constant 8 : index
      %get3A_573 = arith.constant 0 : index
      %get3A_574 = vector.load %arg12[%get3A_572, %get3A_573] : memref<64x128xf32, #tpu.memory_space<vmem>>, vector<1x128xf32>
      %reduce_max3A_575 = arith.constant dense<0xFF800000> : vector<128xf32>
      %reduce_max3A_576 = vector.multi_reduction <maximumf>, %select_n3A, %reduce_max3A_575 [0] : vector<1024x128xf32> to vector<128xf32>
      %broadcast_in_dim3A_577 = vector.shape_cast %reduce_max3A_576 : vector<128xf32> to vector<1x128xf32>
      %max3A_578 = arith.maximumf %get3A_574, %broadcast_in_dim3A_577 : vector<1x128xf32>
      %swap3A_579 = arith.constant 8 : index
      %swap3A_580 = arith.constant 0 : index
      %swap3A_581 = vector.load %arg12[%swap3A_579, %swap3A_580] : memref<64x128xf32, #tpu.memory_space<vmem>>, vector<1x128xf32>
      tpu.vector_store %arg12[%swap3A_579, %swap3A_580], %max3A_578 {strides = array<i32>} : memref<64x128xf32, #tpu.memory_space<vmem>>, vector<1x128xf32>,
    } else {
    }
    %le3A_121 = arith.constant 9 : i32
    %le3A_122 = arith.cmpi sle, %reduce_min3A_47, %le3A_121 : i32
    %ge3A_123 = arith.constant 9 : i32
    %ge3A_124 = arith.cmpi sge, %reduce_max3A_51, %ge3A_123 : i32
    %and3A_125 = arith.andi %le3A_122, %ge3A_124 : i1
    %convert_element_type3A_126 = arith.extui %and3A_125 : i1 to i32
    %cond3A_127 = arith.constant 0 : i32
    %cond3A_128 = arith.cmpi ne, %convert_element_type3A_126, %cond3A_127 : i32
    scf.if %cond3A_128 {
      %eq3A_566 = arith.constant 9 : i32
      %eq3A_567 = vector.broadcast %eq3A_566 : i32 to vector<1024x1xi32>
      %eq3A_568 = arith.cmpi eq, %get3A_24, %eq3A_567 : vector<1024x1xi32>
      %jit3A = arith.constant 0xFF800000 : f32
      %broadcast_in_dim3A_569 = vector.shape_cast %eq3A_568 : vector<1024x1xi1> to vector<1024x1xi1>
      %broadcast_in_dim3A_570 = vector.broadcast %broadcast_in_dim3A_569 : vector<1024x1xi1> to vector<1024x128xi1>
      %broadcast_in_dim3A_571 = vector.broadcast %jit3A : f32 to vector<1024x128xf32>
      %select_n3A = arith.select %broadcast_in_dim3A_570, %add3A_21, %broadcast_in_dim3A_571 : vector<1024x128xi1>, vector<1024x128xf32>
      %get3A_572 = arith.constant 9 : index
      %get3A_573 = arith.constant 0 : index
      %get3A_574 = vector.load %arg12[%get3A_572, %get3A_573] : memref<64x128xf32, #tpu.memory_space<vmem>>, vector<1x128xf32>
      %reduce_max3A_575 = arith.constant dense<0xFF800000> : vector<128xf32>
      %reduce_max3A_576 = vector.multi_reduction <maximumf>, %select_n3A, %reduce_max3A_575 [0] : vector<1024x128xf32> to vector<128xf32>
      %broadcast_in_dim3A_577 = vector.shape_cast %reduce_max3A_576 : vector<128xf32> to vector<1x128xf32>
      %max3A_578 = arith.maximumf %get3A_574, %broadcast_in_dim3A_577 : vector<1x128xf32>
      %swap3A_579 = arith.constant 9 : index
      %swap3A_580 = arith.constant 0 : index
      %swap3A_581 = vector.load %arg12[%swap3A_579, %swap3A_580] : memref<64x128xf32, #tpu.memory_space<vmem>>, vector<1x128xf32>
      tpu.vector_store %arg12[%swap3A_579, %swap3A_580], %max3A_578 {strides = array<i32>} : memref<64x128xf32, #tpu.memory_space<vmem>>, vector<1x128xf32>,
    } else {
    }
    %le3A_129 = arith.constant 10 : i32
    %le3A_130 = arith.cmpi sle, %reduce_min3A_47, %le3A_129 : i32
    %ge3A_131 = arith.constant 10 : i32
    %ge3A_132 = arith.cmpi sge, %reduce_max3A_51, %ge3A_131 : i32
    %and3A_133 = arith.andi %le3A_130, %ge3A_132 : i1
    %convert_element_type3A_134 = arith.extui %and3A_133 : i1 to i32
    %cond3A_135 = arith.constant 0 : i32
    %cond3A_136 = arith.cmpi ne, %convert_element_type3A_134, %cond3A_135 : i32
    scf.if %cond3A_136 {
      %eq3A_566 = arith.constant 10 : i32
      %eq3A_567 = vector.broadcast %eq3A_566 : i32 to vector<1024x1xi32>
      %eq3A_568 = arith.cmpi eq, %get3A_24, %eq3A_567 : vector<1024x1xi32>
      %jit3A = arith.constant 0xFF800000 : f32
      %broadcast_in_dim3A_569 = vector.shape_cast %eq3A_568 : vector<1024x1xi1> to vector<1024x1xi1>
      %broadcast_in_dim3A_570 = vector.broadcast %broadcast_in_dim3A_569 : vector<1024x1xi1> to vector<1024x128xi1>
      %broadcast_in_dim3A_571 = vector.broadcast %jit3A : f32 to vector<1024x128xf32>
      %select_n3A = arith.select %broadcast_in_dim3A_570, %add3A_21, %broadcast_in_dim3A_571 : vector<1024x128xi1>, vector<1024x128xf32>
      %get3A_572 = arith.constant 10 : index
      %get3A_573 = arith.constant 0 : index
      %get3A_574 = vector.load %arg12[%get3A_572, %get3A_573] : memref<64x128xf32, #tpu.memory_space<vmem>>, vector<1x128xf32>
      %reduce_max3A_575 = arith.constant dense<0xFF800000> : vector<128xf32>
      %reduce_max3A_576 = vector.multi_reduction <maximumf>, %select_n3A, %reduce_max3A_575 [0] : vector<1024x128xf32> to vector<128xf32>
      %broadcast_in_dim3A_577 = vector.shape_cast %reduce_max3A_576 : vector<128xf32> to vector<1x128xf32>
      %max3A_578 = arith.maximumf %get3A_574, %broadcast_in_dim3A_577 : vector<1x128xf32>
      %swap3A_579 = arith.constant 10 : index
      %swap3A_580 = arith.constant 0 : index
      %swap3A_581 = vector.load %arg12[%swap3A_579, %swap3A_580] : memref<64x128xf32, #tpu.memory_space<vmem>>, vector<1x128xf32>
      tpu.vector_store %arg12[%swap3A_579, %swap3A_580], %max3A_578 {strides = array<i32>} : memref<64x128xf32, #tpu.memory_space<vmem>>, vector<1x128xf32>,
    } else {
    }
    %le3A_137 = arith.constant 11 : i32
    %le3A_138 = arith.cmpi sle, %reduce_min3A_47, %le3A_137 : i32
    %ge3A_139 = arith.constant 11 : i32
    %ge3A_140 = arith.cmpi sge, %reduce_max3A_51, %ge3A_139 : i32
    %and3A_141 = arith.andi %le3A_138, %ge3A_140 : i1
    %convert_element_type3A_142 = arith.extui %and3A_141 : i1 to i32
    %cond3A_143 = arith.constant 0 : i32
    %cond3A_144 = arith.cmpi ne, %convert_element_type3A_142, %cond3A_143 : i32
    scf.if %cond3A_144 {
      %eq3A_566 = arith.constant 11 : i32
      %eq3A_567 = vector.broadcast %eq3A_566 : i32 to vector<1024x1xi32>
      %eq3A_568 = arith.cmpi eq, %get3A_24, %eq3A_567 : vector<1024x1xi32>
      %jit3A = arith.constant 0xFF800000 : f32
      %broadcast_in_dim3A_569 = vector.shape_cast %eq3A_568 : vector<1024x1xi1> to vector<1024x1xi1>
      %broadcast_in_dim3A_570 = vector.broadcast %broadcast_in_dim3A_569 : vector<1024x1xi1> to vector<1024x128xi1>
      %broadcast_in_dim3A_571 = vector.broadcast %jit3A : f32 to vector<1024x128xf32>
      %select_n3A = arith.select %broadcast_in_dim3A_570, %add3A_21, %broadcast_in_dim3A_571 : vector<1024x128xi1>, vector<1024x128xf32>
      %get3A_572 = arith.constant 11 : index
      %get3A_573 = arith.constant 0 : index
      %get3A_574 = vector.load %arg12[%get3A_572, %get3A_573] : memref<64x128xf32, #tpu.memory_space<vmem>>, vector<1x128xf32>
      %reduce_max3A_575 = arith.constant dense<0xFF800000> : vector<128xf32>
      %reduce_max3A_576 = vector.multi_reduction <maximumf>, %select_n3A, %reduce_max3A_575 [0] : vector<1024x128xf32> to vector<128xf32>
      %broadcast_in_dim3A_577 = vector.shape_cast %reduce_max3A_576 : vector<128xf32> to vector<1x128xf32>
      %max3A_578 = arith.maximumf %get3A_574, %broadcast_in_dim3A_577 : vector<1x128xf32>
      %swap3A_579 = arith.constant 11 : index
      %swap3A_580 = arith.constant 0 : index
      %swap3A_581 = vector.load %arg12[%swap3A_579, %swap3A_580] : memref<64x128xf32, #tpu.memory_space<vmem>>, vector<1x128xf32>
      tpu.vector_store %arg12[%swap3A_579, %swap3A_580], %max3A_578 {strides = array<i32>} : memref<64x128xf32, #tpu.memory_space<vmem>>, vector<1x128xf32>,
    } else {
    }
    %le3A_145 = arith.constant 12 : i32
    %le3A_146 = arith.cmpi sle, %reduce_min3A_47, %le3A_145 : i32
    %ge3A_147 = arith.constant 12 : i32
    %ge3A_148 = arith.cmpi sge, %reduce_max3A_51, %ge3A_147 : i32
    %and3A_149 = arith.andi %le3A_146, %ge3A_148 : i1
    %convert_element_type3A_150 = arith.extui %and3A_149 : i1 to i32
    %cond3A_151 = arith.constant 0 : i32
    %cond3A_152 = arith.cmpi ne, %convert_element_type3A_150, %cond3A_151 : i32
    scf.if %cond3A_152 {
      %eq3A_566 = arith.constant 12 : i32
      %eq3A_567 = vector.broadcast %eq3A_566 : i32 to vector<1024x1xi32>
      %eq3A_568 = arith.cmpi eq, %get3A_24, %eq3A_567 : vector<1024x1xi32>
      %jit3A = arith.constant 0xFF800000 : f32
      %broadcast_in_dim3A_569 = vector.shape_cast %eq3A_568 : vector<1024x1xi1> to vector<1024x1xi1>
      %broadcast_in_dim3A_570 = vector.broadcast %broadcast_in_dim3A_569 : vector<1024x1xi1> to vector<1024x128xi1>
      %broadcast_in_dim3A_571 = vector.broadcast %jit3A : f32 to vector<1024x128xf32>
      %select_n3A = arith.select %broadcast_in_dim3A_570, %add3A_21, %broadcast_in_dim3A_571 : vector<1024x128xi1>, vector<1024x128xf32>
      %get3A_572 = arith.constant 12 : index
      %get3A_573 = arith.constant 0 : index
      %get3A_574 = vector.load %arg12[%get3A_572, %get3A_573] : memref<64x128xf32, #tpu.memory_space<vmem>>, vector<1x128xf32>
      %reduce_max3A_575 = arith.constant dense<0xFF800000> : vector<128xf32>
      %reduce_max3A_576 = vector.multi_reduction <maximumf>, %select_n3A, %reduce_max3A_575 [0] : vector<1024x128xf32> to vector<128xf32>
      %broadcast_in_dim3A_577 = vector.shape_cast %reduce_max3A_576 : vector<128xf32> to vector<1x128xf32>
      %max3A_578 = arith.maximumf %get3A_574, %broadcast_in_dim3A_577 : vector<1x128xf32>
      %swap3A_579 = arith.constant 12 : index
      %swap3A_580 = arith.constant 0 : index
      %swap3A_581 = vector.load %arg12[%swap3A_579, %swap3A_580] : memref<64x128xf32, #tpu.memory_space<vmem>>, vector<1x128xf32>
      tpu.vector_store %arg12[%swap3A_579, %swap3A_580], %max3A_578 {strides = array<i32>} : memref<64x128xf32, #tpu.memory_space<vmem>>, vector<1x128xf32>,
    } else {
    }
    %le3A_153 = arith.constant 13 : i32
    %le3A_154 = arith.cmpi sle, %reduce_min3A_47, %le3A_153 : i32
    %ge3A_155 = arith.constant 13 : i32
    %ge3A_156 = arith.cmpi sge, %reduce_max3A_51, %ge3A_155 : i32
    %and3A_157 = arith.andi %le3A_154, %ge3A_156 : i1
    %convert_element_type3A_158 = arith.extui %and3A_157 : i1 to i32
    %cond3A_159 = arith.constant 0 : i32
    %cond3A_160 = arith.cmpi ne, %convert_element_type3A_158, %cond3A_159 : i32
    scf.if %cond3A_160 {
      %eq3A_566 = arith.constant 13 : i32
      %eq3A_567 = vector.broadcast %eq3A_566 : i32 to vector<1024x1xi32>
      %eq3A_568 = arith.cmpi eq, %get3A_24, %eq3A_567 : vector<1024x1xi32>
      %jit3A = arith.constant 0xFF800000 : f32
      %broadcast_in_dim3A_569 = vector.shape_cast %eq3A_568 : vector<1024x1xi1> to vector<1024x1xi1>
      %broadcast_in_dim3A_570 = vector.broadcast %broadcast_in_dim3A_569 : vector<1024x1xi1> to vector<1024x128xi1>
      %broadcast_in_dim3A_571 = vector.broadcast %jit3A : f32 to vector<1024x128xf32>
      %select_n3A = arith.select %broadcast_in_dim3A_570, %add3A_21, %broadcast_in_dim3A_571 : vector<1024x128xi1>, vector<1024x128xf32>
      %get3A_572 = arith.constant 13 : index
      %get3A_573 = arith.constant 0 : index
      %get3A_574 = vector.load %arg12[%get3A_572, %get3A_573] : memref<64x128xf32, #tpu.memory_space<vmem>>, vector<1x128xf32>
      %reduce_max3A_575 = arith.constant dense<0xFF800000> : vector<128xf32>
      %reduce_max3A_576 = vector.multi_reduction <maximumf>, %select_n3A, %reduce_max3A_575 [0] : vector<1024x128xf32> to vector<128xf32>
      %broadcast_in_dim3A_577 = vector.shape_cast %reduce_max3A_576 : vector<128xf32> to vector<1x128xf32>
      %max3A_578 = arith.maximumf %get3A_574, %broadcast_in_dim3A_577 : vector<1x128xf32>
      %swap3A_579 = arith.constant 13 : index
      %swap3A_580 = arith.constant 0 : index
      %swap3A_581 = vector.load %arg12[%swap3A_579, %swap3A_580] : memref<64x128xf32, #tpu.memory_space<vmem>>, vector<1x128xf32>
      tpu.vector_store %arg12[%swap3A_579, %swap3A_580], %max3A_578 {strides = array<i32>} : memref<64x128xf32, #tpu.memory_space<vmem>>, vector<1x128xf32>,
    } else {
    }
    %le3A_161 = arith.constant 14 : i32
    %le3A_162 = arith.cmpi sle, %reduce_min3A_47, %le3A_161 : i32
    %ge3A_163 = arith.constant 14 : i32
    %ge3A_164 = arith.cmpi sge, %reduce_max3A_51, %ge3A_163 : i32
    %and3A_165 = arith.andi %le3A_162, %ge3A_164 : i1
    %convert_element_type3A_166 = arith.extui %and3A_165 : i1 to i32
    %cond3A_167 = arith.constant 0 : i32
    %cond3A_168 = arith.cmpi ne, %convert_element_type3A_166, %cond3A_167 : i32
    scf.if %cond3A_168 {
      %eq3A_566 = arith.constant 14 : i32
      %eq3A_567 = vector.broadcast %eq3A_566 : i32 to vector<1024x1xi32>
      %eq3A_568 = arith.cmpi eq, %get3A_24, %eq3A_567 : vector<1024x1xi32>
      %jit3A = arith.constant 0xFF800000 : f32
      %broadcast_in_dim3A_569 = vector.shape_cast %eq3A_568 : vector<1024x1xi1> to vector<1024x1xi1>
      %broadcast_in_dim3A_570 = vector.broadcast %broadcast_in_dim3A_569 : vector<1024x1xi1> to vector<1024x128xi1>
      %broadcast_in_dim3A_571 = vector.broadcast %jit3A : f32 to vector<1024x128xf32>
      %select_n3A = arith.select %broadcast_in_dim3A_570, %add3A_21, %broadcast_in_dim3A_571 : vector<1024x128xi1>, vector<1024x128xf32>
      %get3A_572 = arith.constant 14 : index
      %get3A_573 = arith.constant 0 : index
      %get3A_574 = vector.load %arg12[%get3A_572, %get3A_573] : memref<64x128xf32, #tpu.memory_space<vmem>>, vector<1x128xf32>
      %reduce_max3A_575 = arith.constant dense<0xFF800000> : vector<128xf32>
      %reduce_max3A_576 = vector.multi_reduction <maximumf>, %select_n3A, %reduce_max3A_575 [0] : vector<1024x128xf32> to vector<128xf32>
      %broadcast_in_dim3A_577 = vector.shape_cast %reduce_max3A_576 : vector<128xf32> to vector<1x128xf32>
      %max3A_578 = arith.maximumf %get3A_574, %broadcast_in_dim3A_577 : vector<1x128xf32>
      %swap3A_579 = arith.constant 14 : index
      %swap3A_580 = arith.constant 0 : index
      %swap3A_581 = vector.load %arg12[%swap3A_579, %swap3A_580] : memref<64x128xf32, #tpu.memory_space<vmem>>, vector<1x128xf32>
      tpu.vector_store %arg12[%swap3A_579, %swap3A_580], %max3A_578 {strides = array<i32>} : memref<64x128xf32, #tpu.memory_space<vmem>>, vector<1x128xf32>,
    } else {
    }
    %le3A_169 = arith.constant 15 : i32
    %le3A_170 = arith.cmpi sle, %reduce_min3A_47, %le3A_169 : i32
    %ge3A_171 = arith.constant 15 : i32
    %ge3A_172 = arith.cmpi sge, %reduce_max3A_51, %ge3A_171 : i32
    %and3A_173 = arith.andi %le3A_170, %ge3A_172 : i1
    %convert_element_type3A_174 = arith.extui %and3A_173 : i1 to i32
    %cond3A_175 = arith.constant 0 : i32
    %cond3A_176 = arith.cmpi ne, %convert_element_type3A_174, %cond3A_175 : i32
    scf.if %cond3A_176 {
      %eq3A_566 = arith.constant 15 : i32
      %eq3A_567 = vector.broadcast %eq3A_566 : i32 to vector<1024x1xi32>
      %eq3A_568 = arith.cmpi eq, %get3A_24, %eq3A_567 : vector<1024x1xi32>
      %jit3A = arith.constant 0xFF800000 : f32
      %broadcast_in_dim3A_569 = vector.shape_cast %eq3A_568 : vector<1024x1xi1> to vector<1024x1xi1>
      %broadcast_in_dim3A_570 = vector.broadcast %broadcast_in_dim3A_569 : vector<1024x1xi1> to vector<1024x128xi1>
      %broadcast_in_dim3A_571 = vector.broadcast %jit3A : f32 to vector<1024x128xf32>
      %select_n3A = arith.select %broadcast_in_dim3A_570, %add3A_21, %broadcast_in_dim3A_571 : vector<1024x128xi1>, vector<1024x128xf32>
      %get3A_572 = arith.constant 15 : index
      %get3A_573 = arith.constant 0 : index
      %get3A_574 = vector.load %arg12[%get3A_572, %get3A_573] : memref<64x128xf32, #tpu.memory_space<vmem>>, vector<1x128xf32>
      %reduce_max3A_575 = arith.constant dense<0xFF800000> : vector<128xf32>
      %reduce_max3A_576 = vector.multi_reduction <maximumf>, %select_n3A, %reduce_max3A_575 [0] : vector<1024x128xf32> to vector<128xf32>
      %broadcast_in_dim3A_577 = vector.shape_cast %reduce_max3A_576 : vector<128xf32> to vector<1x128xf32>
      %max3A_578 = arith.maximumf %get3A_574, %broadcast_in_dim3A_577 : vector<1x128xf32>
      %swap3A_579 = arith.constant 15 : index
      %swap3A_580 = arith.constant 0 : index
      %swap3A_581 = vector.load %arg12[%swap3A_579, %swap3A_580] : memref<64x128xf32, #tpu.memory_space<vmem>>, vector<1x128xf32>
      tpu.vector_store %arg12[%swap3A_579, %swap3A_580], %max3A_578 {strides = array<i32>} : memref<64x128xf32, #tpu.memory_space<vmem>>, vector<1x128xf32>,
    } else {
    }
    %le3A_177 = arith.constant 16 : i32
    %le3A_178 = arith.cmpi sle, %reduce_min3A_47, %le3A_177 : i32
    %ge3A_179 = arith.constant 16 : i32
    %ge3A_180 = arith.cmpi sge, %reduce_max3A_51, %ge3A_179 : i32
    %and3A_181 = arith.andi %le3A_178, %ge3A_180 : i1
    %convert_element_type3A_182 = arith.extui %and3A_181 : i1 to i32
    %cond3A_183 = arith.constant 0 : i32
    %cond3A_184 = arith.cmpi ne, %convert_element_type3A_182, %cond3A_183 : i32
    scf.if %cond3A_184 {
      %eq3A_566 = arith.constant 16 : i32
      %eq3A_567 = vector.broadcast %eq3A_566 : i32 to vector<1024x1xi32>
      %eq3A_568 = arith.cmpi eq, %get3A_24, %eq3A_567 : vector<1024x1xi32>
      %jit3A = arith.constant 0xFF800000 : f32
      %broadcast_in_dim3A_569 = vector.shape_cast %eq3A_568 : vector<1024x1xi1> to vector<1024x1xi1>
      %broadcast_in_dim3A_570 = vector.broadcast %broadcast_in_dim3A_569 : vector<1024x1xi1> to vector<1024x128xi1>
      %broadcast_in_dim3A_571 = vector.broadcast %jit3A : f32 to vector<1024x128xf32>
      %select_n3A = arith.select %broadcast_in_dim3A_570, %add3A_21, %broadcast_in_dim3A_571 : vector<1024x128xi1>, vector<1024x128xf32>
      %get3A_572 = arith.constant 16 : index
      %get3A_573 = arith.constant 0 : index
      %get3A_574 = vector.load %arg12[%get3A_572, %get3A_573] : memref<64x128xf32, #tpu.memory_space<vmem>>, vector<1x128xf32>
      %reduce_max3A_575 = arith.constant dense<0xFF800000> : vector<128xf32>
      %reduce_max3A_576 = vector.multi_reduction <maximumf>, %select_n3A, %reduce_max3A_575 [0] : vector<1024x128xf32> to vector<128xf32>
      %broadcast_in_dim3A_577 = vector.shape_cast %reduce_max3A_576 : vector<128xf32> to vector<1x128xf32>
      %max3A_578 = arith.maximumf %get3A_574, %broadcast_in_dim3A_577 : vector<1x128xf32>
      %swap3A_579 = arith.constant 16 : index
      %swap3A_580 = arith.constant 0 : index
      %swap3A_581 = vector.load %arg12[%swap3A_579, %swap3A_580] : memref<64x128xf32, #tpu.memory_space<vmem>>, vector<1x128xf32>
      tpu.vector_store %arg12[%swap3A_579, %swap3A_580], %max3A_578 {strides = array<i32>} : memref<64x128xf32, #tpu.memory_space<vmem>>, vector<1x128xf32>,
    } else {
    }
    %le3A_185 = arith.constant 17 : i32
    %le3A_186 = arith.cmpi sle, %reduce_min3A_47, %le3A_185 : i32
    %ge3A_187 = arith.constant 17 : i32
    %ge3A_188 = arith.cmpi sge, %reduce_max3A_51, %ge3A_187 : i32
    %and3A_189 = arith.andi %le3A_186, %ge3A_188 : i1
    %convert_element_type3A_190 = arith.extui %and3A_189 : i1 to i32
    %cond3A_191 = arith.constant 0 : i32
    %cond3A_192 = arith.cmpi ne, %convert_element_type3A_190, %cond3A_191 : i32
    scf.if %cond3A_192 {
      %eq3A_566 = arith.constant 17 : i32
      %eq3A_567 = vector.broadcast %eq3A_566 : i32 to vector<1024x1xi32>
      %eq3A_568 = arith.cmpi eq, %get3A_24, %eq3A_567 : vector<1024x1xi32>
      %jit3A = arith.constant 0xFF800000 : f32
      %broadcast_in_dim3A_569 = vector.shape_cast %eq3A_568 : vector<1024x1xi1> to vector<1024x1xi1>
      %broadcast_in_dim3A_570 = vector.broadcast %broadcast_in_dim3A_569 : vector<1024x1xi1> to vector<1024x128xi1>
      %broadcast_in_dim3A_571 = vector.broadcast %jit3A : f32 to vector<1024x128xf32>
      %select_n3A = arith.select %broadcast_in_dim3A_570, %add3A_21, %broadcast_in_dim3A_571 : vector<1024x128xi1>, vector<1024x128xf32>
      %get3A_572 = arith.constant 17 : index
      %get3A_573 = arith.constant 0 : index
      %get3A_574 = vector.load %arg12[%get3A_572, %get3A_573] : memref<64x128xf32, #tpu.memory_space<vmem>>, vector<1x128xf32>
      %reduce_max3A_575 = arith.constant dense<0xFF800000> : vector<128xf32>
      %reduce_max3A_576 = vector.multi_reduction <maximumf>, %select_n3A, %reduce_max3A_575 [0] : vector<1024x128xf32> to vector<128xf32>
      %broadcast_in_dim3A_577 = vector.shape_cast %reduce_max3A_576 : vector<128xf32> to vector<1x128xf32>
      %max3A_578 = arith.maximumf %get3A_574, %broadcast_in_dim3A_577 : vector<1x128xf32>
      %swap3A_579 = arith.constant 17 : index
      %swap3A_580 = arith.constant 0 : index
      %swap3A_581 = vector.load %arg12[%swap3A_579, %swap3A_580] : memref<64x128xf32, #tpu.memory_space<vmem>>, vector<1x128xf32>
      tpu.vector_store %arg12[%swap3A_579, %swap3A_580], %max3A_578 {strides = array<i32>} : memref<64x128xf32, #tpu.memory_space<vmem>>, vector<1x128xf32>,
    } else {
    }
    %le3A_193 = arith.constant 18 : i32
    %le3A_194 = arith.cmpi sle, %reduce_min3A_47, %le3A_193 : i32
    %ge3A_195 = arith.constant 18 : i32
    %ge3A_196 = arith.cmpi sge, %reduce_max3A_51, %ge3A_195 : i32
    %and3A_197 = arith.andi %le3A_194, %ge3A_196 : i1
    %convert_element_type3A_198 = arith.extui %and3A_197 : i1 to i32
    %cond3A_199 = arith.constant 0 : i32
    %cond3A_200 = arith.cmpi ne, %convert_element_type3A_198, %cond3A_199 : i32
    scf.if %cond3A_200 {
      %eq3A_566 = arith.constant 18 : i32
      %eq3A_567 = vector.broadcast %eq3A_566 : i32 to vector<1024x1xi32>
      %eq3A_568 = arith.cmpi eq, %get3A_24, %eq3A_567 : vector<1024x1xi32>
      %jit3A = arith.constant 0xFF800000 : f32
      %broadcast_in_dim3A_569 = vector.shape_cast %eq3A_568 : vector<1024x1xi1> to vector<1024x1xi1>
      %broadcast_in_dim3A_570 = vector.broadcast %broadcast_in_dim3A_569 : vector<1024x1xi1> to vector<1024x128xi1>
      %broadcast_in_dim3A_571 = vector.broadcast %jit3A : f32 to vector<1024x128xf32>
      %select_n3A = arith.select %broadcast_in_dim3A_570, %add3A_21, %broadcast_in_dim3A_571 : vector<1024x128xi1>, vector<1024x128xf32>
      %get3A_572 = arith.constant 18 : index
      %get3A_573 = arith.constant 0 : index
      %get3A_574 = vector.load %arg12[%get3A_572, %get3A_573] : memref<64x128xf32, #tpu.memory_space<vmem>>, vector<1x128xf32>
      %reduce_max3A_575 = arith.constant dense<0xFF800000> : vector<128xf32>
      %reduce_max3A_576 = vector.multi_reduction <maximumf>, %select_n3A, %reduce_max3A_575 [0] : vector<1024x128xf32> to vector<128xf32>
      %broadcast_in_dim3A_577 = vector.shape_cast %reduce_max3A_576 : vector<128xf32> to vector<1x128xf32>
      %max3A_578 = arith.maximumf %get3A_574, %broadcast_in_dim3A_577 : vector<1x128xf32>
      %swap3A_579 = arith.constant 18 : index
      %swap3A_580 = arith.constant 0 : index
      %swap3A_581 = vector.load %arg12[%swap3A_579, %swap3A_580] : memref<64x128xf32, #tpu.memory_space<vmem>>, vector<1x128xf32>
      tpu.vector_store %arg12[%swap3A_579, %swap3A_580], %max3A_578 {strides = array<i32>} : memref<64x128xf32, #tpu.memory_space<vmem>>, vector<1x128xf32>,
    } else {
    }
    %le3A_201 = arith.constant 19 : i32
    %le3A_202 = arith.cmpi sle, %reduce_min3A_47, %le3A_201 : i32
    %ge3A_203 = arith.constant 19 : i32
    %ge3A_204 = arith.cmpi sge, %reduce_max3A_51, %ge3A_203 : i32
    %and3A_205 = arith.andi %le3A_202, %ge3A_204 : i1
    %convert_element_type3A_206 = arith.extui %and3A_205 : i1 to i32
    %cond3A_207 = arith.constant 0 : i32
    %cond3A_208 = arith.cmpi ne, %convert_element_type3A_206, %cond3A_207 : i32
    scf.if %cond3A_208 {
      %eq3A_566 = arith.constant 19 : i32
      %eq3A_567 = vector.broadcast %eq3A_566 : i32 to vector<1024x1xi32>
      %eq3A_568 = arith.cmpi eq, %get3A_24, %eq3A_567 : vector<1024x1xi32>
      %jit3A = arith.constant 0xFF800000 : f32
      %broadcast_in_dim3A_569 = vector.shape_cast %eq3A_568 : vector<1024x1xi1> to vector<1024x1xi1>
      %broadcast_in_dim3A_570 = vector.broadcast %broadcast_in_dim3A_569 : vector<1024x1xi1> to vector<1024x128xi1>
      %broadcast_in_dim3A_571 = vector.broadcast %jit3A : f32 to vector<1024x128xf32>
      %select_n3A = arith.select %broadcast_in_dim3A_570, %add3A_21, %broadcast_in_dim3A_571 : vector<1024x128xi1>, vector<1024x128xf32>
      %get3A_572 = arith.constant 19 : index
      %get3A_573 = arith.constant 0 : index
      %get3A_574 = vector.load %arg12[%get3A_572, %get3A_573] : memref<64x128xf32, #tpu.memory_space<vmem>>, vector<1x128xf32>
      %reduce_max3A_575 = arith.constant dense<0xFF800000> : vector<128xf32>
      %reduce_max3A_576 = vector.multi_reduction <maximumf>, %select_n3A, %reduce_max3A_575 [0] : vector<1024x128xf32> to vector<128xf32>
      %broadcast_in_dim3A_577 = vector.shape_cast %reduce_max3A_576 : vector<128xf32> to vector<1x128xf32>
      %max3A_578 = arith.maximumf %get3A_574, %broadcast_in_dim3A_577 : vector<1x128xf32>
      %swap3A_579 = arith.constant 19 : index
      %swap3A_580 = arith.constant 0 : index
      %swap3A_581 = vector.load %arg12[%swap3A_579, %swap3A_580] : memref<64x128xf32, #tpu.memory_space<vmem>>, vector<1x128xf32>
      tpu.vector_store %arg12[%swap3A_579, %swap3A_580], %max3A_578 {strides = array<i32>} : memref<64x128xf32, #tpu.memory_space<vmem>>, vector<1x128xf32>,
    } else {
    }
    %le3A_209 = arith.constant 20 : i32
    %le3A_210 = arith.cmpi sle, %reduce_min3A_47, %le3A_209 : i32
    %ge3A_211 = arith.constant 20 : i32
    %ge3A_212 = arith.cmpi sge, %reduce_max3A_51, %ge3A_211 : i32
    %and3A_213 = arith.andi %le3A_210, %ge3A_212 : i1
    %convert_element_type3A_214 = arith.extui %and3A_213 : i1 to i32
    %cond3A_215 = arith.constant 0 : i32
    %cond3A_216 = arith.cmpi ne, %convert_element_type3A_214, %cond3A_215 : i32
    scf.if %cond3A_216 {
      %eq3A_566 = arith.constant 20 : i32
      %eq3A_567 = vector.broadcast %eq3A_566 : i32 to vector<1024x1xi32>
      %eq3A_568 = arith.cmpi eq, %get3A_24, %eq3A_567 : vector<1024x1xi32>
      %jit3A = arith.constant 0xFF800000 : f32
      %broadcast_in_dim3A_569 = vector.shape_cast %eq3A_568 : vector<1024x1xi1> to vector<1024x1xi1>
      %broadcast_in_dim3A_570 = vector.broadcast %broadcast_in_dim3A_569 : vector<1024x1xi1> to vector<1024x128xi1>
      %broadcast_in_dim3A_571 = vector.broadcast %jit3A : f32 to vector<1024x128xf32>
      %select_n3A = arith.select %broadcast_in_dim3A_570, %add3A_21, %broadcast_in_dim3A_571 : vector<1024x128xi1>, vector<1024x128xf32>
      %get3A_572 = arith.constant 20 : index
      %get3A_573 = arith.constant 0 : index
      %get3A_574 = vector.load %arg12[%get3A_572, %get3A_573] : memref<64x128xf32, #tpu.memory_space<vmem>>, vector<1x128xf32>
      %reduce_max3A_575 = arith.constant dense<0xFF800000> : vector<128xf32>
      %reduce_max3A_576 = vector.multi_reduction <maximumf>, %select_n3A, %reduce_max3A_575 [0] : vector<1024x128xf32> to vector<128xf32>
      %broadcast_in_dim3A_577 = vector.shape_cast %reduce_max3A_576 : vector<128xf32> to vector<1x128xf32>
      %max3A_578 = arith.maximumf %get3A_574, %broadcast_in_dim3A_577 : vector<1x128xf32>
      %swap3A_579 = arith.constant 20 : index
      %swap3A_580 = arith.constant 0 : index
      %swap3A_581 = vector.load %arg12[%swap3A_579, %swap3A_580] : memref<64x128xf32, #tpu.memory_space<vmem>>, vector<1x128xf32>
      tpu.vector_store %arg12[%swap3A_579, %swap3A_580], %max3A_578 {strides = array<i32>} : memref<64x128xf32, #tpu.memory_space<vmem>>, vector<1x128xf32>,
    } else {
    }
    %le3A_217 = arith.constant 21 : i32
    %le3A_218 = arith.cmpi sle, %reduce_min3A_47, %le3A_217 : i32
    %ge3A_219 = arith.constant 21 : i32
    %ge3A_220 = arith.cmpi sge, %reduce_max3A_51, %ge3A_219 : i32
    %and3A_221 = arith.andi %le3A_218, %ge3A_220 : i1
    %convert_element_type3A_222 = arith.extui %and3A_221 : i1 to i32
    %cond3A_223 = arith.constant 0 : i32
    %cond3A_224 = arith.cmpi ne, %convert_element_type3A_222, %cond3A_223 : i32
    scf.if %cond3A_224 {
      %eq3A_566 = arith.constant 21 : i32
      %eq3A_567 = vector.broadcast %eq3A_566 : i32 to vector<1024x1xi32>
      %eq3A_568 = arith.cmpi eq, %get3A_24, %eq3A_567 : vector<1024x1xi32>
      %jit3A = arith.constant 0xFF800000 : f32
      %broadcast_in_dim3A_569 = vector.shape_cast %eq3A_568 : vector<1024x1xi1> to vector<1024x1xi1>
      %broadcast_in_dim3A_570 = vector.broadcast %broadcast_in_dim3A_569 : vector<1024x1xi1> to vector<1024x128xi1>
      %broadcast_in_dim3A_571 = vector.broadcast %jit3A : f32 to vector<1024x128xf32>
      %select_n3A = arith.select %broadcast_in_dim3A_570, %add3A_21, %broadcast_in_dim3A_571 : vector<1024x128xi1>, vector<1024x128xf32>
      %get3A_572 = arith.constant 21 : index
      %get3A_573 = arith.constant 0 : index
      %get3A_574 = vector.load %arg12[%get3A_572, %get3A_573] : memref<64x128xf32, #tpu.memory_space<vmem>>, vector<1x128xf32>
      %reduce_max3A_575 = arith.constant dense<0xFF800000> : vector<128xf32>
      %reduce_max3A_576 = vector.multi_reduction <maximumf>, %select_n3A, %reduce_max3A_575 [0] : vector<1024x128xf32> to vector<128xf32>
      %broadcast_in_dim3A_577 = vector.shape_cast %reduce_max3A_576 : vector<128xf32> to vector<1x128xf32>
      %max3A_578 = arith.maximumf %get3A_574, %broadcast_in_dim3A_577 : vector<1x128xf32>
      %swap3A_579 = arith.constant 21 : index
      %swap3A_580 = arith.constant 0 : index
      %swap3A_581 = vector.load %arg12[%swap3A_579, %swap3A_580] : memref<64x128xf32, #tpu.memory_space<vmem>>, vector<1x128xf32>
      tpu.vector_store %arg12[%swap3A_579, %swap3A_580], %max3A_578 {strides = array<i32>} : memref<64x128xf32, #tpu.memory_space<vmem>>, vector<1x128xf32>,
    } else {
    }
    %le3A_225 = arith.constant 22 : i32
    %le3A_226 = arith.cmpi sle, %reduce_min3A_47, %le3A_225 : i32
    %ge3A_227 = arith.constant 22 : i32
    %ge3A_228 = arith.cmpi sge, %reduce_max3A_51, %ge3A_227 : i32
    %and3A_229 = arith.andi %le3A_226, %ge3A_228 : i1
    %convert_element_type3A_230 = arith.extui %and3A_229 : i1 to i32
    %cond3A_231 = arith.constant 0 : i32
    %cond3A_232 = arith.cmpi ne, %convert_element_type3A_230, %cond3A_231 : i32
    scf.if %cond3A_232 {
      %eq3A_566 = arith.constant 22 : i32
      %eq3A_567 = vector.broadcast %eq3A_566 : i32 to vector<1024x1xi32>
      %eq3A_568 = arith.cmpi eq, %get3A_24, %eq3A_567 : vector<1024x1xi32>
      %jit3A = arith.constant 0xFF800000 : f32
      %broadcast_in_dim3A_569 = vector.shape_cast %eq3A_568 : vector<1024x1xi1> to vector<1024x1xi1>
      %broadcast_in_dim3A_570 = vector.broadcast %broadcast_in_dim3A_569 : vector<1024x1xi1> to vector<1024x128xi1>
      %broadcast_in_dim3A_571 = vector.broadcast %jit3A : f32 to vector<1024x128xf32>
      %select_n3A = arith.select %broadcast_in_dim3A_570, %add3A_21, %broadcast_in_dim3A_571 : vector<1024x128xi1>, vector<1024x128xf32>
      %get3A_572 = arith.constant 22 : index
      %get3A_573 = arith.constant 0 : index
      %get3A_574 = vector.load %arg12[%get3A_572, %get3A_573] : memref<64x128xf32, #tpu.memory_space<vmem>>, vector<1x128xf32>
      %reduce_max3A_575 = arith.constant dense<0xFF800000> : vector<128xf32>
      %reduce_max3A_576 = vector.multi_reduction <maximumf>, %select_n3A, %reduce_max3A_575 [0] : vector<1024x128xf32> to vector<128xf32>
      %broadcast_in_dim3A_577 = vector.shape_cast %reduce_max3A_576 : vector<128xf32> to vector<1x128xf32>
      %max3A_578 = arith.maximumf %get3A_574, %broadcast_in_dim3A_577 : vector<1x128xf32>
      %swap3A_579 = arith.constant 22 : index
      %swap3A_580 = arith.constant 0 : index
      %swap3A_581 = vector.load %arg12[%swap3A_579, %swap3A_580] : memref<64x128xf32, #tpu.memory_space<vmem>>, vector<1x128xf32>
      tpu.vector_store %arg12[%swap3A_579, %swap3A_580], %max3A_578 {strides = array<i32>} : memref<64x128xf32, #tpu.memory_space<vmem>>, vector<1x128xf32>,
    } else {
    }
    %le3A_233 = arith.constant 23 : i32
    %le3A_234 = arith.cmpi sle, %reduce_min3A_47, %le3A_233 : i32
    %ge3A_235 = arith.constant 23 : i32
    %ge3A_236 = arith.cmpi sge, %reduce_max3A_51, %ge3A_235 : i32
    %and3A_237 = arith.andi %le3A_234, %ge3A_236 : i1
    %convert_element_type3A_238 = arith.extui %and3A_237 : i1 to i32
    %cond3A_239 = arith.constant 0 : i32
    %cond3A_240 = arith.cmpi ne, %convert_element_type3A_238, %cond3A_239 : i32
    scf.if %cond3A_240 {
      %eq3A_566 = arith.constant 23 : i32
      %eq3A_567 = vector.broadcast %eq3A_566 : i32 to vector<1024x1xi32>
      %eq3A_568 = arith.cmpi eq, %get3A_24, %eq3A_567 : vector<1024x1xi32>
      %jit3A = arith.constant 0xFF800000 : f32
      %broadcast_in_dim3A_569 = vector.shape_cast %eq3A_568 : vector<1024x1xi1> to vector<1024x1xi1>
      %broadcast_in_dim3A_570 = vector.broadcast %broadcast_in_dim3A_569 : vector<1024x1xi1> to vector<1024x128xi1>
      %broadcast_in_dim3A_571 = vector.broadcast %jit3A : f32 to vector<1024x128xf32>
      %select_n3A = arith.select %broadcast_in_dim3A_570, %add3A_21, %broadcast_in_dim3A_571 : vector<1024x128xi1>, vector<1024x128xf32>
      %get3A_572 = arith.constant 23 : index
      %get3A_573 = arith.constant 0 : index
      %get3A_574 = vector.load %arg12[%get3A_572, %get3A_573] : memref<64x128xf32, #tpu.memory_space<vmem>>, vector<1x128xf32>
      %reduce_max3A_575 = arith.constant dense<0xFF800000> : vector<128xf32>
      %reduce_max3A_576 = vector.multi_reduction <maximumf>, %select_n3A, %reduce_max3A_575 [0] : vector<1024x128xf32> to vector<128xf32>
      %broadcast_in_dim3A_577 = vector.shape_cast %reduce_max3A_576 : vector<128xf32> to vector<1x128xf32>
      %max3A_578 = arith.maximumf %get3A_574, %broadcast_in_dim3A_577 : vector<1x128xf32>
      %swap3A_579 = arith.constant 23 : index
      %swap3A_580 = arith.constant 0 : index
      %swap3A_581 = vector.load %arg12[%swap3A_579, %swap3A_580] : memref<64x128xf32, #tpu.memory_space<vmem>>, vector<1x128xf32>
      tpu.vector_store %arg12[%swap3A_579, %swap3A_580], %max3A_578 {strides = array<i32>} : memref<64x128xf32, #tpu.memory_space<vmem>>, vector<1x128xf32>,
    } else {
    }
    %le3A_241 = arith.constant 24 : i32
    %le3A_242 = arith.cmpi sle, %reduce_min3A_47, %le3A_241 : i32
    %ge3A_243 = arith.constant 24 : i32
    %ge3A_244 = arith.cmpi sge, %reduce_max3A_51, %ge3A_243 : i32
    %and3A_245 = arith.andi %le3A_242, %ge3A_244 : i1
    %convert_element_type3A_246 = arith.extui %and3A_245 : i1 to i32
    %cond3A_247 = arith.constant 0 : i32
    %cond3A_248 = arith.cmpi ne, %convert_element_type3A_246, %cond3A_247 : i32
    scf.if %cond3A_248 {
      %eq3A_566 = arith.constant 24 : i32
      %eq3A_567 = vector.broadcast %eq3A_566 : i32 to vector<1024x1xi32>
      %eq3A_568 = arith.cmpi eq, %get3A_24, %eq3A_567 : vector<1024x1xi32>
      %jit3A = arith.constant 0xFF800000 : f32
      %broadcast_in_dim3A_569 = vector.shape_cast %eq3A_568 : vector<1024x1xi1> to vector<1024x1xi1>
      %broadcast_in_dim3A_570 = vector.broadcast %broadcast_in_dim3A_569 : vector<1024x1xi1> to vector<1024x128xi1>
      %broadcast_in_dim3A_571 = vector.broadcast %jit3A : f32 to vector<1024x128xf32>
      %select_n3A = arith.select %broadcast_in_dim3A_570, %add3A_21, %broadcast_in_dim3A_571 : vector<1024x128xi1>, vector<1024x128xf32>
      %get3A_572 = arith.constant 24 : index
      %get3A_573 = arith.constant 0 : index
      %get3A_574 = vector.load %arg12[%get3A_572, %get3A_573] : memref<64x128xf32, #tpu.memory_space<vmem>>, vector<1x128xf32>
      %reduce_max3A_575 = arith.constant dense<0xFF800000> : vector<128xf32>
      %reduce_max3A_576 = vector.multi_reduction <maximumf>, %select_n3A, %reduce_max3A_575 [0] : vector<1024x128xf32> to vector<128xf32>
      %broadcast_in_dim3A_577 = vector.shape_cast %reduce_max3A_576 : vector<128xf32> to vector<1x128xf32>
      %max3A_578 = arith.maximumf %get3A_574, %broadcast_in_dim3A_577 : vector<1x128xf32>
      %swap3A_579 = arith.constant 24 : index
      %swap3A_580 = arith.constant 0 : index
      %swap3A_581 = vector.load %arg12[%swap3A_579, %swap3A_580] : memref<64x128xf32, #tpu.memory_space<vmem>>, vector<1x128xf32>
      tpu.vector_store %arg12[%swap3A_579, %swap3A_580], %max3A_578 {strides = array<i32>} : memref<64x128xf32, #tpu.memory_space<vmem>>, vector<1x128xf32>,
    } else {
    }
    %le3A_249 = arith.constant 25 : i32
    %le3A_250 = arith.cmpi sle, %reduce_min3A_47, %le3A_249 : i32
    %ge3A_251 = arith.constant 25 : i32
    %ge3A_252 = arith.cmpi sge, %reduce_max3A_51, %ge3A_251 : i32
    %and3A_253 = arith.andi %le3A_250, %ge3A_252 : i1
    %convert_element_type3A_254 = arith.extui %and3A_253 : i1 to i32
    %cond3A_255 = arith.constant 0 : i32
    %cond3A_256 = arith.cmpi ne, %convert_element_type3A_254, %cond3A_255 : i32
    scf.if %cond3A_256 {
      %eq3A_566 = arith.constant 25 : i32
      %eq3A_567 = vector.broadcast %eq3A_566 : i32 to vector<1024x1xi32>
      %eq3A_568 = arith.cmpi eq, %get3A_24, %eq3A_567 : vector<1024x1xi32>
      %jit3A = arith.constant 0xFF800000 : f32
      %broadcast_in_dim3A_569 = vector.shape_cast %eq3A_568 : vector<1024x1xi1> to vector<1024x1xi1>
      %broadcast_in_dim3A_570 = vector.broadcast %broadcast_in_dim3A_569 : vector<1024x1xi1> to vector<1024x128xi1>
      %broadcast_in_dim3A_571 = vector.broadcast %jit3A : f32 to vector<1024x128xf32>
      %select_n3A = arith.select %broadcast_in_dim3A_570, %add3A_21, %broadcast_in_dim3A_571 : vector<1024x128xi1>, vector<1024x128xf32>
      %get3A_572 = arith.constant 25 : index
      %get3A_573 = arith.constant 0 : index
      %get3A_574 = vector.load %arg12[%get3A_572, %get3A_573] : memref<64x128xf32, #tpu.memory_space<vmem>>, vector<1x128xf32>
      %reduce_max3A_575 = arith.constant dense<0xFF800000> : vector<128xf32>
      %reduce_max3A_576 = vector.multi_reduction <maximumf>, %select_n3A, %reduce_max3A_575 [0] : vector<1024x128xf32> to vector<128xf32>
      %broadcast_in_dim3A_577 = vector.shape_cast %reduce_max3A_576 : vector<128xf32> to vector<1x128xf32>
      %max3A_578 = arith.maximumf %get3A_574, %broadcast_in_dim3A_577 : vector<1x128xf32>
      %swap3A_579 = arith.constant 25 : index
      %swap3A_580 = arith.constant 0 : index
      %swap3A_581 = vector.load %arg12[%swap3A_579, %swap3A_580] : memref<64x128xf32, #tpu.memory_space<vmem>>, vector<1x128xf32>
      tpu.vector_store %arg12[%swap3A_579, %swap3A_580], %max3A_578 {strides = array<i32>} : memref<64x128xf32, #tpu.memory_space<vmem>>, vector<1x128xf32>,
    } else {
    }
    %le3A_257 = arith.constant 26 : i32
    %le3A_258 = arith.cmpi sle, %reduce_min3A_47, %le3A_257 : i32
    %ge3A_259 = arith.constant 26 : i32
    %ge3A_260 = arith.cmpi sge, %reduce_max3A_51, %ge3A_259 : i32
    %and3A_261 = arith.andi %le3A_258, %ge3A_260 : i1
    %convert_element_type3A_262 = arith.extui %and3A_261 : i1 to i32
    %cond3A_263 = arith.constant 0 : i32
    %cond3A_264 = arith.cmpi ne, %convert_element_type3A_262, %cond3A_263 : i32
    scf.if %cond3A_264 {
      %eq3A_566 = arith.constant 26 : i32
      %eq3A_567 = vector.broadcast %eq3A_566 : i32 to vector<1024x1xi32>
      %eq3A_568 = arith.cmpi eq, %get3A_24, %eq3A_567 : vector<1024x1xi32>
      %jit3A = arith.constant 0xFF800000 : f32
      %broadcast_in_dim3A_569 = vector.shape_cast %eq3A_568 : vector<1024x1xi1> to vector<1024x1xi1>
      %broadcast_in_dim3A_570 = vector.broadcast %broadcast_in_dim3A_569 : vector<1024x1xi1> to vector<1024x128xi1>
      %broadcast_in_dim3A_571 = vector.broadcast %jit3A : f32 to vector<1024x128xf32>
      %select_n3A = arith.select %broadcast_in_dim3A_570, %add3A_21, %broadcast_in_dim3A_571 : vector<1024x128xi1>, vector<1024x128xf32>
      %get3A_572 = arith.constant 26 : index
      %get3A_573 = arith.constant 0 : index
      %get3A_574 = vector.load %arg12[%get3A_572, %get3A_573] : memref<64x128xf32, #tpu.memory_space<vmem>>, vector<1x128xf32>
      %reduce_max3A_575 = arith.constant dense<0xFF800000> : vector<128xf32>
      %reduce_max3A_576 = vector.multi_reduction <maximumf>, %select_n3A, %reduce_max3A_575 [0] : vector<1024x128xf32> to vector<128xf32>
      %broadcast_in_dim3A_577 = vector.shape_cast %reduce_max3A_576 : vector<128xf32> to vector<1x128xf32>
      %max3A_578 = arith.maximumf %get3A_574, %broadcast_in_dim3A_577 : vector<1x128xf32>
      %swap3A_579 = arith.constant 26 : index
      %swap3A_580 = arith.constant 0 : index
      %swap3A_581 = vector.load %arg12[%swap3A_579, %swap3A_580] : memref<64x128xf32, #tpu.memory_space<vmem>>, vector<1x128xf32>
      tpu.vector_store %arg12[%swap3A_579, %swap3A_580], %max3A_578 {strides = array<i32>} : memref<64x128xf32, #tpu.memory_space<vmem>>, vector<1x128xf32>,
    } else {
    }
    %le3A_265 = arith.constant 27 : i32
    %le3A_266 = arith.cmpi sle, %reduce_min3A_47, %le3A_265 : i32
    %ge3A_267 = arith.constant 27 : i32
    %ge3A_268 = arith.cmpi sge, %reduce_max3A_51, %ge3A_267 : i32
    %and3A_269 = arith.andi %le3A_266, %ge3A_268 : i1
    %convert_element_type3A_270 = arith.extui %and3A_269 : i1 to i32
    %cond3A_271 = arith.constant 0 : i32
    %cond3A_272 = arith.cmpi ne, %convert_element_type3A_270, %cond3A_271 : i32
    scf.if %cond3A_272 {
      %eq3A_566 = arith.constant 27 : i32
      %eq3A_567 = vector.broadcast %eq3A_566 : i32 to vector<1024x1xi32>
      %eq3A_568 = arith.cmpi eq, %get3A_24, %eq3A_567 : vector<1024x1xi32>
      %jit3A = arith.constant 0xFF800000 : f32
      %broadcast_in_dim3A_569 = vector.shape_cast %eq3A_568 : vector<1024x1xi1> to vector<1024x1xi1>
      %broadcast_in_dim3A_570 = vector.broadcast %broadcast_in_dim3A_569 : vector<1024x1xi1> to vector<1024x128xi1>
      %broadcast_in_dim3A_571 = vector.broadcast %jit3A : f32 to vector<1024x128xf32>
      %select_n3A = arith.select %broadcast_in_dim3A_570, %add3A_21, %broadcast_in_dim3A_571 : vector<1024x128xi1>, vector<1024x128xf32>
      %get3A_572 = arith.constant 27 : index
      %get3A_573 = arith.constant 0 : index
      %get3A_574 = vector.load %arg12[%get3A_572, %get3A_573] : memref<64x128xf32, #tpu.memory_space<vmem>>, vector<1x128xf32>
      %reduce_max3A_575 = arith.constant dense<0xFF800000> : vector<128xf32>
      %reduce_max3A_576 = vector.multi_reduction <maximumf>, %select_n3A, %reduce_max3A_575 [0] : vector<1024x128xf32> to vector<128xf32>
      %broadcast_in_dim3A_577 = vector.shape_cast %reduce_max3A_576 : vector<128xf32> to vector<1x128xf32>
      %max3A_578 = arith.maximumf %get3A_574, %broadcast_in_dim3A_577 : vector<1x128xf32>
      %swap3A_579 = arith.constant 27 : index
      %swap3A_580 = arith.constant 0 : index
      %swap3A_581 = vector.load %arg12[%swap3A_579, %swap3A_580] : memref<64x128xf32, #tpu.memory_space<vmem>>, vector<1x128xf32>
      tpu.vector_store %arg12[%swap3A_579, %swap3A_580], %max3A_578 {strides = array<i32>} : memref<64x128xf32, #tpu.memory_space<vmem>>, vector<1x128xf32>,
    } else {
    }
    %le3A_273 = arith.constant 28 : i32
    %le3A_274 = arith.cmpi sle, %reduce_min3A_47, %le3A_273 : i32
    %ge3A_275 = arith.constant 28 : i32
    %ge3A_276 = arith.cmpi sge, %reduce_max3A_51, %ge3A_275 : i32
    %and3A_277 = arith.andi %le3A_274, %ge3A_276 : i1
    %convert_element_type3A_278 = arith.extui %and3A_277 : i1 to i32
    %cond3A_279 = arith.constant 0 : i32
    %cond3A_280 = arith.cmpi ne, %convert_element_type3A_278, %cond3A_279 : i32
    scf.if %cond3A_280 {
      %eq3A_566 = arith.constant 28 : i32
      %eq3A_567 = vector.broadcast %eq3A_566 : i32 to vector<1024x1xi32>
      %eq3A_568 = arith.cmpi eq, %get3A_24, %eq3A_567 : vector<1024x1xi32>
      %jit3A = arith.constant 0xFF800000 : f32
      %broadcast_in_dim3A_569 = vector.shape_cast %eq3A_568 : vector<1024x1xi1> to vector<1024x1xi1>
      %broadcast_in_dim3A_570 = vector.broadcast %broadcast_in_dim3A_569 : vector<1024x1xi1> to vector<1024x128xi1>
      %broadcast_in_dim3A_571 = vector.broadcast %jit3A : f32 to vector<1024x128xf32>
      %select_n3A = arith.select %broadcast_in_dim3A_570, %add3A_21, %broadcast_in_dim3A_571 : vector<1024x128xi1>, vector<1024x128xf32>
      %get3A_572 = arith.constant 28 : index
      %get3A_573 = arith.constant 0 : index
      %get3A_574 = vector.load %arg12[%get3A_572, %get3A_573] : memref<64x128xf32, #tpu.memory_space<vmem>>, vector<1x128xf32>
      %reduce_max3A_575 = arith.constant dense<0xFF800000> : vector<128xf32>
      %reduce_max3A_576 = vector.multi_reduction <maximumf>, %select_n3A, %reduce_max3A_575 [0] : vector<1024x128xf32> to vector<128xf32>
      %broadcast_in_dim3A_577 = vector.shape_cast %reduce_max3A_576 : vector<128xf32> to vector<1x128xf32>
      %max3A_578 = arith.maximumf %get3A_574, %broadcast_in_dim3A_577 : vector<1x128xf32>
      %swap3A_579 = arith.constant 28 : index
      %swap3A_580 = arith.constant 0 : index
      %swap3A_581 = vector.load %arg12[%swap3A_579, %swap3A_580] : memref<64x128xf32, #tpu.memory_space<vmem>>, vector<1x128xf32>
      tpu.vector_store %arg12[%swap3A_579, %swap3A_580], %max3A_578 {strides = array<i32>} : memref<64x128xf32, #tpu.memory_space<vmem>>, vector<1x128xf32>,
    } else {
    }
    %le3A_281 = arith.constant 29 : i32
    %le3A_282 = arith.cmpi sle, %reduce_min3A_47, %le3A_281 : i32
    %ge3A_283 = arith.constant 29 : i32
    %ge3A_284 = arith.cmpi sge, %reduce_max3A_51, %ge3A_283 : i32
    %and3A_285 = arith.andi %le3A_282, %ge3A_284 : i1
    %convert_element_type3A_286 = arith.extui %and3A_285 : i1 to i32
    %cond3A_287 = arith.constant 0 : i32
    %cond3A_288 = arith.cmpi ne, %convert_element_type3A_286, %cond3A_287 : i32
    scf.if %cond3A_288 {
      %eq3A_566 = arith.constant 29 : i32
      %eq3A_567 = vector.broadcast %eq3A_566 : i32 to vector<1024x1xi32>
      %eq3A_568 = arith.cmpi eq, %get3A_24, %eq3A_567 : vector<1024x1xi32>
      %jit3A = arith.constant 0xFF800000 : f32
      %broadcast_in_dim3A_569 = vector.shape_cast %eq3A_568 : vector<1024x1xi1> to vector<1024x1xi1>
      %broadcast_in_dim3A_570 = vector.broadcast %broadcast_in_dim3A_569 : vector<1024x1xi1> to vector<1024x128xi1>
      %broadcast_in_dim3A_571 = vector.broadcast %jit3A : f32 to vector<1024x128xf32>
      %select_n3A = arith.select %broadcast_in_dim3A_570, %add3A_21, %broadcast_in_dim3A_571 : vector<1024x128xi1>, vector<1024x128xf32>
      %get3A_572 = arith.constant 29 : index
      %get3A_573 = arith.constant 0 : index
      %get3A_574 = vector.load %arg12[%get3A_572, %get3A_573] : memref<64x128xf32, #tpu.memory_space<vmem>>, vector<1x128xf32>
      %reduce_max3A_575 = arith.constant dense<0xFF800000> : vector<128xf32>
      %reduce_max3A_576 = vector.multi_reduction <maximumf>, %select_n3A, %reduce_max3A_575 [0] : vector<1024x128xf32> to vector<128xf32>
      %broadcast_in_dim3A_577 = vector.shape_cast %reduce_max3A_576 : vector<128xf32> to vector<1x128xf32>
      %max3A_578 = arith.maximumf %get3A_574, %broadcast_in_dim3A_577 : vector<1x128xf32>
      %swap3A_579 = arith.constant 29 : index
      %swap3A_580 = arith.constant 0 : index
      %swap3A_581 = vector.load %arg12[%swap3A_579, %swap3A_580] : memref<64x128xf32, #tpu.memory_space<vmem>>, vector<1x128xf32>
      tpu.vector_store %arg12[%swap3A_579, %swap3A_580], %max3A_578 {strides = array<i32>} : memref<64x128xf32, #tpu.memory_space<vmem>>, vector<1x128xf32>,
    } else {
    }
    %le3A_289 = arith.constant 30 : i32
    %le3A_290 = arith.cmpi sle, %reduce_min3A_47, %le3A_289 : i32
    %ge3A_291 = arith.constant 30 : i32
    %ge3A_292 = arith.cmpi sge, %reduce_max3A_51, %ge3A_291 : i32
    %and3A_293 = arith.andi %le3A_290, %ge3A_292 : i1
    %convert_element_type3A_294 = arith.extui %and3A_293 : i1 to i32
    %cond3A_295 = arith.constant 0 : i32
    %cond3A_296 = arith.cmpi ne, %convert_element_type3A_294, %cond3A_295 : i32
    scf.if %cond3A_296 {
      %eq3A_566 = arith.constant 30 : i32
      %eq3A_567 = vector.broadcast %eq3A_566 : i32 to vector<1024x1xi32>
      %eq3A_568 = arith.cmpi eq, %get3A_24, %eq3A_567 : vector<1024x1xi32>
      %jit3A = arith.constant 0xFF800000 : f32
      %broadcast_in_dim3A_569 = vector.shape_cast %eq3A_568 : vector<1024x1xi1> to vector<1024x1xi1>
      %broadcast_in_dim3A_570 = vector.broadcast %broadcast_in_dim3A_569 : vector<1024x1xi1> to vector<1024x128xi1>
      %broadcast_in_dim3A_571 = vector.broadcast %jit3A : f32 to vector<1024x128xf32>
      %select_n3A = arith.select %broadcast_in_dim3A_570, %add3A_21, %broadcast_in_dim3A_571 : vector<1024x128xi1>, vector<1024x128xf32>
      %get3A_572 = arith.constant 30 : index
      %get3A_573 = arith.constant 0 : index
      %get3A_574 = vector.load %arg12[%get3A_572, %get3A_573] : memref<64x128xf32, #tpu.memory_space<vmem>>, vector<1x128xf32>
      %reduce_max3A_575 = arith.constant dense<0xFF800000> : vector<128xf32>
      %reduce_max3A_576 = vector.multi_reduction <maximumf>, %select_n3A, %reduce_max3A_575 [0] : vector<1024x128xf32> to vector<128xf32>
      %broadcast_in_dim3A_577 = vector.shape_cast %reduce_max3A_576 : vector<128xf32> to vector<1x128xf32>
      %max3A_578 = arith.maximumf %get3A_574, %broadcast_in_dim3A_577 : vector<1x128xf32>
      %swap3A_579 = arith.constant 30 : index
      %swap3A_580 = arith.constant 0 : index
      %swap3A_581 = vector.load %arg12[%swap3A_579, %swap3A_580] : memref<64x128xf32, #tpu.memory_space<vmem>>, vector<1x128xf32>
      tpu.vector_store %arg12[%swap3A_579, %swap3A_580], %max3A_578 {strides = array<i32>} : memref<64x128xf32, #tpu.memory_space<vmem>>, vector<1x128xf32>,
    } else {
    }
    %le3A_297 = arith.constant 31 : i32
    %le3A_298 = arith.cmpi sle, %reduce_min3A_47, %le3A_297 : i32
    %ge3A_299 = arith.constant 31 : i32
    %ge3A_300 = arith.cmpi sge, %reduce_max3A_51, %ge3A_299 : i32
    %and3A_301 = arith.andi %le3A_298, %ge3A_300 : i1
    %convert_element_type3A_302 = arith.extui %and3A_301 : i1 to i32
    %cond3A_303 = arith.constant 0 : i32
    %cond3A_304 = arith.cmpi ne, %convert_element_type3A_302, %cond3A_303 : i32
    scf.if %cond3A_304 {
      %eq3A_566 = arith.constant 31 : i32
      %eq3A_567 = vector.broadcast %eq3A_566 : i32 to vector<1024x1xi32>
      %eq3A_568 = arith.cmpi eq, %get3A_24, %eq3A_567 : vector<1024x1xi32>
      %jit3A = arith.constant 0xFF800000 : f32
      %broadcast_in_dim3A_569 = vector.shape_cast %eq3A_568 : vector<1024x1xi1> to vector<1024x1xi1>
      %broadcast_in_dim3A_570 = vector.broadcast %broadcast_in_dim3A_569 : vector<1024x1xi1> to vector<1024x128xi1>
      %broadcast_in_dim3A_571 = vector.broadcast %jit3A : f32 to vector<1024x128xf32>
      %select_n3A = arith.select %broadcast_in_dim3A_570, %add3A_21, %broadcast_in_dim3A_571 : vector<1024x128xi1>, vector<1024x128xf32>
      %get3A_572 = arith.constant 31 : index
      %get3A_573 = arith.constant 0 : index
      %get3A_574 = vector.load %arg12[%get3A_572, %get3A_573] : memref<64x128xf32, #tpu.memory_space<vmem>>, vector<1x128xf32>
      %reduce_max3A_575 = arith.constant dense<0xFF800000> : vector<128xf32>
      %reduce_max3A_576 = vector.multi_reduction <maximumf>, %select_n3A, %reduce_max3A_575 [0] : vector<1024x128xf32> to vector<128xf32>
      %broadcast_in_dim3A_577 = vector.shape_cast %reduce_max3A_576 : vector<128xf32> to vector<1x128xf32>
      %max3A_578 = arith.maximumf %get3A_574, %broadcast_in_dim3A_577 : vector<1x128xf32>
      %swap3A_579 = arith.constant 31 : index
      %swap3A_580 = arith.constant 0 : index
      %swap3A_581 = vector.load %arg12[%swap3A_579, %swap3A_580] : memref<64x128xf32, #tpu.memory_space<vmem>>, vector<1x128xf32>
      tpu.vector_store %arg12[%swap3A_579, %swap3A_580], %max3A_578 {strides = array<i32>} : memref<64x128xf32, #tpu.memory_space<vmem>>, vector<1x128xf32>,
    } else {
    }
    %le3A_305 = arith.constant 32 : i32
    %le3A_306 = arith.cmpi sle, %reduce_min3A_47, %le3A_305 : i32
    %ge3A_307 = arith.constant 32 : i32
    %ge3A_308 = arith.cmpi sge, %reduce_max3A_51, %ge3A_307 : i32
    %and3A_309 = arith.andi %le3A_306, %ge3A_308 : i1
    %convert_element_type3A_310 = arith.extui %and3A_309 : i1 to i32
    %cond3A_311 = arith.constant 0 : i32
    %cond3A_312 = arith.cmpi ne, %convert_element_type3A_310, %cond3A_311 : i32
    scf.if %cond3A_312 {
      %eq3A_566 = arith.constant 32 : i32
      %eq3A_567 = vector.broadcast %eq3A_566 : i32 to vector<1024x1xi32>
      %eq3A_568 = arith.cmpi eq, %get3A_24, %eq3A_567 : vector<1024x1xi32>
      %jit3A = arith.constant 0xFF800000 : f32
      %broadcast_in_dim3A_569 = vector.shape_cast %eq3A_568 : vector<1024x1xi1> to vector<1024x1xi1>
      %broadcast_in_dim3A_570 = vector.broadcast %broadcast_in_dim3A_569 : vector<1024x1xi1> to vector<1024x128xi1>
      %broadcast_in_dim3A_571 = vector.broadcast %jit3A : f32 to vector<1024x128xf32>
      %select_n3A = arith.select %broadcast_in_dim3A_570, %add3A_21, %broadcast_in_dim3A_571 : vector<1024x128xi1>, vector<1024x128xf32>
      %get3A_572 = arith.constant 32 : index
      %get3A_573 = arith.constant 0 : index
      %get3A_574 = vector.load %arg12[%get3A_572, %get3A_573] : memref<64x128xf32, #tpu.memory_space<vmem>>, vector<1x128xf32>
      %reduce_max3A_575 = arith.constant dense<0xFF800000> : vector<128xf32>
      %reduce_max3A_576 = vector.multi_reduction <maximumf>, %select_n3A, %reduce_max3A_575 [0] : vector<1024x128xf32> to vector<128xf32>
      %broadcast_in_dim3A_577 = vector.shape_cast %reduce_max3A_576 : vector<128xf32> to vector<1x128xf32>
      %max3A_578 = arith.maximumf %get3A_574, %broadcast_in_dim3A_577 : vector<1x128xf32>
      %swap3A_579 = arith.constant 32 : index
      %swap3A_580 = arith.constant 0 : index
      %swap3A_581 = vector.load %arg12[%swap3A_579, %swap3A_580] : memref<64x128xf32, #tpu.memory_space<vmem>>, vector<1x128xf32>
      tpu.vector_store %arg12[%swap3A_579, %swap3A_580], %max3A_578 {strides = array<i32>} : memref<64x128xf32, #tpu.memory_space<vmem>>, vector<1x128xf32>,
    } else {
    }
    %le3A_313 = arith.constant 33 : i32
    %le3A_314 = arith.cmpi sle, %reduce_min3A_47, %le3A_313 : i32
    %ge3A_315 = arith.constant 33 : i32
    %ge3A_316 = arith.cmpi sge, %reduce_max3A_51, %ge3A_315 : i32
    %and3A_317 = arith.andi %le3A_314, %ge3A_316 : i1
    %convert_element_type3A_318 = arith.extui %and3A_317 : i1 to i32
    %cond3A_319 = arith.constant 0 : i32
    %cond3A_320 = arith.cmpi ne, %convert_element_type3A_318, %cond3A_319 : i32
    scf.if %cond3A_320 {
      %eq3A_566 = arith.constant 33 : i32
      %eq3A_567 = vector.broadcast %eq3A_566 : i32 to vector<1024x1xi32>
      %eq3A_568 = arith.cmpi eq, %get3A_24, %eq3A_567 : vector<1024x1xi32>
      %jit3A = arith.constant 0xFF800000 : f32
      %broadcast_in_dim3A_569 = vector.shape_cast %eq3A_568 : vector<1024x1xi1> to vector<1024x1xi1>
      %broadcast_in_dim3A_570 = vector.broadcast %broadcast_in_dim3A_569 : vector<1024x1xi1> to vector<1024x128xi1>
      %broadcast_in_dim3A_571 = vector.broadcast %jit3A : f32 to vector<1024x128xf32>
      %select_n3A = arith.select %broadcast_in_dim3A_570, %add3A_21, %broadcast_in_dim3A_571 : vector<1024x128xi1>, vector<1024x128xf32>
      %get3A_572 = arith.constant 33 : index
      %get3A_573 = arith.constant 0 : index
      %get3A_574 = vector.load %arg12[%get3A_572, %get3A_573] : memref<64x128xf32, #tpu.memory_space<vmem>>, vector<1x128xf32>
      %reduce_max3A_575 = arith.constant dense<0xFF800000> : vector<128xf32>
      %reduce_max3A_576 = vector.multi_reduction <maximumf>, %select_n3A, %reduce_max3A_575 [0] : vector<1024x128xf32> to vector<128xf32>
      %broadcast_in_dim3A_577 = vector.shape_cast %reduce_max3A_576 : vector<128xf32> to vector<1x128xf32>
      %max3A_578 = arith.maximumf %get3A_574, %broadcast_in_dim3A_577 : vector<1x128xf32>
      %swap3A_579 = arith.constant 33 : index
      %swap3A_580 = arith.constant 0 : index
      %swap3A_581 = vector.load %arg12[%swap3A_579, %swap3A_580] : memref<64x128xf32, #tpu.memory_space<vmem>>, vector<1x128xf32>
      tpu.vector_store %arg12[%swap3A_579, %swap3A_580], %max3A_578 {strides = array<i32>} : memref<64x128xf32, #tpu.memory_space<vmem>>, vector<1x128xf32>,
    } else {
    }
    %le3A_321 = arith.constant 34 : i32
    %le3A_322 = arith.cmpi sle, %reduce_min3A_47, %le3A_321 : i32
    %ge3A_323 = arith.constant 34 : i32
    %ge3A_324 = arith.cmpi sge, %reduce_max3A_51, %ge3A_323 : i32
    %and3A_325 = arith.andi %le3A_322, %ge3A_324 : i1
    %convert_element_type3A_326 = arith.extui %and3A_325 : i1 to i32
    %cond3A_327 = arith.constant 0 : i32
    %cond3A_328 = arith.cmpi ne, %convert_element_type3A_326, %cond3A_327 : i32
    scf.if %cond3A_328 {
      %eq3A_566 = arith.constant 34 : i32
      %eq3A_567 = vector.broadcast %eq3A_566 : i32 to vector<1024x1xi32>
      %eq3A_568 = arith.cmpi eq, %get3A_24, %eq3A_567 : vector<1024x1xi32>
      %jit3A = arith.constant 0xFF800000 : f32
      %broadcast_in_dim3A_569 = vector.shape_cast %eq3A_568 : vector<1024x1xi1> to vector<1024x1xi1>
      %broadcast_in_dim3A_570 = vector.broadcast %broadcast_in_dim3A_569 : vector<1024x1xi1> to vector<1024x128xi1>
      %broadcast_in_dim3A_571 = vector.broadcast %jit3A : f32 to vector<1024x128xf32>
      %select_n3A = arith.select %broadcast_in_dim3A_570, %add3A_21, %broadcast_in_dim3A_571 : vector<1024x128xi1>, vector<1024x128xf32>
      %get3A_572 = arith.constant 34 : index
      %get3A_573 = arith.constant 0 : index
      %get3A_574 = vector.load %arg12[%get3A_572, %get3A_573] : memref<64x128xf32, #tpu.memory_space<vmem>>, vector<1x128xf32>
      %reduce_max3A_575 = arith.constant dense<0xFF800000> : vector<128xf32>
      %reduce_max3A_576 = vector.multi_reduction <maximumf>, %select_n3A, %reduce_max3A_575 [0] : vector<1024x128xf32> to vector<128xf32>
      %broadcast_in_dim3A_577 = vector.shape_cast %reduce_max3A_576 : vector<128xf32> to vector<1x128xf32>
      %max3A_578 = arith.maximumf %get3A_574, %broadcast_in_dim3A_577 : vector<1x128xf32>
      %swap3A_579 = arith.constant 34 : index
      %swap3A_580 = arith.constant 0 : index
      %swap3A_581 = vector.load %arg12[%swap3A_579, %swap3A_580] : memref<64x128xf32, #tpu.memory_space<vmem>>, vector<1x128xf32>
      tpu.vector_store %arg12[%swap3A_579, %swap3A_580], %max3A_578 {strides = array<i32>} : memref<64x128xf32, #tpu.memory_space<vmem>>, vector<1x128xf32>,
    } else {
    }
    %le3A_329 = arith.constant 35 : i32
    %le3A_330 = arith.cmpi sle, %reduce_min3A_47, %le3A_329 : i32
    %ge3A_331 = arith.constant 35 : i32
    %ge3A_332 = arith.cmpi sge, %reduce_max3A_51, %ge3A_331 : i32
    %and3A_333 = arith.andi %le3A_330, %ge3A_332 : i1
    %convert_element_type3A_334 = arith.extui %and3A_333 : i1 to i32
    %cond3A_335 = arith.constant 0 : i32
    %cond3A_336 = arith.cmpi ne, %convert_element_type3A_334, %cond3A_335 : i32
    scf.if %cond3A_336 {
      %eq3A_566 = arith.constant 35 : i32
      %eq3A_567 = vector.broadcast %eq3A_566 : i32 to vector<1024x1xi32>
      %eq3A_568 = arith.cmpi eq, %get3A_24, %eq3A_567 : vector<1024x1xi32>
      %jit3A = arith.constant 0xFF800000 : f32
      %broadcast_in_dim3A_569 = vector.shape_cast %eq3A_568 : vector<1024x1xi1> to vector<1024x1xi1>
      %broadcast_in_dim3A_570 = vector.broadcast %broadcast_in_dim3A_569 : vector<1024x1xi1> to vector<1024x128xi1>
      %broadcast_in_dim3A_571 = vector.broadcast %jit3A : f32 to vector<1024x128xf32>
      %select_n3A = arith.select %broadcast_in_dim3A_570, %add3A_21, %broadcast_in_dim3A_571 : vector<1024x128xi1>, vector<1024x128xf32>
      %get3A_572 = arith.constant 35 : index
      %get3A_573 = arith.constant 0 : index
      %get3A_574 = vector.load %arg12[%get3A_572, %get3A_573] : memref<64x128xf32, #tpu.memory_space<vmem>>, vector<1x128xf32>
      %reduce_max3A_575 = arith.constant dense<0xFF800000> : vector<128xf32>
      %reduce_max3A_576 = vector.multi_reduction <maximumf>, %select_n3A, %reduce_max3A_575 [0] : vector<1024x128xf32> to vector<128xf32>
      %broadcast_in_dim3A_577 = vector.shape_cast %reduce_max3A_576 : vector<128xf32> to vector<1x128xf32>
      %max3A_578 = arith.maximumf %get3A_574, %broadcast_in_dim3A_577 : vector<1x128xf32>
      %swap3A_579 = arith.constant 35 : index
      %swap3A_580 = arith.constant 0 : index
      %swap3A_581 = vector.load %arg12[%swap3A_579, %swap3A_580] : memref<64x128xf32, #tpu.memory_space<vmem>>, vector<1x128xf32>
      tpu.vector_store %arg12[%swap3A_579, %swap3A_580], %max3A_578 {strides = array<i32>} : memref<64x128xf32, #tpu.memory_space<vmem>>, vector<1x128xf32>,
    } else {
    }
    %le3A_337 = arith.constant 36 : i32
    %le3A_338 = arith.cmpi sle, %reduce_min3A_47, %le3A_337 : i32
    %ge3A_339 = arith.constant 36 : i32
    %ge3A_340 = arith.cmpi sge, %reduce_max3A_51, %ge3A_339 : i32
    %and3A_341 = arith.andi %le3A_338, %ge3A_340 : i1
    %convert_element_type3A_342 = arith.extui %and3A_341 : i1 to i32
    %cond3A_343 = arith.constant 0 : i32
    %cond3A_344 = arith.cmpi ne, %convert_element_type3A_342, %cond3A_343 : i32
    scf.if %cond3A_344 {
      %eq3A_566 = arith.constant 36 : i32
      %eq3A_567 = vector.broadcast %eq3A_566 : i32 to vector<1024x1xi32>
      %eq3A_568 = arith.cmpi eq, %get3A_24, %eq3A_567 : vector<1024x1xi32>
      %jit3A = arith.constant 0xFF800000 : f32
      %broadcast_in_dim3A_569 = vector.shape_cast %eq3A_568 : vector<1024x1xi1> to vector<1024x1xi1>
      %broadcast_in_dim3A_570 = vector.broadcast %broadcast_in_dim3A_569 : vector<1024x1xi1> to vector<1024x128xi1>
      %broadcast_in_dim3A_571 = vector.broadcast %jit3A : f32 to vector<1024x128xf32>
      %select_n3A = arith.select %broadcast_in_dim3A_570, %add3A_21, %broadcast_in_dim3A_571 : vector<1024x128xi1>, vector<1024x128xf32>
      %get3A_572 = arith.constant 36 : index
      %get3A_573 = arith.constant 0 : index
      %get3A_574 = vector.load %arg12[%get3A_572, %get3A_573] : memref<64x128xf32, #tpu.memory_space<vmem>>, vector<1x128xf32>
      %reduce_max3A_575 = arith.constant dense<0xFF800000> : vector<128xf32>
      %reduce_max3A_576 = vector.multi_reduction <maximumf>, %select_n3A, %reduce_max3A_575 [0] : vector<1024x128xf32> to vector<128xf32>
      %broadcast_in_dim3A_577 = vector.shape_cast %reduce_max3A_576 : vector<128xf32> to vector<1x128xf32>
      %max3A_578 = arith.maximumf %get3A_574, %broadcast_in_dim3A_577 : vector<1x128xf32>
      %swap3A_579 = arith.constant 36 : index
      %swap3A_580 = arith.constant 0 : index
      %swap3A_581 = vector.load %arg12[%swap3A_579, %swap3A_580] : memref<64x128xf32, #tpu.memory_space<vmem>>, vector<1x128xf32>
      tpu.vector_store %arg12[%swap3A_579, %swap3A_580], %max3A_578 {strides = array<i32>} : memref<64x128xf32, #tpu.memory_space<vmem>>, vector<1x128xf32>,
    } else {
    }
    %le3A_345 = arith.constant 37 : i32
    %le3A_346 = arith.cmpi sle, %reduce_min3A_47, %le3A_345 : i32
    %ge3A_347 = arith.constant 37 : i32
    %ge3A_348 = arith.cmpi sge, %reduce_max3A_51, %ge3A_347 : i32
    %and3A_349 = arith.andi %le3A_346, %ge3A_348 : i1
    %convert_element_type3A_350 = arith.extui %and3A_349 : i1 to i32
    %cond3A_351 = arith.constant 0 : i32
    %cond3A_352 = arith.cmpi ne, %convert_element_type3A_350, %cond3A_351 : i32
    scf.if %cond3A_352 {
      %eq3A_566 = arith.constant 37 : i32
      %eq3A_567 = vector.broadcast %eq3A_566 : i32 to vector<1024x1xi32>
      %eq3A_568 = arith.cmpi eq, %get3A_24, %eq3A_567 : vector<1024x1xi32>
      %jit3A = arith.constant 0xFF800000 : f32
      %broadcast_in_dim3A_569 = vector.shape_cast %eq3A_568 : vector<1024x1xi1> to vector<1024x1xi1>
      %broadcast_in_dim3A_570 = vector.broadcast %broadcast_in_dim3A_569 : vector<1024x1xi1> to vector<1024x128xi1>
      %broadcast_in_dim3A_571 = vector.broadcast %jit3A : f32 to vector<1024x128xf32>
      %select_n3A = arith.select %broadcast_in_dim3A_570, %add3A_21, %broadcast_in_dim3A_571 : vector<1024x128xi1>, vector<1024x128xf32>
      %get3A_572 = arith.constant 37 : index
      %get3A_573 = arith.constant 0 : index
      %get3A_574 = vector.load %arg12[%get3A_572, %get3A_573] : memref<64x128xf32, #tpu.memory_space<vmem>>, vector<1x128xf32>
      %reduce_max3A_575 = arith.constant dense<0xFF800000> : vector<128xf32>
      %reduce_max3A_576 = vector.multi_reduction <maximumf>, %select_n3A, %reduce_max3A_575 [0] : vector<1024x128xf32> to vector<128xf32>
      %broadcast_in_dim3A_577 = vector.shape_cast %reduce_max3A_576 : vector<128xf32> to vector<1x128xf32>
      %max3A_578 = arith.maximumf %get3A_574, %broadcast_in_dim3A_577 : vector<1x128xf32>
      %swap3A_579 = arith.constant 37 : index
      %swap3A_580 = arith.constant 0 : index
      %swap3A_581 = vector.load %arg12[%swap3A_579, %swap3A_580] : memref<64x128xf32, #tpu.memory_space<vmem>>, vector<1x128xf32>
      tpu.vector_store %arg12[%swap3A_579, %swap3A_580], %max3A_578 {strides = array<i32>} : memref<64x128xf32, #tpu.memory_space<vmem>>, vector<1x128xf32>,
    } else {
    }
    %le3A_353 = arith.constant 38 : i32
    %le3A_354 = arith.cmpi sle, %reduce_min3A_47, %le3A_353 : i32
    %ge3A_355 = arith.constant 38 : i32
    %ge3A_356 = arith.cmpi sge, %reduce_max3A_51, %ge3A_355 : i32
    %and3A_357 = arith.andi %le3A_354, %ge3A_356 : i1
    %convert_element_type3A_358 = arith.extui %and3A_357 : i1 to i32
    %cond3A_359 = arith.constant 0 : i32
    %cond3A_360 = arith.cmpi ne, %convert_element_type3A_358, %cond3A_359 : i32
    scf.if %cond3A_360 {
      %eq3A_566 = arith.constant 38 : i32
      %eq3A_567 = vector.broadcast %eq3A_566 : i32 to vector<1024x1xi32>
      %eq3A_568 = arith.cmpi eq, %get3A_24, %eq3A_567 : vector<1024x1xi32>
      %jit3A = arith.constant 0xFF800000 : f32
      %broadcast_in_dim3A_569 = vector.shape_cast %eq3A_568 : vector<1024x1xi1> to vector<1024x1xi1>
      %broadcast_in_dim3A_570 = vector.broadcast %broadcast_in_dim3A_569 : vector<1024x1xi1> to vector<1024x128xi1>
      %broadcast_in_dim3A_571 = vector.broadcast %jit3A : f32 to vector<1024x128xf32>
      %select_n3A = arith.select %broadcast_in_dim3A_570, %add3A_21, %broadcast_in_dim3A_571 : vector<1024x128xi1>, vector<1024x128xf32>
      %get3A_572 = arith.constant 38 : index
      %get3A_573 = arith.constant 0 : index
      %get3A_574 = vector.load %arg12[%get3A_572, %get3A_573] : memref<64x128xf32, #tpu.memory_space<vmem>>, vector<1x128xf32>
      %reduce_max3A_575 = arith.constant dense<0xFF800000> : vector<128xf32>
      %reduce_max3A_576 = vector.multi_reduction <maximumf>, %select_n3A, %reduce_max3A_575 [0] : vector<1024x128xf32> to vector<128xf32>
      %broadcast_in_dim3A_577 = vector.shape_cast %reduce_max3A_576 : vector<128xf32> to vector<1x128xf32>
      %max3A_578 = arith.maximumf %get3A_574, %broadcast_in_dim3A_577 : vector<1x128xf32>
      %swap3A_579 = arith.constant 38 : index
      %swap3A_580 = arith.constant 0 : index
      %swap3A_581 = vector.load %arg12[%swap3A_579, %swap3A_580] : memref<64x128xf32, #tpu.memory_space<vmem>>, vector<1x128xf32>
      tpu.vector_store %arg12[%swap3A_579, %swap3A_580], %max3A_578 {strides = array<i32>} : memref<64x128xf32, #tpu.memory_space<vmem>>, vector<1x128xf32>,
    } else {
    }
    %le3A_361 = arith.constant 39 : i32
    %le3A_362 = arith.cmpi sle, %reduce_min3A_47, %le3A_361 : i32
    %ge3A_363 = arith.constant 39 : i32
    %ge3A_364 = arith.cmpi sge, %reduce_max3A_51, %ge3A_363 : i32
    %and3A_365 = arith.andi %le3A_362, %ge3A_364 : i1
    %convert_element_type3A_366 = arith.extui %and3A_365 : i1 to i32
    %cond3A_367 = arith.constant 0 : i32
    %cond3A_368 = arith.cmpi ne, %convert_element_type3A_366, %cond3A_367 : i32
    scf.if %cond3A_368 {
      %eq3A_566 = arith.constant 39 : i32
      %eq3A_567 = vector.broadcast %eq3A_566 : i32 to vector<1024x1xi32>
      %eq3A_568 = arith.cmpi eq, %get3A_24, %eq3A_567 : vector<1024x1xi32>
      %jit3A = arith.constant 0xFF800000 : f32
      %broadcast_in_dim3A_569 = vector.shape_cast %eq3A_568 : vector<1024x1xi1> to vector<1024x1xi1>
      %broadcast_in_dim3A_570 = vector.broadcast %broadcast_in_dim3A_569 : vector<1024x1xi1> to vector<1024x128xi1>
      %broadcast_in_dim3A_571 = vector.broadcast %jit3A : f32 to vector<1024x128xf32>
      %select_n3A = arith.select %broadcast_in_dim3A_570, %add3A_21, %broadcast_in_dim3A_571 : vector<1024x128xi1>, vector<1024x128xf32>
      %get3A_572 = arith.constant 39 : index
      %get3A_573 = arith.constant 0 : index
      %get3A_574 = vector.load %arg12[%get3A_572, %get3A_573] : memref<64x128xf32, #tpu.memory_space<vmem>>, vector<1x128xf32>
      %reduce_max3A_575 = arith.constant dense<0xFF800000> : vector<128xf32>
      %reduce_max3A_576 = vector.multi_reduction <maximumf>, %select_n3A, %reduce_max3A_575 [0] : vector<1024x128xf32> to vector<128xf32>
      %broadcast_in_dim3A_577 = vector.shape_cast %reduce_max3A_576 : vector<128xf32> to vector<1x128xf32>
      %max3A_578 = arith.maximumf %get3A_574, %broadcast_in_dim3A_577 : vector<1x128xf32>
      %swap3A_579 = arith.constant 39 : index
      %swap3A_580 = arith.constant 0 : index
      %swap3A_581 = vector.load %arg12[%swap3A_579, %swap3A_580] : memref<64x128xf32, #tpu.memory_space<vmem>>, vector<1x128xf32>
      tpu.vector_store %arg12[%swap3A_579, %swap3A_580], %max3A_578 {strides = array<i32>} : memref<64x128xf32, #tpu.memory_space<vmem>>, vector<1x128xf32>,
    } else {
    }
    %le3A_369 = arith.constant 40 : i32
    %le3A_370 = arith.cmpi sle, %reduce_min3A_47, %le3A_369 : i32
    %ge3A_371 = arith.constant 40 : i32
    %ge3A_372 = arith.cmpi sge, %reduce_max3A_51, %ge3A_371 : i32
    %and3A_373 = arith.andi %le3A_370, %ge3A_372 : i1
    %convert_element_type3A_374 = arith.extui %and3A_373 : i1 to i32
    %cond3A_375 = arith.constant 0 : i32
    %cond3A_376 = arith.cmpi ne, %convert_element_type3A_374, %cond3A_375 : i32
    scf.if %cond3A_376 {
      %eq3A_566 = arith.constant 40 : i32
      %eq3A_567 = vector.broadcast %eq3A_566 : i32 to vector<1024x1xi32>
      %eq3A_568 = arith.cmpi eq, %get3A_24, %eq3A_567 : vector<1024x1xi32>
      %jit3A = arith.constant 0xFF800000 : f32
      %broadcast_in_dim3A_569 = vector.shape_cast %eq3A_568 : vector<1024x1xi1> to vector<1024x1xi1>
      %broadcast_in_dim3A_570 = vector.broadcast %broadcast_in_dim3A_569 : vector<1024x1xi1> to vector<1024x128xi1>
      %broadcast_in_dim3A_571 = vector.broadcast %jit3A : f32 to vector<1024x128xf32>
      %select_n3A = arith.select %broadcast_in_dim3A_570, %add3A_21, %broadcast_in_dim3A_571 : vector<1024x128xi1>, vector<1024x128xf32>
      %get3A_572 = arith.constant 40 : index
      %get3A_573 = arith.constant 0 : index
      %get3A_574 = vector.load %arg12[%get3A_572, %get3A_573] : memref<64x128xf32, #tpu.memory_space<vmem>>, vector<1x128xf32>
      %reduce_max3A_575 = arith.constant dense<0xFF800000> : vector<128xf32>
      %reduce_max3A_576 = vector.multi_reduction <maximumf>, %select_n3A, %reduce_max3A_575 [0] : vector<1024x128xf32> to vector<128xf32>
      %broadcast_in_dim3A_577 = vector.shape_cast %reduce_max3A_576 : vector<128xf32> to vector<1x128xf32>
      %max3A_578 = arith.maximumf %get3A_574, %broadcast_in_dim3A_577 : vector<1x128xf32>
      %swap3A_579 = arith.constant 40 : index
      %swap3A_580 = arith.constant 0 : index
      %swap3A_581 = vector.load %arg12[%swap3A_579, %swap3A_580] : memref<64x128xf32, #tpu.memory_space<vmem>>, vector<1x128xf32>
      tpu.vector_store %arg12[%swap3A_579, %swap3A_580], %max3A_578 {strides = array<i32>} : memref<64x128xf32, #tpu.memory_space<vmem>>, vector<1x128xf32>,
    } else {
    }
    %le3A_377 = arith.constant 41 : i32
    %le3A_378 = arith.cmpi sle, %reduce_min3A_47, %le3A_377 : i32
    %ge3A_379 = arith.constant 41 : i32
    %ge3A_380 = arith.cmpi sge, %reduce_max3A_51, %ge3A_379 : i32
    %and3A_381 = arith.andi %le3A_378, %ge3A_380 : i1
    %convert_element_type3A_382 = arith.extui %and3A_381 : i1 to i32
    %cond3A_383 = arith.constant 0 : i32
    %cond3A_384 = arith.cmpi ne, %convert_element_type3A_382, %cond3A_383 : i32
    scf.if %cond3A_384 {
      %eq3A_566 = arith.constant 41 : i32
      %eq3A_567 = vector.broadcast %eq3A_566 : i32 to vector<1024x1xi32>
      %eq3A_568 = arith.cmpi eq, %get3A_24, %eq3A_567 : vector<1024x1xi32>
      %jit3A = arith.constant 0xFF800000 : f32
      %broadcast_in_dim3A_569 = vector.shape_cast %eq3A_568 : vector<1024x1xi1> to vector<1024x1xi1>
      %broadcast_in_dim3A_570 = vector.broadcast %broadcast_in_dim3A_569 : vector<1024x1xi1> to vector<1024x128xi1>
      %broadcast_in_dim3A_571 = vector.broadcast %jit3A : f32 to vector<1024x128xf32>
      %select_n3A = arith.select %broadcast_in_dim3A_570, %add3A_21, %broadcast_in_dim3A_571 : vector<1024x128xi1>, vector<1024x128xf32>
      %get3A_572 = arith.constant 41 : index
      %get3A_573 = arith.constant 0 : index
      %get3A_574 = vector.load %arg12[%get3A_572, %get3A_573] : memref<64x128xf32, #tpu.memory_space<vmem>>, vector<1x128xf32>
      %reduce_max3A_575 = arith.constant dense<0xFF800000> : vector<128xf32>
      %reduce_max3A_576 = vector.multi_reduction <maximumf>, %select_n3A, %reduce_max3A_575 [0] : vector<1024x128xf32> to vector<128xf32>
      %broadcast_in_dim3A_577 = vector.shape_cast %reduce_max3A_576 : vector<128xf32> to vector<1x128xf32>
      %max3A_578 = arith.maximumf %get3A_574, %broadcast_in_dim3A_577 : vector<1x128xf32>
      %swap3A_579 = arith.constant 41 : index
      %swap3A_580 = arith.constant 0 : index
      %swap3A_581 = vector.load %arg12[%swap3A_579, %swap3A_580] : memref<64x128xf32, #tpu.memory_space<vmem>>, vector<1x128xf32>
      tpu.vector_store %arg12[%swap3A_579, %swap3A_580], %max3A_578 {strides = array<i32>} : memref<64x128xf32, #tpu.memory_space<vmem>>, vector<1x128xf32>,
    } else {
    }
    %le3A_385 = arith.constant 42 : i32
    %le3A_386 = arith.cmpi sle, %reduce_min3A_47, %le3A_385 : i32
    %ge3A_387 = arith.constant 42 : i32
    %ge3A_388 = arith.cmpi sge, %reduce_max3A_51, %ge3A_387 : i32
    %and3A_389 = arith.andi %le3A_386, %ge3A_388 : i1
    %convert_element_type3A_390 = arith.extui %and3A_389 : i1 to i32
    %cond3A_391 = arith.constant 0 : i32
    %cond3A_392 = arith.cmpi ne, %convert_element_type3A_390, %cond3A_391 : i32
    scf.if %cond3A_392 {
      %eq3A_566 = arith.constant 42 : i32
      %eq3A_567 = vector.broadcast %eq3A_566 : i32 to vector<1024x1xi32>
      %eq3A_568 = arith.cmpi eq, %get3A_24, %eq3A_567 : vector<1024x1xi32>
      %jit3A = arith.constant 0xFF800000 : f32
      %broadcast_in_dim3A_569 = vector.shape_cast %eq3A_568 : vector<1024x1xi1> to vector<1024x1xi1>
      %broadcast_in_dim3A_570 = vector.broadcast %broadcast_in_dim3A_569 : vector<1024x1xi1> to vector<1024x128xi1>
      %broadcast_in_dim3A_571 = vector.broadcast %jit3A : f32 to vector<1024x128xf32>
      %select_n3A = arith.select %broadcast_in_dim3A_570, %add3A_21, %broadcast_in_dim3A_571 : vector<1024x128xi1>, vector<1024x128xf32>
      %get3A_572 = arith.constant 42 : index
      %get3A_573 = arith.constant 0 : index
      %get3A_574 = vector.load %arg12[%get3A_572, %get3A_573] : memref<64x128xf32, #tpu.memory_space<vmem>>, vector<1x128xf32>
      %reduce_max3A_575 = arith.constant dense<0xFF800000> : vector<128xf32>
      %reduce_max3A_576 = vector.multi_reduction <maximumf>, %select_n3A, %reduce_max3A_575 [0] : vector<1024x128xf32> to vector<128xf32>
      %broadcast_in_dim3A_577 = vector.shape_cast %reduce_max3A_576 : vector<128xf32> to vector<1x128xf32>
      %max3A_578 = arith.maximumf %get3A_574, %broadcast_in_dim3A_577 : vector<1x128xf32>
      %swap3A_579 = arith.constant 42 : index
      %swap3A_580 = arith.constant 0 : index
      %swap3A_581 = vector.load %arg12[%swap3A_579, %swap3A_580] : memref<64x128xf32, #tpu.memory_space<vmem>>, vector<1x128xf32>
      tpu.vector_store %arg12[%swap3A_579, %swap3A_580], %max3A_578 {strides = array<i32>} : memref<64x128xf32, #tpu.memory_space<vmem>>, vector<1x128xf32>,
    } else {
    }
    %le3A_393 = arith.constant 43 : i32
    %le3A_394 = arith.cmpi sle, %reduce_min3A_47, %le3A_393 : i32
    %ge3A_395 = arith.constant 43 : i32
    %ge3A_396 = arith.cmpi sge, %reduce_max3A_51, %ge3A_395 : i32
    %and3A_397 = arith.andi %le3A_394, %ge3A_396 : i1
    %convert_element_type3A_398 = arith.extui %and3A_397 : i1 to i32
    %cond3A_399 = arith.constant 0 : i32
    %cond3A_400 = arith.cmpi ne, %convert_element_type3A_398, %cond3A_399 : i32
    scf.if %cond3A_400 {
      %eq3A_566 = arith.constant 43 : i32
      %eq3A_567 = vector.broadcast %eq3A_566 : i32 to vector<1024x1xi32>
      %eq3A_568 = arith.cmpi eq, %get3A_24, %eq3A_567 : vector<1024x1xi32>
      %jit3A = arith.constant 0xFF800000 : f32
      %broadcast_in_dim3A_569 = vector.shape_cast %eq3A_568 : vector<1024x1xi1> to vector<1024x1xi1>
      %broadcast_in_dim3A_570 = vector.broadcast %broadcast_in_dim3A_569 : vector<1024x1xi1> to vector<1024x128xi1>
      %broadcast_in_dim3A_571 = vector.broadcast %jit3A : f32 to vector<1024x128xf32>
      %select_n3A = arith.select %broadcast_in_dim3A_570, %add3A_21, %broadcast_in_dim3A_571 : vector<1024x128xi1>, vector<1024x128xf32>
      %get3A_572 = arith.constant 43 : index
      %get3A_573 = arith.constant 0 : index
      %get3A_574 = vector.load %arg12[%get3A_572, %get3A_573] : memref<64x128xf32, #tpu.memory_space<vmem>>, vector<1x128xf32>
      %reduce_max3A_575 = arith.constant dense<0xFF800000> : vector<128xf32>
      %reduce_max3A_576 = vector.multi_reduction <maximumf>, %select_n3A, %reduce_max3A_575 [0] : vector<1024x128xf32> to vector<128xf32>
      %broadcast_in_dim3A_577 = vector.shape_cast %reduce_max3A_576 : vector<128xf32> to vector<1x128xf32>
      %max3A_578 = arith.maximumf %get3A_574, %broadcast_in_dim3A_577 : vector<1x128xf32>
      %swap3A_579 = arith.constant 43 : index
      %swap3A_580 = arith.constant 0 : index
      %swap3A_581 = vector.load %arg12[%swap3A_579, %swap3A_580] : memref<64x128xf32, #tpu.memory_space<vmem>>, vector<1x128xf32>
      tpu.vector_store %arg12[%swap3A_579, %swap3A_580], %max3A_578 {strides = array<i32>} : memref<64x128xf32, #tpu.memory_space<vmem>>, vector<1x128xf32>,
    } else {
    }
    %le3A_401 = arith.constant 44 : i32
    %le3A_402 = arith.cmpi sle, %reduce_min3A_47, %le3A_401 : i32
    %ge3A_403 = arith.constant 44 : i32
    %ge3A_404 = arith.cmpi sge, %reduce_max3A_51, %ge3A_403 : i32
    %and3A_405 = arith.andi %le3A_402, %ge3A_404 : i1
    %convert_element_type3A_406 = arith.extui %and3A_405 : i1 to i32
    %cond3A_407 = arith.constant 0 : i32
    %cond3A_408 = arith.cmpi ne, %convert_element_type3A_406, %cond3A_407 : i32
    scf.if %cond3A_408 {
      %eq3A_566 = arith.constant 44 : i32
      %eq3A_567 = vector.broadcast %eq3A_566 : i32 to vector<1024x1xi32>
      %eq3A_568 = arith.cmpi eq, %get3A_24, %eq3A_567 : vector<1024x1xi32>
      %jit3A = arith.constant 0xFF800000 : f32
      %broadcast_in_dim3A_569 = vector.shape_cast %eq3A_568 : vector<1024x1xi1> to vector<1024x1xi1>
      %broadcast_in_dim3A_570 = vector.broadcast %broadcast_in_dim3A_569 : vector<1024x1xi1> to vector<1024x128xi1>
      %broadcast_in_dim3A_571 = vector.broadcast %jit3A : f32 to vector<1024x128xf32>
      %select_n3A = arith.select %broadcast_in_dim3A_570, %add3A_21, %broadcast_in_dim3A_571 : vector<1024x128xi1>, vector<1024x128xf32>
      %get3A_572 = arith.constant 44 : index
      %get3A_573 = arith.constant 0 : index
      %get3A_574 = vector.load %arg12[%get3A_572, %get3A_573] : memref<64x128xf32, #tpu.memory_space<vmem>>, vector<1x128xf32>
      %reduce_max3A_575 = arith.constant dense<0xFF800000> : vector<128xf32>
      %reduce_max3A_576 = vector.multi_reduction <maximumf>, %select_n3A, %reduce_max3A_575 [0] : vector<1024x128xf32> to vector<128xf32>
      %broadcast_in_dim3A_577 = vector.shape_cast %reduce_max3A_576 : vector<128xf32> to vector<1x128xf32>
      %max3A_578 = arith.maximumf %get3A_574, %broadcast_in_dim3A_577 : vector<1x128xf32>
      %swap3A_579 = arith.constant 44 : index
      %swap3A_580 = arith.constant 0 : index
      %swap3A_581 = vector.load %arg12[%swap3A_579, %swap3A_580] : memref<64x128xf32, #tpu.memory_space<vmem>>, vector<1x128xf32>
      tpu.vector_store %arg12[%swap3A_579, %swap3A_580], %max3A_578 {strides = array<i32>} : memref<64x128xf32, #tpu.memory_space<vmem>>, vector<1x128xf32>,
    } else {
    }
    %le3A_409 = arith.constant 45 : i32
    %le3A_410 = arith.cmpi sle, %reduce_min3A_47, %le3A_409 : i32
    %ge3A_411 = arith.constant 45 : i32
    %ge3A_412 = arith.cmpi sge, %reduce_max3A_51, %ge3A_411 : i32
    %and3A_413 = arith.andi %le3A_410, %ge3A_412 : i1
    %convert_element_type3A_414 = arith.extui %and3A_413 : i1 to i32
    %cond3A_415 = arith.constant 0 : i32
    %cond3A_416 = arith.cmpi ne, %convert_element_type3A_414, %cond3A_415 : i32
    scf.if %cond3A_416 {
      %eq3A_566 = arith.constant 45 : i32
      %eq3A_567 = vector.broadcast %eq3A_566 : i32 to vector<1024x1xi32>
      %eq3A_568 = arith.cmpi eq, %get3A_24, %eq3A_567 : vector<1024x1xi32>
      %jit3A = arith.constant 0xFF800000 : f32
      %broadcast_in_dim3A_569 = vector.shape_cast %eq3A_568 : vector<1024x1xi1> to vector<1024x1xi1>
      %broadcast_in_dim3A_570 = vector.broadcast %broadcast_in_dim3A_569 : vector<1024x1xi1> to vector<1024x128xi1>
      %broadcast_in_dim3A_571 = vector.broadcast %jit3A : f32 to vector<1024x128xf32>
      %select_n3A = arith.select %broadcast_in_dim3A_570, %add3A_21, %broadcast_in_dim3A_571 : vector<1024x128xi1>, vector<1024x128xf32>
      %get3A_572 = arith.constant 45 : index
      %get3A_573 = arith.constant 0 : index
      %get3A_574 = vector.load %arg12[%get3A_572, %get3A_573] : memref<64x128xf32, #tpu.memory_space<vmem>>, vector<1x128xf32>
      %reduce_max3A_575 = arith.constant dense<0xFF800000> : vector<128xf32>
      %reduce_max3A_576 = vector.multi_reduction <maximumf>, %select_n3A, %reduce_max3A_575 [0] : vector<1024x128xf32> to vector<128xf32>
      %broadcast_in_dim3A_577 = vector.shape_cast %reduce_max3A_576 : vector<128xf32> to vector<1x128xf32>
      %max3A_578 = arith.maximumf %get3A_574, %broadcast_in_dim3A_577 : vector<1x128xf32>
      %swap3A_579 = arith.constant 45 : index
      %swap3A_580 = arith.constant 0 : index
      %swap3A_581 = vector.load %arg12[%swap3A_579, %swap3A_580] : memref<64x128xf32, #tpu.memory_space<vmem>>, vector<1x128xf32>
      tpu.vector_store %arg12[%swap3A_579, %swap3A_580], %max3A_578 {strides = array<i32>} : memref<64x128xf32, #tpu.memory_space<vmem>>, vector<1x128xf32>,
    } else {
    }
    %le3A_417 = arith.constant 46 : i32
    %le3A_418 = arith.cmpi sle, %reduce_min3A_47, %le3A_417 : i32
    %ge3A_419 = arith.constant 46 : i32
    %ge3A_420 = arith.cmpi sge, %reduce_max3A_51, %ge3A_419 : i32
    %and3A_421 = arith.andi %le3A_418, %ge3A_420 : i1
    %convert_element_type3A_422 = arith.extui %and3A_421 : i1 to i32
    %cond3A_423 = arith.constant 0 : i32
    %cond3A_424 = arith.cmpi ne, %convert_element_type3A_422, %cond3A_423 : i32
    scf.if %cond3A_424 {
      %eq3A_566 = arith.constant 46 : i32
      %eq3A_567 = vector.broadcast %eq3A_566 : i32 to vector<1024x1xi32>
      %eq3A_568 = arith.cmpi eq, %get3A_24, %eq3A_567 : vector<1024x1xi32>
      %jit3A = arith.constant 0xFF800000 : f32
      %broadcast_in_dim3A_569 = vector.shape_cast %eq3A_568 : vector<1024x1xi1> to vector<1024x1xi1>
      %broadcast_in_dim3A_570 = vector.broadcast %broadcast_in_dim3A_569 : vector<1024x1xi1> to vector<1024x128xi1>
      %broadcast_in_dim3A_571 = vector.broadcast %jit3A : f32 to vector<1024x128xf32>
      %select_n3A = arith.select %broadcast_in_dim3A_570, %add3A_21, %broadcast_in_dim3A_571 : vector<1024x128xi1>, vector<1024x128xf32>
      %get3A_572 = arith.constant 46 : index
      %get3A_573 = arith.constant 0 : index
      %get3A_574 = vector.load %arg12[%get3A_572, %get3A_573] : memref<64x128xf32, #tpu.memory_space<vmem>>, vector<1x128xf32>
      %reduce_max3A_575 = arith.constant dense<0xFF800000> : vector<128xf32>
      %reduce_max3A_576 = vector.multi_reduction <maximumf>, %select_n3A, %reduce_max3A_575 [0] : vector<1024x128xf32> to vector<128xf32>
      %broadcast_in_dim3A_577 = vector.shape_cast %reduce_max3A_576 : vector<128xf32> to vector<1x128xf32>
      %max3A_578 = arith.maximumf %get3A_574, %broadcast_in_dim3A_577 : vector<1x128xf32>
      %swap3A_579 = arith.constant 46 : index
      %swap3A_580 = arith.constant 0 : index
      %swap3A_581 = vector.load %arg12[%swap3A_579, %swap3A_580] : memref<64x128xf32, #tpu.memory_space<vmem>>, vector<1x128xf32>
      tpu.vector_store %arg12[%swap3A_579, %swap3A_580], %max3A_578 {strides = array<i32>} : memref<64x128xf32, #tpu.memory_space<vmem>>, vector<1x128xf32>,
    } else {
    }
    %le3A_425 = arith.constant 47 : i32
    %le3A_426 = arith.cmpi sle, %reduce_min3A_47, %le3A_425 : i32
    %ge3A_427 = arith.constant 47 : i32
    %ge3A_428 = arith.cmpi sge, %reduce_max3A_51, %ge3A_427 : i32
    %and3A_429 = arith.andi %le3A_426, %ge3A_428 : i1
    %convert_element_type3A_430 = arith.extui %and3A_429 : i1 to i32
    %cond3A_431 = arith.constant 0 : i32
    %cond3A_432 = arith.cmpi ne, %convert_element_type3A_430, %cond3A_431 : i32
    scf.if %cond3A_432 {
      %eq3A_566 = arith.constant 47 : i32
      %eq3A_567 = vector.broadcast %eq3A_566 : i32 to vector<1024x1xi32>
      %eq3A_568 = arith.cmpi eq, %get3A_24, %eq3A_567 : vector<1024x1xi32>
      %jit3A = arith.constant 0xFF800000 : f32
      %broadcast_in_dim3A_569 = vector.shape_cast %eq3A_568 : vector<1024x1xi1> to vector<1024x1xi1>
      %broadcast_in_dim3A_570 = vector.broadcast %broadcast_in_dim3A_569 : vector<1024x1xi1> to vector<1024x128xi1>
      %broadcast_in_dim3A_571 = vector.broadcast %jit3A : f32 to vector<1024x128xf32>
      %select_n3A = arith.select %broadcast_in_dim3A_570, %add3A_21, %broadcast_in_dim3A_571 : vector<1024x128xi1>, vector<1024x128xf32>
      %get3A_572 = arith.constant 47 : index
      %get3A_573 = arith.constant 0 : index
      %get3A_574 = vector.load %arg12[%get3A_572, %get3A_573] : memref<64x128xf32, #tpu.memory_space<vmem>>, vector<1x128xf32>
      %reduce_max3A_575 = arith.constant dense<0xFF800000> : vector<128xf32>
      %reduce_max3A_576 = vector.multi_reduction <maximumf>, %select_n3A, %reduce_max3A_575 [0] : vector<1024x128xf32> to vector<128xf32>
      %broadcast_in_dim3A_577 = vector.shape_cast %reduce_max3A_576 : vector<128xf32> to vector<1x128xf32>
      %max3A_578 = arith.maximumf %get3A_574, %broadcast_in_dim3A_577 : vector<1x128xf32>
      %swap3A_579 = arith.constant 47 : index
      %swap3A_580 = arith.constant 0 : index
      %swap3A_581 = vector.load %arg12[%swap3A_579, %swap3A_580] : memref<64x128xf32, #tpu.memory_space<vmem>>, vector<1x128xf32>
      tpu.vector_store %arg12[%swap3A_579, %swap3A_580], %max3A_578 {strides = array<i32>} : memref<64x128xf32, #tpu.memory_space<vmem>>, vector<1x128xf32>,
    } else {
    }
    %le3A_433 = arith.constant 48 : i32
    %le3A_434 = arith.cmpi sle, %reduce_min3A_47, %le3A_433 : i32
    %ge3A_435 = arith.constant 48 : i32
    %ge3A_436 = arith.cmpi sge, %reduce_max3A_51, %ge3A_435 : i32
    %and3A_437 = arith.andi %le3A_434, %ge3A_436 : i1
    %convert_element_type3A_438 = arith.extui %and3A_437 : i1 to i32
    %cond3A_439 = arith.constant 0 : i32
    %cond3A_440 = arith.cmpi ne, %convert_element_type3A_438, %cond3A_439 : i32
    scf.if %cond3A_440 {
      %eq3A_566 = arith.constant 48 : i32
      %eq3A_567 = vector.broadcast %eq3A_566 : i32 to vector<1024x1xi32>
      %eq3A_568 = arith.cmpi eq, %get3A_24, %eq3A_567 : vector<1024x1xi32>
      %jit3A = arith.constant 0xFF800000 : f32
      %broadcast_in_dim3A_569 = vector.shape_cast %eq3A_568 : vector<1024x1xi1> to vector<1024x1xi1>
      %broadcast_in_dim3A_570 = vector.broadcast %broadcast_in_dim3A_569 : vector<1024x1xi1> to vector<1024x128xi1>
      %broadcast_in_dim3A_571 = vector.broadcast %jit3A : f32 to vector<1024x128xf32>
      %select_n3A = arith.select %broadcast_in_dim3A_570, %add3A_21, %broadcast_in_dim3A_571 : vector<1024x128xi1>, vector<1024x128xf32>
      %get3A_572 = arith.constant 48 : index
      %get3A_573 = arith.constant 0 : index
      %get3A_574 = vector.load %arg12[%get3A_572, %get3A_573] : memref<64x128xf32, #tpu.memory_space<vmem>>, vector<1x128xf32>
      %reduce_max3A_575 = arith.constant dense<0xFF800000> : vector<128xf32>
      %reduce_max3A_576 = vector.multi_reduction <maximumf>, %select_n3A, %reduce_max3A_575 [0] : vector<1024x128xf32> to vector<128xf32>
      %broadcast_in_dim3A_577 = vector.shape_cast %reduce_max3A_576 : vector<128xf32> to vector<1x128xf32>
      %max3A_578 = arith.maximumf %get3A_574, %broadcast_in_dim3A_577 : vector<1x128xf32>
      %swap3A_579 = arith.constant 48 : index
      %swap3A_580 = arith.constant 0 : index
      %swap3A_581 = vector.load %arg12[%swap3A_579, %swap3A_580] : memref<64x128xf32, #tpu.memory_space<vmem>>, vector<1x128xf32>
      tpu.vector_store %arg12[%swap3A_579, %swap3A_580], %max3A_578 {strides = array<i32>} : memref<64x128xf32, #tpu.memory_space<vmem>>, vector<1x128xf32>,
    } else {
    }
    %le3A_441 = arith.constant 49 : i32
    %le3A_442 = arith.cmpi sle, %reduce_min3A_47, %le3A_441 : i32
    %ge3A_443 = arith.constant 49 : i32
    %ge3A_444 = arith.cmpi sge, %reduce_max3A_51, %ge3A_443 : i32
    %and3A_445 = arith.andi %le3A_442, %ge3A_444 : i1
    %convert_element_type3A_446 = arith.extui %and3A_445 : i1 to i32
    %cond3A_447 = arith.constant 0 : i32
    %cond3A_448 = arith.cmpi ne, %convert_element_type3A_446, %cond3A_447 : i32
    scf.if %cond3A_448 {
      %eq3A_566 = arith.constant 49 : i32
      %eq3A_567 = vector.broadcast %eq3A_566 : i32 to vector<1024x1xi32>
      %eq3A_568 = arith.cmpi eq, %get3A_24, %eq3A_567 : vector<1024x1xi32>
      %jit3A = arith.constant 0xFF800000 : f32
      %broadcast_in_dim3A_569 = vector.shape_cast %eq3A_568 : vector<1024x1xi1> to vector<1024x1xi1>
      %broadcast_in_dim3A_570 = vector.broadcast %broadcast_in_dim3A_569 : vector<1024x1xi1> to vector<1024x128xi1>
      %broadcast_in_dim3A_571 = vector.broadcast %jit3A : f32 to vector<1024x128xf32>
      %select_n3A = arith.select %broadcast_in_dim3A_570, %add3A_21, %broadcast_in_dim3A_571 : vector<1024x128xi1>, vector<1024x128xf32>
      %get3A_572 = arith.constant 49 : index
      %get3A_573 = arith.constant 0 : index
      %get3A_574 = vector.load %arg12[%get3A_572, %get3A_573] : memref<64x128xf32, #tpu.memory_space<vmem>>, vector<1x128xf32>
      %reduce_max3A_575 = arith.constant dense<0xFF800000> : vector<128xf32>
      %reduce_max3A_576 = vector.multi_reduction <maximumf>, %select_n3A, %reduce_max3A_575 [0] : vector<1024x128xf32> to vector<128xf32>
      %broadcast_in_dim3A_577 = vector.shape_cast %reduce_max3A_576 : vector<128xf32> to vector<1x128xf32>
      %max3A_578 = arith.maximumf %get3A_574, %broadcast_in_dim3A_577 : vector<1x128xf32>
      %swap3A_579 = arith.constant 49 : index
      %swap3A_580 = arith.constant 0 : index
      %swap3A_581 = vector.load %arg12[%swap3A_579, %swap3A_580] : memref<64x128xf32, #tpu.memory_space<vmem>>, vector<1x128xf32>
      tpu.vector_store %arg12[%swap3A_579, %swap3A_580], %max3A_578 {strides = array<i32>} : memref<64x128xf32, #tpu.memory_space<vmem>>, vector<1x128xf32>,
    } else {
    }
    %le3A_449 = arith.constant 50 : i32
    %le3A_450 = arith.cmpi sle, %reduce_min3A_47, %le3A_449 : i32
    %ge3A_451 = arith.constant 50 : i32
    %ge3A_452 = arith.cmpi sge, %reduce_max3A_51, %ge3A_451 : i32
    %and3A_453 = arith.andi %le3A_450, %ge3A_452 : i1
    %convert_element_type3A_454 = arith.extui %and3A_453 : i1 to i32
    %cond3A_455 = arith.constant 0 : i32
    %cond3A_456 = arith.cmpi ne, %convert_element_type3A_454, %cond3A_455 : i32
    scf.if %cond3A_456 {
      %eq3A_566 = arith.constant 50 : i32
      %eq3A_567 = vector.broadcast %eq3A_566 : i32 to vector<1024x1xi32>
      %eq3A_568 = arith.cmpi eq, %get3A_24, %eq3A_567 : vector<1024x1xi32>
      %jit3A = arith.constant 0xFF800000 : f32
      %broadcast_in_dim3A_569 = vector.shape_cast %eq3A_568 : vector<1024x1xi1> to vector<1024x1xi1>
      %broadcast_in_dim3A_570 = vector.broadcast %broadcast_in_dim3A_569 : vector<1024x1xi1> to vector<1024x128xi1>
      %broadcast_in_dim3A_571 = vector.broadcast %jit3A : f32 to vector<1024x128xf32>
      %select_n3A = arith.select %broadcast_in_dim3A_570, %add3A_21, %broadcast_in_dim3A_571 : vector<1024x128xi1>, vector<1024x128xf32>
      %get3A_572 = arith.constant 50 : index
      %get3A_573 = arith.constant 0 : index
      %get3A_574 = vector.load %arg12[%get3A_572, %get3A_573] : memref<64x128xf32, #tpu.memory_space<vmem>>, vector<1x128xf32>
      %reduce_max3A_575 = arith.constant dense<0xFF800000> : vector<128xf32>
      %reduce_max3A_576 = vector.multi_reduction <maximumf>, %select_n3A, %reduce_max3A_575 [0] : vector<1024x128xf32> to vector<128xf32>
      %broadcast_in_dim3A_577 = vector.shape_cast %reduce_max3A_576 : vector<128xf32> to vector<1x128xf32>
      %max3A_578 = arith.maximumf %get3A_574, %broadcast_in_dim3A_577 : vector<1x128xf32>
      %swap3A_579 = arith.constant 50 : index
      %swap3A_580 = arith.constant 0 : index
      %swap3A_581 = vector.load %arg12[%swap3A_579, %swap3A_580] : memref<64x128xf32, #tpu.memory_space<vmem>>, vector<1x128xf32>
      tpu.vector_store %arg12[%swap3A_579, %swap3A_580], %max3A_578 {strides = array<i32>} : memref<64x128xf32, #tpu.memory_space<vmem>>, vector<1x128xf32>,
    } else {
    }
    %le3A_457 = arith.constant 51 : i32
    %le3A_458 = arith.cmpi sle, %reduce_min3A_47, %le3A_457 : i32
    %ge3A_459 = arith.constant 51 : i32
    %ge3A_460 = arith.cmpi sge, %reduce_max3A_51, %ge3A_459 : i32
    %and3A_461 = arith.andi %le3A_458, %ge3A_460 : i1
    %convert_element_type3A_462 = arith.extui %and3A_461 : i1 to i32
    %cond3A_463 = arith.constant 0 : i32
    %cond3A_464 = arith.cmpi ne, %convert_element_type3A_462, %cond3A_463 : i32
    scf.if %cond3A_464 {
      %eq3A_566 = arith.constant 51 : i32
      %eq3A_567 = vector.broadcast %eq3A_566 : i32 to vector<1024x1xi32>
      %eq3A_568 = arith.cmpi eq, %get3A_24, %eq3A_567 : vector<1024x1xi32>
      %jit3A = arith.constant 0xFF800000 : f32
      %broadcast_in_dim3A_569 = vector.shape_cast %eq3A_568 : vector<1024x1xi1> to vector<1024x1xi1>
      %broadcast_in_dim3A_570 = vector.broadcast %broadcast_in_dim3A_569 : vector<1024x1xi1> to vector<1024x128xi1>
      %broadcast_in_dim3A_571 = vector.broadcast %jit3A : f32 to vector<1024x128xf32>
      %select_n3A = arith.select %broadcast_in_dim3A_570, %add3A_21, %broadcast_in_dim3A_571 : vector<1024x128xi1>, vector<1024x128xf32>
      %get3A_572 = arith.constant 51 : index
      %get3A_573 = arith.constant 0 : index
      %get3A_574 = vector.load %arg12[%get3A_572, %get3A_573] : memref<64x128xf32, #tpu.memory_space<vmem>>, vector<1x128xf32>
      %reduce_max3A_575 = arith.constant dense<0xFF800000> : vector<128xf32>
      %reduce_max3A_576 = vector.multi_reduction <maximumf>, %select_n3A, %reduce_max3A_575 [0] : vector<1024x128xf32> to vector<128xf32>
      %broadcast_in_dim3A_577 = vector.shape_cast %reduce_max3A_576 : vector<128xf32> to vector<1x128xf32>
      %max3A_578 = arith.maximumf %get3A_574, %broadcast_in_dim3A_577 : vector<1x128xf32>
      %swap3A_579 = arith.constant 51 : index
      %swap3A_580 = arith.constant 0 : index
      %swap3A_581 = vector.load %arg12[%swap3A_579, %swap3A_580] : memref<64x128xf32, #tpu.memory_space<vmem>>, vector<1x128xf32>
      tpu.vector_store %arg12[%swap3A_579, %swap3A_580], %max3A_578 {strides = array<i32>} : memref<64x128xf32, #tpu.memory_space<vmem>>, vector<1x128xf32>,
    } else {
    }
    %le3A_465 = arith.constant 52 : i32
    %le3A_466 = arith.cmpi sle, %reduce_min3A_47, %le3A_465 : i32
    %ge3A_467 = arith.constant 52 : i32
    %ge3A_468 = arith.cmpi sge, %reduce_max3A_51, %ge3A_467 : i32
    %and3A_469 = arith.andi %le3A_466, %ge3A_468 : i1
    %convert_element_type3A_470 = arith.extui %and3A_469 : i1 to i32
    %cond3A_471 = arith.constant 0 : i32
    %cond3A_472 = arith.cmpi ne, %convert_element_type3A_470, %cond3A_471 : i32
    scf.if %cond3A_472 {
      %eq3A_566 = arith.constant 52 : i32
      %eq3A_567 = vector.broadcast %eq3A_566 : i32 to vector<1024x1xi32>
      %eq3A_568 = arith.cmpi eq, %get3A_24, %eq3A_567 : vector<1024x1xi32>
      %jit3A = arith.constant 0xFF800000 : f32
      %broadcast_in_dim3A_569 = vector.shape_cast %eq3A_568 : vector<1024x1xi1> to vector<1024x1xi1>
      %broadcast_in_dim3A_570 = vector.broadcast %broadcast_in_dim3A_569 : vector<1024x1xi1> to vector<1024x128xi1>
      %broadcast_in_dim3A_571 = vector.broadcast %jit3A : f32 to vector<1024x128xf32>
      %select_n3A = arith.select %broadcast_in_dim3A_570, %add3A_21, %broadcast_in_dim3A_571 : vector<1024x128xi1>, vector<1024x128xf32>
      %get3A_572 = arith.constant 52 : index
      %get3A_573 = arith.constant 0 : index
      %get3A_574 = vector.load %arg12[%get3A_572, %get3A_573] : memref<64x128xf32, #tpu.memory_space<vmem>>, vector<1x128xf32>
      %reduce_max3A_575 = arith.constant dense<0xFF800000> : vector<128xf32>
      %reduce_max3A_576 = vector.multi_reduction <maximumf>, %select_n3A, %reduce_max3A_575 [0] : vector<1024x128xf32> to vector<128xf32>
      %broadcast_in_dim3A_577 = vector.shape_cast %reduce_max3A_576 : vector<128xf32> to vector<1x128xf32>
      %max3A_578 = arith.maximumf %get3A_574, %broadcast_in_dim3A_577 : vector<1x128xf32>
      %swap3A_579 = arith.constant 52 : index
      %swap3A_580 = arith.constant 0 : index
      %swap3A_581 = vector.load %arg12[%swap3A_579, %swap3A_580] : memref<64x128xf32, #tpu.memory_space<vmem>>, vector<1x128xf32>
      tpu.vector_store %arg12[%swap3A_579, %swap3A_580], %max3A_578 {strides = array<i32>} : memref<64x128xf32, #tpu.memory_space<vmem>>, vector<1x128xf32>,
    } else {
    }
    %le3A_473 = arith.constant 53 : i32
    %le3A_474 = arith.cmpi sle, %reduce_min3A_47, %le3A_473 : i32
    %ge3A_475 = arith.constant 53 : i32
    %ge3A_476 = arith.cmpi sge, %reduce_max3A_51, %ge3A_475 : i32
    %and3A_477 = arith.andi %le3A_474, %ge3A_476 : i1
    %convert_element_type3A_478 = arith.extui %and3A_477 : i1 to i32
    %cond3A_479 = arith.constant 0 : i32
    %cond3A_480 = arith.cmpi ne, %convert_element_type3A_478, %cond3A_479 : i32
    scf.if %cond3A_480 {
      %eq3A_566 = arith.constant 53 : i32
      %eq3A_567 = vector.broadcast %eq3A_566 : i32 to vector<1024x1xi32>
      %eq3A_568 = arith.cmpi eq, %get3A_24, %eq3A_567 : vector<1024x1xi32>
      %jit3A = arith.constant 0xFF800000 : f32
      %broadcast_in_dim3A_569 = vector.shape_cast %eq3A_568 : vector<1024x1xi1> to vector<1024x1xi1>
      %broadcast_in_dim3A_570 = vector.broadcast %broadcast_in_dim3A_569 : vector<1024x1xi1> to vector<1024x128xi1>
      %broadcast_in_dim3A_571 = vector.broadcast %jit3A : f32 to vector<1024x128xf32>
      %select_n3A = arith.select %broadcast_in_dim3A_570, %add3A_21, %broadcast_in_dim3A_571 : vector<1024x128xi1>, vector<1024x128xf32>
      %get3A_572 = arith.constant 53 : index
      %get3A_573 = arith.constant 0 : index
      %get3A_574 = vector.load %arg12[%get3A_572, %get3A_573] : memref<64x128xf32, #tpu.memory_space<vmem>>, vector<1x128xf32>
      %reduce_max3A_575 = arith.constant dense<0xFF800000> : vector<128xf32>
      %reduce_max3A_576 = vector.multi_reduction <maximumf>, %select_n3A, %reduce_max3A_575 [0] : vector<1024x128xf32> to vector<128xf32>
      %broadcast_in_dim3A_577 = vector.shape_cast %reduce_max3A_576 : vector<128xf32> to vector<1x128xf32>
      %max3A_578 = arith.maximumf %get3A_574, %broadcast_in_dim3A_577 : vector<1x128xf32>
      %swap3A_579 = arith.constant 53 : index
      %swap3A_580 = arith.constant 0 : index
      %swap3A_581 = vector.load %arg12[%swap3A_579, %swap3A_580] : memref<64x128xf32, #tpu.memory_space<vmem>>, vector<1x128xf32>
      tpu.vector_store %arg12[%swap3A_579, %swap3A_580], %max3A_578 {strides = array<i32>} : memref<64x128xf32, #tpu.memory_space<vmem>>, vector<1x128xf32>,
    } else {
    }
    %le3A_481 = arith.constant 54 : i32
    %le3A_482 = arith.cmpi sle, %reduce_min3A_47, %le3A_481 : i32
    %ge3A_483 = arith.constant 54 : i32
    %ge3A_484 = arith.cmpi sge, %reduce_max3A_51, %ge3A_483 : i32
    %and3A_485 = arith.andi %le3A_482, %ge3A_484 : i1
    %convert_element_type3A_486 = arith.extui %and3A_485 : i1 to i32
    %cond3A_487 = arith.constant 0 : i32
    %cond3A_488 = arith.cmpi ne, %convert_element_type3A_486, %cond3A_487 : i32
    scf.if %cond3A_488 {
      %eq3A_566 = arith.constant 54 : i32
      %eq3A_567 = vector.broadcast %eq3A_566 : i32 to vector<1024x1xi32>
      %eq3A_568 = arith.cmpi eq, %get3A_24, %eq3A_567 : vector<1024x1xi32>
      %jit3A = arith.constant 0xFF800000 : f32
      %broadcast_in_dim3A_569 = vector.shape_cast %eq3A_568 : vector<1024x1xi1> to vector<1024x1xi1>
      %broadcast_in_dim3A_570 = vector.broadcast %broadcast_in_dim3A_569 : vector<1024x1xi1> to vector<1024x128xi1>
      %broadcast_in_dim3A_571 = vector.broadcast %jit3A : f32 to vector<1024x128xf32>
      %select_n3A = arith.select %broadcast_in_dim3A_570, %add3A_21, %broadcast_in_dim3A_571 : vector<1024x128xi1>, vector<1024x128xf32>
      %get3A_572 = arith.constant 54 : index
      %get3A_573 = arith.constant 0 : index
      %get3A_574 = vector.load %arg12[%get3A_572, %get3A_573] : memref<64x128xf32, #tpu.memory_space<vmem>>, vector<1x128xf32>
      %reduce_max3A_575 = arith.constant dense<0xFF800000> : vector<128xf32>
      %reduce_max3A_576 = vector.multi_reduction <maximumf>, %select_n3A, %reduce_max3A_575 [0] : vector<1024x128xf32> to vector<128xf32>
      %broadcast_in_dim3A_577 = vector.shape_cast %reduce_max3A_576 : vector<128xf32> to vector<1x128xf32>
      %max3A_578 = arith.maximumf %get3A_574, %broadcast_in_dim3A_577 : vector<1x128xf32>
      %swap3A_579 = arith.constant 54 : index
      %swap3A_580 = arith.constant 0 : index
      %swap3A_581 = vector.load %arg12[%swap3A_579, %swap3A_580] : memref<64x128xf32, #tpu.memory_space<vmem>>, vector<1x128xf32>
      tpu.vector_store %arg12[%swap3A_579, %swap3A_580], %max3A_578 {strides = array<i32>} : memref<64x128xf32, #tpu.memory_space<vmem>>, vector<1x128xf32>,
    } else {
    }
    %le3A_489 = arith.constant 55 : i32
    %le3A_490 = arith.cmpi sle, %reduce_min3A_47, %le3A_489 : i32
    %ge3A_491 = arith.constant 55 : i32
    %ge3A_492 = arith.cmpi sge, %reduce_max3A_51, %ge3A_491 : i32
    %and3A_493 = arith.andi %le3A_490, %ge3A_492 : i1
    %convert_element_type3A_494 = arith.extui %and3A_493 : i1 to i32
    %cond3A_495 = arith.constant 0 : i32
    %cond3A_496 = arith.cmpi ne, %convert_element_type3A_494, %cond3A_495 : i32
    scf.if %cond3A_496 {
      %eq3A_566 = arith.constant 55 : i32
      %eq3A_567 = vector.broadcast %eq3A_566 : i32 to vector<1024x1xi32>
      %eq3A_568 = arith.cmpi eq, %get3A_24, %eq3A_567 : vector<1024x1xi32>
      %jit3A = arith.constant 0xFF800000 : f32
      %broadcast_in_dim3A_569 = vector.shape_cast %eq3A_568 : vector<1024x1xi1> to vector<1024x1xi1>
      %broadcast_in_dim3A_570 = vector.broadcast %broadcast_in_dim3A_569 : vector<1024x1xi1> to vector<1024x128xi1>
      %broadcast_in_dim3A_571 = vector.broadcast %jit3A : f32 to vector<1024x128xf32>
      %select_n3A = arith.select %broadcast_in_dim3A_570, %add3A_21, %broadcast_in_dim3A_571 : vector<1024x128xi1>, vector<1024x128xf32>
      %get3A_572 = arith.constant 55 : index
      %get3A_573 = arith.constant 0 : index
      %get3A_574 = vector.load %arg12[%get3A_572, %get3A_573] : memref<64x128xf32, #tpu.memory_space<vmem>>, vector<1x128xf32>
      %reduce_max3A_575 = arith.constant dense<0xFF800000> : vector<128xf32>
      %reduce_max3A_576 = vector.multi_reduction <maximumf>, %select_n3A, %reduce_max3A_575 [0] : vector<1024x128xf32> to vector<128xf32>
      %broadcast_in_dim3A_577 = vector.shape_cast %reduce_max3A_576 : vector<128xf32> to vector<1x128xf32>
      %max3A_578 = arith.maximumf %get3A_574, %broadcast_in_dim3A_577 : vector<1x128xf32>
      %swap3A_579 = arith.constant 55 : index
      %swap3A_580 = arith.constant 0 : index
      %swap3A_581 = vector.load %arg12[%swap3A_579, %swap3A_580] : memref<64x128xf32, #tpu.memory_space<vmem>>, vector<1x128xf32>
      tpu.vector_store %arg12[%swap3A_579, %swap3A_580], %max3A_578 {strides = array<i32>} : memref<64x128xf32, #tpu.memory_space<vmem>>, vector<1x128xf32>,
    } else {
    }
    %le3A_497 = arith.constant 56 : i32
    %le3A_498 = arith.cmpi sle, %reduce_min3A_47, %le3A_497 : i32
    %ge3A_499 = arith.constant 56 : i32
    %ge3A_500 = arith.cmpi sge, %reduce_max3A_51, %ge3A_499 : i32
    %and3A_501 = arith.andi %le3A_498, %ge3A_500 : i1
    %convert_element_type3A_502 = arith.extui %and3A_501 : i1 to i32
    %cond3A_503 = arith.constant 0 : i32
    %cond3A_504 = arith.cmpi ne, %convert_element_type3A_502, %cond3A_503 : i32
    scf.if %cond3A_504 {
      %eq3A_566 = arith.constant 56 : i32
      %eq3A_567 = vector.broadcast %eq3A_566 : i32 to vector<1024x1xi32>
      %eq3A_568 = arith.cmpi eq, %get3A_24, %eq3A_567 : vector<1024x1xi32>
      %jit3A = arith.constant 0xFF800000 : f32
      %broadcast_in_dim3A_569 = vector.shape_cast %eq3A_568 : vector<1024x1xi1> to vector<1024x1xi1>
      %broadcast_in_dim3A_570 = vector.broadcast %broadcast_in_dim3A_569 : vector<1024x1xi1> to vector<1024x128xi1>
      %broadcast_in_dim3A_571 = vector.broadcast %jit3A : f32 to vector<1024x128xf32>
      %select_n3A = arith.select %broadcast_in_dim3A_570, %add3A_21, %broadcast_in_dim3A_571 : vector<1024x128xi1>, vector<1024x128xf32>
      %get3A_572 = arith.constant 56 : index
      %get3A_573 = arith.constant 0 : index
      %get3A_574 = vector.load %arg12[%get3A_572, %get3A_573] : memref<64x128xf32, #tpu.memory_space<vmem>>, vector<1x128xf32>
      %reduce_max3A_575 = arith.constant dense<0xFF800000> : vector<128xf32>
      %reduce_max3A_576 = vector.multi_reduction <maximumf>, %select_n3A, %reduce_max3A_575 [0] : vector<1024x128xf32> to vector<128xf32>
      %broadcast_in_dim3A_577 = vector.shape_cast %reduce_max3A_576 : vector<128xf32> to vector<1x128xf32>
      %max3A_578 = arith.maximumf %get3A_574, %broadcast_in_dim3A_577 : vector<1x128xf32>
      %swap3A_579 = arith.constant 56 : index
      %swap3A_580 = arith.constant 0 : index
      %swap3A_581 = vector.load %arg12[%swap3A_579, %swap3A_580] : memref<64x128xf32, #tpu.memory_space<vmem>>, vector<1x128xf32>
      tpu.vector_store %arg12[%swap3A_579, %swap3A_580], %max3A_578 {strides = array<i32>} : memref<64x128xf32, #tpu.memory_space<vmem>>, vector<1x128xf32>,
    } else {
    }
    %le3A_505 = arith.constant 57 : i32
    %le3A_506 = arith.cmpi sle, %reduce_min3A_47, %le3A_505 : i32
    %ge3A_507 = arith.constant 57 : i32
    %ge3A_508 = arith.cmpi sge, %reduce_max3A_51, %ge3A_507 : i32
    %and3A_509 = arith.andi %le3A_506, %ge3A_508 : i1
    %convert_element_type3A_510 = arith.extui %and3A_509 : i1 to i32
    %cond3A_511 = arith.constant 0 : i32
    %cond3A_512 = arith.cmpi ne, %convert_element_type3A_510, %cond3A_511 : i32
    scf.if %cond3A_512 {
      %eq3A_566 = arith.constant 57 : i32
      %eq3A_567 = vector.broadcast %eq3A_566 : i32 to vector<1024x1xi32>
      %eq3A_568 = arith.cmpi eq, %get3A_24, %eq3A_567 : vector<1024x1xi32>
      %jit3A = arith.constant 0xFF800000 : f32
      %broadcast_in_dim3A_569 = vector.shape_cast %eq3A_568 : vector<1024x1xi1> to vector<1024x1xi1>
      %broadcast_in_dim3A_570 = vector.broadcast %broadcast_in_dim3A_569 : vector<1024x1xi1> to vector<1024x128xi1>
      %broadcast_in_dim3A_571 = vector.broadcast %jit3A : f32 to vector<1024x128xf32>
      %select_n3A = arith.select %broadcast_in_dim3A_570, %add3A_21, %broadcast_in_dim3A_571 : vector<1024x128xi1>, vector<1024x128xf32>
      %get3A_572 = arith.constant 57 : index
      %get3A_573 = arith.constant 0 : index
      %get3A_574 = vector.load %arg12[%get3A_572, %get3A_573] : memref<64x128xf32, #tpu.memory_space<vmem>>, vector<1x128xf32>
      %reduce_max3A_575 = arith.constant dense<0xFF800000> : vector<128xf32>
      %reduce_max3A_576 = vector.multi_reduction <maximumf>, %select_n3A, %reduce_max3A_575 [0] : vector<1024x128xf32> to vector<128xf32>
      %broadcast_in_dim3A_577 = vector.shape_cast %reduce_max3A_576 : vector<128xf32> to vector<1x128xf32>
      %max3A_578 = arith.maximumf %get3A_574, %broadcast_in_dim3A_577 : vector<1x128xf32>
      %swap3A_579 = arith.constant 57 : index
      %swap3A_580 = arith.constant 0 : index
      %swap3A_581 = vector.load %arg12[%swap3A_579, %swap3A_580] : memref<64x128xf32, #tpu.memory_space<vmem>>, vector<1x128xf32>
      tpu.vector_store %arg12[%swap3A_579, %swap3A_580], %max3A_578 {strides = array<i32>} : memref<64x128xf32, #tpu.memory_space<vmem>>, vector<1x128xf32>,
    } else {
    }
    %le3A_513 = arith.constant 58 : i32
    %le3A_514 = arith.cmpi sle, %reduce_min3A_47, %le3A_513 : i32
    %ge3A_515 = arith.constant 58 : i32
    %ge3A_516 = arith.cmpi sge, %reduce_max3A_51, %ge3A_515 : i32
    %and3A_517 = arith.andi %le3A_514, %ge3A_516 : i1
    %convert_element_type3A_518 = arith.extui %and3A_517 : i1 to i32
    %cond3A_519 = arith.constant 0 : i32
    %cond3A_520 = arith.cmpi ne, %convert_element_type3A_518, %cond3A_519 : i32
    scf.if %cond3A_520 {
      %eq3A_566 = arith.constant 58 : i32
      %eq3A_567 = vector.broadcast %eq3A_566 : i32 to vector<1024x1xi32>
      %eq3A_568 = arith.cmpi eq, %get3A_24, %eq3A_567 : vector<1024x1xi32>
      %jit3A = arith.constant 0xFF800000 : f32
      %broadcast_in_dim3A_569 = vector.shape_cast %eq3A_568 : vector<1024x1xi1> to vector<1024x1xi1>
      %broadcast_in_dim3A_570 = vector.broadcast %broadcast_in_dim3A_569 : vector<1024x1xi1> to vector<1024x128xi1>
      %broadcast_in_dim3A_571 = vector.broadcast %jit3A : f32 to vector<1024x128xf32>
      %select_n3A = arith.select %broadcast_in_dim3A_570, %add3A_21, %broadcast_in_dim3A_571 : vector<1024x128xi1>, vector<1024x128xf32>
      %get3A_572 = arith.constant 58 : index
      %get3A_573 = arith.constant 0 : index
      %get3A_574 = vector.load %arg12[%get3A_572, %get3A_573] : memref<64x128xf32, #tpu.memory_space<vmem>>, vector<1x128xf32>
      %reduce_max3A_575 = arith.constant dense<0xFF800000> : vector<128xf32>
      %reduce_max3A_576 = vector.multi_reduction <maximumf>, %select_n3A, %reduce_max3A_575 [0] : vector<1024x128xf32> to vector<128xf32>
      %broadcast_in_dim3A_577 = vector.shape_cast %reduce_max3A_576 : vector<128xf32> to vector<1x128xf32>
      %max3A_578 = arith.maximumf %get3A_574, %broadcast_in_dim3A_577 : vector<1x128xf32>
      %swap3A_579 = arith.constant 58 : index
      %swap3A_580 = arith.constant 0 : index
      %swap3A_581 = vector.load %arg12[%swap3A_579, %swap3A_580] : memref<64x128xf32, #tpu.memory_space<vmem>>, vector<1x128xf32>
      tpu.vector_store %arg12[%swap3A_579, %swap3A_580], %max3A_578 {strides = array<i32>} : memref<64x128xf32, #tpu.memory_space<vmem>>, vector<1x128xf32>,
    } else {
    }
    %le3A_521 = arith.constant 59 : i32
    %le3A_522 = arith.cmpi sle, %reduce_min3A_47, %le3A_521 : i32
    %ge3A_523 = arith.constant 59 : i32
    %ge3A_524 = arith.cmpi sge, %reduce_max3A_51, %ge3A_523 : i32
    %and3A_525 = arith.andi %le3A_522, %ge3A_524 : i1
    %convert_element_type3A_526 = arith.extui %and3A_525 : i1 to i32
    %cond3A_527 = arith.constant 0 : i32
    %cond3A_528 = arith.cmpi ne, %convert_element_type3A_526, %cond3A_527 : i32
    scf.if %cond3A_528 {
      %eq3A_566 = arith.constant 59 : i32
      %eq3A_567 = vector.broadcast %eq3A_566 : i32 to vector<1024x1xi32>
      %eq3A_568 = arith.cmpi eq, %get3A_24, %eq3A_567 : vector<1024x1xi32>
      %jit3A = arith.constant 0xFF800000 : f32
      %broadcast_in_dim3A_569 = vector.shape_cast %eq3A_568 : vector<1024x1xi1> to vector<1024x1xi1>
      %broadcast_in_dim3A_570 = vector.broadcast %broadcast_in_dim3A_569 : vector<1024x1xi1> to vector<1024x128xi1>
      %broadcast_in_dim3A_571 = vector.broadcast %jit3A : f32 to vector<1024x128xf32>
      %select_n3A = arith.select %broadcast_in_dim3A_570, %add3A_21, %broadcast_in_dim3A_571 : vector<1024x128xi1>, vector<1024x128xf32>
      %get3A_572 = arith.constant 59 : index
      %get3A_573 = arith.constant 0 : index
      %get3A_574 = vector.load %arg12[%get3A_572, %get3A_573] : memref<64x128xf32, #tpu.memory_space<vmem>>, vector<1x128xf32>
      %reduce_max3A_575 = arith.constant dense<0xFF800000> : vector<128xf32>
      %reduce_max3A_576 = vector.multi_reduction <maximumf>, %select_n3A, %reduce_max3A_575 [0] : vector<1024x128xf32> to vector<128xf32>
      %broadcast_in_dim3A_577 = vector.shape_cast %reduce_max3A_576 : vector<128xf32> to vector<1x128xf32>
      %max3A_578 = arith.maximumf %get3A_574, %broadcast_in_dim3A_577 : vector<1x128xf32>
      %swap3A_579 = arith.constant 59 : index
      %swap3A_580 = arith.constant 0 : index
      %swap3A_581 = vector.load %arg12[%swap3A_579, %swap3A_580] : memref<64x128xf32, #tpu.memory_space<vmem>>, vector<1x128xf32>
      tpu.vector_store %arg12[%swap3A_579, %swap3A_580], %max3A_578 {strides = array<i32>} : memref<64x128xf32, #tpu.memory_space<vmem>>, vector<1x128xf32>,
    } else {
    }
    %le3A_529 = arith.constant 60 : i32
    %le3A_530 = arith.cmpi sle, %reduce_min3A_47, %le3A_529 : i32
    %ge3A_531 = arith.constant 60 : i32
    %ge3A_532 = arith.cmpi sge, %reduce_max3A_51, %ge3A_531 : i32
    %and3A_533 = arith.andi %le3A_530, %ge3A_532 : i1
    %convert_element_type3A_534 = arith.extui %and3A_533 : i1 to i32
    %cond3A_535 = arith.constant 0 : i32
    %cond3A_536 = arith.cmpi ne, %convert_element_type3A_534, %cond3A_535 : i32
    scf.if %cond3A_536 {
      %eq3A_566 = arith.constant 60 : i32
      %eq3A_567 = vector.broadcast %eq3A_566 : i32 to vector<1024x1xi32>
      %eq3A_568 = arith.cmpi eq, %get3A_24, %eq3A_567 : vector<1024x1xi32>
      %jit3A = arith.constant 0xFF800000 : f32
      %broadcast_in_dim3A_569 = vector.shape_cast %eq3A_568 : vector<1024x1xi1> to vector<1024x1xi1>
      %broadcast_in_dim3A_570 = vector.broadcast %broadcast_in_dim3A_569 : vector<1024x1xi1> to vector<1024x128xi1>
      %broadcast_in_dim3A_571 = vector.broadcast %jit3A : f32 to vector<1024x128xf32>
      %select_n3A = arith.select %broadcast_in_dim3A_570, %add3A_21, %broadcast_in_dim3A_571 : vector<1024x128xi1>, vector<1024x128xf32>
      %get3A_572 = arith.constant 60 : index
      %get3A_573 = arith.constant 0 : index
      %get3A_574 = vector.load %arg12[%get3A_572, %get3A_573] : memref<64x128xf32, #tpu.memory_space<vmem>>, vector<1x128xf32>
      %reduce_max3A_575 = arith.constant dense<0xFF800000> : vector<128xf32>
      %reduce_max3A_576 = vector.multi_reduction <maximumf>, %select_n3A, %reduce_max3A_575 [0] : vector<1024x128xf32> to vector<128xf32>
      %broadcast_in_dim3A_577 = vector.shape_cast %reduce_max3A_576 : vector<128xf32> to vector<1x128xf32>
      %max3A_578 = arith.maximumf %get3A_574, %broadcast_in_dim3A_577 : vector<1x128xf32>
      %swap3A_579 = arith.constant 60 : index
      %swap3A_580 = arith.constant 0 : index
      %swap3A_581 = vector.load %arg12[%swap3A_579, %swap3A_580] : memref<64x128xf32, #tpu.memory_space<vmem>>, vector<1x128xf32>
      tpu.vector_store %arg12[%swap3A_579, %swap3A_580], %max3A_578 {strides = array<i32>} : memref<64x128xf32, #tpu.memory_space<vmem>>, vector<1x128xf32>,
    } else {
    }
    %le3A_537 = arith.constant 61 : i32
    %le3A_538 = arith.cmpi sle, %reduce_min3A_47, %le3A_537 : i32
    %ge3A_539 = arith.constant 61 : i32
    %ge3A_540 = arith.cmpi sge, %reduce_max3A_51, %ge3A_539 : i32
    %and3A_541 = arith.andi %le3A_538, %ge3A_540 : i1
    %convert_element_type3A_542 = arith.extui %and3A_541 : i1 to i32
    %cond3A_543 = arith.constant 0 : i32
    %cond3A_544 = arith.cmpi ne, %convert_element_type3A_542, %cond3A_543 : i32
    scf.if %cond3A_544 {
      %eq3A_566 = arith.constant 61 : i32
      %eq3A_567 = vector.broadcast %eq3A_566 : i32 to vector<1024x1xi32>
      %eq3A_568 = arith.cmpi eq, %get3A_24, %eq3A_567 : vector<1024x1xi32>
      %jit3A = arith.constant 0xFF800000 : f32
      %broadcast_in_dim3A_569 = vector.shape_cast %eq3A_568 : vector<1024x1xi1> to vector<1024x1xi1>
      %broadcast_in_dim3A_570 = vector.broadcast %broadcast_in_dim3A_569 : vector<1024x1xi1> to vector<1024x128xi1>
      %broadcast_in_dim3A_571 = vector.broadcast %jit3A : f32 to vector<1024x128xf32>
      %select_n3A = arith.select %broadcast_in_dim3A_570, %add3A_21, %broadcast_in_dim3A_571 : vector<1024x128xi1>, vector<1024x128xf32>
      %get3A_572 = arith.constant 61 : index
      %get3A_573 = arith.constant 0 : index
      %get3A_574 = vector.load %arg12[%get3A_572, %get3A_573] : memref<64x128xf32, #tpu.memory_space<vmem>>, vector<1x128xf32>
      %reduce_max3A_575 = arith.constant dense<0xFF800000> : vector<128xf32>
      %reduce_max3A_576 = vector.multi_reduction <maximumf>, %select_n3A, %reduce_max3A_575 [0] : vector<1024x128xf32> to vector<128xf32>
      %broadcast_in_dim3A_577 = vector.shape_cast %reduce_max3A_576 : vector<128xf32> to vector<1x128xf32>
      %max3A_578 = arith.maximumf %get3A_574, %broadcast_in_dim3A_577 : vector<1x128xf32>
      %swap3A_579 = arith.constant 61 : index
      %swap3A_580 = arith.constant 0 : index
      %swap3A_581 = vector.load %arg12[%swap3A_579, %swap3A_580] : memref<64x128xf32, #tpu.memory_space<vmem>>, vector<1x128xf32>
      tpu.vector_store %arg12[%swap3A_579, %swap3A_580], %max3A_578 {strides = array<i32>} : memref<64x128xf32, #tpu.memory_space<vmem>>, vector<1x128xf32>,
    } else {
    }
    %le3A_545 = arith.constant 62 : i32
    %le3A_546 = arith.cmpi sle, %reduce_min3A_47, %le3A_545 : i32
    %ge3A_547 = arith.constant 62 : i32
    %ge3A_548 = arith.cmpi sge, %reduce_max3A_51, %ge3A_547 : i32
    %and3A_549 = arith.andi %le3A_546, %ge3A_548 : i1
    %convert_element_type3A_550 = arith.extui %and3A_549 : i1 to i32
    %cond3A_551 = arith.constant 0 : i32
    %cond3A_552 = arith.cmpi ne, %convert_element_type3A_550, %cond3A_551 : i32
    scf.if %cond3A_552 {
      %eq3A_566 = arith.constant 62 : i32
      %eq3A_567 = vector.broadcast %eq3A_566 : i32 to vector<1024x1xi32>
      %eq3A_568 = arith.cmpi eq, %get3A_24, %eq3A_567 : vector<1024x1xi32>
      %jit3A = arith.constant 0xFF800000 : f32
      %broadcast_in_dim3A_569 = vector.shape_cast %eq3A_568 : vector<1024x1xi1> to vector<1024x1xi1>
      %broadcast_in_dim3A_570 = vector.broadcast %broadcast_in_dim3A_569 : vector<1024x1xi1> to vector<1024x128xi1>
      %broadcast_in_dim3A_571 = vector.broadcast %jit3A : f32 to vector<1024x128xf32>
      %select_n3A = arith.select %broadcast_in_dim3A_570, %add3A_21, %broadcast_in_dim3A_571 : vector<1024x128xi1>, vector<1024x128xf32>
      %get3A_572 = arith.constant 62 : index
      %get3A_573 = arith.constant 0 : index
      %get3A_574 = vector.load %arg12[%get3A_572, %get3A_573] : memref<64x128xf32, #tpu.memory_space<vmem>>, vector<1x128xf32>
      %reduce_max3A_575 = arith.constant dense<0xFF800000> : vector<128xf32>
      %reduce_max3A_576 = vector.multi_reduction <maximumf>, %select_n3A, %reduce_max3A_575 [0] : vector<1024x128xf32> to vector<128xf32>
      %broadcast_in_dim3A_577 = vector.shape_cast %reduce_max3A_576 : vector<128xf32> to vector<1x128xf32>
      %max3A_578 = arith.maximumf %get3A_574, %broadcast_in_dim3A_577 : vector<1x128xf32>
      %swap3A_579 = arith.constant 62 : index
      %swap3A_580 = arith.constant 0 : index
      %swap3A_581 = vector.load %arg12[%swap3A_579, %swap3A_580] : memref<64x128xf32, #tpu.memory_space<vmem>>, vector<1x128xf32>
      tpu.vector_store %arg12[%swap3A_579, %swap3A_580], %max3A_578 {strides = array<i32>} : memref<64x128xf32, #tpu.memory_space<vmem>>, vector<1x128xf32>,
    } else {
    }
    %le3A_553 = arith.constant 63 : i32
    %le3A_554 = arith.cmpi sle, %reduce_min3A_47, %le3A_553 : i32
    %ge3A_555 = arith.constant 63 : i32
    %ge3A_556 = arith.cmpi sge, %reduce_max3A_51, %ge3A_555 : i32
    %and3A_557 = arith.andi %le3A_554, %ge3A_556 : i1
    %convert_element_type3A_558 = arith.extui %and3A_557 : i1 to i32
    %cond3A_559 = arith.constant 0 : i32
    %cond3A_560 = arith.cmpi ne, %convert_element_type3A_558, %cond3A_559 : i32
    scf.if %cond3A_560 {
      %eq3A_566 = arith.constant 63 : i32
      %eq3A_567 = vector.broadcast %eq3A_566 : i32 to vector<1024x1xi32>
      %eq3A_568 = arith.cmpi eq, %get3A_24, %eq3A_567 : vector<1024x1xi32>
      %jit3A = arith.constant 0xFF800000 : f32
      %broadcast_in_dim3A_569 = vector.shape_cast %eq3A_568 : vector<1024x1xi1> to vector<1024x1xi1>
      %broadcast_in_dim3A_570 = vector.broadcast %broadcast_in_dim3A_569 : vector<1024x1xi1> to vector<1024x128xi1>
      %broadcast_in_dim3A_571 = vector.broadcast %jit3A : f32 to vector<1024x128xf32>
      %select_n3A = arith.select %broadcast_in_dim3A_570, %add3A_21, %broadcast_in_dim3A_571 : vector<1024x128xi1>, vector<1024x128xf32>
      %get3A_572 = arith.constant 63 : index
      %get3A_573 = arith.constant 0 : index
      %get3A_574 = vector.load %arg12[%get3A_572, %get3A_573] : memref<64x128xf32, #tpu.memory_space<vmem>>, vector<1x128xf32>
      %reduce_max3A_575 = arith.constant dense<0xFF800000> : vector<128xf32>
      %reduce_max3A_576 = vector.multi_reduction <maximumf>, %select_n3A, %reduce_max3A_575 [0] : vector<1024x128xf32> to vector<128xf32>
      %broadcast_in_dim3A_577 = vector.shape_cast %reduce_max3A_576 : vector<128xf32> to vector<1x128xf32>
      %max3A_578 = arith.maximumf %get3A_574, %broadcast_in_dim3A_577 : vector<1x128xf32>
      %swap3A_579 = arith.constant 63 : index
      %swap3A_580 = arith.constant 0 : index
      %swap3A_581 = vector.load %arg12[%swap3A_579, %swap3A_580] : memref<64x128xf32, #tpu.memory_space<vmem>>, vector<1x128xf32>
      tpu.vector_store %arg12[%swap3A_579, %swap3A_580], %max3A_578 {strides = array<i32>} : memref<64x128xf32, #tpu.memory_space<vmem>>, vector<1x128xf32>,
    } else {
    }
    %eq3A_561 = arith.constant 9 : i32
    %eq3A_562 = arith.cmpi eq, %arg0, %eq3A_561 : i32
    %convert_element_type3A_563 = arith.extui %eq3A_562 : i1 to i32
    %cond3A_564 = arith.constant 0 : i32
    %cond3A_565 = arith.cmpi ne, %convert_element_type3A_563, %cond3A_564 : i32
    scf.if %cond3A_565 {
      %get3A_566 = arith.constant 0 : index
      %get3A_567 = arith.constant 0 : index
      %get3A_568 = vector.load %arg10[%get3A_566, %get3A_567] : memref<64x128xf32, #tpu.memory_space<vmem>>, vector<64x128xf32>
      %iota3A_569 = tpu.iota {dimensions = array<i32: 0>} : vector<64x64xi32>
      %iota3A_570 = tpu.iota {dimensions = array<i32: 1>} : vector<64x64xi32>
      %eq3A_571 = arith.cmpi eq, %iota3A_569, %iota3A_570 : vector<64x64xi32>
      %convert_element_type3A_572 = arith.extui %eq3A_571 : vector<64x64xi1> to vector<64x64xi32>
      %convert_element_type3A_573 = arith.sitofp %convert_element_type3A_572 : vector<64x64xi32> to vector<64x64xf32>
      %get3A_574 = arith.constant 0 : index
      %get3A_575 = arith.constant 0 : index
      %get3A_576 = vector.load %arg11[%get3A_574, %get3A_575] : memref<1x64xf32, #tpu.memory_space<vmem>>, vector<1x64xf32>
      %dot_general3A_577 = arith.constant dense<0.000000e+00> : vector<64x1xf32>
      %dot_general3A_578 = tpu.matmul %convert_element_type3A_573, %get3A_576, %dot_general3A_577 {dimension_numbers = #tpu.dot_dimension_numbers<[1], [1], [0], [0], [0, 0, 1, 0], [], []>, transpose_lhs_hint = false} : vector<64x64xf32>, vector<1x64xf32>, vector<64x1xf32> -> vector<64x1xf32>
      %max3A_579 = arith.constant 1.000000e+00 : f32
      %max3A_580 = vector.broadcast %max3A_579 : f32 to vector<64x1xf32>
      %max3A_581 = arith.maximumf %dot_general3A_578, %max3A_580 : vector<64x1xf32>
      %div3A = vector.broadcast %max3A_581 : vector<64x1xf32> to vector<64x128xf32>
      %div3A_582 = arith.divf %get3A_568, %div3A : vector<64x128xf32>
      %get3A_583 = arith.constant 0 : index
      %get3A_584 = arith.constant 0 : index
      %get3A_585 = vector.load %arg12[%get3A_583, %get3A_584] : memref<64x128xf32, #tpu.memory_space<vmem>>, vector<64x128xf32>
      %concatenate3A = tpu.concatenate %div3A_582, %get3A_585, %get3A_568 in 1 : vector<64x128xf32>, vector<64x128xf32>, vector<64x128xf32> -> vector<64x384xf32>
      %get3A_586 = arith.constant 0 : index
      %get3A_587 = arith.constant 0 : index
      %get3A_588 = vector.load %arg7[%get3A_586, %get3A_587] : memref<384x128xf32, #tpu.memory_space<vmem>>, vector<384x128xf32>
      %dot_general3A_589 = arith.constant dense<0.000000e+00> : vector<64x128xf32>
      %dot_general3A_590 = tpu.matmul %concatenate3A, %get3A_588, %dot_general3A_589 {dimension_numbers = #tpu.dot_dimension_numbers<[1], [0], [0], [1], [0, 0, 1, 1], [], []>, transpose_lhs_hint = false} : vector<64x384xf32>, vector<384x128xf32>, vector<64x128xf32> -> vector<64x128xf32>
      %get3A_591 = arith.constant 0 : index
      %get3A_592 = arith.constant 0 : index
      %get3A_593 = vector.load %arg8[%get3A_591, %get3A_592] : memref<1x128xf32, #tpu.memory_space<vmem>>, vector<1x128xf32>
      %add3A_594 = vector.broadcast %get3A_593 : vector<1x128xf32> to vector<64x128xf32>
      %add3A_595 = arith.addf %dot_general3A_590, %add3A_594 : vector<64x128xf32>
      %swap3A_596 = arith.constant 0 : index
      %swap3A_597 = arith.constant 0 : index
      %swap3A_598 = vector.load %arg9[%swap3A_596, %swap3A_597] : memref<64x128xf32, #tpu.memory_space<vmem>>, vector<64x128xf32>
      tpu.vector_store %arg9[%swap3A_596, %swap3A_597], %add3A_595 {strides = array<i32>} : memref<64x128xf32, #tpu.memory_space<vmem>>, vector<64x128xf32>,
    } else {
    }
    return
  }
  func.func @transform_0(%arg0: i32) -> (i32, i32) {
    %c0_i32 = arith.constant 0 : i32
    %c0_i32_0 = arith.constant 0 : i32
    return %arg0, %c0_i32 : i32, i32
  }
  func.func @transform_1(%arg0: i32) -> (i32, i32) {
    %c0_i32 = arith.constant 0 : i32
    %c0_i32_0 = arith.constant 0 : i32
    return %arg0, %c0_i32 : i32, i32
  }
  func.func @transform_2(%arg0: i32) -> (i32, i32) {
    %c0_i32 = arith.constant 0 : i32
    %c0_i32_0 = arith.constant 0 : i32
    return %arg0, %c0_i32 : i32, i32
  }
  func.func @transform_3(%arg0: i32) -> (i32, i32) {
    %c0_i32 = arith.constant 0 : i32
    %c0_i32_0 = arith.constant 0 : i32
    %c0_i32_1 = arith.constant 0 : i32
    return %c0_i32, %c0_i32_0 : i32, i32
  }
  func.func @transform_4(%arg0: i32) -> (i32, i32) {
    %c0_i32 = arith.constant 0 : i32
    %c0_i32_0 = arith.constant 0 : i32
    return %arg0, %c0_i32 : i32, i32
  }
  func.func @transform_5(%arg0: i32) -> (i32, i32) {
    %c0_i32 = arith.constant 0 : i32
    %c0_i32_0 = arith.constant 0 : i32
    return %arg0, %c0_i32 : i32, i32
  }
  func.func @transform_6(%arg0: i32) -> (i32, i32) {
    %c0_i32 = arith.constant 0 : i32
    %c0_i32_0 = arith.constant 0 : i32
    %c0_i32_1 = arith.constant 0 : i32
    return %c0_i32, %c0_i32_0 : i32, i32
  }
  func.func @transform_7(%arg0: i32) -> (i32, i32) {
    %c0_i32 = arith.constant 0 : i32
    %c0_i32_0 = arith.constant 0 : i32
    %c0_i32_1 = arith.constant 0 : i32
    return %c0_i32, %c0_i32_0 : i32, i32
  }
  func.func @transform_8(%arg0: i32) -> (i32, i32) {
    %c0_i32 = arith.constant 0 : i32
    %c0_i32_0 = arith.constant 0 : i32
    %c0_i32_1 = arith.constant 0 : i32
    return %c0_i32, %c0_i32_0 : i32, i32
  }
}

</mosaic_0001>

<sc_bundles>
// kernel: kernel.13.cloned.1.call-start
scs
__scs_entry_jumppad:
0x0: {  	(pc) =	sbr.rel $0x88, $3  }
0x1: {  	(tag) =	ssettag $0x0;
	lr =	simm.s32 $0x1  }
0x2: {  	[smem:$0x3F98] =	sst lr;
	_ =	strace $0xD0000000  }
0x3: {  	_ = 	snop  }
0x4: {  	_ = 	snop  }
0x5: {  	_ = 	snop  }
0x6: {  	_ = 	snop  }
0x7: {  	_ = 	snop  }
__scs_overlays_trampoline_lowered:
0x8: {  	[smem:$0x3FA7] =	sst s0  }
0x9: {  	[smem:$0x3FA8] =	sst s1  }
0xa: {  	[smem:$0x3FA9] =	sst s2  }
0xb: {  	[smem:$0x3FAA] =	sst s3  }
0xc: {  	[smem:$0x3FAB] =	sst s4  }
0xd: {  	[smem:$0x3FAC] =	sst s5  }
0xe: {  	[smem:$0x3FAD] =	sst s6  }
0xf: {  	[smem:$0x3FAE] =	sst s7  }
0x10: {  	[smem:$0x3FAF] =	sst s8  }
0x11: {  	[smem:$0x3FB0] =	sst s9;
	s0 =	simm.s32 @!p0 $0x0  }
0x12: {  	s1 =	sld [smem:$0x3F96];
	s0 =	simm.s32 @p0 $0x1  }
0x13: {  	[smem:$0x3FB1] =	sst s0;
	s0 =	simm.s32 @!p1 $0x0  }
0x14: {  	s2 =	sld [smem:$0x3F95];
	s0 =	simm.s32 @p1 $0x1  }
0x15: {  	[smem:$0x3FB2] =	sst s0;
	s0 =	simm.s32 @!p2 $0x0  }
0x16: {  	s3 =	sld [smem:$0x3FDB];
	s0 =	simm.s32 @p2 $0x1  }
0x17: {  	s4 =	simm.s32 $0x1BF5;
	[smem:$0x3FB4] =	sst s0  }
0x18: {  	s0 =	sld [smem:$0x3F97];
	_ =	swait.ge [sflag:s4], $0x0  }
0x19: {  	s7 =	sld [smem:$0x3F98]  }
0x1a: {  	s8 =	sadd.s32 $0xFFFFE003, lr  }
0x1b: {  	s9 =	sadd.s32 $0xFFFFFEF7, lr;
	s5 =	simm.s32 $0xFFFFFFFF;
	p2 =	slt.u32 s8, $0xFFFFF086  }
0x1c: {  	p1 =	slt.u32 s9, $0xF7A;
	s5 =	simm.s32 @!p2 $0x0  }
0x1d: {  	s5 =	simm.s32 @p1 $0x1;
	p0 =	seq.s32 s7, s2  }
0x1e: {  	s7 =	smul.u32 @!p0 $0xF7A, s2;
	p2 =	seq.s32 @!p0 s5, $0x0  }
0x1f: {  	s9 =	smul.u32 $0xF7A, s1;
	s8 =	simm.s32 @!p0 $0x1BF5;
	p2 =	por !p2, p0  }
0x20: {  	[sflag:s8] =	ssyncset.s32 @!p0 $0xFFFFF086;
	s6 =	sadd.s32 @!p0 s3, s7;
	s7 =	simm.s32 @!p0 $0x108  }
0x21: {  	s3 =	sadd.s32 s3, s9;
	s6 =	sadd.s32 @!p0 $0x88, s6;
	s7 =	simm.s32 @p2 $0x1082  }
0x22: {  	[simem:s7], [sflag:s8] =	dma.local @!p0 [hbm:s6], $0xF7A  }
0x23: {  	s9 =	sor.u32 $0xD0000000, s2;
	s6 =	simm.s32 $0x108;
	_ =	swait.ge @!p0 [sflag:s8], $0x0  }
0x24: {  	s3 =	sadd.s32 $0x88, s3;
	s6 =	simm.s32 @!p1 $0x1082;
	[sflag:s4] =	ssyncset.s32 $0xFFFFF086  }
0x25: {  	[simem:s6], [sflag:s4] =	dma.local [hbm:s3], $0xF7A  }
0x26: {  	[smem:$0x3F98] =	sst s1;
	(tag) =	ssettag s2;
	_ =	strace s9  }
0x27: {  	s1 =	sld [smem:$0x3FA8]  }
0x28: {  	s2 =	sld [smem:$0x3FA9]  }
0x29: {  	s4 =	sld [smem:$0x3FAB]  }
0x2a: {  	p0 =	seq.s32 s5, $0x0;
	s5 =	sld [smem:$0x3FAC]  }
0x2b: {  	s6 =	sld [smem:$0x3FAD]  }
0x2c: {  	s7 =	sld [smem:$0x3FAE]  }
0x2d: {  	s3 =	simm.s32 $0x108;
	s8 =	sld [smem:$0x3FAF]  }
0x2e: {  	s3 =	simm.s32 @!p0 $0x1082;
	s9 =	sld [smem:$0x3FB0]  }
0x2f: {  	lr =	sadd.s32 s0, s3;
	s0 =	sld [smem:$0x3FA7]  }
0x30: {  	s3 =	sld [smem:$0x3FAA]  }
0x31: {  	[smem:$0x3FB3] =	sst s10  }
0x32: {  	s10 =	sld [smem:$0x3FB1];
	_ =	sdelay $0x3  }
0x33: {  	p0 =	seq.s32 s10, $0x1;
	s10 =	sld [smem:$0x3FB3];
	_ =	sdelay $0x3  }
0x34: {  	[smem:$0x3FB3] =	sst s10  }
0x35: {  	s10 =	sld [smem:$0x3FB2];
	_ =	sdelay $0x3  }
0x36: {  	p1 =	seq.s32 s10, $0x1;
	s10 =	sld [smem:$0x3FB3];
	_ =	sdelay $0x3  }
0x37: {  	[smem:$0x3FB3] =	sst s10  }
0x38: {  	s10 =	sld [smem:$0x3FB4]  }
0x39: {  	_ = 	snop;
	(pc) =	sbr.ind lr, $3  }
0x3a: {  	_ = 	snop  }
0x3b: {  	_ = 	snop  }
0x3c: {  	p2 =	seq.s32 s10, $0x1;
	s10 =	sld [smem:$0x3FB3]  }
0x3d: {  	_ =	shalt  }
0x3e: {  	_ =	shalt  }
0x3f: {  	_ =	shalt  }
0x40: {  	_ =	shalt  }
0x41: {  	_ =	shalt  }
0x42: {  	_ =	shalt  }
0x43: {  	_ =	shalt  }
0x44: {  	_ =	shalt  }
0x45: {  	_ =	shalt  }
0x46: {  	_ =	shalt  }
0x47: {  	_ =	shalt  }
0x48: {  	_ =	shalt  }
0x49: {  	_ =	shalt  }
0x4a: {  	_ =	shalt  }
0x4b: {  	_ =	shalt  }
0x4c: {  	_ =	shalt  }
0x4d: {  	_ =	shalt  }
0x4e: {  	_ =	shalt  }
0x4f: {  	_ =	shalt  }
0x50: {  	_ =	shalt  }
0x51: {  	_ =	shalt  }
0x52: {  	_ =	shalt  }
0x53: {  	_ =	shalt  }
0x54: {  	_ =	shalt  }
0x55: {  	_ =	shalt  }
0x56: {  	_ =	shalt  }
0x57: {  	_ =	shalt  }
0x58: {  	_ =	shalt  }
0x59: {  	_ =	shalt  }
0x5a: {  	_ =	shalt  }
0x5b: {  	_ =	shalt  }
0x5c: {  	_ =	shalt  }
0x5d: {  	_ =	shalt  }
0x5e: {  	_ =	shalt  }
0x5f: {  	_ =	shalt  }
0x60: {  	_ =	shalt  }
0x61: {  	_ =	shalt  }
0x62: {  	_ =	shalt  }
0x63: {  	_ =	shalt  }
0x64: {  	_ =	shalt  }
0x65: {  	_ =	shalt  }
0x66: {  	_ =	shalt  }
0x67: {  	_ =	shalt  }
0x68: {  	_ =	shalt  }
0x69: {  	_ =	shalt  }
0x6a: {  	_ =	shalt  }
0x6b: {  	_ =	shalt  }
0x6c: {  	_ =	shalt  }
0x6d: {  	_ =	shalt  }
0x6e: {  	_ =	shalt  }
0x6f: {  	_ =	shalt  }
0x70: {  	_ =	shalt  }
0x71: {  	_ =	shalt  }
0x72: {  	_ =	shalt  }
0x73: {  	_ =	shalt  }
0x74: {  	_ =	shalt  }
0x75: {  	_ =	shalt  }
0x76: {  	_ =	shalt  }
0x77: {  	_ =	shalt  }
0x78: {  	_ =	shalt  }
0x79: {  	_ =	shalt  }
0x7a: {  	_ =	shalt  }
0x7b: {  	_ =	shalt  }
0x7c: {  	_ =	shalt  }
0x7d: {  	_ =	shalt  }
0x7e: {  	_ =	shalt  }
0x7f: {  	_ =	shalt  }
0x80: {  	_ =	shalt  }
0x81: {  	_ =	shalt  }
0x82: {  	_ =	shalt  }
0x83: {  	_ =	shalt  }
0x84: {  	_ =	shalt  }
0x85: {  	_ =	shalt  }
0x86: {  	_ =	shalt  }
0x87: {  	_ =	shalt  }
.Lfunc_end0:
.L_simem_size_0:
called_computation_lowered:
.L_overlay_start_0:
0x88: {  	s2 =	sld [smem:$0x3FD9]  }
0x89: {  	s3 =	sld [smem:$0x3FFE];
	_ =	sdelay $0x1  }
0x8a: {  	s1 =	srdreg.scid  }
0x8b: {  	s0 =	sand.u32 $0x1, s1  }
0x8c: {  	s16 =	sshll.u32 s0, $0xA;
	s2 =	sadd.s32 s3, s2  }
0x8d: {  	s2 =	sadd.s32 s2, s16  }
0x8e: {  	[smem:$0x3FBF] =	sst s2  }
0x8f: {  	_ = 	snop  }
0x90: {  	(tm) =	ssettm $0x1  }
0x91: {  	s17 =	sld [smem:$0x3FFB];
	_ =	sdelay $0x3  }
0x92: {  	_ =	strace s17  }
0x93: {  	s2 =	sld [smem:$0x3FFC];
	_ =	sdelay $0x3  }
0x94: {  	_ =	strace s2  }
0x95: {  	s2 =	sld [smem:$0x3FFD];
	_ =	sdelay $0x3  }
0x96: {  	_ =	strace s2  }
0x97: {  	_ =	strace $0x8FFFFFFF  }
0x98: {  	s18 =	sld [smem:$0x3FDB];
	_ =	sdelay $0x1  }
0x99: {  	s19 =	simm.s32 $_scs_section_size  }
0x9a: {  	s4 =	simm.s32 $_size__tile_overlayer_lowered;
	s5 =	simm.s32 $_tile_overlayer_lowered  }
0x9b: {  	s22 =	simm.s32 $0x1BFF;
	s21 =	sshll.u32 s5, $0x1;
	s2 =	sadd.s32 s19, s18  }
0x9c: {  	s6 =	simm.s32 $0x0;
	s20 =	sshll.u32 s4, $0x1;
	s4 =	sadd.s32 s21, s2  }
0x9d: {  	[timem:s6], [sflag:s22] =	dma.local [hbm:s4], s20  }
0x9e: {  	_ =	swait.ge [sflag:s22], s20  }
0x9f: {  	s3 =	ssub.s32 $0x0, s20;
	[sflag:s22] =	ssyncset.done $0x0  }
0xa0: {  	[sflag:s22] =	ssyncadd.s32 s3;
	_ =	sdelay $0x1  }
0xa1: {  	s23 =	simm.s32 $0x1B8B  }
0xa2: {  	_ =	swait.ge [sflag:s23], $0x1  }
0xa3: {  	[sflag:s23] =	ssyncset.done $0x0  }
0xa4: {  	s25 =	simm.s32 $0x1B8E;
	s24 =	sld [smem:$0x3FFE];
	[sflag:s23] =	ssyncadd.s32 $0xFFFFFFFF  }
0xa5: {  	s26 =	simm.s32 $execute0_lowered;
	[smem:$0x3FD2] =	sst s25  }
0xa6: {  	s4 =	sshll.u32 s26, $0x1;
	_ =	strace $0x80000046;
	[dreg:$0x1] =	wrdreg $0xFFFFFFFF  }
0xa7: {  	s28 =	simm.s32 $_size_execute0_lowered;
	s2 =	sadd.s32 s2, s4;
	[dreg:$0x0] =	wrdreg $0x0  }
0xa8: {  	s4 =	sshll.u32 s28, $0x1;
	[dreg:$0x2] =	wrdreg s2  }
0xa9: {  	[dreg:$0x3] =	wrdreg s4  }
0xaa: {  	[dreg:$0x4] =	wrdreg $0xC0  }
0xab: {  	_ =	task [dreg:s6], $0x5FFFF  }
0xac: {  	[dreg:$0x1] =	wrdreg $0xFFFFFFFF  }
0xad: {  	[dreg:$0x0] =	wrdreg $0x60  }
0xae: {  	[dreg:$0x2] =	wrdreg s24  }
0xaf: {  	[dreg:$0x3] =	wrdreg $0x9  }
0xb0: {  	_ =	task.clear_ibuf [dreg:s6], $0x4FFFF;
	_ =	strace $0x90000046  }
0xb1: {  	s29 =	simm.s32 $0x9;
	_ =	strace $0x80000048  }
0xb2: {  	_ =	swait.ge [sflag:s29], $0x1  }
0xb3: {  	[sflag:s29] =	ssyncadd.s32 $0xFFFFFFFF  }
0xb4: {  	_ =	strace $0x90000048  }
0xb5: {  	_ =	sfence  }
0xb6: {  	s30 =	sld [smem:$0x0];
	_ =	sdelay $0x2  }
0xb7: {  	s31 =	sshll.u32 s1, $0xD;
	s1 =	sshrl.u32 s1, $0x2  }
0xb8: {  	s3 =	sand.u32 $0x4000, s31;
	s1 =	sadd.s32 s1, s30  }
0xb9: {  	s0 =	sor.u32 s3, s0;
	s1 =	sshll.u32 s1, $0x11  }
0xba: {  	s0 =	sor.u32 s1, s0  }
0xbb: {  	s0 =	sadd.s32 $0x8F2B, s0  }
0xbc: {  	[sflag:s0] =	ssyncadd.remote.s32 $0x1  }
0xbd: {  	_ =	sfence.sel $0xFFFF  }
0xbe: {  	[dreg:$0x0] =	wrdreg $0xFFFFFFFF;
	(pc) =	sbr.abs _section_cstart, $3  }
0xbf: {  	[dreg:$0x1] =	wrdreg $0xFFFFFFFF  }
0xc0: {  	_ =	task.clear_ibuf [dreg:s6], $0x2FFFF;
	_ =	strace $0x9FFFFFFF  }
0xc1: {  	(tm) =	ssettm $0x7FFFFFFF  }
tec
execute0_lowered:
.L_overlay_start_1:
0x0: {  	(tag) =	ssettag $0x1  }
0x1: {  	s1 =	srdreg.scid  }
0x2: {  	s0 =	stileid.u32;
	s3 =	rddreg [dreg:$0x0];
	s8 =	simm.s32 $0x1  }
0x3: {  	s9 =	simm.s32 $0x2800;
	s10 =	simm.s32 $0x5000;
	s11 =	simm.s32 $0x7800  }
0x4: {  	s12 =	simm.s32 $0x80;
	s13 =	simm.s32 $0x400;
	s14 =	simm.s32 $0x0  }
0x5: {  	s4 =	sand.u32 $0x1, s1;
	s2 =	sshll.u32 s0, $0x1;
	s1 =	rddreg [dreg:$0x1]  }
0x6: {  	s6 =	sshrl.u32 s0, $0x2;
	s5 =	sor.u32 s4, s2;
	s2 =	simm.s32 $0x0  }
0x7: {  	s6 =	smul.u32 $0x14000, s6;
	s4 =	ssub.s32 $0x2, s4;
	s7 =	sshll.u32 s5, $0x7  }
0x8: {  	[smem:$0x7FF] =	sst s2;
	s5 =	smul.u32 $0x500, s5;
	s7 =	sand.u32 $0x380, s7  }
0x9: {  	s31 =	sshrl.u32 s4, $0x1;
	_ =	strace $0x80000047;
	s6 =	sor.u32 s6, s7  }
0xa: {  	s5 =	sadd.s32 s5, s3;
	s7 =	ssub.s32 s4, s31;
	s6 =	sshrl.u32 s6, $0x3  }
0xb: {  	s4 =	sadd.s32 $0x4A00, s5;
	s7 =	smax.u32 s7, $0x1;
	s6 =	sadd.s32 s6, s3  }
0xc: {  	v0 =	vimm.f32 $0.0e+00;
	v1 =	vimm.f32 $1.000000000e+00;
	s3 =	sadd.s32 $0xEA00, s5;
	s5 =	sadd.s32 $0x18A00, s6;
	s6 =	sadd.s32 $0x22A00, s6  }
.LBB2_1:
0xd: {  	[tilespmem:s2], [sflag:$0x1] =	stream.linear.gather [hbm4b:s3+s2], $0x2800, $0x38;
	[tilespmem:$0xA000] =	vst v63  }
0xe: {  	_ =	swait.ge [sflag:s8], $0x2800  }
0xf: {  	[sflag:s8] =	ssyncset.done $0x0  }
0x10: {  	[sflag:s8] =	ssyncadd.s32 $0xFFFFD800  }
0x11: {  	[tilespmem:s9], [sflag:$0x1] =	stream.linear.gather [hbm4b:s4+s2], $0x2800, $0x38;
	[tilespmem:$0xA000] =	vst v63  }
0x12: {  	_ =	swait.ge [sflag:s8], $0x2800  }
0x13: {  	[sflag:s8] =	ssyncset.done $0x0  }
0x14: {  	s15 =	simm.s32 $0x0;
	[sflag:s8] =	ssyncadd.s32 $0xFFFFD800  }
.LBB2_2:
0x15: {  	p0 =	sne.s32 s15, $0x9FC0  }
.Ltmp0:
0x16: {  	_ = 	snop;
	(pc) =	sbr.rel @p0 .LBB2_2-.Ltmp0, $4  }
0x17: {  	_ = 	snop  }
0x18: {  	s16 =	sshra.s32 s15, $0x2  }
0x19: {  	[tilespmem:s16+$0x5000] =	vst v0  }
0x1a: {  	s15 =	sadd.s32 $0x40, s15;
	[tilespmem:s16+$0x7800] =	vst v0  }
0x1b: {  	s15 =	simm.s32 $0x0  }
.LBB2_4:
0x1c: {  	s16 =	sshra.s32 s15, $0x2  }
0x1d: {  	v2 =	vld [tilespmem:s16+$0x0]  }
0x1e: {  	v3 =	vld [tilespmem:s16+$0x2800];
	_ =	sdelay $0x6  }
0x1f: {  	[tilespmem:v2+s10+$0x0] =	vst.idx.add.f32.msk $0xffff, v1  }
0x20: {  	[tilespmem:v3+s11+$0x0] =	vst.idx.add.f32.msk $0xffff, v1  }
0x21: {  	v2 =	vld [tilespmem:s16+$0x10]  }
0x22: {  	v3 =	vld [tilespmem:s16+$0x2810];
	_ =	sdelay $0x6  }
0x23: {  	[tilespmem:v2+s10+$0x0] =	vst.idx.add.f32.msk $0xffff, v1  }
0x24: {  	[tilespmem:v3+s11+$0x0] =	vst.idx.add.f32.msk $0xffff, v1  }
0x25: {  	v2 =	vld [tilespmem:s16+$0x20]  }
0x26: {  	v3 =	vld [tilespmem:s16+$0x2820];
	_ =	sdelay $0x6  }
0x27: {  	[tilespmem:v2+s10+$0x0] =	vst.idx.add.f32.msk $0xffff, v1  }
0x28: {  	[tilespmem:v3+s11+$0x0] =	vst.idx.add.f32.msk $0xffff, v1  }
0x29: {  	v2 =	vld [tilespmem:s16+$0x30]  }
0x2a: {  	v3 =	vld [tilespmem:s16+$0x2830];
	_ =	sdelay $0x6  }
0x2b: {  	[tilespmem:v2+s10+$0x0] =	vst.idx.add.f32.msk $0xffff, v1  }
0x2c: {  	[tilespmem:v3+s11+$0x0] =	vst.idx.add.f32.msk $0xffff, v1  }
0x2d: {  	v2 =	vld [tilespmem:s16+$0x40]  }
0x2e: {  	v3 =	vld [tilespmem:s16+$0x2840];
	_ =	sdelay $0x6  }
0x2f: {  	[tilespmem:v2+s10+$0x0] =	vst.idx.add.f32.msk $0xffff, v1  }
0x30: {  	[tilespmem:v3+s11+$0x0] =	vst.idx.add.f32.msk $0xffff, v1  }
0x31: {  	v2 =	vld [tilespmem:s16+$0x50]  }
0x32: {  	v3 =	vld [tilespmem:s16+$0x2850];
	_ =	sdelay $0x6  }
0x33: {  	[tilespmem:v2+s10+$0x0] =	vst.idx.add.f32.msk $0xffff, v1  }
0x34: {  	[tilespmem:v3+s11+$0x0] =	vst.idx.add.f32.msk $0xffff, v1  }
0x35: {  	v2 =	vld [tilespmem:s16+$0x60]  }
0x36: {  	v3 =	vld [tilespmem:s16+$0x2860];
	_ =	sdelay $0x6  }
0x37: {  	[tilespmem:v2+s10+$0x0] =	vst.idx.add.f32.msk $0xffff, v1  }
0x38: {  	[tilespmem:v3+s11+$0x0] =	vst.idx.add.f32.msk $0xffff, v1  }
0x39: {  	v2 =	vld [tilespmem:s16+$0x70]  }
0x3a: {  	v3 =	vld [tilespmem:s16+$0x2870];
	_ =	sdelay $0x2  }
0x3b: {  	p0 =	sne.s32 s15, $0x9E00  }
.Ltmp1:
0x3c: {  	_ = 	snop;
	(pc) =	sbr.rel @p0 .LBB2_4-.Ltmp1, $3  }
0x3d: {  	_ =	sdelay $0x1  }
0x3e: {  	[tilespmem:v2+s10+$0x0] =	vst.idx.add.f32.msk $0xffff, v1  }
0x3f: {  	s15 =	sadd.s32 $0x200, s15;
	[tilespmem:v3+s11+$0x0] =	vst.idx.add.f32.msk $0xffff, v1  }
0x40: {  	[hbm4b:s5+s12] =	stream.strided.scatter [tilespmem:s10], [sflag:$0x1], $0x2800, s13, s12, $0x38;
	[tilespmem:$0xA000] =	vst v63  }
0x41: {  	s14 =	sadd.s32 $0x1, s14;
	_ =	swait.ge [sflag:s8], $0x2800  }
0x42: {  	p0 =	sne.s32 s14, s7;
	[sflag:s8] =	ssyncset.done $0x0  }
.Ltmp2:
0x43: {  	[sflag:s8] =	ssyncadd.s32 $0xFFFFD800;
	(pc) =	sbr.rel @p0 .LBB2_1-.Ltmp2, $4  }
0x44: {  	[hbm4b:s6+s12] =	stream.strided.scatter [tilespmem:s11], [sflag:$0x1], $0x2800, s13, s12, $0x38;
	[tilespmem:$0xA000] =	vst v63  }
0x45: {  	_ =	swait.ge [sflag:s8], $0x2800  }
0x46: {  	[sflag:s8] =	ssyncset.done $0x0  }
0x47: {  	[sflag:s8] =	ssyncadd.s32 $0xFFFFD800  }
0x48: {  	_ =	sfence.sel $0x180000  }
0x49: {  	[bflag:$0x0] =	sbarrier.arrive $0xFFFF  }
0x4a: {  	p0 =	sne.s32 s0, $0x0;
	_ =	strace $0x90000047  }
0x4b: {  	s0 =	sadd.s32 @!p0 $0x100000, s1;
	[bflag:$0x2] =	sbarrier.arrive $0xFFFF  }
0x4c: {  	[sflag:s0] =	ssyncadd.tile.s32 @!p0 $0x1;
	_ =	shalt  }
.Lfunc_end2:
_tile_overlayer_lowered:
.L_overlay_start_2:
0x4d: {  	(tag) =	ssettag $0x2  }
0x4e: {  	s0 =	rddreg [dreg:$0x0];
	s2 =	stileid.u32  }
0x4f: {  	s1 =	rddreg [dreg:$0x1];
	p0 =	sne.s32 s2, $0x0  }
0x50: {  	s3 =	rddreg [dreg:$0x2];
	[bflag:$0x3] =	sbarrier.arrive $0xFFFF;
	s2 =	simm.s32 @!p0 $0x1C01  }
0x51: {  	[timem:s3], [sflag:s2] =	dma.local @!p0 [hbm:s0], s1  }
0x52: {  	s0 =	simm.s32 @!p0 $0x1  }
0x53: {  	_ =	swait.ge @!p0 [sflag:s0], s1  }
0x54: {  	s1 =	ssub.s32 @!p0 $0x0, s1;
	[sflag:s0] =	ssyncset.done @!p0 $0x0  }
0x55: {  	[sflag:s0] =	ssyncadd.s32 @!p0 s1  }
0x56: {  	[bflag:$0x3] =	sbarrier.arrive $0xFFFF  }
0x57: {  	_ =	shalt  }

// kernel: kernel.16.cloned.1.call-start
scs
__scs_entry_jumppad:
0x0: {  	(pc) =	sbr.rel $0x88, $3  }
0x1: {  	(tag) =	ssettag $0x0;
	lr =	simm.s32 $0x1  }
0x2: {  	[smem:$0x3F98] =	sst lr;
	_ =	strace $0xD0000000  }
0x3: {  	_ = 	snop  }
0x4: {  	_ = 	snop  }
0x5: {  	_ = 	snop  }
0x6: {  	_ = 	snop  }
0x7: {  	_ = 	snop  }
__scs_overlays_trampoline_lowered:
0x8: {  	[smem:$0x3FA7] =	sst s0  }
0x9: {  	[smem:$0x3FA8] =	sst s1  }
0xa: {  	[smem:$0x3FA9] =	sst s2  }
0xb: {  	[smem:$0x3FAA] =	sst s3  }
0xc: {  	[smem:$0x3FAB] =	sst s4  }
0xd: {  	[smem:$0x3FAC] =	sst s5  }
0xe: {  	[smem:$0x3FAD] =	sst s6  }
0xf: {  	[smem:$0x3FAE] =	sst s7  }
0x10: {  	[smem:$0x3FAF] =	sst s8  }
0x11: {  	[smem:$0x3FB0] =	sst s9;
	s0 =	simm.s32 @!p0 $0x0  }
0x12: {  	s1 =	sld [smem:$0x3F96];
	s0 =	simm.s32 @p0 $0x1  }
0x13: {  	[smem:$0x3FB1] =	sst s0;
	s0 =	simm.s32 @!p1 $0x0  }
0x14: {  	s2 =	sld [smem:$0x3F95];
	s0 =	simm.s32 @p1 $0x1  }
0x15: {  	[smem:$0x3FB2] =	sst s0;
	s0 =	simm.s32 @!p2 $0x0  }
0x16: {  	s3 =	sld [smem:$0x3FDB];
	s0 =	simm.s32 @p2 $0x1  }
0x17: {  	s4 =	simm.s32 $0x1BF5;
	[smem:$0x3FB4] =	sst s0  }
0x18: {  	s0 =	sld [smem:$0x3F97];
	_ =	swait.ge [sflag:s4], $0x0  }
0x19: {  	s7 =	sld [smem:$0x3F98]  }
0x1a: {  	s8 =	sadd.s32 $0xFFFFE003, lr  }
0x1b: {  	s9 =	sadd.s32 $0xFFFFFEF7, lr;
	s5 =	simm.s32 $0xFFFFFFFF;
	p2 =	slt.u32 s8, $0xFFFFF086  }
0x1c: {  	p1 =	slt.u32 s9, $0xF7A;
	s5 =	simm.s32 @!p2 $0x0  }
0x1d: {  	s5 =	simm.s32 @p1 $0x1;
	p0 =	seq.s32 s7, s2  }
0x1e: {  	s7 =	smul.u32 @!p0 $0xF7A, s2;
	p2 =	seq.s32 @!p0 s5, $0x0  }
0x1f: {  	s9 =	smul.u32 $0xF7A, s1;
	s8 =	simm.s32 @!p0 $0x1BF5;
	p2 =	por !p2, p0  }
0x20: {  	[sflag:s8] =	ssyncset.s32 @!p0 $0xFFFFF086;
	s6 =	sadd.s32 @!p0 s3, s7;
	s7 =	simm.s32 @!p0 $0x108  }
0x21: {  	s3 =	sadd.s32 s3, s9;
	s6 =	sadd.s32 @!p0 $0x88, s6;
	s7 =	simm.s32 @p2 $0x1082  }
0x22: {  	[simem:s7], [sflag:s8] =	dma.local @!p0 [hbm:s6], $0xF7A  }
0x23: {  	s9 =	sor.u32 $0xD0000000, s2;
	s6 =	simm.s32 $0x108;
	_ =	swait.ge @!p0 [sflag:s8], $0x0  }
0x24: {  	s3 =	sadd.s32 $0x88, s3;
	s6 =	simm.s32 @!p1 $0x1082;
	[sflag:s4] =	ssyncset.s32 $0xFFFFF086  }
0x25: {  	[simem:s6], [sflag:s4] =	dma.local [hbm:s3], $0xF7A  }
0x26: {  	[smem:$0x3F98] =	sst s1;
	(tag) =	ssettag s2;
	_ =	strace s9  }
0x27: {  	s1 =	sld [smem:$0x3FA8]  }
0x28: {  	s2 =	sld [smem:$0x3FA9]  }
0x29: {  	s4 =	sld [smem:$0x3FAB]  }
0x2a: {  	p0 =	seq.s32 s5, $0x0;
	s5 =	sld [smem:$0x3FAC]  }
0x2b: {  	s6 =	sld [smem:$0x3FAD]  }
0x2c: {  	s7 =	sld [smem:$0x3FAE]  }
0x2d: {  	s3 =	simm.s32 $0x108;
	s8 =	sld [smem:$0x3FAF]  }
0x2e: {  	s3 =	simm.s32 @!p0 $0x1082;
	s9 =	sld [smem:$0x3FB0]  }
0x2f: {  	lr =	sadd.s32 s0, s3;
	s0 =	sld [smem:$0x3FA7]  }
0x30: {  	s3 =	sld [smem:$0x3FAA]  }
0x31: {  	[smem:$0x3FB3] =	sst s10  }
0x32: {  	s10 =	sld [smem:$0x3FB1];
	_ =	sdelay $0x3  }
0x33: {  	p0 =	seq.s32 s10, $0x1;
	s10 =	sld [smem:$0x3FB3];
	_ =	sdelay $0x3  }
0x34: {  	[smem:$0x3FB3] =	sst s10  }
0x35: {  	s10 =	sld [smem:$0x3FB2];
	_ =	sdelay $0x3  }
0x36: {  	p1 =	seq.s32 s10, $0x1;
	s10 =	sld [smem:$0x3FB3];
	_ =	sdelay $0x3  }
0x37: {  	[smem:$0x3FB3] =	sst s10  }
0x38: {  	s10 =	sld [smem:$0x3FB4]  }
0x39: {  	_ = 	snop;
	(pc) =	sbr.ind lr, $3  }
0x3a: {  	_ = 	snop  }
0x3b: {  	_ = 	snop  }
0x3c: {  	p2 =	seq.s32 s10, $0x1;
	s10 =	sld [smem:$0x3FB3]  }
0x3d: {  	_ =	shalt  }
0x3e: {  	_ =	shalt  }
0x3f: {  	_ =	shalt  }
0x40: {  	_ =	shalt  }
0x41: {  	_ =	shalt  }
0x42: {  	_ =	shalt  }
0x43: {  	_ =	shalt  }
0x44: {  	_ =	shalt  }
0x45: {  	_ =	shalt  }
0x46: {  	_ =	shalt  }
0x47: {  	_ =	shalt  }
0x48: {  	_ =	shalt  }
0x49: {  	_ =	shalt  }
0x4a: {  	_ =	shalt  }
0x4b: {  	_ =	shalt  }
0x4c: {  	_ =	shalt  }
0x4d: {  	_ =	shalt  }
0x4e: {  	_ =	shalt  }
0x4f: {  	_ =	shalt  }
0x50: {  	_ =	shalt  }
0x51: {  	_ =	shalt  }
0x52: {  	_ =	shalt  }
0x53: {  	_ =	shalt  }
0x54: {  	_ =	shalt  }
0x55: {  	_ =	shalt  }
0x56: {  	_ =	shalt  }
0x57: {  	_ =	shalt  }
0x58: {  	_ =	shalt  }
0x59: {  	_ =	shalt  }
0x5a: {  	_ =	shalt  }
0x5b: {  	_ =	shalt  }
0x5c: {  	_ =	shalt  }
0x5d: {  	_ =	shalt  }
0x5e: {  	_ =	shalt  }
0x5f: {  	_ =	shalt  }
0x60: {  	_ =	shalt  }
0x61: {  	_ =	shalt  }
0x62: {  	_ =	shalt  }
0x63: {  	_ =	shalt  }
0x64: {  	_ =	shalt  }
0x65: {  	_ =	shalt  }
0x66: {  	_ =	shalt  }
0x67: {  	_ =	shalt  }
0x68: {  	_ =	shalt  }
0x69: {  	_ =	shalt  }
0x6a: {  	_ =	shalt  }
0x6b: {  	_ =	shalt  }
0x6c: {  	_ =	shalt  }
0x6d: {  	_ =	shalt  }
0x6e: {  	_ =	shalt  }
0x6f: {  	_ =	shalt  }
0x70: {  	_ =	shalt  }
0x71: {  	_ =	shalt  }
0x72: {  	_ =	shalt  }
0x73: {  	_ =	shalt  }
0x74: {  	_ =	shalt  }
0x75: {  	_ =	shalt  }
0x76: {  	_ =	shalt  }
0x77: {  	_ =	shalt  }
0x78: {  	_ =	shalt  }
0x79: {  	_ =	shalt  }
0x7a: {  	_ =	shalt  }
0x7b: {  	_ =	shalt  }
0x7c: {  	_ =	shalt  }
0x7d: {  	_ =	shalt  }
0x7e: {  	_ =	shalt  }
0x7f: {  	_ =	shalt  }
0x80: {  	_ =	shalt  }
0x81: {  	_ =	shalt  }
0x82: {  	_ =	shalt  }
0x83: {  	_ =	shalt  }
0x84: {  	_ =	shalt  }
0x85: {  	_ =	shalt  }
0x86: {  	_ =	shalt  }
0x87: {  	_ =	shalt  }
.Lfunc_end0:
.L_simem_size_0:
called_computation.1_lowered:
.L_overlay_start_0:
0x88: {  	s2 =	sld [smem:$0x3FD9]  }
0x89: {  	s3 =	sld [smem:$0x3FFE];
	_ =	sdelay $0x1  }
0x8a: {  	s1 =	srdreg.scid  }
0x8b: {  	s0 =	sand.u32 $0x1, s1  }
0x8c: {  	s17 =	sshll.u32 s0, $0xA;
	s2 =	sadd.s32 s3, s2  }
0x8d: {  	s2 =	sadd.s32 s2, s17  }
0x8e: {  	[smem:$0x3FBF] =	sst s2  }
0x8f: {  	_ = 	snop  }
0x90: {  	(tm) =	ssettm $0x1  }
0x91: {  	s18 =	sld [smem:$0x3FFB];
	_ =	sdelay $0x3  }
0x92: {  	_ =	strace s18  }
0x93: {  	s2 =	sld [smem:$0x3FFC];
	_ =	sdelay $0x3  }
0x94: {  	_ =	strace s2  }
0x95: {  	s2 =	sld [smem:$0x3FFD];
	_ =	sdelay $0x3  }
0x96: {  	_ =	strace s2  }
0x97: {  	_ =	strace $0x8FFFFFFF  }
0x98: {  	s19 =	sld [smem:$0x3FDB];
	_ =	sdelay $0x1  }
0x99: {  	s20 =	simm.s32 $_scs_section_size  }
0x9a: {  	s4 =	simm.s32 $_size__tile_overlayer_lowered;
	s5 =	simm.s32 $_tile_overlayer_lowered  }
0x9b: {  	s6 =	simm.s32 $0x1BFF;
	s21 =	sshll.u32 s5, $0x1;
	s3 =	sadd.s32 s20, s19  }
0x9c: {  	s22 =	simm.s32 $0x0;
	s4 =	sshll.u32 s4, $0x1;
	s5 =	sadd.s32 s21, s3  }
0x9d: {  	[timem:s22], [sflag:s6] =	dma.local [hbm:s5], s4  }
0x9e: {  	_ =	swait.ge [sflag:s6], s4  }
0x9f: {  	s4 =	ssub.s32 $0x0, s4;
	[sflag:s6] =	ssyncset.done $0x0  }
0xa0: {  	[sflag:s6] =	ssyncadd.s32 s4;
	_ =	sdelay $0x1  }
0xa1: {  	s23 =	simm.s32 $0x1B8B  }
0xa2: {  	_ =	swait.ge [sflag:s23], $0x1  }
0xa3: {  	[sflag:s23] =	ssyncset.done $0x0  }
0xa4: {  	[sflag:s23] =	ssyncadd.s32 $0xFFFFFFFF  }
0xa5: {  	s4 =	sld [smem:$0x0]  }
0xa6: {  	s5 =	sand.u32 $0xFFFFFFFE, s1  }
0xa7: {  	p0 =	sne.s32 s1, s5  }
0xa8: {  	s5 =	sshll.u32 @p0 s5, $0xE  }
0xa9: {  	s5 =	sadd.s32 @p0 $0x11B8D, s5;
	s6 =	sshll.u32 @p0 s4, $0x11  }
0xaa: {  	s5 =	sor.u32 @p0 s6, s5  }
0xab: {  	[sflag:s5] =	ssyncadd.remote.s32 @p0 $0x1;
	_ =	sdelay $0x1  }
0xac: {  	s5 =	simm.s32 @p0 $0x1B8D  }
0xad: {  	_ =	swait.eq @p0 [sflag:s5], $0x1  }
0xae: {  	[sflag:s5] =	ssyncadd.s32 @p0 $0xFFFFFFFF  }
0xaf: {  	s6 =	sshll.u32 @!p0 s1, $0xE  }
0xb0: {  	s6 =	sor.u32 @!p0 $0x4000, s6;
	s5 =	simm.s32 @!p0 $0x1B8D  }
0xb1: {  	s4 =	sshll.u32 @!p0 s4, $0x11;
	s6 =	sadd.s32 @!p0 $0x11B8D, s6;
	_ =	swait.eq @!p0 [sflag:s5], $0x1  }
0xb2: {  	s4 =	sor.u32 @!p0 s4, s6;
	[sflag:s5] =	ssyncadd.s32 @!p0 $0xFFFFFFFF  }
0xb3: {  	s25 =	simm.s32 $0x1B8E;
	s24 =	sld [smem:$0x3FFE];
	[sflag:s4] =	ssyncadd.remote.s32 @!p0 $0x1  }
0xb4: {  	s26 =	simm.s32 $execute0_lowered;
	[smem:$0x3FD2] =	sst s25  }
0xb5: {  	s5 =	sshll.u32 s26, $0x1;
	_ =	strace $0x80000049;
	[dreg:$0x1] =	wrdreg $0xFFFFFFFF  }
0xb6: {  	s28 =	simm.s32 $_size_execute0_lowered;
	s3 =	sadd.s32 s3, s5;
	[dreg:$0x0] =	wrdreg $0x0  }
0xb7: {  	s5 =	sshll.u32 s28, $0x1;
	[dreg:$0x2] =	wrdreg s3  }
0xb8: {  	[dreg:$0x3] =	wrdreg s5  }
0xb9: {  	[dreg:$0x4] =	wrdreg $0xC0  }
0xba: {  	_ =	task [dreg:s22], $0x5FFFF  }
0xbb: {  	[dreg:$0x1] =	wrdreg $0xFFFFFFFF  }
0xbc: {  	[dreg:$0x0] =	wrdreg $0x60  }
0xbd: {  	[dreg:$0x2] =	wrdreg s24  }
0xbe: {  	[dreg:$0x3] =	wrdreg $0xA8000  }
0xbf: {  	[dreg:$0x4] =	wrdreg $0xA  }
0xc0: {  	_ =	task.clear_ibuf [dreg:s22], $0x5FFFF;
	_ =	strace $0x90000049  }
0xc1: {  	s29 =	simm.s32 $0xA;
	_ =	strace $0x8000004B  }
0xc2: {  	_ =	swait.ge [sflag:s29], $0x1  }
0xc3: {  	[sflag:s29] =	ssyncadd.s32 $0xFFFFFFFF  }
0xc4: {  	_ =	strace $0x9000004B  }
0xc5: {  	_ =	sfence  }
0xc6: {  	s30 =	sld [smem:$0x0];
	_ =	sdelay $0x2  }
0xc7: {  	s31 =	sshll.u32 s1, $0xD;
	s1 =	sshrl.u32 s1, $0x2  }
0xc8: {  	s4 =	sand.u32 $0x4000, s31;
	s1 =	sadd.s32 s1, s30  }
0xc9: {  	s0 =	sor.u32 s4, s0;
	s1 =	sshll.u32 s1, $0x11  }
0xca: {  	s0 =	sor.u32 s1, s0  }
0xcb: {  	s0 =	sadd.s32 $0x8F2B, s0  }
0xcc: {  	[sflag:s0] =	ssyncadd.remote.s32 $0x1  }
0xcd: {  	_ =	sfence.sel $0xFFFF  }
0xce: {  	[dreg:$0x0] =	wrdreg $0xFFFFFFFF;
	(pc) =	sbr.abs _section_cstart, $3  }
0xcf: {  	[dreg:$0x1] =	wrdreg $0xFFFFFFFF  }
0xd0: {  	_ =	task.clear_ibuf [dreg:s22], $0x2FFFF;
	_ =	strace $0x9FFFFFFF  }
0xd1: {  	(tm) =	ssettm $0x7FFFFFFF  }
tec
execute0_lowered:
.L_overlay_start_1:
0x0: {  	(tag) =	ssettag $0x1  }
0x1: {  	s5 =	rddreg [dreg:$0x0]  }
0x2: {  	s2 =	rddreg [dreg:$0x1]  }
0x3: {  	s0 =	stileid.u32;
	s4 =	srdreg.scid;
	s3 =	simm.s32 $0x0  }
0x4: {  	s17 =	simm.s32 $0x80;
	s18 =	simm.s32 $0x2800;
	s19 =	simm.s32 $0x3  }
0x5: {  	s20 =	simm.s32 $0x1;
	s21 =	simm.s32 $0x6800;
	s28 =	simm.s32 $0x0  }
0x6: {  	s6 =	smul.u32 $0x14000, s0;
	s7 =	sand.u32 $0x1, s4;
	[smem:$0x7FF] =	sst s3  }
0x7: {  	s4 =	sadd.s32 $0x2CA00, s5;
	s10 =	sadd.s32 $0xEA00, s5;
	s13 =	smul.u32 $0x50000, s0  }
0x8: {  	s11 =	sadd.s32 $0x4A00, s5;
	s12 =	sshll.u32 s0, $0x1;
	s8 =	smul.u32 $0x140000, s7  }
0x9: {  	_ =	strace $0x8000004A;
	s23 =	ssub.s32 $0x2, s7;
	s25 =	sor.u32 s7, s12  }
0xa: {  	s9 =	sshrl.u32 s6, $0x3;
	s24 =	sshrl.u32 s23, $0x1;
	s29 =	smul.u32 $0x2800, s25  }
0xb: {  	s26 =	sshrl.u32 s13, $0x2;
	s12 =	smul.u32 $0x500, s25;
	s25 =	simm.s32 $0x2700  }
0xc: {  	s6 =	sadd.s32 s6, s8;
	s22 =	sadd.s32 s9, s5;
	s15 =	ssub.s32 s23, s24  }
0xd: {  	s16 =	sadd.s32 s26, s2;
	s23 =	simm.s32 $0x4;
	s24 =	simm.s32 $0x1380  }
0xe: {  	s26 =	simm.s32 $0x2780;
	s6 =	sshrl.u32 s6, $0x3;
	s30 =	sshrl.u32 s29, $0x3  }
0xf: {  	s8 =	sadd.s32 s10, s12;
	s9 =	sadd.s32 s11, s12;
	s13 =	smax.u32 s15, $0x1  }
0x10: {  	s15 =	simm.s32 $0x5;
	s14 =	sadd.s32 s6, s5;
	s5 =	sshll.u32 s0, $0x6  }
0x11: {  	s6 =	sadd.s32 $0x54A00, s22;
	s31 =	sadd.s32 $0x280, s30;
	s22 =	simm.s32 $0x2  }
0x12: {  	s7 =	sor.u32 $0x1C03, s5;
	s10 =	sadd.s32 s10, s31;
	s11 =	sadd.s32 s11, s31  }
0x13: {  	s12 =	sadd.s32 $0x7CA00, s14;
	s14 =	sshrl.u32 s16, $0x3;
	s16 =	simm.s32 $0x1400  }
.LBB2_1:
0x14: {  	[spmem:s14], [sflag:s7] =	dma.local [hbm:s6], $0x2800  }
0x15: {  	[tilespmem:s3], [sflag:$0x5] =	stream.linear.gather [hbm4b:s8+s3], $0x1400, $0x38;
	[tilespmem:$0x1E800] =	vst v63  }
0x16: {  	_ =	swait.ge [sflag:s15], $0x1400  }
0x17: {  	[sflag:s15] =	ssyncset.done $0x0  }
0x18: {  	[sflag:s15] =	ssyncadd.s32 $0xFFFFEC00  }
0x19: {  	[tilespmem:s16], [sflag:$0x5] =	stream.linear.gather [hbm4b:s9+s3], $0x1400, $0x38;
	[tilespmem:$0x1E800] =	vst v63  }
0x1a: {  	_ =	swait.ge [sflag:s15], $0x1400  }
0x1b: {  	[sflag:s15] =	ssyncset.done $0x0  }
0x1c: {  	[sflag:s15] =	ssyncadd.s32 $0xFFFFEC00  }
0x1d: {  	[tilespmem:s18], [sflag:$0x1] =	stream.indirect.gather [hbm4b:s4+s17], $0x80, s3, s17, $0xb8;
	[tilespmem:$0x1E800] =	vst v63  }
0x1e: {  	_ =	swait.ge [sflag:s19], $0x2800  }
0x1f: {  	[sflag:s19] =	ssyncset.done $0x0  }
0x20: {  	[sflag:s19] =	ssyncadd.s32 $0xFFFFD800  }
0x21: {  	[bflag:$0x0] =	sbarrier.arrive $0xFFFF  }
0x22: {  	_ =	swait.ge [sflag:s20], $0x4000  }
0x23: {  	[sflag:s20] =	ssyncset.done $0x0  }
0x24: {  	s29 =	simm.s32 $0x80;
	[sflag:s20] =	ssyncadd.s32 $0xFFFFC000  }
0x25: {  	[tilespmem:s21], [sflag:$0x2] =	stream.indirect.gather [hbm4b:s4+s17], $0x80, s29, s17, $0xb8;
	[tilespmem:$0x1E800] =	vst v63  }
0x26: {  	s29 =	simm.s32 $0x1400  }
0x27: {  	[spmem:s2] =	stream.indirect.scatter.add.f32 [tilespmem:s18], [sflag:$0x3], $0x80, s29, s17, $0xb8;
	[tilespmem:$0x1E800] =	vst v63  }
0x28: {  	_ =	swait.ge [sflag:s22], $0x4000  }
0x29: {  	[sflag:s22] =	ssyncset.done $0x0  }
0x2a: {  	s29 =	simm.s32 $0x1480;
	[sflag:s22] =	ssyncadd.s32 $0xFFFFC000  }
0x2b: {  	[spmem:s2] =	stream.indirect.scatter.add.f32 [tilespmem:s21], [sflag:$0x4], $0x80, s29, s17, $0xb8;
	[tilespmem:$0x1E800] =	vst v63  }
0x2c: {  	_ =	swait.ge [sflag:s19], $0x4000  }
0x2d: {  	[sflag:s19] =	ssyncset.done $0x0  }
0x2e: {  	s29 =	simm.s32 $0x100;
	[sflag:s19] =	ssyncadd.s32 $0xFFFFC000  }
0x2f: {  	[tilespmem:s18], [sflag:$0x1] =	stream.indirect.gather [hbm4b:s4+s17], $0x80, s29, s17, $0xb8;
	[tilespmem:$0x1E800] =	vst v63  }
0x30: {  	_ =	swait.ge [sflag:s20], $0x4000  }
0x31: {  	[sflag:s20] =	ssyncset.done $0x0  }
0x32: {  	[sflag:s20] =	ssyncadd.s32 $0xFFFFC000  }
0x33: {  	_ =	swait.ge [sflag:s23], $0x4000  }
0x34: {  	s30 =	simm.s32 $0x800;
	s29 =	simm.s32 $0x100;
	[sflag:s23] =	ssyncset.done $0x0  }
.LBB2_2:
0x35: {  	s31 =	sadd.s32 $0x80, s29  }
0x36: {  	[sflag:s23] =	ssyncadd.s32 $0xFFFFC000;
	s0 =	smov.u32 s30;
	s1 =	sadd.s32 $0x400, s30  }
0x37: {  	[tilespmem:s21], [sflag:$0x2] =	stream.indirect.gather [hbm4b:s4+s17], $0x80, s31, s17, $0xb8;
	[tilespmem:$0x1E800] =	vst v63  }
0x38: {  	p0 =	sne.s32 s30, $0x4800;
	s30 =	sadd.s32 $0x1400, s29  }
0x39: {  	[spmem:s2] =	stream.indirect.scatter.add.f32 [tilespmem:s18], [sflag:$0x3], $0x80, s30, s17, $0xb8;
	[tilespmem:$0x1E800] =	vst v63  }
0x3a: {  	_ =	swait.ge [sflag:s22], $0x4000  }
0x3b: {  	[sflag:s22] =	ssyncset.done $0x0  }
0x3c: {  	s30 =	sadd.s32 $0x1480, s29;
	[sflag:s22] =	ssyncadd.s32 $0xFFFFC000  }
0x3d: {  	[spmem:s2] =	stream.indirect.scatter.add.f32 [tilespmem:s21], [sflag:$0x4], $0x80, s30, s17, $0xb8;
	[tilespmem:$0x1E800] =	vst v63  }
0x3e: {  	_ =	swait.ge [sflag:s19], $0x4000  }
0x3f: {  	[sflag:s19] =	ssyncset.done $0x0  }
0x40: {  	s29 =	sadd.s32 $0x100, s29;
	[sflag:s19] =	ssyncadd.s32 $0xFFFFC000  }
0x41: {  	[tilespmem:s18], [sflag:$0x1] =	stream.indirect.gather [hbm4b:s4+s17], $0x80, s29, s17, $0xb8;
	[tilespmem:$0x1E800] =	vst v63  }
.Ltmp0:
0x42: {  	_ =	swait.ge [sflag:s20], $0x4000;
	(pc) =	sbr.rel @p0 .LBB2_2-.Ltmp0, $4  }
0x43: {  	[sflag:s20] =	ssyncset.done $0x0  }
0x44: {  	[sflag:s20] =	ssyncadd.s32 $0xFFFFC000  }
0x45: {  	_ =	swait.ge [sflag:s23], $0x4000  }
0x46: {  	s30 =	smov.u32 s1;
	s29 =	sshra.s32 s0, $0x2;
	[sflag:s23] =	ssyncset.done $0x0  }
0x47: {  	s0 =	sadd.s32 $0x80, s29;
	[sflag:s23] =	ssyncadd.s32 $0xFFFFC000  }
0x48: {  	[tilespmem:s21], [sflag:$0x2] =	stream.indirect.gather [hbm4b:s4+s17], $0x80, s0, s17, $0xb8;
	[tilespmem:$0x1E800] =	vst v63  }
0x49: {  	s1 =	sadd.s32 $0x1400, s29  }
0x4a: {  	[spmem:s2] =	stream.indirect.scatter.add.f32 [tilespmem:s18], [sflag:$0x3], $0x80, s1, s17, $0xb8;
	[tilespmem:$0x1E800] =	vst v63  }
0x4b: {  	_ =	swait.ge [sflag:s22], $0x4000  }
0x4c: {  	[sflag:s22] =	ssyncset.done $0x0  }
0x4d: {  	s31 =	sadd.s32 $0x1480, s29;
	[sflag:s22] =	ssyncadd.s32 $0xFFFFC000  }
0x4e: {  	[spmem:s2] =	stream.indirect.scatter.add.f32 [tilespmem:s21], [sflag:$0x4], $0x80, s31, s17, $0xb8;
	[tilespmem:$0x1E800] =	vst v63  }
0x4f: {  	_ =	swait.ge [sflag:s19], $0x4000  }
0x50: {  	[sflag:s19] =	ssyncset.done $0x0  }
0x51: {  	s1 =	sadd.s32 $0x100, s29;
	[sflag:s19] =	ssyncadd.s32 $0xFFFFC000  }
0x52: {  	[tilespmem:s18], [sflag:$0x1] =	stream.indirect.gather [hbm4b:s4+s17], $0x80, s1, s17, $0xb8;
	[tilespmem:$0x1E800] =	vst v63  }
0x53: {  	_ =	swait.ge [sflag:s20], $0x4000  }
0x54: {  	[sflag:s20] =	ssyncset.done $0x0  }
0x55: {  	[sflag:s20] =	ssyncadd.s32 $0xFFFFC000  }
0x56: {  	_ =	swait.ge [sflag:s23], $0x4000  }
0x57: {  	[sflag:s23] =	ssyncset.done $0x0  }
0x58: {  	[sflag:s23] =	ssyncadd.s32 $0xFFFFC000  }
0x59: {  	[tilespmem:s21], [sflag:$0x2] =	stream.indirect.gather [hbm4b:s4+s17], $0x80, s24, s17, $0xb8;
	[tilespmem:$0x1E800] =	vst v63  }
0x5a: {  	_ = 	snop  }
0x5b: {  	[spmem:s2] =	stream.indirect.scatter.add.f32 [tilespmem:s18], [sflag:$0x3], $0x80, s25, s17, $0xb8;
	[tilespmem:$0x1E800] =	vst v63  }
0x5c: {  	_ =	swait.ge [sflag:s22], $0x4000  }
0x5d: {  	[sflag:s22] =	ssyncset.done $0x0  }
0x5e: {  	[sflag:s22] =	ssyncadd.s32 $0xFFFFC000  }
0x5f: {  	[spmem:s2] =	stream.indirect.scatter.add.f32 [tilespmem:s21], [sflag:$0x4], $0x80, s26, s17, $0xb8;
	[tilespmem:$0x1E800] =	vst v63  }
0x60: {  	_ =	swait.ge [sflag:s19], $0x4000  }
0x61: {  	[sflag:s19] =	ssyncset.done $0x0  }
0x62: {  	[sflag:s19] =	ssyncadd.s32 $0xFFFFC000  }
0x63: {  	_ =	swait.ge [sflag:s23], $0x4000  }
0x64: {  	[sflag:s23] =	ssyncset.done $0x0  }
0x65: {  	s31 =	simm.s32 $0x0;
	[sflag:s23] =	ssyncadd.s32 $0xFFFFC000  }
0x66: {  	[tilespmem:s31], [sflag:$0x5] =	stream.linear.gather [hbm4b:s10+s31], $0x1400, $0x38;
	[tilespmem:$0x1E800] =	vst v63  }
0x67: {  	_ =	swait.ge [sflag:s15], $0x1400  }
0x68: {  	[sflag:s15] =	ssyncset.done $0x0  }
0x69: {  	[sflag:s15] =	ssyncadd.s32 $0xFFFFEC00  }
0x6a: {  	[tilespmem:s16], [sflag:$0x5] =	stream.linear.gather [hbm4b:s11+s31], $0x1400, $0x38;
	[tilespmem:$0x1E800] =	vst v63  }
0x6b: {  	_ =	swait.ge [sflag:s15], $0x1400  }
0x6c: {  	[sflag:s15] =	ssyncset.done $0x0  }
0x6d: {  	[sflag:s15] =	ssyncadd.s32 $0xFFFFEC00  }
0x6e: {  	[tilespmem:s18], [sflag:$0x1] =	stream.indirect.gather [hbm4b:s4+s17], $0x80, s31, s17, $0xb8;
	[tilespmem:$0x1E800] =	vst v63  }
0x6f: {  	_ =	swait.ge [sflag:s20], $0x4000  }
0x70: {  	[sflag:s20] =	ssyncset.done $0x0  }
0x71: {  	s1 =	simm.s32 $0x80;
	[sflag:s20] =	ssyncadd.s32 $0xFFFFC000  }
0x72: {  	[tilespmem:s21], [sflag:$0x2] =	stream.indirect.gather [hbm4b:s4+s17], $0x80, s1, s17, $0xb8;
	[tilespmem:$0x1E800] =	vst v63  }
0x73: {  	s31 =	simm.s32 $0x1400  }
0x74: {  	[spmem:s2] =	stream.indirect.scatter.add.f32 [tilespmem:s18], [sflag:$0x3], $0x80, s31, s17, $0xb8;
	[tilespmem:$0x1E800] =	vst v63  }
0x75: {  	_ =	swait.ge [sflag:s22], $0x4000  }
0x76: {  	[sflag:s22] =	ssyncset.done $0x0  }
0x77: {  	s1 =	simm.s32 $0x1480;
	[sflag:s22] =	ssyncadd.s32 $0xFFFFC000  }
0x78: {  	[spmem:s2] =	stream.indirect.scatter.add.f32 [tilespmem:s21], [sflag:$0x4], $0x80, s1, s17, $0xb8;
	[tilespmem:$0x1E800] =	vst v63  }
0x79: {  	_ =	swait.ge [sflag:s19], $0x4000  }
0x7a: {  	[sflag:s19] =	ssyncset.done $0x0  }
0x7b: {  	s31 =	simm.s32 $0x100;
	[sflag:s19] =	ssyncadd.s32 $0xFFFFC000  }
0x7c: {  	[tilespmem:s18], [sflag:$0x1] =	stream.indirect.gather [hbm4b:s4+s17], $0x80, s31, s17, $0xb8;
	[tilespmem:$0x1E800] =	vst v63  }
0x7d: {  	_ =	swait.ge [sflag:s20], $0x4000  }
0x7e: {  	[sflag:s20] =	ssyncset.done $0x0  }
0x7f: {  	[sflag:s20] =	ssyncadd.s32 $0xFFFFC000  }
0x80: {  	_ =	swait.ge [sflag:s23], $0x4000  }
0x81: {  	s30 =	simm.s32 $0x800;
	s29 =	simm.s32 $0x100;
	[sflag:s23] =	ssyncset.done $0x0  }
.LBB2_4:
0x82: {  	s0 =	sadd.s32 $0x80, s29  }
0x83: {  	[sflag:s23] =	ssyncadd.s32 $0xFFFFC000;
	s1 =	smov.u32 s30;
	s31 =	sadd.s32 $0x400, s30  }
0x84: {  	[tilespmem:s21], [sflag:$0x2] =	stream.indirect.gather [hbm4b:s4+s17], $0x80, s0, s17, $0xb8;
	[tilespmem:$0x1E800] =	vst v63  }
0x85: {  	p0 =	sne.s32 s30, $0x4800;
	s0 =	sadd.s32 $0x1400, s29  }
0x86: {  	[spmem:s2] =	stream.indirect.scatter.add.f32 [tilespmem:s18], [sflag:$0x3], $0x80, s0, s17, $0xb8;
	[tilespmem:$0x1E800] =	vst v63  }
0x87: {  	_ =	swait.ge [sflag:s22], $0x4000  }
0x88: {  	[sflag:s22] =	ssyncset.done $0x0  }
0x89: {  	s0 =	sadd.s32 $0x1480, s29;
	[sflag:s22] =	ssyncadd.s32 $0xFFFFC000  }
0x8a: {  	[spmem:s2] =	stream.indirect.scatter.add.f32 [tilespmem:s21], [sflag:$0x4], $0x80, s0, s17, $0xb8;
	[tilespmem:$0x1E800] =	vst v63  }
0x8b: {  	_ =	swait.ge [sflag:s19], $0x4000  }
0x8c: {  	[sflag:s19] =	ssyncset.done $0x0  }
0x8d: {  	s0 =	sadd.s32 $0x100, s29;
	[sflag:s19] =	ssyncadd.s32 $0xFFFFC000  }
0x8e: {  	[tilespmem:s18], [sflag:$0x1] =	stream.indirect.gather [hbm4b:s4+s17], $0x80, s0, s17, $0xb8;
	[tilespmem:$0x1E800] =	vst v63  }
.Ltmp1:
0x8f: {  	_ =	swait.ge [sflag:s20], $0x4000;
	(pc) =	sbr.rel @p0 .LBB2_4-.Ltmp1, $4  }
0x90: {  	[sflag:s20] =	ssyncset.done $0x0  }
0x91: {  	[sflag:s20] =	ssyncadd.s32 $0xFFFFC000  }
0x92: {  	_ =	swait.ge [sflag:s23], $0x4000  }
0x93: {  	s30 =	smov.u32 s31;
	s29 =	sshra.s32 s1, $0x2;
	[sflag:s23] =	ssyncset.done $0x0  }
0x94: {  	s0 =	sadd.s32 $0x80, s29;
	[sflag:s23] =	ssyncadd.s32 $0xFFFFC000  }
0x95: {  	[tilespmem:s21], [sflag:$0x2] =	stream.indirect.gather [hbm4b:s4+s17], $0x80, s0, s17, $0xb8;
	[tilespmem:$0x1E800] =	vst v63  }
0x96: {  	s31 =	sadd.s32 $0x1400, s29  }
0x97: {  	[spmem:s2] =	stream.indirect.scatter.add.f32 [tilespmem:s18], [sflag:$0x3], $0x80, s31, s17, $0xb8;
	[tilespmem:$0x1E800] =	vst v63  }
0x98: {  	_ =	swait.ge [sflag:s22], $0x4000  }
0x99: {  	[sflag:s22] =	ssyncset.done $0x0  }
0x9a: {  	s1 =	sadd.s32 $0x1480, s29;
	[sflag:s22] =	ssyncadd.s32 $0xFFFFC000  }
0x9b: {  	[spmem:s2] =	stream.indirect.scatter.add.f32 [tilespmem:s21], [sflag:$0x4], $0x80, s1, s17, $0xb8;
	[tilespmem:$0x1E800] =	vst v63  }
0x9c: {  	_ =	swait.ge [sflag:s19], $0x4000  }
0x9d: {  	[sflag:s19] =	ssyncset.done $0x0  }
0x9e: {  	s30 =	sadd.s32 $0x100, s29;
	[sflag:s19] =	ssyncadd.s32 $0xFFFFC000  }
0x9f: {  	[tilespmem:s18], [sflag:$0x1] =	stream.indirect.gather [hbm4b:s4+s17], $0x80, s30, s17, $0xb8;
	[tilespmem:$0x1E800] =	vst v63  }
0xa0: {  	_ =	swait.ge [sflag:s20], $0x4000  }
0xa1: {  	[sflag:s20] =	ssyncset.done $0x0  }
0xa2: {  	[sflag:s20] =	ssyncadd.s32 $0xFFFFC000  }
0xa3: {  	_ =	swait.ge [sflag:s23], $0x4000  }
0xa4: {  	[sflag:s23] =	ssyncset.done $0x0  }
0xa5: {  	[sflag:s23] =	ssyncadd.s32 $0xFFFFC000  }
0xa6: {  	[tilespmem:s21], [sflag:$0x2] =	stream.indirect.gather [hbm4b:s4+s17], $0x80, s24, s17, $0xb8;
	[tilespmem:$0x1E800] =	vst v63  }
0xa7: {  	_ = 	snop  }
0xa8: {  	[spmem:s2] =	stream.indirect.scatter.add.f32 [tilespmem:s18], [sflag:$0x3], $0x80, s25, s17, $0xb8;
	[tilespmem:$0x1E800] =	vst v63  }
0xa9: {  	_ =	swait.ge [sflag:s22], $0x4000  }
0xaa: {  	[sflag:s22] =	ssyncset.done $0x0  }
0xab: {  	[sflag:s22] =	ssyncadd.s32 $0xFFFFC000  }
0xac: {  	[spmem:s2] =	stream.indirect.scatter.add.f32 [tilespmem:s21], [sflag:$0x4], $0x80, s26, s17, $0xb8;
	[tilespmem:$0x1E800] =	vst v63  }
0xad: {  	_ =	swait.ge [sflag:s19], $0x4000  }
0xae: {  	[sflag:s19] =	ssyncset.done $0x0  }
0xaf: {  	[sflag:s19] =	ssyncadd.s32 $0xFFFFC000  }
0xb0: {  	_ =	swait.ge [sflag:s23], $0x4000  }
0xb1: {  	s28 =	sadd.s32 $0x1, s28;
	[sflag:s23] =	ssyncset.done $0x0  }
0xb2: {  	p0 =	sne.s32 s28, s13;
	[sflag:s23] =	ssyncadd.s32 $0xFFFFC000  }
.Ltmp2:
0xb3: {  	s31 =	sor.u32 $0x1C05, s5;
	[bflag:$0x0] =	sbarrier.arrive $0xFFFF;
	(pc) =	sbr.rel @p0 .LBB2_1-.Ltmp2, $4  }
0xb4: {  	[hbm:s12], [sflag:s31] =	dma.local [spmem:s14], $0x2800  }
0xb5: {  	_ =	swait.ge [sflag:s15], $0x2800  }
0xb6: {  	[sflag:s15] =	ssyncset.done $0x0  }
0xb7: {  	[sflag:s15] =	ssyncadd.s32 $0xFFFFD800  }
0xb8: {  	_ =	sfence.sel $0x180000  }
0xb9: {  	[bflag:$0x0] =	sbarrier.arrive $0xFFFF  }
0xba: {  	_ =	strace $0x9000004A  }
0xbb: {  	s0 =	stileid.u32;
	[bflag:$0x2] =	sbarrier.arrive $0xFFFF  }
0xbc: {  	p0 =	sne.s32 s0, $0x0;
	s0 =	rddreg [dreg:$0x2]  }
0xbd: {  	s0 =	sadd.s32 @!p0 $0x100000, s0  }
0xbe: {  	[sflag:s0] =	ssyncadd.tile.s32 @!p0 $0x1;
	_ =	shalt  }
.Lfunc_end2:
_tile_overlayer_lowered:
.L_overlay_start_2:
0xbf: {  	(tag) =	ssettag $0x2  }
0xc0: {  	s0 =	rddreg [dreg:$0x0];
	s2 =	stileid.u32  }
0xc1: {  	s1 =	rddreg [dreg:$0x1];
	p0 =	sne.s32 s2, $0x0  }
0xc2: {  	s3 =	rddreg [dreg:$0x2];
	[bflag:$0x3] =	sbarrier.arrive $0xFFFF;
	s2 =	simm.s32 @!p0 $0x1C05  }
0xc3: {  	[timem:s3], [sflag:s2] =	dma.local @!p0 [hbm:s0], s1  }
0xc4: {  	s0 =	simm.s32 @!p0 $0x5  }
0xc5: {  	_ =	swait.ge @!p0 [sflag:s0], s1  }
0xc6: {  	s1 =	ssub.s32 @!p0 $0x0, s1;
	[sflag:s0] =	ssyncset.done @!p0 $0x0  }
0xc7: {  	[sflag:s0] =	ssyncadd.s32 @!p0 s1  }
0xc8: {  	[bflag:$0x3] =	sbarrier.arrive $0xFFFF  }
0xc9: {  	_ =	shalt  }

// kernel: kernel.19.cloned.1.call-start
scs
__scs_entry_jumppad:
0x0: {  	(pc) =	sbr.rel $0x88, $3  }
0x1: {  	(tag) =	ssettag $0x0;
	lr =	simm.s32 $0x1  }
0x2: {  	[smem:$0x3F98] =	sst lr;
	_ =	strace $0xD0000000  }
0x3: {  	_ = 	snop  }
0x4: {  	_ = 	snop  }
0x5: {  	_ = 	snop  }
0x6: {  	_ = 	snop  }
0x7: {  	_ = 	snop  }
__scs_overlays_trampoline_lowered:
0x8: {  	[smem:$0x3FA7] =	sst s0  }
0x9: {  	[smem:$0x3FA8] =	sst s1  }
0xa: {  	[smem:$0x3FA9] =	sst s2  }
0xb: {  	[smem:$0x3FAA] =	sst s3  }
0xc: {  	[smem:$0x3FAB] =	sst s4  }
0xd: {  	[smem:$0x3FAC] =	sst s5  }
0xe: {  	[smem:$0x3FAD] =	sst s6  }
0xf: {  	[smem:$0x3FAE] =	sst s7  }
0x10: {  	[smem:$0x3FAF] =	sst s8  }
0x11: {  	[smem:$0x3FB0] =	sst s9;
	s0 =	simm.s32 @!p0 $0x0  }
0x12: {  	s1 =	sld [smem:$0x3F96];
	s0 =	simm.s32 @p0 $0x1  }
0x13: {  	[smem:$0x3FB1] =	sst s0;
	s0 =	simm.s32 @!p1 $0x0  }
0x14: {  	s2 =	sld [smem:$0x3F95];
	s0 =	simm.s32 @p1 $0x1  }
0x15: {  	[smem:$0x3FB2] =	sst s0;
	s0 =	simm.s32 @!p2 $0x0  }
0x16: {  	s3 =	sld [smem:$0x3FDB];
	s0 =	simm.s32 @p2 $0x1  }
0x17: {  	s4 =	simm.s32 $0x1BF5;
	[smem:$0x3FB4] =	sst s0  }
0x18: {  	s0 =	sld [smem:$0x3F97];
	_ =	swait.ge [sflag:s4], $0x0  }
0x19: {  	s7 =	sld [smem:$0x3F98]  }
0x1a: {  	s8 =	sadd.s32 $0xFFFFE003, lr  }
0x1b: {  	s9 =	sadd.s32 $0xFFFFFEF7, lr;
	s5 =	simm.s32 $0xFFFFFFFF;
	p2 =	slt.u32 s8, $0xFFFFF086  }
0x1c: {  	p1 =	slt.u32 s9, $0xF7A;
	s5 =	simm.s32 @!p2 $0x0  }
0x1d: {  	s5 =	simm.s32 @p1 $0x1;
	p0 =	seq.s32 s7, s2  }
0x1e: {  	s7 =	smul.u32 @!p0 $0xF7A, s2;
	p2 =	seq.s32 @!p0 s5, $0x0  }
0x1f: {  	s9 =	smul.u32 $0xF7A, s1;
	s8 =	simm.s32 @!p0 $0x1BF5;
	p2 =	por !p2, p0  }
0x20: {  	[sflag:s8] =	ssyncset.s32 @!p0 $0xFFFFF086;
	s6 =	sadd.s32 @!p0 s3, s7;
	s7 =	simm.s32 @!p0 $0x108  }
0x21: {  	s3 =	sadd.s32 s3, s9;
	s6 =	sadd.s32 @!p0 $0x88, s6;
	s7 =	simm.s32 @p2 $0x1082  }
0x22: {  	[simem:s7], [sflag:s8] =	dma.local @!p0 [hbm:s6], $0xF7A  }
0x23: {  	s9 =	sor.u32 $0xD0000000, s2;
	s6 =	simm.s32 $0x108;
	_ =	swait.ge @!p0 [sflag:s8], $0x0  }
0x24: {  	s3 =	sadd.s32 $0x88, s3;
	s6 =	simm.s32 @!p1 $0x1082;
	[sflag:s4] =	ssyncset.s32 $0xFFFFF086  }
0x25: {  	[simem:s6], [sflag:s4] =	dma.local [hbm:s3], $0xF7A  }
0x26: {  	[smem:$0x3F98] =	sst s1;
	(tag) =	ssettag s2;
	_ =	strace s9  }
0x27: {  	s1 =	sld [smem:$0x3FA8]  }
0x28: {  	s2 =	sld [smem:$0x3FA9]  }
0x29: {  	s4 =	sld [smem:$0x3FAB]  }
0x2a: {  	p0 =	seq.s32 s5, $0x0;
	s5 =	sld [smem:$0x3FAC]  }
0x2b: {  	s6 =	sld [smem:$0x3FAD]  }
0x2c: {  	s7 =	sld [smem:$0x3FAE]  }
0x2d: {  	s3 =	simm.s32 $0x108;
	s8 =	sld [smem:$0x3FAF]  }
0x2e: {  	s3 =	simm.s32 @!p0 $0x1082;
	s9 =	sld [smem:$0x3FB0]  }
0x2f: {  	lr =	sadd.s32 s0, s3;
	s0 =	sld [smem:$0x3FA7]  }
0x30: {  	s3 =	sld [smem:$0x3FAA]  }
0x31: {  	[smem:$0x3FB3] =	sst s10  }
0x32: {  	s10 =	sld [smem:$0x3FB1];
	_ =	sdelay $0x3  }
0x33: {  	p0 =	seq.s32 s10, $0x1;
	s10 =	sld [smem:$0x3FB3];
	_ =	sdelay $0x3  }
0x34: {  	[smem:$0x3FB3] =	sst s10  }
0x35: {  	s10 =	sld [smem:$0x3FB2];
	_ =	sdelay $0x3  }
0x36: {  	p1 =	seq.s32 s10, $0x1;
	s10 =	sld [smem:$0x3FB3];
	_ =	sdelay $0x3  }
0x37: {  	[smem:$0x3FB3] =	sst s10  }
0x38: {  	s10 =	sld [smem:$0x3FB4]  }
0x39: {  	_ = 	snop;
	(pc) =	sbr.ind lr, $3  }
0x3a: {  	_ = 	snop  }
0x3b: {  	_ = 	snop  }
0x3c: {  	p2 =	seq.s32 s10, $0x1;
	s10 =	sld [smem:$0x3FB3]  }
0x3d: {  	_ =	shalt  }
0x3e: {  	_ =	shalt  }
0x3f: {  	_ =	shalt  }
0x40: {  	_ =	shalt  }
0x41: {  	_ =	shalt  }
0x42: {  	_ =	shalt  }
0x43: {  	_ =	shalt  }
0x44: {  	_ =	shalt  }
0x45: {  	_ =	shalt  }
0x46: {  	_ =	shalt  }
0x47: {  	_ =	shalt  }
0x48: {  	_ =	shalt  }
0x49: {  	_ =	shalt  }
0x4a: {  	_ =	shalt  }
0x4b: {  	_ =	shalt  }
0x4c: {  	_ =	shalt  }
0x4d: {  	_ =	shalt  }
0x4e: {  	_ =	shalt  }
0x4f: {  	_ =	shalt  }
0x50: {  	_ =	shalt  }
0x51: {  	_ =	shalt  }
0x52: {  	_ =	shalt  }
0x53: {  	_ =	shalt  }
0x54: {  	_ =	shalt  }
0x55: {  	_ =	shalt  }
0x56: {  	_ =	shalt  }
0x57: {  	_ =	shalt  }
0x58: {  	_ =	shalt  }
0x59: {  	_ =	shalt  }
0x5a: {  	_ =	shalt  }
0x5b: {  	_ =	shalt  }
0x5c: {  	_ =	shalt  }
0x5d: {  	_ =	shalt  }
0x5e: {  	_ =	shalt  }
0x5f: {  	_ =	shalt  }
0x60: {  	_ =	shalt  }
0x61: {  	_ =	shalt  }
0x62: {  	_ =	shalt  }
0x63: {  	_ =	shalt  }
0x64: {  	_ =	shalt  }
0x65: {  	_ =	shalt  }
0x66: {  	_ =	shalt  }
0x67: {  	_ =	shalt  }
0x68: {  	_ =	shalt  }
0x69: {  	_ =	shalt  }
0x6a: {  	_ =	shalt  }
0x6b: {  	_ =	shalt  }
0x6c: {  	_ =	shalt  }
0x6d: {  	_ =	shalt  }
0x6e: {  	_ =	shalt  }
0x6f: {  	_ =	shalt  }
0x70: {  	_ =	shalt  }
0x71: {  	_ =	shalt  }
0x72: {  	_ =	shalt  }
0x73: {  	_ =	shalt  }
0x74: {  	_ =	shalt  }
0x75: {  	_ =	shalt  }
0x76: {  	_ =	shalt  }
0x77: {  	_ =	shalt  }
0x78: {  	_ =	shalt  }
0x79: {  	_ =	shalt  }
0x7a: {  	_ =	shalt  }
0x7b: {  	_ =	shalt  }
0x7c: {  	_ =	shalt  }
0x7d: {  	_ =	shalt  }
0x7e: {  	_ =	shalt  }
0x7f: {  	_ =	shalt  }
0x80: {  	_ =	shalt  }
0x81: {  	_ =	shalt  }
0x82: {  	_ =	shalt  }
0x83: {  	_ =	shalt  }
0x84: {  	_ =	shalt  }
0x85: {  	_ =	shalt  }
0x86: {  	_ =	shalt  }
0x87: {  	_ =	shalt  }
.Lfunc_end0:
.L_simem_size_0:
called_computation.2_lowered:
.L_overlay_start_0:
0x88: {  	s2 =	sld [smem:$0x3FD9]  }
0x89: {  	s3 =	sld [smem:$0x3FFE];
	_ =	sdelay $0x1  }
0x8a: {  	s1 =	srdreg.scid  }
0x8b: {  	s0 =	sand.u32 $0x1, s1  }
0x8c: {  	s16 =	sshll.u32 s0, $0xA;
	s2 =	sadd.s32 s3, s2  }
0x8d: {  	s2 =	sadd.s32 s2, s16  }
0x8e: {  	[smem:$0x3FBF] =	sst s2  }
0x8f: {  	_ = 	snop  }
0x90: {  	(tm) =	ssettm $0x1  }
0x91: {  	s17 =	sld [smem:$0x3FFB];
	_ =	sdelay $0x3  }
0x92: {  	_ =	strace s17  }
0x93: {  	s2 =	sld [smem:$0x3FFC];
	_ =	sdelay $0x3  }
0x94: {  	_ =	strace s2  }
0x95: {  	s2 =	sld [smem:$0x3FFD];
	_ =	sdelay $0x3  }
0x96: {  	_ =	strace s2  }
0x97: {  	_ =	strace $0x8FFFFFFF  }
0x98: {  	s18 =	sld [smem:$0x3FDB];
	_ =	sdelay $0x1  }
0x99: {  	s19 =	simm.s32 $_scs_section_size  }
0x9a: {  	s4 =	simm.s32 $_size__tile_overlayer_lowered;
	s5 =	simm.s32 $_tile_overlayer_lowered  }
0x9b: {  	s22 =	simm.s32 $0x1BFF;
	s21 =	sshll.u32 s5, $0x1;
	s2 =	sadd.s32 s19, s18  }
0x9c: {  	s6 =	simm.s32 $0x0;
	s20 =	sshll.u32 s4, $0x1;
	s4 =	sadd.s32 s21, s2  }
0x9d: {  	[timem:s6], [sflag:s22] =	dma.local [hbm:s4], s20  }
0x9e: {  	_ =	swait.ge [sflag:s22], s20  }
0x9f: {  	s3 =	ssub.s32 $0x0, s20;
	[sflag:s22] =	ssyncset.done $0x0  }
0xa0: {  	[sflag:s22] =	ssyncadd.s32 s3;
	_ =	sdelay $0x1  }
0xa1: {  	s23 =	simm.s32 $0x1B8B  }
0xa2: {  	_ =	swait.ge [sflag:s23], $0x1  }
0xa3: {  	[sflag:s23] =	ssyncset.done $0x0  }
0xa4: {  	s25 =	simm.s32 $0x1B8E;
	s24 =	sld [smem:$0x3FFE];
	[sflag:s23] =	ssyncadd.s32 $0xFFFFFFFF  }
0xa5: {  	s26 =	simm.s32 $execute0_lowered;
	[smem:$0x3FD2] =	sst s25  }
0xa6: {  	s4 =	sshll.u32 s26, $0x1;
	_ =	strace $0x8000004C;
	[dreg:$0x1] =	wrdreg $0xFFFFFFFF  }
0xa7: {  	s28 =	simm.s32 $_size_execute0_lowered;
	s2 =	sadd.s32 s2, s4;
	[dreg:$0x0] =	wrdreg $0x0  }
0xa8: {  	s4 =	sshll.u32 s28, $0x1;
	[dreg:$0x2] =	wrdreg s2  }
0xa9: {  	[dreg:$0x3] =	wrdreg s4  }
0xaa: {  	[dreg:$0x4] =	wrdreg $0xC0  }
0xab: {  	_ =	task [dreg:s6], $0x5FFFF  }
0xac: {  	[dreg:$0x1] =	wrdreg $0xFFFFFFFF  }
0xad: {  	[dreg:$0x0] =	wrdreg $0x60  }
0xae: {  	[dreg:$0x2] =	wrdreg s24  }
0xaf: {  	[dreg:$0x3] =	wrdreg $0xA8000  }
0xb0: {  	[dreg:$0x4] =	wrdreg $0x9  }
0xb1: {  	_ =	task.clear_ibuf [dreg:s6], $0x5FFFF;
	_ =	strace $0x9000004C  }
0xb2: {  	s29 =	simm.s32 $0x9;
	_ =	strace $0x8000004E  }
0xb3: {  	_ =	swait.ge [sflag:s29], $0x1  }
0xb4: {  	[sflag:s29] =	ssyncadd.s32 $0xFFFFFFFF  }
0xb5: {  	_ =	strace $0x9000004E  }
0xb6: {  	_ =	sfence  }
0xb7: {  	s30 =	sld [smem:$0x0];
	_ =	sdelay $0x2  }
0xb8: {  	s31 =	sshll.u32 s1, $0xD;
	s1 =	sshrl.u32 s1, $0x2  }
0xb9: {  	s3 =	sand.u32 $0x4000, s31;
	s1 =	sadd.s32 s1, s30  }
0xba: {  	s0 =	sor.u32 s3, s0;
	s1 =	sshll.u32 s1, $0x11  }
0xbb: {  	s0 =	sor.u32 s1, s0  }
0xbc: {  	s0 =	sadd.s32 $0x8F2B, s0  }
0xbd: {  	[sflag:s0] =	ssyncadd.remote.s32 $0x1  }
0xbe: {  	_ =	sfence.sel $0xFFFF  }
0xbf: {  	[dreg:$0x0] =	wrdreg $0xFFFFFFFF;
	(pc) =	sbr.abs _section_cstart, $3  }
0xc0: {  	[dreg:$0x1] =	wrdreg $0xFFFFFFFF  }
0xc1: {  	_ =	task.clear_ibuf [dreg:s6], $0x2FFFF;
	_ =	strace $0x9FFFFFFF  }
0xc2: {  	(tm) =	ssettm $0x7FFFFFFF  }
0xc3: {  	_ =	shalt  }
tec
execute0_lowered:
.L_overlay_start_1:
0x0: {  	(tag) =	ssettag $0x1  }
0x1: {  	s5 =	rddreg [dreg:$0x0]  }
0x2: {  	s2 =	rddreg [dreg:$0x1]  }
0x3: {  	s0 =	stileid.u32;
	s4 =	srdreg.scid;
	s3 =	simm.s32 $0x0  }
0x4: {  	s17 =	simm.s32 $0x80;
	s18 =	simm.s32 $0x2800;
	s19 =	simm.s32 $0x3  }
0x5: {  	s20 =	simm.s32 $0x1;
	s21 =	simm.s32 $0x6800;
	s28 =	simm.s32 $0x0  }
0x6: {  	s6 =	smul.u32 $0x14000, s0;
	s7 =	sand.u32 $0x1, s4;
	[smem:$0x7FF] =	sst s3  }
0x7: {  	s4 =	sadd.s32 $0x18A00, s5;
	s10 =	sadd.s32 $0x4A00, s5;
	s13 =	smul.u32 $0x50000, s0  }
0x8: {  	s11 =	sadd.s32 $0xEA00, s5;
	s12 =	sshll.u32 s0, $0x1;
	s8 =	smul.u32 $0x140000, s7  }
0x9: {  	_ =	strace $0x8000004D;
	s23 =	ssub.s32 $0x2, s7;
	s25 =	sor.u32 s7, s12  }
0xa: {  	s9 =	sshrl.u32 s6, $0x3;
	s24 =	sshrl.u32 s23, $0x1;
	s29 =	smul.u32 $0x2800, s25  }
0xb: {  	s26 =	sshrl.u32 s13, $0x2;
	s12 =	smul.u32 $0x500, s25;
	s25 =	simm.s32 $0x2700  }
0xc: {  	s6 =	sadd.s32 s6, s8;
	s22 =	sadd.s32 s9, s5;
	s15 =	ssub.s32 s23, s24  }
0xd: {  	s16 =	sadd.s32 s26, s2;
	s23 =	simm.s32 $0x4;
	s24 =	simm.s32 $0x1380  }
0xe: {  	s26 =	simm.s32 $0x2780;
	s6 =	sshrl.u32 s6, $0x3;
	s30 =	sshrl.u32 s29, $0x3  }
0xf: {  	s8 =	sadd.s32 s10, s12;
	s9 =	sadd.s32 s11, s12;
	s13 =	smax.u32 s15, $0x1  }
0x10: {  	s15 =	simm.s32 $0x5;
	s14 =	sadd.s32 s6, s5;
	s5 =	sshll.u32 s0, $0x6  }
0x11: {  	s6 =	sadd.s32 $0x54A00, s22;
	s31 =	sadd.s32 $0x280, s30;
	s22 =	simm.s32 $0x2  }
0x12: {  	s7 =	sor.u32 $0x1C03, s5;
	s10 =	sadd.s32 s10, s31;
	s11 =	sadd.s32 s11, s31  }
0x13: {  	s12 =	sadd.s32 $0x7CA00, s14;
	s14 =	sshrl.u32 s16, $0x3;
	s16 =	simm.s32 $0x1400  }
.LBB2_1:
0x14: {  	[spmem:s14], [sflag:s7] =	dma.local [hbm:s6], $0x2800  }
0x15: {  	[tilespmem:s3], [sflag:$0x5] =	stream.linear.gather [hbm4b:s8+s3], $0x1400, $0x38;
	[tilespmem:$0x1E800] =	vst v63  }
0x16: {  	_ =	swait.ge [sflag:s15], $0x1400  }
0x17: {  	[sflag:s15] =	ssyncset.done $0x0  }
0x18: {  	[sflag:s15] =	ssyncadd.s32 $0xFFFFEC00  }
0x19: {  	[tilespmem:s16], [sflag:$0x5] =	stream.linear.gather [hbm4b:s9+s3], $0x1400, $0x38;
	[tilespmem:$0x1E800] =	vst v63  }
0x1a: {  	_ =	swait.ge [sflag:s15], $0x1400  }
0x1b: {  	[sflag:s15] =	ssyncset.done $0x0  }
0x1c: {  	[sflag:s15] =	ssyncadd.s32 $0xFFFFEC00  }
0x1d: {  	[tilespmem:s18], [sflag:$0x1] =	stream.indirect.gather [hbm4b:s4+s17], $0x80, s3, s17, $0xb8;
	[tilespmem:$0x1E800] =	vst v63  }
0x1e: {  	_ =	swait.ge [sflag:s19], $0x2800  }
0x1f: {  	[sflag:s19] =	ssyncset.done $0x0  }
0x20: {  	[sflag:s19] =	ssyncadd.s32 $0xFFFFD800  }
0x21: {  	[bflag:$0x0] =	sbarrier.arrive $0xFFFF  }
0x22: {  	_ =	swait.ge [sflag:s20], $0x4000  }
0x23: {  	[sflag:s20] =	ssyncset.done $0x0  }
0x24: {  	s29 =	simm.s32 $0x80;
	[sflag:s20] =	ssyncadd.s32 $0xFFFFC000  }
0x25: {  	[tilespmem:s21], [sflag:$0x2] =	stream.indirect.gather [hbm4b:s4+s17], $0x80, s29, s17, $0xb8;
	[tilespmem:$0x1E800] =	vst v63  }
0x26: {  	s29 =	simm.s32 $0x1400  }
0x27: {  	[spmem:s2] =	stream.indirect.scatter.add.f32 [tilespmem:s18], [sflag:$0x3], $0x80, s29, s17, $0xb8;
	[tilespmem:$0x1E800] =	vst v63  }
0x28: {  	_ =	swait.ge [sflag:s22], $0x4000  }
0x29: {  	[sflag:s22] =	ssyncset.done $0x0  }
0x2a: {  	s29 =	simm.s32 $0x1480;
	[sflag:s22] =	ssyncadd.s32 $0xFFFFC000  }
0x2b: {  	[spmem:s2] =	stream.indirect.scatter.add.f32 [tilespmem:s21], [sflag:$0x4], $0x80, s29, s17, $0xb8;
	[tilespmem:$0x1E800] =	vst v63  }
0x2c: {  	_ =	swait.ge [sflag:s19], $0x4000  }
0x2d: {  	[sflag:s19] =	ssyncset.done $0x0  }
0x2e: {  	s29 =	simm.s32 $0x100;
	[sflag:s19] =	ssyncadd.s32 $0xFFFFC000  }
0x2f: {  	[tilespmem:s18], [sflag:$0x1] =	stream.indirect.gather [hbm4b:s4+s17], $0x80, s29, s17, $0xb8;
	[tilespmem:$0x1E800] =	vst v63  }
0x30: {  	_ =	swait.ge [sflag:s20], $0x4000  }
0x31: {  	[sflag:s20] =	ssyncset.done $0x0  }
0x32: {  	[sflag:s20] =	ssyncadd.s32 $0xFFFFC000  }
0x33: {  	_ =	swait.ge [sflag:s23], $0x4000  }
0x34: {  	s30 =	simm.s32 $0x800;
	s29 =	simm.s32 $0x100;
	[sflag:s23] =	ssyncset.done $0x0  }
.LBB2_2:
0x35: {  	s31 =	sadd.s32 $0x80, s29  }
0x36: {  	[sflag:s23] =	ssyncadd.s32 $0xFFFFC000;
	s0 =	smov.u32 s30;
	s1 =	sadd.s32 $0x400, s30  }
0x37: {  	[tilespmem:s21], [sflag:$0x2] =	stream.indirect.gather [hbm4b:s4+s17], $0x80, s31, s17, $0xb8;
	[tilespmem:$0x1E800] =	vst v63  }
0x38: {  	p0 =	sne.s32 s30, $0x4800;
	s30 =	sadd.s32 $0x1400, s29  }
0x39: {  	[spmem:s2] =	stream.indirect.scatter.add.f32 [tilespmem:s18], [sflag:$0x3], $0x80, s30, s17, $0xb8;
	[tilespmem:$0x1E800] =	vst v63  }
0x3a: {  	_ =	swait.ge [sflag:s22], $0x4000  }
0x3b: {  	[sflag:s22] =	ssyncset.done $0x0  }
0x3c: {  	s30 =	sadd.s32 $0x1480, s29;
	[sflag:s22] =	ssyncadd.s32 $0xFFFFC000  }
0x3d: {  	[spmem:s2] =	stream.indirect.scatter.add.f32 [tilespmem:s21], [sflag:$0x4], $0x80, s30, s17, $0xb8;
	[tilespmem:$0x1E800] =	vst v63  }
0x3e: {  	_ =	swait.ge [sflag:s19], $0x4000  }
0x3f: {  	[sflag:s19] =	ssyncset.done $0x0  }
0x40: {  	s29 =	sadd.s32 $0x100, s29;
	[sflag:s19] =	ssyncadd.s32 $0xFFFFC000  }
0x41: {  	[tilespmem:s18], [sflag:$0x1] =	stream.indirect.gather [hbm4b:s4+s17], $0x80, s29, s17, $0xb8;
	[tilespmem:$0x1E800] =	vst v63  }
.Ltmp0:
0x42: {  	_ =	swait.ge [sflag:s20], $0x4000;
	(pc) =	sbr.rel @p0 .LBB2_2-.Ltmp0, $4  }
0x43: {  	[sflag:s20] =	ssyncset.done $0x0  }
0x44: {  	[sflag:s20] =	ssyncadd.s32 $0xFFFFC000  }
0x45: {  	_ =	swait.ge [sflag:s23], $0x4000  }
0x46: {  	s30 =	smov.u32 s1;
	s29 =	sshra.s32 s0, $0x2;
	[sflag:s23] =	ssyncset.done $0x0  }
0x47: {  	s0 =	sadd.s32 $0x80, s29;
	[sflag:s23] =	ssyncadd.s32 $0xFFFFC000  }
0x48: {  	[tilespmem:s21], [sflag:$0x2] =	stream.indirect.gather [hbm4b:s4+s17], $0x80, s0, s17, $0xb8;
	[tilespmem:$0x1E800] =	vst v63  }
0x49: {  	s1 =	sadd.s32 $0x1400, s29  }
0x4a: {  	[spmem:s2] =	stream.indirect.scatter.add.f32 [tilespmem:s18], [sflag:$0x3], $0x80, s1, s17, $0xb8;
	[tilespmem:$0x1E800] =	vst v63  }
0x4b: {  	_ =	swait.ge [sflag:s22], $0x4000  }
0x4c: {  	[sflag:s22] =	ssyncset.done $0x0  }
0x4d: {  	s31 =	sadd.s32 $0x1480, s29;
	[sflag:s22] =	ssyncadd.s32 $0xFFFFC000  }
0x4e: {  	[spmem:s2] =	stream.indirect.scatter.add.f32 [tilespmem:s21], [sflag:$0x4], $0x80, s31, s17, $0xb8;
	[tilespmem:$0x1E800] =	vst v63  }
0x4f: {  	_ =	swait.ge [sflag:s19], $0x4000  }
0x50: {  	[sflag:s19] =	ssyncset.done $0x0  }
0x51: {  	s1 =	sadd.s32 $0x100, s29;
	[sflag:s19] =	ssyncadd.s32 $0xFFFFC000  }
0x52: {  	[tilespmem:s18], [sflag:$0x1] =	stream.indirect.gather [hbm4b:s4+s17], $0x80, s1, s17, $0xb8;
	[tilespmem:$0x1E800] =	vst v63  }
0x53: {  	_ =	swait.ge [sflag:s20], $0x4000  }
0x54: {  	[sflag:s20] =	ssyncset.done $0x0  }
0x55: {  	[sflag:s20] =	ssyncadd.s32 $0xFFFFC000  }
0x56: {  	_ =	swait.ge [sflag:s23], $0x4000  }
0x57: {  	[sflag:s23] =	ssyncset.done $0x0  }
0x58: {  	[sflag:s23] =	ssyncadd.s32 $0xFFFFC000  }
0x59: {  	[tilespmem:s21], [sflag:$0x2] =	stream.indirect.gather [hbm4b:s4+s17], $0x80, s24, s17, $0xb8;
	[tilespmem:$0x1E800] =	vst v63  }
0x5a: {  	_ = 	snop  }
0x5b: {  	[spmem:s2] =	stream.indirect.scatter.add.f32 [tilespmem:s18], [sflag:$0x3], $0x80, s25, s17, $0xb8;
	[tilespmem:$0x1E800] =	vst v63  }
0x5c: {  	_ =	swait.ge [sflag:s22], $0x4000  }
0x5d: {  	[sflag:s22] =	ssyncset.done $0x0  }
0x5e: {  	[sflag:s22] =	ssyncadd.s32 $0xFFFFC000  }
0x5f: {  	[spmem:s2] =	stream.indirect.scatter.add.f32 [tilespmem:s21], [sflag:$0x4], $0x80, s26, s17, $0xb8;
	[tilespmem:$0x1E800] =	vst v63  }
0x60: {  	_ =	swait.ge [sflag:s19], $0x4000  }
0x61: {  	[sflag:s19] =	ssyncset.done $0x0  }
0x62: {  	[sflag:s19] =	ssyncadd.s32 $0xFFFFC000  }
0x63: {  	_ =	swait.ge [sflag:s23], $0x4000  }
0x64: {  	[sflag:s23] =	ssyncset.done $0x0  }
0x65: {  	s31 =	simm.s32 $0x0;
	[sflag:s23] =	ssyncadd.s32 $0xFFFFC000  }
0x66: {  	[tilespmem:s31], [sflag:$0x5] =	stream.linear.gather [hbm4b:s10+s31], $0x1400, $0x38;
	[tilespmem:$0x1E800] =	vst v63  }
0x67: {  	_ =	swait.ge [sflag:s15], $0x1400  }
0x68: {  	[sflag:s15] =	ssyncset.done $0x0  }
0x69: {  	[sflag:s15] =	ssyncadd.s32 $0xFFFFEC00  }
0x6a: {  	[tilespmem:s16], [sflag:$0x5] =	stream.linear.gather [hbm4b:s11+s31], $0x1400, $0x38;
	[tilespmem:$0x1E800] =	vst v63  }
0x6b: {  	_ =	swait.ge [sflag:s15], $0x1400  }
0x6c: {  	[sflag:s15] =	ssyncset.done $0x0  }
0x6d: {  	[sflag:s15] =	ssyncadd.s32 $0xFFFFEC00  }
0x6e: {  	[tilespmem:s18], [sflag:$0x1] =	stream.indirect.gather [hbm4b:s4+s17], $0x80, s31, s17, $0xb8;
	[tilespmem:$0x1E800] =	vst v63  }
0x6f: {  	_ =	swait.ge [sflag:s20], $0x4000  }
0x70: {  	[sflag:s20] =	ssyncset.done $0x0  }
0x71: {  	s1 =	simm.s32 $0x80;
	[sflag:s20] =	ssyncadd.s32 $0xFFFFC000  }
0x72: {  	[tilespmem:s21], [sflag:$0x2] =	stream.indirect.gather [hbm4b:s4+s17], $0x80, s1, s17, $0xb8;
	[tilespmem:$0x1E800] =	vst v63  }
0x73: {  	s31 =	simm.s32 $0x1400  }
0x74: {  	[spmem:s2] =	stream.indirect.scatter.add.f32 [tilespmem:s18], [sflag:$0x3], $0x80, s31, s17, $0xb8;
	[tilespmem:$0x1E800] =	vst v63  }
0x75: {  	_ =	swait.ge [sflag:s22], $0x4000  }
0x76: {  	[sflag:s22] =	ssyncset.done $0x0  }
0x77: {  	s1 =	simm.s32 $0x1480;
	[sflag:s22] =	ssyncadd.s32 $0xFFFFC000  }
0x78: {  	[spmem:s2] =	stream.indirect.scatter.add.f32 [tilespmem:s21], [sflag:$0x4], $0x80, s1, s17, $0xb8;
	[tilespmem:$0x1E800] =	vst v63  }
0x79: {  	_ =	swait.ge [sflag:s19], $0x4000  }
0x7a: {  	[sflag:s19] =	ssyncset.done $0x0  }
0x7b: {  	s31 =	simm.s32 $0x100;
	[sflag:s19] =	ssyncadd.s32 $0xFFFFC000  }
0x7c: {  	[tilespmem:s18], [sflag:$0x1] =	stream.indirect.gather [hbm4b:s4+s17], $0x80, s31, s17, $0xb8;
	[tilespmem:$0x1E800] =	vst v63  }
0x7d: {  	_ =	swait.ge [sflag:s20], $0x4000  }
0x7e: {  	[sflag:s20] =	ssyncset.done $0x0  }
0x7f: {  	[sflag:s20] =	ssyncadd.s32 $0xFFFFC000  }
0x80: {  	_ =	swait.ge [sflag:s23], $0x4000  }
0x81: {  	s30 =	simm.s32 $0x800;
	s29 =	simm.s32 $0x100;
	[sflag:s23] =	ssyncset.done $0x0  }
.LBB2_4:
0x82: {  	s0 =	sadd.s32 $0x80, s29  }
0x83: {  	[sflag:s23] =	ssyncadd.s32 $0xFFFFC000;
	s1 =	smov.u32 s30;
	s31 =	sadd.s32 $0x400, s30  }
0x84: {  	[tilespmem:s21], [sflag:$0x2] =	stream.indirect.gather [hbm4b:s4+s17], $0x80, s0, s17, $0xb8;
	[tilespmem:$0x1E800] =	vst v63  }
0x85: {  	p0 =	sne.s32 s30, $0x4800;
	s0 =	sadd.s32 $0x1400, s29  }
0x86: {  	[spmem:s2] =	stream.indirect.scatter.add.f32 [tilespmem:s18], [sflag:$0x3], $0x80, s0, s17, $0xb8;
	[tilespmem:$0x1E800] =	vst v63  }
0x87: {  	_ =	swait.ge [sflag:s22], $0x4000  }
0x88: {  	[sflag:s22] =	ssyncset.done $0x0  }
0x89: {  	s0 =	sadd.s32 $0x1480, s29;
	[sflag:s22] =	ssyncadd.s32 $0xFFFFC000  }
0x8a: {  	[spmem:s2] =	stream.indirect.scatter.add.f32 [tilespmem:s21], [sflag:$0x4], $0x80, s0, s17, $0xb8;
	[tilespmem:$0x1E800] =	vst v63  }
0x8b: {  	_ =	swait.ge [sflag:s19], $0x4000  }
0x8c: {  	[sflag:s19] =	ssyncset.done $0x0  }
0x8d: {  	s0 =	sadd.s32 $0x100, s29;
	[sflag:s19] =	ssyncadd.s32 $0xFFFFC000  }
0x8e: {  	[tilespmem:s18], [sflag:$0x1] =	stream.indirect.gather [hbm4b:s4+s17], $0x80, s0, s17, $0xb8;
	[tilespmem:$0x1E800] =	vst v63  }
.Ltmp1:
0x8f: {  	_ =	swait.ge [sflag:s20], $0x4000;
	(pc) =	sbr.rel @p0 .LBB2_4-.Ltmp1, $4  }
0x90: {  	[sflag:s20] =	ssyncset.done $0x0  }
0x91: {  	[sflag:s20] =	ssyncadd.s32 $0xFFFFC000  }
0x92: {  	_ =	swait.ge [sflag:s23], $0x4000  }
0x93: {  	s30 =	smov.u32 s31;
	s29 =	sshra.s32 s1, $0x2;
	[sflag:s23] =	ssyncset.done $0x0  }
0x94: {  	s0 =	sadd.s32 $0x80, s29;
	[sflag:s23] =	ssyncadd.s32 $0xFFFFC000  }
0x95: {  	[tilespmem:s21], [sflag:$0x2] =	stream.indirect.gather [hbm4b:s4+s17], $0x80, s0, s17, $0xb8;
	[tilespmem:$0x1E800] =	vst v63  }
0x96: {  	s31 =	sadd.s32 $0x1400, s29  }
0x97: {  	[spmem:s2] =	stream.indirect.scatter.add.f32 [tilespmem:s18], [sflag:$0x3], $0x80, s31, s17, $0xb8;
	[tilespmem:$0x1E800] =	vst v63  }
0x98: {  	_ =	swait.ge [sflag:s22], $0x4000  }
0x99: {  	[sflag:s22] =	ssyncset.done $0x0  }
0x9a: {  	s1 =	sadd.s32 $0x1480, s29;
	[sflag:s22] =	ssyncadd.s32 $0xFFFFC000  }
0x9b: {  	[spmem:s2] =	stream.indirect.scatter.add.f32 [tilespmem:s21], [sflag:$0x4], $0x80, s1, s17, $0xb8;
	[tilespmem:$0x1E800] =	vst v63  }
0x9c: {  	_ =	swait.ge [sflag:s19], $0x4000  }
0x9d: {  	[sflag:s19] =	ssyncset.done $0x0  }
0x9e: {  	s30 =	sadd.s32 $0x100, s29;
	[sflag:s19] =	ssyncadd.s32 $0xFFFFC000  }
0x9f: {  	[tilespmem:s18], [sflag:$0x1] =	stream.indirect.gather [hbm4b:s4+s17], $0x80, s30, s17, $0xb8;
	[tilespmem:$0x1E800] =	vst v63  }
0xa0: {  	_ =	swait.ge [sflag:s20], $0x4000  }
0xa1: {  	[sflag:s20] =	ssyncset.done $0x0  }
0xa2: {  	[sflag:s20] =	ssyncadd.s32 $0xFFFFC000  }
0xa3: {  	_ =	swait.ge [sflag:s23], $0x4000  }
0xa4: {  	[sflag:s23] =	ssyncset.done $0x0  }
0xa5: {  	[sflag:s23] =	ssyncadd.s32 $0xFFFFC000  }
0xa6: {  	[tilespmem:s21], [sflag:$0x2] =	stream.indirect.gather [hbm4b:s4+s17], $0x80, s24, s17, $0xb8;
	[tilespmem:$0x1E800] =	vst v63  }
0xa7: {  	_ = 	snop  }
0xa8: {  	[spmem:s2] =	stream.indirect.scatter.add.f32 [tilespmem:s18], [sflag:$0x3], $0x80, s25, s17, $0xb8;
	[tilespmem:$0x1E800] =	vst v63  }
0xa9: {  	_ =	swait.ge [sflag:s22], $0x4000  }
0xaa: {  	[sflag:s22] =	ssyncset.done $0x0  }
0xab: {  	[sflag:s22] =	ssyncadd.s32 $0xFFFFC000  }
0xac: {  	[spmem:s2] =	stream.indirect.scatter.add.f32 [tilespmem:s21], [sflag:$0x4], $0x80, s26, s17, $0xb8;
	[tilespmem:$0x1E800] =	vst v63  }
0xad: {  	_ =	swait.ge [sflag:s19], $0x4000  }
0xae: {  	[sflag:s19] =	ssyncset.done $0x0  }
0xaf: {  	[sflag:s19] =	ssyncadd.s32 $0xFFFFC000  }
0xb0: {  	_ =	swait.ge [sflag:s23], $0x4000  }
0xb1: {  	s28 =	sadd.s32 $0x1, s28;
	[sflag:s23] =	ssyncset.done $0x0  }
0xb2: {  	p0 =	sne.s32 s28, s13;
	[sflag:s23] =	ssyncadd.s32 $0xFFFFC000  }
.Ltmp2:
0xb3: {  	s31 =	sor.u32 $0x1C05, s5;
	[bflag:$0x0] =	sbarrier.arrive $0xFFFF;
	(pc) =	sbr.rel @p0 .LBB2_1-.Ltmp2, $4  }
0xb4: {  	[hbm:s12], [sflag:s31] =	dma.local [spmem:s14], $0x2800  }
0xb5: {  	_ =	swait.ge [sflag:s15], $0x2800  }
0xb6: {  	[sflag:s15] =	ssyncset.done $0x0  }
0xb7: {  	[sflag:s15] =	ssyncadd.s32 $0xFFFFD800  }
0xb8: {  	_ =	sfence.sel $0x180000  }
0xb9: {  	[bflag:$0x0] =	sbarrier.arrive $0xFFFF  }
0xba: {  	_ =	strace $0x9000004D  }
0xbb: {  	s0 =	stileid.u32;
	[bflag:$0x2] =	sbarrier.arrive $0xFFFF  }
0xbc: {  	p0 =	sne.s32 s0, $0x0;
	s0 =	rddreg [dreg:$0x2]  }
0xbd: {  	s0 =	sadd.s32 @!p0 $0x100000, s0  }
0xbe: {  	[sflag:s0] =	ssyncadd.tile.s32 @!p0 $0x1;
	_ =	shalt  }
.Lfunc_end2:
_tile_overlayer_lowered:
.L_overlay_start_2:
0xbf: {  	(tag) =	ssettag $0x2  }
0xc0: {  	s0 =	rddreg [dreg:$0x0];
	s2 =	stileid.u32  }
0xc1: {  	s1 =	rddreg [dreg:$0x1];
	p0 =	sne.s32 s2, $0x0  }
0xc2: {  	s3 =	rddreg [dreg:$0x2];
	[bflag:$0x3] =	sbarrier.arrive $0xFFFF;
	s2 =	simm.s32 @!p0 $0x1C05  }
0xc3: {  	[timem:s3], [sflag:s2] =	dma.local @!p0 [hbm:s0], s1  }
0xc4: {  	s0 =	simm.s32 @!p0 $0x5  }
0xc5: {  	_ =	swait.ge @!p0 [sflag:s0], s1  }
0xc6: {  	s1 =	ssub.s32 @!p0 $0x0, s1;
	[sflag:s0] =	ssyncset.done @!p0 $0x0  }
0xc7: {  	[sflag:s0] =	ssyncadd.s32 @!p0 s1  }
0xc8: {  	[bflag:$0x3] =	sbarrier.arrive $0xFFFF  }
0xc9: {  	_ =	shalt  }

// kernel: kernel.22.cloned.1.call-start
scs
__scs_entry_jumppad:
0x0: {  	(pc) =	sbr.rel $0x88, $3  }
0x1: {  	(tag) =	ssettag $0x0;
	lr =	simm.s32 $0x1  }
0x2: {  	[smem:$0x3F98] =	sst lr;
	_ =	strace $0xD0000000  }
0x3: {  	_ = 	snop  }
0x4: {  	_ = 	snop  }
0x5: {  	_ = 	snop  }
0x6: {  	_ = 	snop  }
0x7: {  	_ = 	snop  }
__scs_overlays_trampoline_lowered:
0x8: {  	[smem:$0x3FA7] =	sst s0  }
0x9: {  	[smem:$0x3FA8] =	sst s1  }
0xa: {  	[smem:$0x3FA9] =	sst s2  }
0xb: {  	[smem:$0x3FAA] =	sst s3  }
0xc: {  	[smem:$0x3FAB] =	sst s4  }
0xd: {  	[smem:$0x3FAC] =	sst s5  }
0xe: {  	[smem:$0x3FAD] =	sst s6  }
0xf: {  	[smem:$0x3FAE] =	sst s7  }
0x10: {  	[smem:$0x3FAF] =	sst s8  }
0x11: {  	[smem:$0x3FB0] =	sst s9;
	s0 =	simm.s32 @!p0 $0x0  }
0x12: {  	s1 =	sld [smem:$0x3F96];
	s0 =	simm.s32 @p0 $0x1  }
0x13: {  	[smem:$0x3FB1] =	sst s0;
	s0 =	simm.s32 @!p1 $0x0  }
0x14: {  	s2 =	sld [smem:$0x3F95];
	s0 =	simm.s32 @p1 $0x1  }
0x15: {  	[smem:$0x3FB2] =	sst s0;
	s0 =	simm.s32 @!p2 $0x0  }
0x16: {  	s3 =	sld [smem:$0x3FDB];
	s0 =	simm.s32 @p2 $0x1  }
0x17: {  	s4 =	simm.s32 $0x1BF5;
	[smem:$0x3FB4] =	sst s0  }
0x18: {  	s0 =	sld [smem:$0x3F97];
	_ =	swait.ge [sflag:s4], $0x0  }
0x19: {  	s7 =	sld [smem:$0x3F98]  }
0x1a: {  	s8 =	sadd.s32 $0xFFFFE003, lr  }
0x1b: {  	s9 =	sadd.s32 $0xFFFFFEF7, lr;
	s5 =	simm.s32 $0xFFFFFFFF;
	p2 =	slt.u32 s8, $0xFFFFF086  }
0x1c: {  	p1 =	slt.u32 s9, $0xF7A;
	s5 =	simm.s32 @!p2 $0x0  }
0x1d: {  	s5 =	simm.s32 @p1 $0x1;
	p0 =	seq.s32 s7, s2  }
0x1e: {  	s7 =	smul.u32 @!p0 $0xF7A, s2;
	p2 =	seq.s32 @!p0 s5, $0x0  }
0x1f: {  	s9 =	smul.u32 $0xF7A, s1;
	s8 =	simm.s32 @!p0 $0x1BF5;
	p2 =	por !p2, p0  }
0x20: {  	[sflag:s8] =	ssyncset.s32 @!p0 $0xFFFFF086;
	s6 =	sadd.s32 @!p0 s3, s7;
	s7 =	simm.s32 @!p0 $0x108  }
0x21: {  	s3 =	sadd.s32 s3, s9;
	s6 =	sadd.s32 @!p0 $0x88, s6;
	s7 =	simm.s32 @p2 $0x1082  }
0x22: {  	[simem:s7], [sflag:s8] =	dma.local @!p0 [hbm:s6], $0xF7A  }
0x23: {  	s9 =	sor.u32 $0xD0000000, s2;
	s6 =	simm.s32 $0x108;
	_ =	swait.ge @!p0 [sflag:s8], $0x0  }
0x24: {  	s3 =	sadd.s32 $0x88, s3;
	s6 =	simm.s32 @!p1 $0x1082;
	[sflag:s4] =	ssyncset.s32 $0xFFFFF086  }
0x25: {  	[simem:s6], [sflag:s4] =	dma.local [hbm:s3], $0xF7A  }
0x26: {  	[smem:$0x3F98] =	sst s1;
	(tag) =	ssettag s2;
	_ =	strace s9  }
0x27: {  	s1 =	sld [smem:$0x3FA8]  }
0x28: {  	s2 =	sld [smem:$0x3FA9]  }
0x29: {  	s4 =	sld [smem:$0x3FAB]  }
0x2a: {  	p0 =	seq.s32 s5, $0x0;
	s5 =	sld [smem:$0x3FAC]  }
0x2b: {  	s6 =	sld [smem:$0x3FAD]  }
0x2c: {  	s7 =	sld [smem:$0x3FAE]  }
0x2d: {  	s3 =	simm.s32 $0x108;
	s8 =	sld [smem:$0x3FAF]  }
0x2e: {  	s3 =	simm.s32 @!p0 $0x1082;
	s9 =	sld [smem:$0x3FB0]  }
0x2f: {  	lr =	sadd.s32 s0, s3;
	s0 =	sld [smem:$0x3FA7]  }
0x30: {  	s3 =	sld [smem:$0x3FAA]  }
0x31: {  	[smem:$0x3FB3] =	sst s10  }
0x32: {  	s10 =	sld [smem:$0x3FB1];
	_ =	sdelay $0x3  }
0x33: {  	p0 =	seq.s32 s10, $0x1;
	s10 =	sld [smem:$0x3FB3];
	_ =	sdelay $0x3  }
0x34: {  	[smem:$0x3FB3] =	sst s10  }
0x35: {  	s10 =	sld [smem:$0x3FB2];
	_ =	sdelay $0x3  }
0x36: {  	p1 =	seq.s32 s10, $0x1;
	s10 =	sld [smem:$0x3FB3];
	_ =	sdelay $0x3  }
0x37: {  	[smem:$0x3FB3] =	sst s10  }
0x38: {  	s10 =	sld [smem:$0x3FB4]  }
0x39: {  	_ = 	snop;
	(pc) =	sbr.ind lr, $3  }
0x3a: {  	_ = 	snop  }
0x3b: {  	_ = 	snop  }
0x3c: {  	p2 =	seq.s32 s10, $0x1;
	s10 =	sld [smem:$0x3FB3]  }
0x3d: {  	_ =	shalt  }
0x3e: {  	_ =	shalt  }
0x3f: {  	_ =	shalt  }
0x40: {  	_ =	shalt  }
0x41: {  	_ =	shalt  }
0x42: {  	_ =	shalt  }
0x43: {  	_ =	shalt  }
0x44: {  	_ =	shalt  }
0x45: {  	_ =	shalt  }
0x46: {  	_ =	shalt  }
0x47: {  	_ =	shalt  }
0x48: {  	_ =	shalt  }
0x49: {  	_ =	shalt  }
0x4a: {  	_ =	shalt  }
0x4b: {  	_ =	shalt  }
0x4c: {  	_ =	shalt  }
0x4d: {  	_ =	shalt  }
0x4e: {  	_ =	shalt  }
0x4f: {  	_ =	shalt  }
0x50: {  	_ =	shalt  }
0x51: {  	_ =	shalt  }
0x52: {  	_ =	shalt  }
0x53: {  	_ =	shalt  }
0x54: {  	_ =	shalt  }
0x55: {  	_ =	shalt  }
0x56: {  	_ =	shalt  }
0x57: {  	_ =	shalt  }
0x58: {  	_ =	shalt  }
0x59: {  	_ =	shalt  }
0x5a: {  	_ =	shalt  }
0x5b: {  	_ =	shalt  }
0x5c: {  	_ =	shalt  }
0x5d: {  	_ =	shalt  }
0x5e: {  	_ =	shalt  }
0x5f: {  	_ =	shalt  }
0x60: {  	_ =	shalt  }
0x61: {  	_ =	shalt  }
0x62: {  	_ =	shalt  }
0x63: {  	_ =	shalt  }
0x64: {  	_ =	shalt  }
0x65: {  	_ =	shalt  }
0x66: {  	_ =	shalt  }
0x67: {  	_ =	shalt  }
0x68: {  	_ =	shalt  }
0x69: {  	_ =	shalt  }
0x6a: {  	_ =	shalt  }
0x6b: {  	_ =	shalt  }
0x6c: {  	_ =	shalt  }
0x6d: {  	_ =	shalt  }
0x6e: {  	_ =	shalt  }
0x6f: {  	_ =	shalt  }
0x70: {  	_ =	shalt  }
0x71: {  	_ =	shalt  }
0x72: {  	_ =	shalt  }
0x73: {  	_ =	shalt  }
0x74: {  	_ =	shalt  }
0x75: {  	_ =	shalt  }
0x76: {  	_ =	shalt  }
0x77: {  	_ =	shalt  }
0x78: {  	_ =	shalt  }
0x79: {  	_ =	shalt  }
0x7a: {  	_ =	shalt  }
0x7b: {  	_ =	shalt  }
0x7c: {  	_ =	shalt  }
0x7d: {  	_ =	shalt  }
0x7e: {  	_ =	shalt  }
0x7f: {  	_ =	shalt  }
0x80: {  	_ =	shalt  }
0x81: {  	_ =	shalt  }
0x82: {  	_ =	shalt  }
0x83: {  	_ =	shalt  }
0x84: {  	_ =	shalt  }
0x85: {  	_ =	shalt  }
0x86: {  	_ =	shalt  }
0x87: {  	_ =	shalt  }
.Lfunc_end0:
.L_simem_size_0:
called_computation.3_lowered:
.L_overlay_start_0:
0x88: {  	s2 =	sld [smem:$0x3FD9]  }
0x89: {  	s3 =	sld [smem:$0x3FFE];
	_ =	sdelay $0x1  }
0x8a: {  	s1 =	srdreg.scid  }
0x8b: {  	s0 =	sand.u32 $0x1, s1  }
0x8c: {  	s16 =	sshll.u32 s0, $0xA;
	s2 =	sadd.s32 s3, s2  }
0x8d: {  	s2 =	sadd.s32 s2, s16  }
0x8e: {  	[smem:$0x3FBF] =	sst s2  }
0x8f: {  	_ = 	snop  }
0x90: {  	(tm) =	ssettm $0x1  }
0x91: {  	s17 =	sld [smem:$0x3FFB];
	_ =	sdelay $0x3  }
0x92: {  	_ =	strace s17  }
0x93: {  	s2 =	sld [smem:$0x3FFC];
	_ =	sdelay $0x3  }
0x94: {  	_ =	strace s2  }
0x95: {  	s2 =	sld [smem:$0x3FFD];
	_ =	sdelay $0x3  }
0x96: {  	_ =	strace s2  }
0x97: {  	_ =	strace $0x8FFFFFFF  }
0x98: {  	s18 =	sld [smem:$0x3FDB];
	_ =	sdelay $0x1  }
0x99: {  	s19 =	simm.s32 $_scs_section_size  }
0x9a: {  	s4 =	simm.s32 $_size__tile_overlayer_lowered;
	s5 =	simm.s32 $_tile_overlayer_lowered  }
0x9b: {  	s22 =	simm.s32 $0x1BFF;
	s21 =	sshll.u32 s5, $0x1;
	s2 =	sadd.s32 s19, s18  }
0x9c: {  	s6 =	simm.s32 $0x0;
	s20 =	sshll.u32 s4, $0x1;
	s4 =	sadd.s32 s21, s2  }
0x9d: {  	[timem:s6], [sflag:s22] =	dma.local [hbm:s4], s20  }
0x9e: {  	_ =	swait.ge [sflag:s22], s20  }
0x9f: {  	s3 =	ssub.s32 $0x0, s20;
	[sflag:s22] =	ssyncset.done $0x0  }
0xa0: {  	[sflag:s22] =	ssyncadd.s32 s3;
	_ =	sdelay $0x1  }
0xa1: {  	s23 =	simm.s32 $0x1B8B  }
0xa2: {  	_ =	swait.ge [sflag:s23], $0x1  }
0xa3: {  	[sflag:s23] =	ssyncset.done $0x0  }
0xa4: {  	s25 =	simm.s32 $0x1B8E;
	s24 =	sld [smem:$0x3FFE];
	[sflag:s23] =	ssyncadd.s32 $0xFFFFFFFF  }
0xa5: {  	s26 =	simm.s32 $execute0_lowered;
	[smem:$0x3FD2] =	sst s25  }
0xa6: {  	s4 =	sshll.u32 s26, $0x1;
	_ =	strace $0x8000004F;
	[dreg:$0x1] =	wrdreg $0xFFFFFFFF  }
0xa7: {  	s28 =	simm.s32 $_size_execute0_lowered;
	s2 =	sadd.s32 s2, s4;
	[dreg:$0x0] =	wrdreg $0x0  }
0xa8: {  	s4 =	sshll.u32 s28, $0x1;
	[dreg:$0x2] =	wrdreg s2  }
0xa9: {  	[dreg:$0x3] =	wrdreg s4  }
0xaa: {  	[dreg:$0x4] =	wrdreg $0xC0  }
0xab: {  	_ =	task [dreg:s6], $0x5FFFF  }
0xac: {  	[dreg:$0x1] =	wrdreg $0xFFFFFFFF  }
0xad: {  	[dreg:$0x0] =	wrdreg $0x60  }
0xae: {  	[dreg:$0x2] =	wrdreg s24  }
0xaf: {  	[dreg:$0x3] =	wrdreg $0xA8000  }
0xb0: {  	[dreg:$0x4] =	wrdreg $0x9  }
0xb1: {  	_ =	task.clear_ibuf [dreg:s6], $0x5FFFF;
	_ =	strace $0x9000004F  }
0xb2: {  	s29 =	simm.s32 $0x9;
	_ =	strace $0x80000051  }
0xb3: {  	_ =	swait.ge [sflag:s29], $0x1  }
0xb4: {  	[sflag:s29] =	ssyncadd.s32 $0xFFFFFFFF  }
0xb5: {  	_ =	strace $0x90000051  }
0xb6: {  	_ =	sfence  }
0xb7: {  	s30 =	sld [smem:$0x0];
	_ =	sdelay $0x2  }
0xb8: {  	s31 =	sshll.u32 s1, $0xD;
	s1 =	sshrl.u32 s1, $0x2  }
0xb9: {  	s3 =	sand.u32 $0x4000, s31;
	s1 =	sadd.s32 s1, s30  }
0xba: {  	s0 =	sor.u32 s3, s0;
	s1 =	sshll.u32 s1, $0x11  }
0xbb: {  	s0 =	sor.u32 s1, s0  }
0xbc: {  	s0 =	sadd.s32 $0x8F2B, s0  }
0xbd: {  	[sflag:s0] =	ssyncadd.remote.s32 $0x1  }
0xbe: {  	_ =	sfence.sel $0xFFFF  }
0xbf: {  	[dreg:$0x0] =	wrdreg $0xFFFFFFFF;
	(pc) =	sbr.abs _section_cstart, $3  }
0xc0: {  	[dreg:$0x1] =	wrdreg $0xFFFFFFFF  }
0xc1: {  	_ =	task.clear_ibuf [dreg:s6], $0x2FFFF;
	_ =	strace $0x9FFFFFFF  }
0xc2: {  	(tm) =	ssettm $0x7FFFFFFF  }
0xc3: {  	_ =	shalt  }
tec
execute0_lowered:
.L_overlay_start_1:
0x0: {  	(tag) =	ssettag $0x1  }
0x1: {  	s5 =	rddreg [dreg:$0x0]  }
0x2: {  	s2 =	rddreg [dreg:$0x1]  }
0x3: {  	s0 =	stileid.u32;
	s4 =	srdreg.scid;
	s3 =	simm.s32 $0x0  }
0x4: {  	s17 =	simm.s32 $0x80;
	s18 =	simm.s32 $0x2800;
	s19 =	simm.s32 $0x3  }
0x5: {  	s20 =	simm.s32 $0x1;
	s21 =	simm.s32 $0x6800;
	s28 =	simm.s32 $0x0  }
0x6: {  	s6 =	smul.u32 $0x14000, s0;
	s7 =	sand.u32 $0x1, s4;
	[smem:$0x7FF] =	sst s3  }
0x7: {  	s4 =	sadd.s32 $0x18A00, s5;
	s10 =	sadd.s32 $0xEA00, s5;
	s13 =	smul.u32 $0x50000, s0  }
0x8: {  	s11 =	sadd.s32 $0x4A00, s5;
	s12 =	sshll.u32 s0, $0x1;
	s8 =	smul.u32 $0x140000, s7  }
0x9: {  	_ =	strace $0x80000050;
	s23 =	ssub.s32 $0x2, s7;
	s25 =	sor.u32 s7, s12  }
0xa: {  	s9 =	sshrl.u32 s6, $0x3;
	s24 =	sshrl.u32 s23, $0x1;
	s29 =	smul.u32 $0x2800, s25  }
0xb: {  	s26 =	sshrl.u32 s13, $0x2;
	s12 =	smul.u32 $0x500, s25;
	s25 =	simm.s32 $0x2700  }
0xc: {  	s6 =	sadd.s32 s6, s8;
	s22 =	sadd.s32 s9, s5;
	s15 =	ssub.s32 s23, s24  }
0xd: {  	s16 =	sadd.s32 s26, s2;
	s23 =	simm.s32 $0x4;
	s24 =	simm.s32 $0x1380  }
0xe: {  	s26 =	simm.s32 $0x2780;
	s6 =	sshrl.u32 s6, $0x3;
	s30 =	sshrl.u32 s29, $0x3  }
0xf: {  	s8 =	sadd.s32 s10, s12;
	s9 =	sadd.s32 s11, s12;
	s13 =	smax.u32 s15, $0x1  }
0x10: {  	s15 =	simm.s32 $0x5;
	s14 =	sadd.s32 s6, s5;
	s5 =	sshll.u32 s0, $0x6  }
0x11: {  	s6 =	sadd.s32 $0x54A00, s22;
	s31 =	sadd.s32 $0x280, s30;
	s22 =	simm.s32 $0x2  }
0x12: {  	s7 =	sor.u32 $0x1C03, s5;
	s10 =	sadd.s32 s10, s31;
	s11 =	sadd.s32 s11, s31  }
0x13: {  	s12 =	sadd.s32 $0x7CA00, s14;
	s14 =	sshrl.u32 s16, $0x3;
	s16 =	simm.s32 $0x1400  }
.LBB2_1:
0x14: {  	[spmem:s14], [sflag:s7] =	dma.local [hbm:s6], $0x2800  }
0x15: {  	[tilespmem:s3], [sflag:$0x5] =	stream.linear.gather [hbm4b:s8+s3], $0x1400, $0x38;
	[tilespmem:$0x1E800] =	vst v63  }
0x16: {  	_ =	swait.ge [sflag:s15], $0x1400  }
0x17: {  	[sflag:s15] =	ssyncset.done $0x0  }
0x18: {  	[sflag:s15] =	ssyncadd.s32 $0xFFFFEC00  }
0x19: {  	[tilespmem:s16], [sflag:$0x5] =	stream.linear.gather [hbm4b:s9+s3], $0x1400, $0x38;
	[tilespmem:$0x1E800] =	vst v63  }
0x1a: {  	_ =	swait.ge [sflag:s15], $0x1400  }
0x1b: {  	[sflag:s15] =	ssyncset.done $0x0  }
0x1c: {  	[sflag:s15] =	ssyncadd.s32 $0xFFFFEC00  }
0x1d: {  	[tilespmem:s18], [sflag:$0x1] =	stream.indirect.gather [hbm4b:s4+s17], $0x80, s3, s17, $0xb8;
	[tilespmem:$0x1E800] =	vst v63  }
0x1e: {  	_ =	swait.ge [sflag:s19], $0x2800  }
0x1f: {  	[sflag:s19] =	ssyncset.done $0x0  }
0x20: {  	[sflag:s19] =	ssyncadd.s32 $0xFFFFD800  }
0x21: {  	[bflag:$0x0] =	sbarrier.arrive $0xFFFF  }
0x22: {  	_ =	swait.ge [sflag:s20], $0x4000  }
0x23: {  	[sflag:s20] =	ssyncset.done $0x0  }
0x24: {  	s29 =	simm.s32 $0x80;
	[sflag:s20] =	ssyncadd.s32 $0xFFFFC000  }
0x25: {  	[tilespmem:s21], [sflag:$0x2] =	stream.indirect.gather [hbm4b:s4+s17], $0x80, s29, s17, $0xb8;
	[tilespmem:$0x1E800] =	vst v63  }
0x26: {  	s29 =	simm.s32 $0x1400  }
0x27: {  	[spmem:s2] =	stream.indirect.scatter.add.f32 [tilespmem:s18], [sflag:$0x3], $0x80, s29, s17, $0xb8;
	[tilespmem:$0x1E800] =	vst v63  }
0x28: {  	_ =	swait.ge [sflag:s22], $0x4000  }
0x29: {  	[sflag:s22] =	ssyncset.done $0x0  }
0x2a: {  	s29 =	simm.s32 $0x1480;
	[sflag:s22] =	ssyncadd.s32 $0xFFFFC000  }
0x2b: {  	[spmem:s2] =	stream.indirect.scatter.add.f32 [tilespmem:s21], [sflag:$0x4], $0x80, s29, s17, $0xb8;
	[tilespmem:$0x1E800] =	vst v63  }
0x2c: {  	_ =	swait.ge [sflag:s19], $0x4000  }
0x2d: {  	[sflag:s19] =	ssyncset.done $0x0  }
0x2e: {  	s29 =	simm.s32 $0x100;
	[sflag:s19] =	ssyncadd.s32 $0xFFFFC000  }
0x2f: {  	[tilespmem:s18], [sflag:$0x1] =	stream.indirect.gather [hbm4b:s4+s17], $0x80, s29, s17, $0xb8;
	[tilespmem:$0x1E800] =	vst v63  }
0x30: {  	_ =	swait.ge [sflag:s20], $0x4000  }
0x31: {  	[sflag:s20] =	ssyncset.done $0x0  }
0x32: {  	[sflag:s20] =	ssyncadd.s32 $0xFFFFC000  }
0x33: {  	_ =	swait.ge [sflag:s23], $0x4000  }
0x34: {  	s30 =	simm.s32 $0x800;
	s29 =	simm.s32 $0x100;
	[sflag:s23] =	ssyncset.done $0x0  }
.LBB2_2:
0x35: {  	s31 =	sadd.s32 $0x80, s29  }
0x36: {  	[sflag:s23] =	ssyncadd.s32 $0xFFFFC000;
	s0 =	smov.u32 s30;
	s1 =	sadd.s32 $0x400, s30  }
0x37: {  	[tilespmem:s21], [sflag:$0x2] =	stream.indirect.gather [hbm4b:s4+s17], $0x80, s31, s17, $0xb8;
	[tilespmem:$0x1E800] =	vst v63  }
0x38: {  	p0 =	sne.s32 s30, $0x4800;
	s30 =	sadd.s32 $0x1400, s29  }
0x39: {  	[spmem:s2] =	stream.indirect.scatter.add.f32 [tilespmem:s18], [sflag:$0x3], $0x80, s30, s17, $0xb8;
	[tilespmem:$0x1E800] =	vst v63  }
0x3a: {  	_ =	swait.ge [sflag:s22], $0x4000  }
0x3b: {  	[sflag:s22] =	ssyncset.done $0x0  }
0x3c: {  	s30 =	sadd.s32 $0x1480, s29;
	[sflag:s22] =	ssyncadd.s32 $0xFFFFC000  }
0x3d: {  	[spmem:s2] =	stream.indirect.scatter.add.f32 [tilespmem:s21], [sflag:$0x4], $0x80, s30, s17, $0xb8;
	[tilespmem:$0x1E800] =	vst v63  }
0x3e: {  	_ =	swait.ge [sflag:s19], $0x4000  }
0x3f: {  	[sflag:s19] =	ssyncset.done $0x0  }
0x40: {  	s29 =	sadd.s32 $0x100, s29;
	[sflag:s19] =	ssyncadd.s32 $0xFFFFC000  }
0x41: {  	[tilespmem:s18], [sflag:$0x1] =	stream.indirect.gather [hbm4b:s4+s17], $0x80, s29, s17, $0xb8;
	[tilespmem:$0x1E800] =	vst v63  }
.Ltmp0:
0x42: {  	_ =	swait.ge [sflag:s20], $0x4000;
	(pc) =	sbr.rel @p0 .LBB2_2-.Ltmp0, $4  }
0x43: {  	[sflag:s20] =	ssyncset.done $0x0  }
0x44: {  	[sflag:s20] =	ssyncadd.s32 $0xFFFFC000  }
0x45: {  	_ =	swait.ge [sflag:s23], $0x4000  }
0x46: {  	s30 =	smov.u32 s1;
	s29 =	sshra.s32 s0, $0x2;
	[sflag:s23] =	ssyncset.done $0x0  }
0x47: {  	s0 =	sadd.s32 $0x80, s29;
	[sflag:s23] =	ssyncadd.s32 $0xFFFFC000  }
0x48: {  	[tilespmem:s21], [sflag:$0x2] =	stream.indirect.gather [hbm4b:s4+s17], $0x80, s0, s17, $0xb8;
	[tilespmem:$0x1E800] =	vst v63  }
0x49: {  	s1 =	sadd.s32 $0x1400, s29  }
0x4a: {  	[spmem:s2] =	stream.indirect.scatter.add.f32 [tilespmem:s18], [sflag:$0x3], $0x80, s1, s17, $0xb8;
	[tilespmem:$0x1E800] =	vst v63  }
0x4b: {  	_ =	swait.ge [sflag:s22], $0x4000  }
0x4c: {  	[sflag:s22] =	ssyncset.done $0x0  }
0x4d: {  	s31 =	sadd.s32 $0x1480, s29;
	[sflag:s22] =	ssyncadd.s32 $0xFFFFC000  }
0x4e: {  	[spmem:s2] =	stream.indirect.scatter.add.f32 [tilespmem:s21], [sflag:$0x4], $0x80, s31, s17, $0xb8;
	[tilespmem:$0x1E800] =	vst v63  }
0x4f: {  	_ =	swait.ge [sflag:s19], $0x4000  }
0x50: {  	[sflag:s19] =	ssyncset.done $0x0  }
0x51: {  	s1 =	sadd.s32 $0x100, s29;
	[sflag:s19] =	ssyncadd.s32 $0xFFFFC000  }
0x52: {  	[tilespmem:s18], [sflag:$0x1] =	stream.indirect.gather [hbm4b:s4+s17], $0x80, s1, s17, $0xb8;
	[tilespmem:$0x1E800] =	vst v63  }
0x53: {  	_ =	swait.ge [sflag:s20], $0x4000  }
0x54: {  	[sflag:s20] =	ssyncset.done $0x0  }
0x55: {  	[sflag:s20] =	ssyncadd.s32 $0xFFFFC000  }
0x56: {  	_ =	swait.ge [sflag:s23], $0x4000  }
0x57: {  	[sflag:s23] =	ssyncset.done $0x0  }
0x58: {  	[sflag:s23] =	ssyncadd.s32 $0xFFFFC000  }
0x59: {  	[tilespmem:s21], [sflag:$0x2] =	stream.indirect.gather [hbm4b:s4+s17], $0x80, s24, s17, $0xb8;
	[tilespmem:$0x1E800] =	vst v63  }
0x5a: {  	_ = 	snop  }
0x5b: {  	[spmem:s2] =	stream.indirect.scatter.add.f32 [tilespmem:s18], [sflag:$0x3], $0x80, s25, s17, $0xb8;
	[tilespmem:$0x1E800] =	vst v63  }
0x5c: {  	_ =	swait.ge [sflag:s22], $0x4000  }
0x5d: {  	[sflag:s22] =	ssyncset.done $0x0  }
0x5e: {  	[sflag:s22] =	ssyncadd.s32 $0xFFFFC000  }
0x5f: {  	[spmem:s2] =	stream.indirect.scatter.add.f32 [tilespmem:s21], [sflag:$0x4], $0x80, s26, s17, $0xb8;
	[tilespmem:$0x1E800] =	vst v63  }
0x60: {  	_ =	swait.ge [sflag:s19], $0x4000  }
0x61: {  	[sflag:s19] =	ssyncset.done $0x0  }
0x62: {  	[sflag:s19] =	ssyncadd.s32 $0xFFFFC000  }
0x63: {  	_ =	swait.ge [sflag:s23], $0x4000  }
0x64: {  	[sflag:s23] =	ssyncset.done $0x0  }
0x65: {  	s31 =	simm.s32 $0x0;
	[sflag:s23] =	ssyncadd.s32 $0xFFFFC000  }
0x66: {  	[tilespmem:s31], [sflag:$0x5] =	stream.linear.gather [hbm4b:s10+s31], $0x1400, $0x38;
	[tilespmem:$0x1E800] =	vst v63  }
0x67: {  	_ =	swait.ge [sflag:s15], $0x1400  }
0x68: {  	[sflag:s15] =	ssyncset.done $0x0  }
0x69: {  	[sflag:s15] =	ssyncadd.s32 $0xFFFFEC00  }
0x6a: {  	[tilespmem:s16], [sflag:$0x5] =	stream.linear.gather [hbm4b:s11+s31], $0x1400, $0x38;
	[tilespmem:$0x1E800] =	vst v63  }
0x6b: {  	_ =	swait.ge [sflag:s15], $0x1400  }
0x6c: {  	[sflag:s15] =	ssyncset.done $0x0  }
0x6d: {  	[sflag:s15] =	ssyncadd.s32 $0xFFFFEC00  }
0x6e: {  	[tilespmem:s18], [sflag:$0x1] =	stream.indirect.gather [hbm4b:s4+s17], $0x80, s31, s17, $0xb8;
	[tilespmem:$0x1E800] =	vst v63  }
0x6f: {  	_ =	swait.ge [sflag:s20], $0x4000  }
0x70: {  	[sflag:s20] =	ssyncset.done $0x0  }
0x71: {  	s1 =	simm.s32 $0x80;
	[sflag:s20] =	ssyncadd.s32 $0xFFFFC000  }
0x72: {  	[tilespmem:s21], [sflag:$0x2] =	stream.indirect.gather [hbm4b:s4+s17], $0x80, s1, s17, $0xb8;
	[tilespmem:$0x1E800] =	vst v63  }
0x73: {  	s31 =	simm.s32 $0x1400  }
0x74: {  	[spmem:s2] =	stream.indirect.scatter.add.f32 [tilespmem:s18], [sflag:$0x3], $0x80, s31, s17, $0xb8;
	[tilespmem:$0x1E800] =	vst v63  }
0x75: {  	_ =	swait.ge [sflag:s22], $0x4000  }
0x76: {  	[sflag:s22] =	ssyncset.done $0x0  }
0x77: {  	s1 =	simm.s32 $0x1480;
	[sflag:s22] =	ssyncadd.s32 $0xFFFFC000  }
0x78: {  	[spmem:s2] =	stream.indirect.scatter.add.f32 [tilespmem:s21], [sflag:$0x4], $0x80, s1, s17, $0xb8;
	[tilespmem:$0x1E800] =	vst v63  }
0x79: {  	_ =	swait.ge [sflag:s19], $0x4000  }
0x7a: {  	[sflag:s19] =	ssyncset.done $0x0  }
0x7b: {  	s31 =	simm.s32 $0x100;
	[sflag:s19] =	ssyncadd.s32 $0xFFFFC000  }
0x7c: {  	[tilespmem:s18], [sflag:$0x1] =	stream.indirect.gather [hbm4b:s4+s17], $0x80, s31, s17, $0xb8;
	[tilespmem:$0x1E800] =	vst v63  }
0x7d: {  	_ =	swait.ge [sflag:s20], $0x4000  }
0x7e: {  	[sflag:s20] =	ssyncset.done $0x0  }
0x7f: {  	[sflag:s20] =	ssyncadd.s32 $0xFFFFC000  }
0x80: {  	_ =	swait.ge [sflag:s23], $0x4000  }
0x81: {  	s30 =	simm.s32 $0x800;
	s29 =	simm.s32 $0x100;
	[sflag:s23] =	ssyncset.done $0x0  }
.LBB2_4:
0x82: {  	s0 =	sadd.s32 $0x80, s29  }
0x83: {  	[sflag:s23] =	ssyncadd.s32 $0xFFFFC000;
	s1 =	smov.u32 s30;
	s31 =	sadd.s32 $0x400, s30  }
0x84: {  	[tilespmem:s21], [sflag:$0x2] =	stream.indirect.gather [hbm4b:s4+s17], $0x80, s0, s17, $0xb8;
	[tilespmem:$0x1E800] =	vst v63  }
0x85: {  	p0 =	sne.s32 s30, $0x4800;
	s0 =	sadd.s32 $0x1400, s29  }
0x86: {  	[spmem:s2] =	stream.indirect.scatter.add.f32 [tilespmem:s18], [sflag:$0x3], $0x80, s0, s17, $0xb8;
	[tilespmem:$0x1E800] =	vst v63  }
0x87: {  	_ =	swait.ge [sflag:s22], $0x4000  }
0x88: {  	[sflag:s22] =	ssyncset.done $0x0  }
0x89: {  	s0 =	sadd.s32 $0x1480, s29;
	[sflag:s22] =	ssyncadd.s32 $0xFFFFC000  }
0x8a: {  	[spmem:s2] =	stream.indirect.scatter.add.f32 [tilespmem:s21], [sflag:$0x4], $0x80, s0, s17, $0xb8;
	[tilespmem:$0x1E800] =	vst v63  }
0x8b: {  	_ =	swait.ge [sflag:s19], $0x4000  }
0x8c: {  	[sflag:s19] =	ssyncset.done $0x0  }
0x8d: {  	s0 =	sadd.s32 $0x100, s29;
	[sflag:s19] =	ssyncadd.s32 $0xFFFFC000  }
0x8e: {  	[tilespmem:s18], [sflag:$0x1] =	stream.indirect.gather [hbm4b:s4+s17], $0x80, s0, s17, $0xb8;
	[tilespmem:$0x1E800] =	vst v63  }
.Ltmp1:
0x8f: {  	_ =	swait.ge [sflag:s20], $0x4000;
	(pc) =	sbr.rel @p0 .LBB2_4-.Ltmp1, $4  }
0x90: {  	[sflag:s20] =	ssyncset.done $0x0  }
0x91: {  	[sflag:s20] =	ssyncadd.s32 $0xFFFFC000  }
0x92: {  	_ =	swait.ge [sflag:s23], $0x4000  }
0x93: {  	s30 =	smov.u32 s31;
	s29 =	sshra.s32 s1, $0x2;
	[sflag:s23] =	ssyncset.done $0x0  }
0x94: {  	s0 =	sadd.s32 $0x80, s29;
	[sflag:s23] =	ssyncadd.s32 $0xFFFFC000  }
0x95: {  	[tilespmem:s21], [sflag:$0x2] =	stream.indirect.gather [hbm4b:s4+s17], $0x80, s0, s17, $0xb8;
	[tilespmem:$0x1E800] =	vst v63  }
0x96: {  	s31 =	sadd.s32 $0x1400, s29  }
0x97: {  	[spmem:s2] =	stream.indirect.scatter.add.f32 [tilespmem:s18], [sflag:$0x3], $0x80, s31, s17, $0xb8;
	[tilespmem:$0x1E800] =	vst v63  }
0x98: {  	_ =	swait.ge [sflag:s22], $0x4000  }
0x99: {  	[sflag:s22] =	ssyncset.done $0x0  }
0x9a: {  	s1 =	sadd.s32 $0x1480, s29;
	[sflag:s22] =	ssyncadd.s32 $0xFFFFC000  }
0x9b: {  	[spmem:s2] =	stream.indirect.scatter.add.f32 [tilespmem:s21], [sflag:$0x4], $0x80, s1, s17, $0xb8;
	[tilespmem:$0x1E800] =	vst v63  }
0x9c: {  	_ =	swait.ge [sflag:s19], $0x4000  }
0x9d: {  	[sflag:s19] =	ssyncset.done $0x0  }
0x9e: {  	s30 =	sadd.s32 $0x100, s29;
	[sflag:s19] =	ssyncadd.s32 $0xFFFFC000  }
0x9f: {  	[tilespmem:s18], [sflag:$0x1] =	stream.indirect.gather [hbm4b:s4+s17], $0x80, s30, s17, $0xb8;
	[tilespmem:$0x1E800] =	vst v63  }
0xa0: {  	_ =	swait.ge [sflag:s20], $0x4000  }
0xa1: {  	[sflag:s20] =	ssyncset.done $0x0  }
0xa2: {  	[sflag:s20] =	ssyncadd.s32 $0xFFFFC000  }
0xa3: {  	_ =	swait.ge [sflag:s23], $0x4000  }
0xa4: {  	[sflag:s23] =	ssyncset.done $0x0  }
0xa5: {  	[sflag:s23] =	ssyncadd.s32 $0xFFFFC000  }
0xa6: {  	[tilespmem:s21], [sflag:$0x2] =	stream.indirect.gather [hbm4b:s4+s17], $0x80, s24, s17, $0xb8;
	[tilespmem:$0x1E800] =	vst v63  }
0xa7: {  	_ = 	snop  }
0xa8: {  	[spmem:s2] =	stream.indirect.scatter.add.f32 [tilespmem:s18], [sflag:$0x3], $0x80, s25, s17, $0xb8;
	[tilespmem:$0x1E800] =	vst v63  }
0xa9: {  	_ =	swait.ge [sflag:s22], $0x4000  }
0xaa: {  	[sflag:s22] =	ssyncset.done $0x0  }
0xab: {  	[sflag:s22] =	ssyncadd.s32 $0xFFFFC000  }
0xac: {  	[spmem:s2] =	stream.indirect.scatter.add.f32 [tilespmem:s21], [sflag:$0x4], $0x80, s26, s17, $0xb8;
	[tilespmem:$0x1E800] =	vst v63  }
0xad: {  	_ =	swait.ge [sflag:s19], $0x4000  }
0xae: {  	[sflag:s19] =	ssyncset.done $0x0  }
0xaf: {  	[sflag:s19] =	ssyncadd.s32 $0xFFFFC000  }
0xb0: {  	_ =	swait.ge [sflag:s23], $0x4000  }
0xb1: {  	s28 =	sadd.s32 $0x1, s28;
	[sflag:s23] =	ssyncset.done $0x0  }
0xb2: {  	p0 =	sne.s32 s28, s13;
	[sflag:s23] =	ssyncadd.s32 $0xFFFFC000  }
.Ltmp2:
0xb3: {  	s31 =	sor.u32 $0x1C05, s5;
	[bflag:$0x0] =	sbarrier.arrive $0xFFFF;
	(pc) =	sbr.rel @p0 .LBB2_1-.Ltmp2, $4  }
0xb4: {  	[hbm:s12], [sflag:s31] =	dma.local [spmem:s14], $0x2800  }
0xb5: {  	_ =	swait.ge [sflag:s15], $0x2800  }
0xb6: {  	[sflag:s15] =	ssyncset.done $0x0  }
0xb7: {  	[sflag:s15] =	ssyncadd.s32 $0xFFFFD800  }
0xb8: {  	_ =	sfence.sel $0x180000  }
0xb9: {  	[bflag:$0x0] =	sbarrier.arrive $0xFFFF  }
0xba: {  	_ =	strace $0x90000050  }
0xbb: {  	s0 =	stileid.u32;
	[bflag:$0x2] =	sbarrier.arrive $0xFFFF  }
0xbc: {  	p0 =	sne.s32 s0, $0x0;
	s0 =	rddreg [dreg:$0x2]  }
0xbd: {  	s0 =	sadd.s32 @!p0 $0x100000, s0  }
0xbe: {  	[sflag:s0] =	ssyncadd.tile.s32 @!p0 $0x1;
	_ =	shalt  }
.Lfunc_end2:
_tile_overlayer_lowered:
.L_overlay_start_2:
0xbf: {  	(tag) =	ssettag $0x2  }
0xc0: {  	s0 =	rddreg [dreg:$0x0];
	s2 =	stileid.u32  }
0xc1: {  	s1 =	rddreg [dreg:$0x1];
	p0 =	sne.s32 s2, $0x0  }
0xc2: {  	s3 =	rddreg [dreg:$0x2];
	[bflag:$0x3] =	sbarrier.arrive $0xFFFF;
	s2 =	simm.s32 @!p0 $0x1C05  }
0xc3: {  	[timem:s3], [sflag:s2] =	dma.local @!p0 [hbm:s0], s1  }
0xc4: {  	s0 =	simm.s32 @!p0 $0x5  }
0xc5: {  	_ =	swait.ge @!p0 [sflag:s0], s1  }
0xc6: {  	s1 =	ssub.s32 @!p0 $0x0, s1;
	[sflag:s0] =	ssyncset.done @!p0 $0x0  }
0xc7: {  	[sflag:s0] =	ssyncadd.s32 @!p0 s1  }
0xc8: {  	[bflag:$0x3] =	sbarrier.arrive $0xFFFF  }
0xc9: {  	_ =	shalt  }

// kernel: kernel.25.cloned.1.call-start
scs
__scs_entry_jumppad:
0x0: {  	(pc) =	sbr.rel $0x88, $3  }
0x1: {  	(tag) =	ssettag $0x0;
	lr =	simm.s32 $0x1  }
0x2: {  	[smem:$0x3F98] =	sst lr;
	_ =	strace $0xD0000000  }
0x3: {  	_ = 	snop  }
0x4: {  	_ = 	snop  }
0x5: {  	_ = 	snop  }
0x6: {  	_ = 	snop  }
0x7: {  	_ = 	snop  }
__scs_overlays_trampoline_lowered:
0x8: {  	[smem:$0x3FA7] =	sst s0  }
0x9: {  	[smem:$0x3FA8] =	sst s1  }
0xa: {  	[smem:$0x3FA9] =	sst s2  }
0xb: {  	[smem:$0x3FAA] =	sst s3  }
0xc: {  	[smem:$0x3FAB] =	sst s4  }
0xd: {  	[smem:$0x3FAC] =	sst s5  }
0xe: {  	[smem:$0x3FAD] =	sst s6  }
0xf: {  	[smem:$0x3FAE] =	sst s7  }
0x10: {  	[smem:$0x3FAF] =	sst s8  }
0x11: {  	[smem:$0x3FB0] =	sst s9;
	s0 =	simm.s32 @!p0 $0x0  }
0x12: {  	s1 =	sld [smem:$0x3F96];
	s0 =	simm.s32 @p0 $0x1  }
0x13: {  	[smem:$0x3FB1] =	sst s0;
	s0 =	simm.s32 @!p1 $0x0  }
0x14: {  	s2 =	sld [smem:$0x3F95];
	s0 =	simm.s32 @p1 $0x1  }
0x15: {  	[smem:$0x3FB2] =	sst s0;
	s0 =	simm.s32 @!p2 $0x0  }
0x16: {  	s3 =	sld [smem:$0x3FDB];
	s0 =	simm.s32 @p2 $0x1  }
0x17: {  	s4 =	simm.s32 $0x1BF5;
	[smem:$0x3FB4] =	sst s0  }
0x18: {  	s0 =	sld [smem:$0x3F97];
	_ =	swait.ge [sflag:s4], $0x0  }
0x19: {  	s7 =	sld [smem:$0x3F98]  }
0x1a: {  	s8 =	sadd.s32 $0xFFFFE003, lr  }
0x1b: {  	s9 =	sadd.s32 $0xFFFFFEF7, lr;
	s5 =	simm.s32 $0xFFFFFFFF;
	p2 =	slt.u32 s8, $0xFFFFF086  }
0x1c: {  	p1 =	slt.u32 s9, $0xF7A;
	s5 =	simm.s32 @!p2 $0x0  }
0x1d: {  	s5 =	simm.s32 @p1 $0x1;
	p0 =	seq.s32 s7, s2  }
0x1e: {  	s7 =	smul.u32 @!p0 $0xF7A, s2;
	p2 =	seq.s32 @!p0 s5, $0x0  }
0x1f: {  	s9 =	smul.u32 $0xF7A, s1;
	s8 =	simm.s32 @!p0 $0x1BF5;
	p2 =	por !p2, p0  }
0x20: {  	[sflag:s8] =	ssyncset.s32 @!p0 $0xFFFFF086;
	s6 =	sadd.s32 @!p0 s3, s7;
	s7 =	simm.s32 @!p0 $0x108  }
0x21: {  	s3 =	sadd.s32 s3, s9;
	s6 =	sadd.s32 @!p0 $0x88, s6;
	s7 =	simm.s32 @p2 $0x1082  }
0x22: {  	[simem:s7], [sflag:s8] =	dma.local @!p0 [hbm:s6], $0xF7A  }
0x23: {  	s9 =	sor.u32 $0xD0000000, s2;
	s6 =	simm.s32 $0x108;
	_ =	swait.ge @!p0 [sflag:s8], $0x0  }
0x24: {  	s3 =	sadd.s32 $0x88, s3;
	s6 =	simm.s32 @!p1 $0x1082;
	[sflag:s4] =	ssyncset.s32 $0xFFFFF086  }
0x25: {  	[simem:s6], [sflag:s4] =	dma.local [hbm:s3], $0xF7A  }
0x26: {  	[smem:$0x3F98] =	sst s1;
	(tag) =	ssettag s2;
	_ =	strace s9  }
0x27: {  	s1 =	sld [smem:$0x3FA8]  }
0x28: {  	s2 =	sld [smem:$0x3FA9]  }
0x29: {  	s4 =	sld [smem:$0x3FAB]  }
0x2a: {  	p0 =	seq.s32 s5, $0x0;
	s5 =	sld [smem:$0x3FAC]  }
0x2b: {  	s6 =	sld [smem:$0x3FAD]  }
0x2c: {  	s7 =	sld [smem:$0x3FAE]  }
0x2d: {  	s3 =	simm.s32 $0x108;
	s8 =	sld [smem:$0x3FAF]  }
0x2e: {  	s3 =	simm.s32 @!p0 $0x1082;
	s9 =	sld [smem:$0x3FB0]  }
0x2f: {  	lr =	sadd.s32 s0, s3;
	s0 =	sld [smem:$0x3FA7]  }
0x30: {  	s3 =	sld [smem:$0x3FAA]  }
0x31: {  	[smem:$0x3FB3] =	sst s10  }
0x32: {  	s10 =	sld [smem:$0x3FB1];
	_ =	sdelay $0x3  }
0x33: {  	p0 =	seq.s32 s10, $0x1;
	s10 =	sld [smem:$0x3FB3];
	_ =	sdelay $0x3  }
0x34: {  	[smem:$0x3FB3] =	sst s10  }
0x35: {  	s10 =	sld [smem:$0x3FB2];
	_ =	sdelay $0x3  }
0x36: {  	p1 =	seq.s32 s10, $0x1;
	s10 =	sld [smem:$0x3FB3];
	_ =	sdelay $0x3  }
0x37: {  	[smem:$0x3FB3] =	sst s10  }
0x38: {  	s10 =	sld [smem:$0x3FB4]  }
0x39: {  	_ = 	snop;
	(pc) =	sbr.ind lr, $3  }
0x3a: {  	_ = 	snop  }
0x3b: {  	_ = 	snop  }
0x3c: {  	p2 =	seq.s32 s10, $0x1;
	s10 =	sld [smem:$0x3FB3]  }
0x3d: {  	_ =	shalt  }
0x3e: {  	_ =	shalt  }
0x3f: {  	_ =	shalt  }
0x40: {  	_ =	shalt  }
0x41: {  	_ =	shalt  }
0x42: {  	_ =	shalt  }
0x43: {  	_ =	shalt  }
0x44: {  	_ =	shalt  }
0x45: {  	_ =	shalt  }
0x46: {  	_ =	shalt  }
0x47: {  	_ =	shalt  }
0x48: {  	_ =	shalt  }
0x49: {  	_ =	shalt  }
0x4a: {  	_ =	shalt  }
0x4b: {  	_ =	shalt  }
0x4c: {  	_ =	shalt  }
0x4d: {  	_ =	shalt  }
0x4e: {  	_ =	shalt  }
0x4f: {  	_ =	shalt  }
0x50: {  	_ =	shalt  }
0x51: {  	_ =	shalt  }
0x52: {  	_ =	shalt  }
0x53: {  	_ =	shalt  }
0x54: {  	_ =	shalt  }
0x55: {  	_ =	shalt  }
0x56: {  	_ =	shalt  }
0x57: {  	_ =	shalt  }
0x58: {  	_ =	shalt  }
0x59: {  	_ =	shalt  }
0x5a: {  	_ =	shalt  }
0x5b: {  	_ =	shalt  }
0x5c: {  	_ =	shalt  }
0x5d: {  	_ =	shalt  }
0x5e: {  	_ =	shalt  }
0x5f: {  	_ =	shalt  }
0x60: {  	_ =	shalt  }
0x61: {  	_ =	shalt  }
0x62: {  	_ =	shalt  }
0x63: {  	_ =	shalt  }
0x64: {  	_ =	shalt  }
0x65: {  	_ =	shalt  }
0x66: {  	_ =	shalt  }
0x67: {  	_ =	shalt  }
0x68: {  	_ =	shalt  }
0x69: {  	_ =	shalt  }
0x6a: {  	_ =	shalt  }
0x6b: {  	_ =	shalt  }
0x6c: {  	_ =	shalt  }
0x6d: {  	_ =	shalt  }
0x6e: {  	_ =	shalt  }
0x6f: {  	_ =	shalt  }
0x70: {  	_ =	shalt  }
0x71: {  	_ =	shalt  }
0x72: {  	_ =	shalt  }
0x73: {  	_ =	shalt  }
0x74: {  	_ =	shalt  }
0x75: {  	_ =	shalt  }
0x76: {  	_ =	shalt  }
0x77: {  	_ =	shalt  }
0x78: {  	_ =	shalt  }
0x79: {  	_ =	shalt  }
0x7a: {  	_ =	shalt  }
0x7b: {  	_ =	shalt  }
0x7c: {  	_ =	shalt  }
0x7d: {  	_ =	shalt  }
0x7e: {  	_ =	shalt  }
0x7f: {  	_ =	shalt  }
0x80: {  	_ =	shalt  }
0x81: {  	_ =	shalt  }
0x82: {  	_ =	shalt  }
0x83: {  	_ =	shalt  }
0x84: {  	_ =	shalt  }
0x85: {  	_ =	shalt  }
0x86: {  	_ =	shalt  }
0x87: {  	_ =	shalt  }
.Lfunc_end0:
.L_simem_size_0:
called_computation.4_lowered:
.L_overlay_start_0:
0x88: {  	s2 =	sld [smem:$0x3FD9]  }
0x89: {  	s3 =	sld [smem:$0x3FFE];
	_ =	sdelay $0x1  }
0x8a: {  	s1 =	srdreg.scid  }
0x8b: {  	s0 =	sand.u32 $0x1, s1  }
0x8c: {  	s16 =	sshll.u32 s0, $0xA;
	s2 =	sadd.s32 s3, s2  }
0x8d: {  	s2 =	sadd.s32 s2, s16  }
0x8e: {  	[smem:$0x3FBF] =	sst s2  }
0x8f: {  	_ = 	snop  }
0x90: {  	(tm) =	ssettm $0x1  }
0x91: {  	s17 =	sld [smem:$0x3FFB];
	_ =	sdelay $0x3  }
0x92: {  	_ =	strace s17  }
0x93: {  	s2 =	sld [smem:$0x3FFC];
	_ =	sdelay $0x3  }
0x94: {  	_ =	strace s2  }
0x95: {  	s2 =	sld [smem:$0x3FFD];
	_ =	sdelay $0x3  }
0x96: {  	_ =	strace s2  }
0x97: {  	_ =	strace $0x8FFFFFFF  }
0x98: {  	s18 =	sld [smem:$0x3FDB];
	_ =	sdelay $0x1  }
0x99: {  	s19 =	simm.s32 $_scs_section_size  }
0x9a: {  	s4 =	simm.s32 $_size__tile_overlayer_lowered;
	s5 =	simm.s32 $_tile_overlayer_lowered  }
0x9b: {  	s22 =	simm.s32 $0x1BFF;
	s21 =	sshll.u32 s5, $0x1;
	s2 =	sadd.s32 s19, s18  }
0x9c: {  	s6 =	simm.s32 $0x0;
	s20 =	sshll.u32 s4, $0x1;
	s4 =	sadd.s32 s21, s2  }
0x9d: {  	[timem:s6], [sflag:s22] =	dma.local [hbm:s4], s20  }
0x9e: {  	_ =	swait.ge [sflag:s22], s20  }
0x9f: {  	s3 =	ssub.s32 $0x0, s20;
	[sflag:s22] =	ssyncset.done $0x0  }
0xa0: {  	[sflag:s22] =	ssyncadd.s32 s3;
	_ =	sdelay $0x1  }
0xa1: {  	s23 =	simm.s32 $0x1B8B  }
0xa2: {  	_ =	swait.ge [sflag:s23], $0x1  }
0xa3: {  	[sflag:s23] =	ssyncset.done $0x0  }
0xa4: {  	s25 =	simm.s32 $0x1B8E;
	s24 =	sld [smem:$0x3FFE];
	[sflag:s23] =	ssyncadd.s32 $0xFFFFFFFF  }
0xa5: {  	s26 =	simm.s32 $execute0_lowered;
	[smem:$0x3FD2] =	sst s25  }
0xa6: {  	s4 =	sshll.u32 s26, $0x1;
	_ =	strace $0x80000052;
	[dreg:$0x1] =	wrdreg $0xFFFFFFFF  }
0xa7: {  	s28 =	simm.s32 $_size_execute0_lowered;
	s2 =	sadd.s32 s2, s4;
	[dreg:$0x0] =	wrdreg $0x0  }
0xa8: {  	s4 =	sshll.u32 s28, $0x1;
	[dreg:$0x2] =	wrdreg s2  }
0xa9: {  	[dreg:$0x3] =	wrdreg s4  }
0xaa: {  	[dreg:$0x4] =	wrdreg $0xC0  }
0xab: {  	_ =	task [dreg:s6], $0x5FFFF  }
0xac: {  	[dreg:$0x1] =	wrdreg $0xFFFFFFFF  }
0xad: {  	[dreg:$0x0] =	wrdreg $0x60  }
0xae: {  	[dreg:$0x2] =	wrdreg s24  }
0xaf: {  	[dreg:$0x3] =	wrdreg $0xA8000  }
0xb0: {  	[dreg:$0x4] =	wrdreg $0x9  }
0xb1: {  	_ =	task.clear_ibuf [dreg:s6], $0x5FFFF;
	_ =	strace $0x90000052  }
0xb2: {  	s29 =	simm.s32 $0x9;
	_ =	strace $0x80000054  }
0xb3: {  	_ =	swait.ge [sflag:s29], $0x1  }
0xb4: {  	[sflag:s29] =	ssyncadd.s32 $0xFFFFFFFF  }
0xb5: {  	_ =	strace $0x90000054  }
0xb6: {  	_ =	sfence  }
0xb7: {  	s30 =	sld [smem:$0x0];
	_ =	sdelay $0x2  }
0xb8: {  	s31 =	sshll.u32 s1, $0xD;
	s1 =	sshrl.u32 s1, $0x2  }
0xb9: {  	s3 =	sand.u32 $0x4000, s31;
	s1 =	sadd.s32 s1, s30  }
0xba: {  	s0 =	sor.u32 s3, s0;
	s1 =	sshll.u32 s1, $0x11  }
0xbb: {  	s0 =	sor.u32 s1, s0  }
0xbc: {  	s0 =	sadd.s32 $0x8F2B, s0  }
0xbd: {  	[sflag:s0] =	ssyncadd.remote.s32 $0x1  }
0xbe: {  	_ =	sfence.sel $0xFFFF  }
0xbf: {  	[dreg:$0x0] =	wrdreg $0xFFFFFFFF;
	(pc) =	sbr.abs _section_cstart, $3  }
0xc0: {  	[dreg:$0x1] =	wrdreg $0xFFFFFFFF  }
0xc1: {  	_ =	task.clear_ibuf [dreg:s6], $0x2FFFF;
	_ =	strace $0x9FFFFFFF  }
0xc2: {  	(tm) =	ssettm $0x7FFFFFFF  }
0xc3: {  	_ =	shalt  }
tec
execute0_lowered:
.L_overlay_start_1:
0x0: {  	(tag) =	ssettag $0x1  }
0x1: {  	s5 =	rddreg [dreg:$0x0]  }
0x2: {  	s2 =	rddreg [dreg:$0x1]  }
0x3: {  	s0 =	stileid.u32;
	s4 =	srdreg.scid;
	s3 =	simm.s32 $0x0  }
0x4: {  	s17 =	simm.s32 $0x80;
	s18 =	simm.s32 $0x2800;
	s19 =	simm.s32 $0x3  }
0x5: {  	s20 =	simm.s32 $0x1;
	s21 =	simm.s32 $0x6800;
	s28 =	simm.s32 $0x0  }
0x6: {  	s6 =	smul.u32 $0x14000, s0;
	s7 =	sand.u32 $0x1, s4;
	[smem:$0x7FF] =	sst s3  }
0x7: {  	s4 =	sadd.s32 $0x18A00, s5;
	s10 =	sadd.s32 $0x4A00, s5;
	s13 =	smul.u32 $0x50000, s0  }
0x8: {  	s11 =	sadd.s32 $0xEA00, s5;
	s12 =	sshll.u32 s0, $0x1;
	s8 =	smul.u32 $0x140000, s7  }
0x9: {  	_ =	strace $0x80000053;
	s23 =	ssub.s32 $0x2, s7;
	s25 =	sor.u32 s7, s12  }
0xa: {  	s9 =	sshrl.u32 s6, $0x3;
	s24 =	sshrl.u32 s23, $0x1;
	s29 =	smul.u32 $0x2800, s25  }
0xb: {  	s26 =	sshrl.u32 s13, $0x2;
	s12 =	smul.u32 $0x500, s25;
	s25 =	simm.s32 $0x2700  }
0xc: {  	s6 =	sadd.s32 s6, s8;
	s22 =	sadd.s32 s9, s5;
	s15 =	ssub.s32 s23, s24  }
0xd: {  	s16 =	sadd.s32 s26, s2;
	s23 =	simm.s32 $0x4;
	s24 =	simm.s32 $0x1380  }
0xe: {  	s26 =	simm.s32 $0x2780;
	s6 =	sshrl.u32 s6, $0x3;
	s30 =	sshrl.u32 s29, $0x3  }
0xf: {  	s8 =	sadd.s32 s10, s12;
	s9 =	sadd.s32 s11, s12;
	s13 =	smax.u32 s15, $0x1  }
0x10: {  	s15 =	simm.s32 $0x5;
	s14 =	sadd.s32 s6, s5;
	s5 =	sshll.u32 s0, $0x6  }
0x11: {  	s6 =	sadd.s32 $0x54A00, s22;
	s31 =	sadd.s32 $0x280, s30;
	s22 =	simm.s32 $0x2  }
0x12: {  	s7 =	sor.u32 $0x1C03, s5;
	s10 =	sadd.s32 s10, s31;
	s11 =	sadd.s32 s11, s31  }
0x13: {  	s12 =	sadd.s32 $0x7CA00, s14;
	s14 =	sshrl.u32 s16, $0x3;
	s16 =	simm.s32 $0x1400  }
.LBB2_1:
0x14: {  	[spmem:s14], [sflag:s7] =	dma.local [hbm:s6], $0x2800  }
0x15: {  	[tilespmem:s3], [sflag:$0x5] =	stream.linear.gather [hbm4b:s8+s3], $0x1400, $0x38;
	[tilespmem:$0x1E800] =	vst v63  }
0x16: {  	_ =	swait.ge [sflag:s15], $0x1400  }
0x17: {  	[sflag:s15] =	ssyncset.done $0x0  }
0x18: {  	[sflag:s15] =	ssyncadd.s32 $0xFFFFEC00  }
0x19: {  	[tilespmem:s16], [sflag:$0x5] =	stream.linear.gather [hbm4b:s9+s3], $0x1400, $0x38;
	[tilespmem:$0x1E800] =	vst v63  }
0x1a: {  	_ =	swait.ge [sflag:s15], $0x1400  }
0x1b: {  	[sflag:s15] =	ssyncset.done $0x0  }
0x1c: {  	[sflag:s15] =	ssyncadd.s32 $0xFFFFEC00  }
0x1d: {  	[tilespmem:s18], [sflag:$0x1] =	stream.indirect.gather [hbm4b:s4+s17], $0x80, s3, s17, $0xb8;
	[tilespmem:$0x1E800] =	vst v63  }
0x1e: {  	_ =	swait.ge [sflag:s19], $0x2800  }
0x1f: {  	[sflag:s19] =	ssyncset.done $0x0  }
0x20: {  	[sflag:s19] =	ssyncadd.s32 $0xFFFFD800  }
0x21: {  	[bflag:$0x0] =	sbarrier.arrive $0xFFFF  }
0x22: {  	_ =	swait.ge [sflag:s20], $0x4000  }
0x23: {  	[sflag:s20] =	ssyncset.done $0x0  }
0x24: {  	s29 =	simm.s32 $0x80;
	[sflag:s20] =	ssyncadd.s32 $0xFFFFC000  }
0x25: {  	[tilespmem:s21], [sflag:$0x2] =	stream.indirect.gather [hbm4b:s4+s17], $0x80, s29, s17, $0xb8;
	[tilespmem:$0x1E800] =	vst v63  }
0x26: {  	s29 =	simm.s32 $0x1400  }
0x27: {  	[spmem:s2] =	stream.indirect.scatter.add.f32 [tilespmem:s18], [sflag:$0x3], $0x80, s29, s17, $0xb8;
	[tilespmem:$0x1E800] =	vst v63  }
0x28: {  	_ =	swait.ge [sflag:s22], $0x4000  }
0x29: {  	[sflag:s22] =	ssyncset.done $0x0  }
0x2a: {  	s29 =	simm.s32 $0x1480;
	[sflag:s22] =	ssyncadd.s32 $0xFFFFC000  }
0x2b: {  	[spmem:s2] =	stream.indirect.scatter.add.f32 [tilespmem:s21], [sflag:$0x4], $0x80, s29, s17, $0xb8;
	[tilespmem:$0x1E800] =	vst v63  }
0x2c: {  	_ =	swait.ge [sflag:s19], $0x4000  }
0x2d: {  	[sflag:s19] =	ssyncset.done $0x0  }
0x2e: {  	s29 =	simm.s32 $0x100;
	[sflag:s19] =	ssyncadd.s32 $0xFFFFC000  }
0x2f: {  	[tilespmem:s18], [sflag:$0x1] =	stream.indirect.gather [hbm4b:s4+s17], $0x80, s29, s17, $0xb8;
	[tilespmem:$0x1E800] =	vst v63  }
0x30: {  	_ =	swait.ge [sflag:s20], $0x4000  }
0x31: {  	[sflag:s20] =	ssyncset.done $0x0  }
0x32: {  	[sflag:s20] =	ssyncadd.s32 $0xFFFFC000  }
0x33: {  	_ =	swait.ge [sflag:s23], $0x4000  }
0x34: {  	s30 =	simm.s32 $0x800;
	s29 =	simm.s32 $0x100;
	[sflag:s23] =	ssyncset.done $0x0  }
.LBB2_2:
0x35: {  	s31 =	sadd.s32 $0x80, s29  }
0x36: {  	[sflag:s23] =	ssyncadd.s32 $0xFFFFC000;
	s0 =	smov.u32 s30;
	s1 =	sadd.s32 $0x400, s30  }
0x37: {  	[tilespmem:s21], [sflag:$0x2] =	stream.indirect.gather [hbm4b:s4+s17], $0x80, s31, s17, $0xb8;
	[tilespmem:$0x1E800] =	vst v63  }
0x38: {  	p0 =	sne.s32 s30, $0x4800;
	s30 =	sadd.s32 $0x1400, s29  }
0x39: {  	[spmem:s2] =	stream.indirect.scatter.add.f32 [tilespmem:s18], [sflag:$0x3], $0x80, s30, s17, $0xb8;
	[tilespmem:$0x1E800] =	vst v63  }
0x3a: {  	_ =	swait.ge [sflag:s22], $0x4000  }
0x3b: {  	[sflag:s22] =	ssyncset.done $0x0  }
0x3c: {  	s30 =	sadd.s32 $0x1480, s29;
	[sflag:s22] =	ssyncadd.s32 $0xFFFFC000  }
0x3d: {  	[spmem:s2] =	stream.indirect.scatter.add.f32 [tilespmem:s21], [sflag:$0x4], $0x80, s30, s17, $0xb8;
	[tilespmem:$0x1E800] =	vst v63  }
0x3e: {  	_ =	swait.ge [sflag:s19], $0x4000  }
0x3f: {  	[sflag:s19] =	ssyncset.done $0x0  }
0x40: {  	s29 =	sadd.s32 $0x100, s29;
	[sflag:s19] =	ssyncadd.s32 $0xFFFFC000  }
0x41: {  	[tilespmem:s18], [sflag:$0x1] =	stream.indirect.gather [hbm4b:s4+s17], $0x80, s29, s17, $0xb8;
	[tilespmem:$0x1E800] =	vst v63  }
.Ltmp0:
0x42: {  	_ =	swait.ge [sflag:s20], $0x4000;
	(pc) =	sbr.rel @p0 .LBB2_2-.Ltmp0, $4  }
0x43: {  	[sflag:s20] =	ssyncset.done $0x0  }
0x44: {  	[sflag:s20] =	ssyncadd.s32 $0xFFFFC000  }
0x45: {  	_ =	swait.ge [sflag:s23], $0x4000  }
0x46: {  	s30 =	smov.u32 s1;
	s29 =	sshra.s32 s0, $0x2;
	[sflag:s23] =	ssyncset.done $0x0  }
0x47: {  	s0 =	sadd.s32 $0x80, s29;
	[sflag:s23] =	ssyncadd.s32 $0xFFFFC000  }
0x48: {  	[tilespmem:s21], [sflag:$0x2] =	stream.indirect.gather [hbm4b:s4+s17], $0x80, s0, s17, $0xb8;
	[tilespmem:$0x1E800] =	vst v63  }
0x49: {  	s1 =	sadd.s32 $0x1400, s29  }
0x4a: {  	[spmem:s2] =	stream.indirect.scatter.add.f32 [tilespmem:s18], [sflag:$0x3], $0x80, s1, s17, $0xb8;
	[tilespmem:$0x1E800] =	vst v63  }
0x4b: {  	_ =	swait.ge [sflag:s22], $0x4000  }
0x4c: {  	[sflag:s22] =	ssyncset.done $0x0  }
0x4d: {  	s31 =	sadd.s32 $0x1480, s29;
	[sflag:s22] =	ssyncadd.s32 $0xFFFFC000  }
0x4e: {  	[spmem:s2] =	stream.indirect.scatter.add.f32 [tilespmem:s21], [sflag:$0x4], $0x80, s31, s17, $0xb8;
	[tilespmem:$0x1E800] =	vst v63  }
0x4f: {  	_ =	swait.ge [sflag:s19], $0x4000  }
0x50: {  	[sflag:s19] =	ssyncset.done $0x0  }
0x51: {  	s1 =	sadd.s32 $0x100, s29;
	[sflag:s19] =	ssyncadd.s32 $0xFFFFC000  }
0x52: {  	[tilespmem:s18], [sflag:$0x1] =	stream.indirect.gather [hbm4b:s4+s17], $0x80, s1, s17, $0xb8;
	[tilespmem:$0x1E800] =	vst v63  }
0x53: {  	_ =	swait.ge [sflag:s20], $0x4000  }
0x54: {  	[sflag:s20] =	ssyncset.done $0x0  }
0x55: {  	[sflag:s20] =	ssyncadd.s32 $0xFFFFC000  }
0x56: {  	_ =	swait.ge [sflag:s23], $0x4000  }
0x57: {  	[sflag:s23] =	ssyncset.done $0x0  }
0x58: {  	[sflag:s23] =	ssyncadd.s32 $0xFFFFC000  }
0x59: {  	[tilespmem:s21], [sflag:$0x2] =	stream.indirect.gather [hbm4b:s4+s17], $0x80, s24, s17, $0xb8;
	[tilespmem:$0x1E800] =	vst v63  }
0x5a: {  	_ = 	snop  }
0x5b: {  	[spmem:s2] =	stream.indirect.scatter.add.f32 [tilespmem:s18], [sflag:$0x3], $0x80, s25, s17, $0xb8;
	[tilespmem:$0x1E800] =	vst v63  }
0x5c: {  	_ =	swait.ge [sflag:s22], $0x4000  }
0x5d: {  	[sflag:s22] =	ssyncset.done $0x0  }
0x5e: {  	[sflag:s22] =	ssyncadd.s32 $0xFFFFC000  }
0x5f: {  	[spmem:s2] =	stream.indirect.scatter.add.f32 [tilespmem:s21], [sflag:$0x4], $0x80, s26, s17, $0xb8;
	[tilespmem:$0x1E800] =	vst v63  }
0x60: {  	_ =	swait.ge [sflag:s19], $0x4000  }
0x61: {  	[sflag:s19] =	ssyncset.done $0x0  }
0x62: {  	[sflag:s19] =	ssyncadd.s32 $0xFFFFC000  }
0x63: {  	_ =	swait.ge [sflag:s23], $0x4000  }
0x64: {  	[sflag:s23] =	ssyncset.done $0x0  }
0x65: {  	s31 =	simm.s32 $0x0;
	[sflag:s23] =	ssyncadd.s32 $0xFFFFC000  }
0x66: {  	[tilespmem:s31], [sflag:$0x5] =	stream.linear.gather [hbm4b:s10+s31], $0x1400, $0x38;
	[tilespmem:$0x1E800] =	vst v63  }
0x67: {  	_ =	swait.ge [sflag:s15], $0x1400  }
0x68: {  	[sflag:s15] =	ssyncset.done $0x0  }
0x69: {  	[sflag:s15] =	ssyncadd.s32 $0xFFFFEC00  }
0x6a: {  	[tilespmem:s16], [sflag:$0x5] =	stream.linear.gather [hbm4b:s11+s31], $0x1400, $0x38;
	[tilespmem:$0x1E800] =	vst v63  }
0x6b: {  	_ =	swait.ge [sflag:s15], $0x1400  }
0x6c: {  	[sflag:s15] =	ssyncset.done $0x0  }
0x6d: {  	[sflag:s15] =	ssyncadd.s32 $0xFFFFEC00  }
0x6e: {  	[tilespmem:s18], [sflag:$0x1] =	stream.indirect.gather [hbm4b:s4+s17], $0x80, s31, s17, $0xb8;
	[tilespmem:$0x1E800] =	vst v63  }
0x6f: {  	_ =	swait.ge [sflag:s20], $0x4000  }
0x70: {  	[sflag:s20] =	ssyncset.done $0x0  }
0x71: {  	s1 =	simm.s32 $0x80;
	[sflag:s20] =	ssyncadd.s32 $0xFFFFC000  }
0x72: {  	[tilespmem:s21], [sflag:$0x2] =	stream.indirect.gather [hbm4b:s4+s17], $0x80, s1, s17, $0xb8;
	[tilespmem:$0x1E800] =	vst v63  }
0x73: {  	s31 =	simm.s32 $0x1400  }
0x74: {  	[spmem:s2] =	stream.indirect.scatter.add.f32 [tilespmem:s18], [sflag:$0x3], $0x80, s31, s17, $0xb8;
	[tilespmem:$0x1E800] =	vst v63  }
0x75: {  	_ =	swait.ge [sflag:s22], $0x4000  }
0x76: {  	[sflag:s22] =	ssyncset.done $0x0  }
0x77: {  	s1 =	simm.s32 $0x1480;
	[sflag:s22] =	ssyncadd.s32 $0xFFFFC000  }
0x78: {  	[spmem:s2] =	stream.indirect.scatter.add.f32 [tilespmem:s21], [sflag:$0x4], $0x80, s1, s17, $0xb8;
	[tilespmem:$0x1E800] =	vst v63  }
0x79: {  	_ =	swait.ge [sflag:s19], $0x4000  }
0x7a: {  	[sflag:s19] =	ssyncset.done $0x0  }
0x7b: {  	s31 =	simm.s32 $0x100;
	[sflag:s19] =	ssyncadd.s32 $0xFFFFC000  }
0x7c: {  	[tilespmem:s18], [sflag:$0x1] =	stream.indirect.gather [hbm4b:s4+s17], $0x80, s31, s17, $0xb8;
	[tilespmem:$0x1E800] =	vst v63  }
0x7d: {  	_ =	swait.ge [sflag:s20], $0x4000  }
0x7e: {  	[sflag:s20] =	ssyncset.done $0x0  }
0x7f: {  	[sflag:s20] =	ssyncadd.s32 $0xFFFFC000  }
0x80: {  	_ =	swait.ge [sflag:s23], $0x4000  }
0x81: {  	s30 =	simm.s32 $0x800;
	s29 =	simm.s32 $0x100;
	[sflag:s23] =	ssyncset.done $0x0  }
.LBB2_4:
0x82: {  	s0 =	sadd.s32 $0x80, s29  }
0x83: {  	[sflag:s23] =	ssyncadd.s32 $0xFFFFC000;
	s1 =	smov.u32 s30;
	s31 =	sadd.s32 $0x400, s30  }
0x84: {  	[tilespmem:s21], [sflag:$0x2] =	stream.indirect.gather [hbm4b:s4+s17], $0x80, s0, s17, $0xb8;
	[tilespmem:$0x1E800] =	vst v63  }
0x85: {  	p0 =	sne.s32 s30, $0x4800;
	s0 =	sadd.s32 $0x1400, s29  }
0x86: {  	[spmem:s2] =	stream.indirect.scatter.add.f32 [tilespmem:s18], [sflag:$0x3], $0x80, s0, s17, $0xb8;
	[tilespmem:$0x1E800] =	vst v63  }
0x87: {  	_ =	swait.ge [sflag:s22], $0x4000  }
0x88: {  	[sflag:s22] =	ssyncset.done $0x0  }
0x89: {  	s0 =	sadd.s32 $0x1480, s29;
	[sflag:s22] =	ssyncadd.s32 $0xFFFFC000  }
0x8a: {  	[spmem:s2] =	stream.indirect.scatter.add.f32 [tilespmem:s21], [sflag:$0x4], $0x80, s0, s17, $0xb8;
	[tilespmem:$0x1E800] =	vst v63  }
0x8b: {  	_ =	swait.ge [sflag:s19], $0x4000  }
0x8c: {  	[sflag:s19] =	ssyncset.done $0x0  }
0x8d: {  	s0 =	sadd.s32 $0x100, s29;
	[sflag:s19] =	ssyncadd.s32 $0xFFFFC000  }
0x8e: {  	[tilespmem:s18], [sflag:$0x1] =	stream.indirect.gather [hbm4b:s4+s17], $0x80, s0, s17, $0xb8;
	[tilespmem:$0x1E800] =	vst v63  }
.Ltmp1:
0x8f: {  	_ =	swait.ge [sflag:s20], $0x4000;
	(pc) =	sbr.rel @p0 .LBB2_4-.Ltmp1, $4  }
0x90: {  	[sflag:s20] =	ssyncset.done $0x0  }
0x91: {  	[sflag:s20] =	ssyncadd.s32 $0xFFFFC000  }
0x92: {  	_ =	swait.ge [sflag:s23], $0x4000  }
0x93: {  	s30 =	smov.u32 s31;
	s29 =	sshra.s32 s1, $0x2;
	[sflag:s23] =	ssyncset.done $0x0  }
0x94: {  	s0 =	sadd.s32 $0x80, s29;
	[sflag:s23] =	ssyncadd.s32 $0xFFFFC000  }
0x95: {  	[tilespmem:s21], [sflag:$0x2] =	stream.indirect.gather [hbm4b:s4+s17], $0x80, s0, s17, $0xb8;
	[tilespmem:$0x1E800] =	vst v63  }
0x96: {  	s31 =	sadd.s32 $0x1400, s29  }
0x97: {  	[spmem:s2] =	stream.indirect.scatter.add.f32 [tilespmem:s18], [sflag:$0x3], $0x80, s31, s17, $0xb8;
	[tilespmem:$0x1E800] =	vst v63  }
0x98: {  	_ =	swait.ge [sflag:s22], $0x4000  }
0x99: {  	[sflag:s22] =	ssyncset.done $0x0  }
0x9a: {  	s1 =	sadd.s32 $0x1480, s29;
	[sflag:s22] =	ssyncadd.s32 $0xFFFFC000  }
0x9b: {  	[spmem:s2] =	stream.indirect.scatter.add.f32 [tilespmem:s21], [sflag:$0x4], $0x80, s1, s17, $0xb8;
	[tilespmem:$0x1E800] =	vst v63  }
0x9c: {  	_ =	swait.ge [sflag:s19], $0x4000  }
0x9d: {  	[sflag:s19] =	ssyncset.done $0x0  }
0x9e: {  	s30 =	sadd.s32 $0x100, s29;
	[sflag:s19] =	ssyncadd.s32 $0xFFFFC000  }
0x9f: {  	[tilespmem:s18], [sflag:$0x1] =	stream.indirect.gather [hbm4b:s4+s17], $0x80, s30, s17, $0xb8;
	[tilespmem:$0x1E800] =	vst v63  }
0xa0: {  	_ =	swait.ge [sflag:s20], $0x4000  }
0xa1: {  	[sflag:s20] =	ssyncset.done $0x0  }
0xa2: {  	[sflag:s20] =	ssyncadd.s32 $0xFFFFC000  }
0xa3: {  	_ =	swait.ge [sflag:s23], $0x4000  }
0xa4: {  	[sflag:s23] =	ssyncset.done $0x0  }
0xa5: {  	[sflag:s23] =	ssyncadd.s32 $0xFFFFC000  }
0xa6: {  	[tilespmem:s21], [sflag:$0x2] =	stream.indirect.gather [hbm4b:s4+s17], $0x80, s24, s17, $0xb8;
	[tilespmem:$0x1E800] =	vst v63  }
0xa7: {  	_ = 	snop  }
0xa8: {  	[spmem:s2] =	stream.indirect.scatter.add.f32 [tilespmem:s18], [sflag:$0x3], $0x80, s25, s17, $0xb8;
	[tilespmem:$0x1E800] =	vst v63  }
0xa9: {  	_ =	swait.ge [sflag:s22], $0x4000  }
0xaa: {  	[sflag:s22] =	ssyncset.done $0x0  }
0xab: {  	[sflag:s22] =	ssyncadd.s32 $0xFFFFC000  }
0xac: {  	[spmem:s2] =	stream.indirect.scatter.add.f32 [tilespmem:s21], [sflag:$0x4], $0x80, s26, s17, $0xb8;
	[tilespmem:$0x1E800] =	vst v63  }
0xad: {  	_ =	swait.ge [sflag:s19], $0x4000  }
0xae: {  	[sflag:s19] =	ssyncset.done $0x0  }
0xaf: {  	[sflag:s19] =	ssyncadd.s32 $0xFFFFC000  }
0xb0: {  	_ =	swait.ge [sflag:s23], $0x4000  }
0xb1: {  	s28 =	sadd.s32 $0x1, s28;
	[sflag:s23] =	ssyncset.done $0x0  }
0xb2: {  	p0 =	sne.s32 s28, s13;
	[sflag:s23] =	ssyncadd.s32 $0xFFFFC000  }
.Ltmp2:
0xb3: {  	s31 =	sor.u32 $0x1C05, s5;
	[bflag:$0x0] =	sbarrier.arrive $0xFFFF;
	(pc) =	sbr.rel @p0 .LBB2_1-.Ltmp2, $4  }
0xb4: {  	[hbm:s12], [sflag:s31] =	dma.local [spmem:s14], $0x2800  }
0xb5: {  	_ =	swait.ge [sflag:s15], $0x2800  }
0xb6: {  	[sflag:s15] =	ssyncset.done $0x0  }
0xb7: {  	[sflag:s15] =	ssyncadd.s32 $0xFFFFD800  }
0xb8: {  	_ =	sfence.sel $0x180000  }
0xb9: {  	[bflag:$0x0] =	sbarrier.arrive $0xFFFF  }
0xba: {  	_ =	strace $0x90000053  }
0xbb: {  	s0 =	stileid.u32;
	[bflag:$0x2] =	sbarrier.arrive $0xFFFF  }
0xbc: {  	p0 =	sne.s32 s0, $0x0;
	s0 =	rddreg [dreg:$0x2]  }
0xbd: {  	s0 =	sadd.s32 @!p0 $0x100000, s0  }
0xbe: {  	[sflag:s0] =	ssyncadd.tile.s32 @!p0 $0x1;
	_ =	shalt  }
.Lfunc_end2:
_tile_overlayer_lowered:
.L_overlay_start_2:
0xbf: {  	(tag) =	ssettag $0x2  }
0xc0: {  	s0 =	rddreg [dreg:$0x0];
	s2 =	stileid.u32  }
0xc1: {  	s1 =	rddreg [dreg:$0x1];
	p0 =	sne.s32 s2, $0x0  }
0xc2: {  	s3 =	rddreg [dreg:$0x2];
	[bflag:$0x3] =	sbarrier.arrive $0xFFFF;
	s2 =	simm.s32 @!p0 $0x1C05  }
0xc3: {  	[timem:s3], [sflag:s2] =	dma.local @!p0 [hbm:s0], s1  }
0xc4: {  	s0 =	simm.s32 @!p0 $0x5  }
0xc5: {  	_ =	swait.ge @!p0 [sflag:s0], s1  }
0xc6: {  	s1 =	ssub.s32 @!p0 $0x0, s1;
	[sflag:s0] =	ssyncset.done @!p0 $0x0  }
0xc7: {  	[sflag:s0] =	ssyncadd.s32 @!p0 s1  }
0xc8: {  	[bflag:$0x3] =	sbarrier.arrive $0xFFFF  }
0xc9: {  	_ =	shalt  }

</sc_bundles>
